<compile_context>
chip_gen: v7x
topology: tpu7x:2x2x1
jax: 0.10.2.dev20260603
libtpu: 0.0.44.dev20260713+nightly
codegen_flags: <defaults>
</compile_context>

<pallas_src>
import functools

import jax
import jax.numpy as jnp
from jax import lax
from jax.experimental import pallas as pl
from jax.experimental.pallas import tpu as pltpu
from jax.experimental.pallas import tpu_sc as plsc

BATCH = 16384
K_EMB = 32
NC = 2
NS = 16
NW = NC * NS
BPW = BATCH // NW

BLK = 4096


RING = 10
LANES = 128


def _sc_gather_t(ut_t, it_t, u, i):
    mesh = plsc.VectorSubcoreMesh(
        core_axis_name="c", subcore_axis_name="s", num_cores=NC)

    @functools.partial(
        pl.kernel,
        mesh=mesh,
        compiler_params=pltpu.CompilerParams(needs_layout_passes=False),
        out_type=(
            jax.ShapeDtypeStruct((K_EMB, BATCH), jnp.float32),
            jax.ShapeDtypeStruct((K_EMB, BATCH), jnp.float32),
        ),
        scratch_types=[
            pltpu.VMEM((BPW,), jnp.int32),
            pltpu.VMEM((BPW,), jnp.int32),
            pltpu.VMEM((RING, K_EMB, LANES), jnp.float32),
            pltpu.VMEM((RING, K_EMB, LANES), jnp.float32),
            pltpu.VMEM((K_EMB, BPW), jnp.float32),
            pltpu.VMEM((K_EMB, BPW), jnp.float32),
            pltpu.SemaphoreType.DMA((RING,)),
            pltpu.SemaphoreType.DMA((RING,)),
        ],
    )
    def gather_k(ut_hbm, it_hbm, u_hbm, i_hbm, ue_out, ie_out,
                 uidx_v, iidx_v, uring, iring, ucols, icols, usem, isem):
        wid = lax.axis_index("s") * NC + lax.axis_index("c")
        base = wid * BPW
        pltpu.sync_copy(u_hbm.at[pl.ds(base, BPW)], uidx_v)
        pltpu.sync_copy(i_hbm.at[pl.ds(base, BPW)], iidx_v)
        row0 = lax.iota(jnp.int32, 16)
        row1 = row0 + 16

        def fire(cu, ci, slot):
            tu = pl.multiple_of((cu // LANES) * LANES, LANES)
            ti = pl.multiple_of((ci // LANES) * LANES, LANES)
            pltpu.make_async_copy(
                ut_hbm.at[:, pl.ds(tu, LANES)], uring.at[slot],
                usem.at[slot]).start()
            pltpu.make_async_copy(
                it_hbm.at[:, pl.ds(ti, LANES)], iring.at[slot],
                isem.at[slot]).start()

        def extract(cu, ci, bpos, slot):
            pltpu.make_async_copy(
                ut_hbm.at[:, pl.ds(0, LANES)], uring.at[slot],
                usem.at[slot]).wait()
            pltpu.make_async_copy(
                it_hbm.at[:, pl.ds(0, LANES)], iring.at[slot],
                isem.at[slot]).wait()
            lu = jnp.full((16,), lax.rem(cu, LANES), jnp.int32)
            li = jnp.full((16,), lax.rem(ci, LANES), jnp.int32)
            bcol = jnp.full((16,), bpos, jnp.int32)
            for rr in (row0, row1):
                vu = plsc.load_gather(uring.at[slot], [rr, lu])
                plsc.store_scatter(ucols, [rr, bcol], vu)
                vi = plsc.load_gather(iring.at[slot], [rr, li])
                plsc.store_scatter(icols, [rr, bcol], vi)

        def body(t, carry):
            t0 = t * 16
            uv = uidx_v[pl.ds(t0, 16)]
            iv = iidx_v[pl.ds(t0, 16)]
            tp = jnp.maximum(t - 1, 0) * 16
            up = uidx_v[pl.ds(tp, 16)]
            ip = iidx_v[pl.ds(tp, 16)]
            for j in range(16):
                eslot = lax.rem(t0 + j - RING, RING)
                fslot = lax.rem(t0 + j, RING)
                lp = (j + 16 - RING) % 16
                if j < RING:
                    @pl.when(t > 0)
                    def _(up=up, ip=ip, lp=lp, eslot=eslot, t0=t0, j=j):
                        extract(up[lp], ip[lp], t0 + j - RING, eslot)
                else:
                    extract(uv[lp], iv[lp], t0 + j - RING, eslot)
                fire(uv[j], iv[j], fslot)
            return carry

        lax.fori_loop(0, BPW // 16, body, 0)
        tl = (BPW // 16 - 1) * 16
        uv = uidx_v[pl.ds(tl, 16)]
        iv = iidx_v[pl.ds(tl, 16)]
        for j in range(16 - RING, 16):
            extract(uv[j], iv[j], tl + j, lax.rem(tl + j, RING))
        pltpu.sync_copy(ucols, ue_out.at[:, pl.ds(base, BPW)])
        pltpu.sync_copy(icols, ie_out.at[:, pl.ds(base, BPW)])

    return gather_k(ut_t, it_t, u, i)


def _mlp_body(ue_ref, ie_ref, g_ref, s_ref, w1u_ref, w1i_ref, w1g_ref,
              w1s_ref, b1_ref, w2_ref, b2_ref, w3_ref, b3_ref, out_ref):
    bf = jnp.bfloat16
    f32 = jnp.float32

    def dot(a, b):
        return jnp.dot(a.astype(bf), b.astype(bf), preferred_element_type=f32)

    x1 = dot(w1u_ref[:], ue_ref[:])
    x1 = x1 + dot(w1i_ref[:], ie_ref[:])
    x1 = x1 + dot(w1g_ref[:], g_ref[:])
    x1 = x1 + dot(w1s_ref[:], s_ref[:])
    h1 = jnp.maximum(x1 + b1_ref[:], 0.0)
    h2 = jnp.maximum(dot(w2_ref[:], h1) + b2_ref[:], 0.0)
    out_ref[:] = dot(w3_ref[:], h2) + b3_ref[:]


def kernel(u, i, g, s, user_table, item_table, W1, b1, W2, b2, W3, b3):
    ue_t, ie_t = _sc_gather_t(user_table.T, item_table.T,
                              u.astype(jnp.int32), i.astype(jnp.int32))

    g_t = g.T
    s_t = s[None, :]
    w1u_t = W1[:K_EMB].T
    w1i_t = W1[K_EMB:2 * K_EMB].T
    w1g_t = W1[2 * K_EMB:2 * K_EMB + 19].T
    w1s_t = W1[2 * K_EMB + 19:].T
    w2_t = W2.T
    w3_t = W3.T
    b1c = b1[:, None]
    b2c = b2[:, None]
    b3c = b3[:, None]

    grid = (BATCH // BLK,)
    out2d = pl.pallas_call(
        _mlp_body,
        grid=grid,
        in_specs=[
            pl.BlockSpec((K_EMB, BLK), lambda b: (0, b)),
            pl.BlockSpec((K_EMB, BLK), lambda b: (0, b)),
            pl.BlockSpec((19, BLK), lambda b: (0, b)),
            pl.BlockSpec((1, BLK), lambda b: (0, b)),
            pl.BlockSpec(w1u_t.shape, lambda b: (0, 0)),
            pl.BlockSpec(w1i_t.shape, lambda b: (0, 0)),
            pl.BlockSpec(w1g_t.shape, lambda b: (0, 0)),
            pl.BlockSpec(w1s_t.shape, lambda b: (0, 0)),
            pl.BlockSpec(b1c.shape, lambda b: (0, 0)),
            pl.BlockSpec(w2_t.shape, lambda b: (0, 0)),
            pl.BlockSpec(b2c.shape, lambda b: (0, 0)),
            pl.BlockSpec(w3_t.shape, lambda b: (0, 0)),
            pl.BlockSpec(b3c.shape, lambda b: (0, 0)),
        ],
        out_specs=pl.BlockSpec((1, BLK), lambda b: (0, b)),
        out_shape=jax.ShapeDtypeStruct((1, BATCH), jnp.float32),
    )(ue_t, ie_t, g_t, s_t, w1u_t, w1i_t, w1g_t, w1s_t, b1c, w2_t, b2c,
      w3_t, b3c)
    return out2d[0]

# --- scband reference (transcript-rebuilt; emitter-appended) ---
"""Pipeline reference for scband-hybrid-rec-30786325577941 (READ-ONLY COPY).

The authoritative reference and input builder live on the scoring server;
editing this copy changes nothing except your own understanding.
"""

import jax, jax.numpy as jnp
import numpy as np

NUM_USERS = 1000000
NUM_ITEMS = 100000
K_USER = 32
K_ITEM = 32
GENRE_DIM = 19
HIDDEN = 128
BATCH = 16384


def setup_inputs(seed: int = 0) -> dict:
    key = jax.random.key(seed)
    ks = jax.random.split(key, 12)
    u = jax.random.randint(ks[0], (BATCH,), 0, NUM_USERS, dtype=jnp.int64 if jax.config.jax_enable_x64 else jnp.int32)
    i = jax.random.randint(ks[1], (BATCH,), 0, NUM_ITEMS, dtype=jnp.int64 if jax.config.jax_enable_x64 else jnp.int32)
    g = jax.random.uniform(ks[2], (BATCH, GENRE_DIM), dtype=jnp.float32)
    s = jax.random.uniform(ks[3], (BATCH,), dtype=jnp.float32)
    user_table = jax.random.normal(ks[4], (NUM_USERS, K_USER), dtype=jnp.float32) * 0.02
    item_table = jax.random.normal(ks[5], (NUM_ITEMS, K_ITEM), dtype=jnp.float32) * 0.02
    in_dim = K_USER + K_ITEM + GENRE_DIM + 1
    W1 = jax.random.normal(ks[6], (in_dim, HIDDEN), dtype=jnp.float32) * (1.0 / np.sqrt(in_dim))
    b1 = jnp.zeros((HIDDEN,), dtype=jnp.float32)
    W2 = jax.random.normal(ks[7], (HIDDEN, HIDDEN // 2), dtype=jnp.float32) * (1.0 / np.sqrt(HIDDEN))
    b2 = jnp.zeros((HIDDEN // 2,), dtype=jnp.float32)
    W3 = jax.random.normal(ks[8], (HIDDEN // 2, 1), dtype=jnp.float32) * (1.0 / np.sqrt(HIDDEN // 2))
    b3 = jnp.zeros((1,), dtype=jnp.float32)
    return {"u": u, "i": i, "g": g, "s": s,
            "user_table": user_table, "item_table": item_table,
            "W1": W1, "b1": b1, "W2": W2, "b2": b2, "W3": W3, "b3": b3}


def reference(u, i, g, s, user_table, item_table, W1, b1, W2, b2, W3, b3):
    ue = jnp.take(user_table, u, axis=0)
    ie = jnp.take(item_table, i, axis=0)
    if s.ndim == 1:
        s = s[:, None]
    x = jnp.concatenate([ue, ie, g, s], axis=1)
    h = jax.nn.relu(x @ W1 + b1)
    # dropout is identity in eval mode
    h = jax.nn.relu(h @ W2 + b2)
    out = h @ W3 + b3
    return out.squeeze(1)

if __name__ == "__main__":
    import jax
    _d = setup_inputs()
    print(jax.jit(kernel)(*tuple(_d.values())))

</pallas_src>

<mosaic_0001>
#map = affine_map<(d0, d1) -> (0, 0)>
#map1 = affine_map<(d0, d1) -> (0)>
module attributes {stable_mosaic.version = 14 : i64} {
  func.func @gather_k(%arg0: i32, %arg1: i32, %arg2: memref<32x1000000xf32, #tpu.memory_space<hbm>>, %arg3: memref<32x100000xf32, #tpu.memory_space<hbm>>, %arg4: memref<16384xi32, #tpu.memory_space<hbm>>, %arg5: memref<16384xi32, #tpu.memory_space<hbm>>, %arg6: memref<32x16384xf32, #tpu.memory_space<hbm>>, %arg7: memref<32x16384xf32, #tpu.memory_space<hbm>>, %arg8: memref<512xi32, #tpu.memory_space<vmem>>, %arg9: memref<512xi32, #tpu.memory_space<vmem>>, %arg10: memref<10x32x128xf32, #tpu.memory_space<vmem>>, %arg11: memref<10x32x128xf32, #tpu.memory_space<vmem>>, %arg12: memref<32x512xf32, #tpu.memory_space<vmem>>, %arg13: memref<32x512xf32, #tpu.memory_space<vmem>>, %arg14: memref<10x!tpu.dma_semaphore, #tpu.memory_space<semaphore_mem>>, %arg15: memref<10x!tpu.dma_semaphore, #tpu.memory_space<semaphore_mem>>) attributes {dimension_semantics = [#tpu.dimension_semantics<core_parallel>, #tpu.dimension_semantics<subcore_parallel>], iteration_bounds = array<i64: 2, 16>, scalar_prefetch = 0 : i64, scratch_operands = 8 : i64, tpu.core_type = #tpu.core_type<sc_vector_subcore>, window_params = [{transform_indices = #map}, {transform_indices = #map}, {transform_indices = #map1}, {transform_indices = #map1}, {transform_indices = #map}, {transform_indices = #map}]} {
    %mul3A = arith.constant 2 : i32
    %mul3A_0 = arith.muli %arg1, %mul3A : i32
    %add3A = arith.addi %mul3A_0, %arg0 : i32
    %mul3A_1 = arith.constant 512 : i32
    %mul3A_2 = arith.muli %add3A, %mul3A_1 : i32
    "tpu.region"() ({
      %run_scoped3A = tpu.sem_alloc : memref<!tpu.dma_semaphore, #tpu.memory_space<semaphore_mem>>
      %dma_start3A = tpu.memref_slice %arg4[%mul3A_2] : memref<16384xi32, #tpu.memory_space<hbm>> -> memref<512xi32, #tpu.memory_space<hbm>>
      %dma_start3A_678 = tpu.memref_slice %arg4[%mul3A_2] : memref<16384xi32, #tpu.memory_space<hbm>> -> memref<512xi32, #tpu.memory_space<hbm>>
      tpu.enqueue_dma source(%dma_start3A_678 : memref<512xi32, #tpu.memory_space<hbm>>) target(%arg8 : memref<512xi32, #tpu.memory_space<vmem>>) target_semaphore(%run_scoped3A : memref<!tpu.dma_semaphore, #tpu.memory_space<semaphore_mem>>)
      %dma_wait3A_679 = tpu.memref_slice %arg4[%mul3A_2] : memref<16384xi32, #tpu.memory_space<hbm>> -> memref<512xi32, #tpu.memory_space<hbm>>
      %dma_wait3A_680 = tpu.memref_slice %arg4[%mul3A_2] : memref<16384xi32, #tpu.memory_space<hbm>> -> memref<512xi32, #tpu.memory_space<hbm>>
      tpu.wait_dma2 semaphore(%run_scoped3A : memref<!tpu.dma_semaphore, #tpu.memory_space<semaphore_mem>>) src(%dma_wait3A_680 : memref<512xi32, #tpu.memory_space<hbm>>) dst(%arg8 : memref<512xi32, #tpu.memory_space<vmem>>)
      tpu.yield
    }) : () -> ()
    "tpu.region"() ({
      %run_scoped3A = tpu.sem_alloc : memref<!tpu.dma_semaphore, #tpu.memory_space<semaphore_mem>>
      %dma_start3A = tpu.memref_slice %arg5[%mul3A_2] : memref<16384xi32, #tpu.memory_space<hbm>> -> memref<512xi32, #tpu.memory_space<hbm>>
      %dma_start3A_678 = tpu.memref_slice %arg5[%mul3A_2] : memref<16384xi32, #tpu.memory_space<hbm>> -> memref<512xi32, #tpu.memory_space<hbm>>
      tpu.enqueue_dma source(%dma_start3A_678 : memref<512xi32, #tpu.memory_space<hbm>>) target(%arg9 : memref<512xi32, #tpu.memory_space<vmem>>) target_semaphore(%run_scoped3A : memref<!tpu.dma_semaphore, #tpu.memory_space<semaphore_mem>>)
      %dma_wait3A_679 = tpu.memref_slice %arg5[%mul3A_2] : memref<16384xi32, #tpu.memory_space<hbm>> -> memref<512xi32, #tpu.memory_space<hbm>>
      %dma_wait3A_680 = tpu.memref_slice %arg5[%mul3A_2] : memref<16384xi32, #tpu.memory_space<hbm>> -> memref<512xi32, #tpu.memory_space<hbm>>
      tpu.wait_dma2 semaphore(%run_scoped3A : memref<!tpu.dma_semaphore, #tpu.memory_space<semaphore_mem>>) src(%dma_wait3A_680 : memref<512xi32, #tpu.memory_space<hbm>>) dst(%arg9 : memref<512xi32, #tpu.memory_space<vmem>>)
      tpu.yield
    }) : () -> ()
    %iota3A = tpu.iota {dimensions = array<i32: 0>} : vector<16xi32>
    %add3A_3 = arith.constant 16 : i32
    %add3A_4 = vector.broadcast %add3A_3 : i32 to vector<16xi32>
    %add3A_5 = arith.addi %iota3A, %add3A_4 : vector<16xi32>
    %scan3A = arith.constant 0 : i32
    %scan3A_6 = arith.constant 0 : i32
    %scan3A_7 = arith.constant 32 : i32
    %scan3A_8 = arith.addi %scan3A_6, %scan3A_7 : i32
    %scan3A_9 = arith.constant 1 : i32
    scf.for %scan3A_678 = %scan3A_6 to %scan3A_8 step %scan3A_9  : i32 {
      %mul3A_679 = arith.constant 16 : i32
      %mul3A_680 = arith.muli %scan3A_678, %mul3A_679 : i32
      %get3A_681 = arith.index_cast %mul3A_680 : i32 to index
      %get3A_682 = tpu.vector_load %arg8[%get3A_681] {strides = array<i32>} : memref<512xi32, #tpu.memory_space<vmem>>, vector<16xi32>,
      %get3A_683 = arith.index_cast %mul3A_680 : i32 to index
      %get3A_684 = tpu.vector_load %arg9[%get3A_683] {strides = array<i32>} : memref<512xi32, #tpu.memory_space<vmem>>, vector<16xi32>,
      %sub3A = arith.constant 1 : i32
      %sub3A_685 = arith.subi %scan3A_678, %sub3A : i32
      %max3A = arith.constant 0 : i32
      %max3A_686 = arith.maxsi %sub3A_685, %max3A : i32
      %mul3A_687 = arith.constant 16 : i32
      %mul3A_688 = arith.muli %max3A_686, %mul3A_687 : i32
      %get3A_689 = arith.index_cast %mul3A_688 : i32 to index
      %get3A_690 = tpu.vector_load %arg8[%get3A_689] {strides = array<i32>} : memref<512xi32, #tpu.memory_space<vmem>>, vector<16xi32>,
      %get3A_691 = arith.index_cast %mul3A_688 : i32 to index
      %get3A_692 = tpu.vector_load %arg9[%get3A_691] {strides = array<i32>} : memref<512xi32, #tpu.memory_space<vmem>>, vector<16xi32>,
      %add3A_693 = arith.constant 0 : i32
      %add3A_694 = arith.addi %mul3A_680, %add3A_693 : i32
      %sub3A_695 = arith.constant 10 : i32
      %sub3A_696 = arith.subi %add3A_694, %sub3A_695 : i32
      %rem3A_697 = arith.constant 10 : i32
      %rem3A_698 = arith.remsi %sub3A_696, %rem3A_697 : i32
      %add3A_699 = arith.constant 0 : i32
      %add3A_700 = arith.addi %mul3A_680, %add3A_699 : i32
      %rem3A_701 = arith.constant 10 : i32
      %rem3A_702 = arith.remsi %add3A_700, %rem3A_701 : i32
      %gt3A = arith.constant 0 : i32
      %gt3A_703 = arith.cmpi sgt, %scan3A_678, %gt3A : i32
      %convert_element_type3A = arith.extui %gt3A_703 : i1 to i32
      %cond3A = arith.constant 0 : i32
      %cond3A_704 = arith.cmpi ne, %convert_element_type3A, %cond3A : i32
      scf.if %cond3A_704 {
        %slice3A_2670 = vector.extract_strided_slice %get3A_690 {offsets = [6], sizes = [1], strides = [1]} : vector<16xi32> to vector<1xi32>
        %squeeze3A_2671 = vector.extract %slice3A_2670[0] : i32 from vector<1xi32>
        %slice3A_2672 = vector.extract_strided_slice %get3A_692 {offsets = [6], sizes = [1], strides = [1]} : vector<16xi32> to vector<1xi32>
        %squeeze3A_2673 = vector.extract %slice3A_2672[0] : i32 from vector<1xi32>
        %add3A_2674 = arith.constant 0 : i32
        %add3A_2675 = arith.addi %mul3A_680, %add3A_2674 : i32
        %sub3A_2676 = arith.constant 10 : i32
        %sub3A_2677 = arith.subi %add3A_2675, %sub3A_2676 : i32
        %dma_wait3A_2678 = arith.constant 0 : i32
        %dma_wait3A_2679 = arith.constant 0 : i32
        %dma_wait3A_2680 = tpu.memref_slice %arg10[%rem3A_698, %dma_wait3A_2678, %dma_wait3A_2679] : memref<10x32x128xf32, #tpu.memory_space<vmem>> -> memref<1x32x128xf32, #tpu.memory_space<vmem>>
        %dma_wait3A_2681 = tpu.memref_squeeze %dma_wait3A_2680 : memref<1x32x128xf32, #tpu.memory_space<vmem>> -> memref<32x128xf32, #tpu.memory_space<vmem>>
        %dma_wait3A_2682 = arith.constant 0 : i32
        %dma_wait3A_2683 = arith.constant 0 : i32
        %dma_wait3A_2684 = tpu.memref_slice %arg2[%dma_wait3A_2682, %dma_wait3A_2683] : memref<32x1000000xf32, #tpu.memory_space<hbm>> -> memref<32x128xf32, #tpu.memory_space<hbm>>
        %dma_wait3A_2685 = tpu.memref_slice %arg14[%rem3A_698] : memref<10x!tpu.dma_semaphore, #tpu.memory_space<semaphore_mem>> -> memref<1x!tpu.dma_semaphore, #tpu.memory_space<semaphore_mem>>
        %dma_wait3A_2686 = tpu.memref_squeeze %dma_wait3A_2685 : memref<1x!tpu.dma_semaphore, #tpu.memory_space<semaphore_mem>> -> memref<!tpu.dma_semaphore, #tpu.memory_space<semaphore_mem>>
        %dma_wait3A_2687 = arith.constant 0 : i32
        %dma_wait3A_2688 = arith.constant 0 : i32
        %dma_wait3A_2689 = tpu.memref_slice %arg10[%rem3A_698, %dma_wait3A_2687, %dma_wait3A_2688] : memref<10x32x128xf32, #tpu.memory_space<vmem>> -> memref<1x32x128xf32, #tpu.memory_space<vmem>>
        %dma_wait3A_2690 = tpu.memref_squeeze %dma_wait3A_2689 : memref<1x32x128xf32, #tpu.memory_space<vmem>> -> memref<32x128xf32, #tpu.memory_space<vmem>>
        %dma_wait3A_2691 = arith.constant 0 : i32
        %dma_wait3A_2692 = arith.constant 0 : i32
        %dma_wait3A_2693 = tpu.memref_slice %arg2[%dma_wait3A_2691, %dma_wait3A_2692] : memref<32x1000000xf32, #tpu.memory_space<hbm>> -> memref<32x128xf32, #tpu.memory_space<hbm>>
        tpu.wait_dma2 semaphore(%dma_wait3A_2686 : memref<!tpu.dma_semaphore, #tpu.memory_space<semaphore_mem>>) src(%dma_wait3A_2693 : memref<32x128xf32, #tpu.memory_space<hbm>>) dst(%dma_wait3A_2690 : memref<32x128xf32, #tpu.memory_space<vmem>>)
        %dma_wait3A_2694 = arith.constant 0 : i32
        %dma_wait3A_2695 = arith.constant 0 : i32
        %dma_wait3A_2696 = tpu.memref_slice %arg11[%rem3A_698, %dma_wait3A_2694, %dma_wait3A_2695] : memref<10x32x128xf32, #tpu.memory_space<vmem>> -> memref<1x32x128xf32, #tpu.memory_space<vmem>>
        %dma_wait3A_2697 = tpu.memref_squeeze %dma_wait3A_2696 : memref<1x32x128xf32, #tpu.memory_space<vmem>> -> memref<32x128xf32, #tpu.memory_space<vmem>>
        %dma_wait3A_2698 = arith.constant 0 : i32
        %dma_wait3A_2699 = arith.constant 0 : i32
        %dma_wait3A_2700 = tpu.memref_slice %arg3[%dma_wait3A_2698, %dma_wait3A_2699] : memref<32x100000xf32, #tpu.memory_space<hbm>> -> memref<32x128xf32, #tpu.memory_space<hbm>>
        %dma_wait3A_2701 = tpu.memref_slice %arg15[%rem3A_698] : memref<10x!tpu.dma_semaphore, #tpu.memory_space<semaphore_mem>> -> memref<1x!tpu.dma_semaphore, #tpu.memory_space<semaphore_mem>>
        %dma_wait3A_2702 = tpu.memref_squeeze %dma_wait3A_2701 : memref<1x!tpu.dma_semaphore, #tpu.memory_space<semaphore_mem>> -> memref<!tpu.dma_semaphore, #tpu.memory_space<semaphore_mem>>
        %dma_wait3A_2703 = arith.constant 0 : i32
        %dma_wait3A_2704 = arith.constant 0 : i32
        %dma_wait3A_2705 = tpu.memref_slice %arg11[%rem3A_698, %dma_wait3A_2703, %dma_wait3A_2704] : memref<10x32x128xf32, #tpu.memory_space<vmem>> -> memref<1x32x128xf32, #tpu.memory_space<vmem>>
        %dma_wait3A_2706 = tpu.memref_squeeze %dma_wait3A_2705 : memref<1x32x128xf32, #tpu.memory_space<vmem>> -> memref<32x128xf32, #tpu.memory_space<vmem>>
        %dma_wait3A_2707 = arith.constant 0 : i32
        %dma_wait3A_2708 = arith.constant 0 : i32
        %dma_wait3A_2709 = tpu.memref_slice %arg3[%dma_wait3A_2707, %dma_wait3A_2708] : memref<32x100000xf32, #tpu.memory_space<hbm>> -> memref<32x128xf32, #tpu.memory_space<hbm>>
        tpu.wait_dma2 semaphore(%dma_wait3A_2702 : memref<!tpu.dma_semaphore, #tpu.memory_space<semaphore_mem>>) src(%dma_wait3A_2709 : memref<32x128xf32, #tpu.memory_space<hbm>>) dst(%dma_wait3A_2706 : memref<32x128xf32, #tpu.memory_space<vmem>>)
        %rem3A_2710 = arith.constant 128 : i32
        %rem3A_2711 = arith.remsi %squeeze3A_2671, %rem3A_2710 : i32
        %broadcast_in_dim3A_2712 = vector.broadcast %rem3A_2711 : i32 to vector<16xi32>
        %rem3A_2713 = arith.constant 128 : i32
        %rem3A_2714 = arith.remsi %squeeze3A_2673, %rem3A_2713 : i32
        %broadcast_in_dim3A_2715 = vector.broadcast %rem3A_2714 : i32 to vector<16xi32>
        %broadcast_in_dim3A_2716 = vector.broadcast %sub3A_2677 : i32 to vector<16xi32>
        %gather3A_2717 = arith.constant 0 : i32
        %gather3A_2718 = arith.constant 0 : i32
        %gather3A_2719 = tpu.memref_slice %arg10[%rem3A_698, %gather3A_2717, %gather3A_2718] : memref<10x32x128xf32, #tpu.memory_space<vmem>> -> memref<1x32x128xf32, #tpu.memory_space<vmem>>
        %gather3A_2720 = tpu.memref_squeeze %gather3A_2719 : memref<1x32x128xf32, #tpu.memory_space<vmem>> -> memref<32x128xf32, #tpu.memory_space<vmem>>
        %gather3A_2721 = tpu.vector_load_idx %gather3A_2720[%iota3A, %broadcast_in_dim3A_2712] : memref<32x128xf32, #tpu.memory_space<vmem>>[vector<16xi32>, vector<16xi32>], vector<16xf32>,
        tpu.vector_store_idx %arg12[%iota3A, %broadcast_in_dim3A_2716], %gather3A_2721 : memref<32x512xf32, #tpu.memory_space<vmem>>[vector<16xi32>, vector<16xi32>], vector<16xf32>,
        %gather3A_2722 = arith.constant 0 : i32
        %gather3A_2723 = arith.constant 0 : i32
        %gather3A_2724 = tpu.memref_slice %arg11[%rem3A_698, %gather3A_2722, %gather3A_2723] : memref<10x32x128xf32, #tpu.memory_space<vmem>> -> memref<1x32x128xf32, #tpu.memory_space<vmem>>
        %gather3A_2725 = tpu.memref_squeeze %gather3A_2724 : memref<1x32x128xf32, #tpu.memory_space<vmem>> -> memref<32x128xf32, #tpu.memory_space<vmem>>
        %gather3A_2726 = tpu.vector_load_idx %gather3A_2725[%iota3A, %broadcast_in_dim3A_2715] : memref<32x128xf32, #tpu.memory_space<vmem>>[vector<16xi32>, vector<16xi32>], vector<16xf32>,
        tpu.vector_store_idx %arg13[%iota3A, %broadcast_in_dim3A_2716], %gather3A_2726 : memref<32x512xf32, #tpu.memory_space<vmem>>[vector<16xi32>, vector<16xi32>], vector<16xf32>,
        %gather3A_2727 = arith.constant 0 : i32
        %gather3A_2728 = arith.constant 0 : i32
        %gather3A_2729 = tpu.memref_slice %arg10[%rem3A_698, %gather3A_2727, %gather3A_2728] : memref<10x32x128xf32, #tpu.memory_space<vmem>> -> memref<1x32x128xf32, #tpu.memory_space<vmem>>
        %gather3A_2730 = tpu.memref_squeeze %gather3A_2729 : memref<1x32x128xf32, #tpu.memory_space<vmem>> -> memref<32x128xf32, #tpu.memory_space<vmem>>
        %gather3A_2731 = tpu.vector_load_idx %gather3A_2730[%add3A_5, %broadcast_in_dim3A_2712] : memref<32x128xf32, #tpu.memory_space<vmem>>[vector<16xi32>, vector<16xi32>], vector<16xf32>,
        tpu.vector_store_idx %arg12[%add3A_5, %broadcast_in_dim3A_2716], %gather3A_2731 : memref<32x512xf32, #tpu.memory_space<vmem>>[vector<16xi32>, vector<16xi32>], vector<16xf32>,
        %gather3A_2732 = arith.constant 0 : i32
        %gather3A_2733 = arith.constant 0 : i32
        %gather3A_2734 = tpu.memref_slice %arg11[%rem3A_698, %gather3A_2732, %gather3A_2733] : memref<10x32x128xf32, #tpu.memory_space<vmem>> -> memref<1x32x128xf32, #tpu.memory_space<vmem>>
        %gather3A_2735 = tpu.memref_squeeze %gather3A_2734 : memref<1x32x128xf32, #tpu.memory_space<vmem>> -> memref<32x128xf32, #tpu.memory_space<vmem>>
        %gather3A_2736 = tpu.vector_load_idx %gather3A_2735[%add3A_5, %broadcast_in_dim3A_2715] : memref<32x128xf32, #tpu.memory_space<vmem>>[vector<16xi32>, vector<16xi32>], vector<16xf32>,
        tpu.vector_store_idx %arg13[%add3A_5, %broadcast_in_dim3A_2716], %gather3A_2736 : memref<32x512xf32, #tpu.memory_space<vmem>>[vector<16xi32>, vector<16xi32>], vector<16xf32>,
      } else {
      }
      %slice3A_705 = vector.extract_strided_slice %get3A_682 {offsets = [0], sizes = [1], strides = [1]} : vector<16xi32> to vector<1xi32>
      %squeeze3A_706 = vector.extract %slice3A_705[0] : i32 from vector<1xi32>
      %slice3A_707 = vector.extract_strided_slice %get3A_684 {offsets = [0], sizes = [1], strides = [1]} : vector<16xi32> to vector<1xi32>
      %squeeze3A_708 = vector.extract %slice3A_707[0] : i32 from vector<1xi32>
      %jit3A = arith.constant 128 : i32
      %div3A = arith.divsi %squeeze3A_706, %jit3A : i32
      %sign3A = arith.constant 0 : i32
      %sign3A_709 = arith.cmpi sgt, %squeeze3A_706, %sign3A : i32
      %sign3A_710 = arith.extui %sign3A_709 : i1 to i32
      %sign3A_711 = arith.constant 0 : i32
      %sign3A_712 = arith.cmpi slt, %squeeze3A_706, %sign3A_711 : i32
      %sign3A_713 = arith.extui %sign3A_712 : i1 to i32
      %sign3A_714 = arith.subi %sign3A_710, %sign3A_713 : i32
      %sign3A_715 = arith.constant 0 : i32
      %sign3A_716 = arith.cmpi sgt, %jit3A, %sign3A_715 : i32
      %sign3A_717 = arith.extui %sign3A_716 : i1 to i32
      %sign3A_718 = arith.constant 0 : i32
      %sign3A_719 = arith.cmpi slt, %jit3A, %sign3A_718 : i32
      %sign3A_720 = arith.extui %sign3A_719 : i1 to i32
      %sign3A_721 = arith.subi %sign3A_717, %sign3A_720 : i32
      %ne3A = arith.cmpi ne, %sign3A_714, %sign3A_721 : i32
      %rem3A_722 = arith.remsi %squeeze3A_706, %jit3A : i32
      %ne3A_723 = arith.constant 0 : i32
      %ne3A_724 = arith.cmpi ne, %rem3A_722, %ne3A_723 : i32
      %and3A = arith.andi %ne3A, %ne3A_724 : i1
      %sub3A_725 = arith.constant 1 : i32
      %sub3A_726 = arith.subi %div3A, %sub3A_725 : i32
      %select_n3A = arith.select %and3A, %sub3A_726, %div3A : i32
      %mul3A_727 = arith.constant 128 : i32
      %mul3A_728 = arith.muli %select_n3A, %mul3A_727 : i32
      %multiple_of3A = tpu.assume_multiple %mul3A_728, 128 : i32
      %jit3A_729 = arith.constant 128 : i32
      %div3A_730 = arith.divsi %squeeze3A_708, %jit3A_729 : i32
      %sign3A_731 = arith.constant 0 : i32
      %sign3A_732 = arith.cmpi sgt, %squeeze3A_708, %sign3A_731 : i32
      %sign3A_733 = arith.extui %sign3A_732 : i1 to i32
      %sign3A_734 = arith.constant 0 : i32
      %sign3A_735 = arith.cmpi slt, %squeeze3A_708, %sign3A_734 : i32
      %sign3A_736 = arith.extui %sign3A_735 : i1 to i32
      %sign3A_737 = arith.subi %sign3A_733, %sign3A_736 : i32
      %sign3A_738 = arith.constant 0 : i32
      %sign3A_739 = arith.cmpi sgt, %jit3A_729, %sign3A_738 : i32
      %sign3A_740 = arith.extui %sign3A_739 : i1 to i32
      %sign3A_741 = arith.constant 0 : i32
      %sign3A_742 = arith.cmpi slt, %jit3A_729, %sign3A_741 : i32
      %sign3A_743 = arith.extui %sign3A_742 : i1 to i32
      %sign3A_744 = arith.subi %sign3A_740, %sign3A_743 : i32
      %ne3A_745 = arith.cmpi ne, %sign3A_737, %sign3A_744 : i32
      %rem3A_746 = arith.remsi %squeeze3A_708, %jit3A_729 : i32
      %ne3A_747 = arith.constant 0 : i32
      %ne3A_748 = arith.cmpi ne, %rem3A_746, %ne3A_747 : i32
      %and3A_749 = arith.andi %ne3A_745, %ne3A_748 : i1
      %sub3A_750 = arith.constant 1 : i32
      %sub3A_751 = arith.subi %div3A_730, %sub3A_750 : i32
      %select_n3A_752 = arith.select %and3A_749, %sub3A_751, %div3A_730 : i32
      %mul3A_753 = arith.constant 128 : i32
      %mul3A_754 = arith.muli %select_n3A_752, %mul3A_753 : i32
      %multiple_of3A_755 = tpu.assume_multiple %mul3A_754, 128 : i32
      %dma_start3A = arith.constant 0 : i32
      %dma_start3A_756 = arith.constant 0 : i32
      %dma_start3A_757 = tpu.memref_slice %arg10[%rem3A_702, %dma_start3A, %dma_start3A_756] : memref<10x32x128xf32, #tpu.memory_space<vmem>> -> memref<1x32x128xf32, #tpu.memory_space<vmem>>
      %dma_start3A_758 = tpu.memref_squeeze %dma_start3A_757 : memref<1x32x128xf32, #tpu.memory_space<vmem>> -> memref<32x128xf32, #tpu.memory_space<vmem>>
      %dma_start3A_759 = arith.constant 0 : i32
      %dma_start3A_760 = tpu.memref_slice %arg2[%dma_start3A_759, %multiple_of3A] : memref<32x1000000xf32, #tpu.memory_space<hbm>> -> memref<32x128xf32, #tpu.memory_space<hbm>>
      %dma_start3A_761 = tpu.memref_slice %arg14[%rem3A_702] : memref<10x!tpu.dma_semaphore, #tpu.memory_space<semaphore_mem>> -> memref<1x!tpu.dma_semaphore, #tpu.memory_space<semaphore_mem>>
      %dma_start3A_762 = tpu.memref_squeeze %dma_start3A_761 : memref<1x!tpu.dma_semaphore, #tpu.memory_space<semaphore_mem>> -> memref<!tpu.dma_semaphore, #tpu.memory_space<semaphore_mem>>
      %dma_start3A_763 = arith.constant 0 : i32
      %dma_start3A_764 = arith.constant 0 : i32
      %dma_start3A_765 = tpu.memref_slice %arg10[%rem3A_702, %dma_start3A_763, %dma_start3A_764] : memref<10x32x128xf32, #tpu.memory_space<vmem>> -> memref<1x32x128xf32, #tpu.memory_space<vmem>>
      %dma_start3A_766 = tpu.memref_squeeze %dma_start3A_765 : memref<1x32x128xf32, #tpu.memory_space<vmem>> -> memref<32x128xf32, #tpu.memory_space<vmem>>
      %dma_start3A_767 = arith.constant 0 : i32
      %dma_start3A_768 = tpu.memref_slice %arg2[%dma_start3A_767, %multiple_of3A] : memref<32x1000000xf32, #tpu.memory_space<hbm>> -> memref<32x128xf32, #tpu.memory_space<hbm>>
      tpu.enqueue_dma source(%dma_start3A_768 : memref<32x128xf32, #tpu.memory_space<hbm>>) target(%dma_start3A_766 : memref<32x128xf32, #tpu.memory_space<vmem>>) target_semaphore(%dma_start3A_762 : memref<!tpu.dma_semaphore, #tpu.memory_space<semaphore_mem>>)
      %dma_start3A_769 = arith.constant 0 : i32
      %dma_start3A_770 = arith.constant 0 : i32
      %dma_start3A_771 = tpu.memref_slice %arg11[%rem3A_702, %dma_start3A_769, %dma_start3A_770] : memref<10x32x128xf32, #tpu.memory_space<vmem>> -> memref<1x32x128xf32, #tpu.memory_space<vmem>>
      %dma_start3A_772 = tpu.memref_squeeze %dma_start3A_771 : memref<1x32x128xf32, #tpu.memory_space<vmem>> -> memref<32x128xf32, #tpu.memory_space<vmem>>
      %dma_start3A_773 = arith.constant 0 : i32
      %dma_start3A_774 = tpu.memref_slice %arg3[%dma_start3A_773, %multiple_of3A_755] : memref<32x100000xf32, #tpu.memory_space<hbm>> -> memref<32x128xf32, #tpu.memory_space<hbm>>
      %dma_start3A_775 = tpu.memref_slice %arg15[%rem3A_702] : memref<10x!tpu.dma_semaphore, #tpu.memory_space<semaphore_mem>> -> memref<1x!tpu.dma_semaphore, #tpu.memory_space<semaphore_mem>>
      %dma_start3A_776 = tpu.memref_squeeze %dma_start3A_775 : memref<1x!tpu.dma_semaphore, #tpu.memory_space<semaphore_mem>> -> memref<!tpu.dma_semaphore, #tpu.memory_space<semaphore_mem>>
      %dma_start3A_777 = arith.constant 0 : i32
      %dma_start3A_778 = arith.constant 0 : i32
      %dma_start3A_779 = tpu.memref_slice %arg11[%rem3A_702, %dma_start3A_777, %dma_start3A_778] : memref<10x32x128xf32, #tpu.memory_space<vmem>> -> memref<1x32x128xf32, #tpu.memory_space<vmem>>
      %dma_start3A_780 = tpu.memref_squeeze %dma_start3A_779 : memref<1x32x128xf32, #tpu.memory_space<vmem>> -> memref<32x128xf32, #tpu.memory_space<vmem>>
      %dma_start3A_781 = arith.constant 0 : i32
      %dma_start3A_782 = tpu.memref_slice %arg3[%dma_start3A_781, %multiple_of3A_755] : memref<32x100000xf32, #tpu.memory_space<hbm>> -> memref<32x128xf32, #tpu.memory_space<hbm>>
      tpu.enqueue_dma source(%dma_start3A_782 : memref<32x128xf32, #tpu.memory_space<hbm>>) target(%dma_start3A_780 : memref<32x128xf32, #tpu.memory_space<vmem>>) target_semaphore(%dma_start3A_776 : memref<!tpu.dma_semaphore, #tpu.memory_space<semaphore_mem>>)
      %add3A_783 = arith.constant 1 : i32
      %add3A_784 = arith.addi %mul3A_680, %add3A_783 : i32
      %sub3A_785 = arith.constant 10 : i32
      %sub3A_786 = arith.subi %add3A_784, %sub3A_785 : i32
      %rem3A_787 = arith.constant 10 : i32
      %rem3A_788 = arith.remsi %sub3A_786, %rem3A_787 : i32
      %add3A_789 = arith.constant 1 : i32
      %add3A_790 = arith.addi %mul3A_680, %add3A_789 : i32
      %rem3A_791 = arith.constant 10 : i32
      %rem3A_792 = arith.remsi %add3A_790, %rem3A_791 : i32
      %gt3A_793 = arith.constant 0 : i32
      %gt3A_794 = arith.cmpi sgt, %scan3A_678, %gt3A_793 : i32
      %convert_element_type3A_795 = arith.extui %gt3A_794 : i1 to i32
      %cond3A_796 = arith.constant 0 : i32
      %cond3A_797 = arith.cmpi ne, %convert_element_type3A_795, %cond3A_796 : i32
      scf.if %cond3A_797 {
        %slice3A_2670 = vector.extract_strided_slice %get3A_690 {offsets = [7], sizes = [1], strides = [1]} : vector<16xi32> to vector<1xi32>
        %squeeze3A_2671 = vector.extract %slice3A_2670[0] : i32 from vector<1xi32>
        %slice3A_2672 = vector.extract_strided_slice %get3A_692 {offsets = [7], sizes = [1], strides = [1]} : vector<16xi32> to vector<1xi32>
        %squeeze3A_2673 = vector.extract %slice3A_2672[0] : i32 from vector<1xi32>
        %add3A_2674 = arith.constant 1 : i32
        %add3A_2675 = arith.addi %mul3A_680, %add3A_2674 : i32
        %sub3A_2676 = arith.constant 10 : i32
        %sub3A_2677 = arith.subi %add3A_2675, %sub3A_2676 : i32
        %dma_wait3A_2678 = arith.constant 0 : i32
        %dma_wait3A_2679 = arith.constant 0 : i32
        %dma_wait3A_2680 = tpu.memref_slice %arg10[%rem3A_788, %dma_wait3A_2678, %dma_wait3A_2679] : memref<10x32x128xf32, #tpu.memory_space<vmem>> -> memref<1x32x128xf32, #tpu.memory_space<vmem>>
        %dma_wait3A_2681 = tpu.memref_squeeze %dma_wait3A_2680 : memref<1x32x128xf32, #tpu.memory_space<vmem>> -> memref<32x128xf32, #tpu.memory_space<vmem>>
        %dma_wait3A_2682 = arith.constant 0 : i32
        %dma_wait3A_2683 = arith.constant 0 : i32
        %dma_wait3A_2684 = tpu.memref_slice %arg2[%dma_wait3A_2682, %dma_wait3A_2683] : memref<32x1000000xf32, #tpu.memory_space<hbm>> -> memref<32x128xf32, #tpu.memory_space<hbm>>
        %dma_wait3A_2685 = tpu.memref_slice %arg14[%rem3A_788] : memref<10x!tpu.dma_semaphore, #tpu.memory_space<semaphore_mem>> -> memref<1x!tpu.dma_semaphore, #tpu.memory_space<semaphore_mem>>
        %dma_wait3A_2686 = tpu.memref_squeeze %dma_wait3A_2685 : memref<1x!tpu.dma_semaphore, #tpu.memory_space<semaphore_mem>> -> memref<!tpu.dma_semaphore, #tpu.memory_space<semaphore_mem>>
        %dma_wait3A_2687 = arith.constant 0 : i32
        %dma_wait3A_2688 = arith.constant 0 : i32
        %dma_wait3A_2689 = tpu.memref_slice %arg10[%rem3A_788, %dma_wait3A_2687, %dma_wait3A_2688] : memref<10x32x128xf32, #tpu.memory_space<vmem>> -> memref<1x32x128xf32, #tpu.memory_space<vmem>>
        %dma_wait3A_2690 = tpu.memref_squeeze %dma_wait3A_2689 : memref<1x32x128xf32, #tpu.memory_space<vmem>> -> memref<32x128xf32, #tpu.memory_space<vmem>>
        %dma_wait3A_2691 = arith.constant 0 : i32
        %dma_wait3A_2692 = arith.constant 0 : i32
        %dma_wait3A_2693 = tpu.memref_slice %arg2[%dma_wait3A_2691, %dma_wait3A_2692] : memref<32x1000000xf32, #tpu.memory_space<hbm>> -> memref<32x128xf32, #tpu.memory_space<hbm>>
        tpu.wait_dma2 semaphore(%dma_wait3A_2686 : memref<!tpu.dma_semaphore, #tpu.memory_space<semaphore_mem>>) src(%dma_wait3A_2693 : memref<32x128xf32, #tpu.memory_space<hbm>>) dst(%dma_wait3A_2690 : memref<32x128xf32, #tpu.memory_space<vmem>>)
        %dma_wait3A_2694 = arith.constant 0 : i32
        %dma_wait3A_2695 = arith.constant 0 : i32
        %dma_wait3A_2696 = tpu.memref_slice %arg11[%rem3A_788, %dma_wait3A_2694, %dma_wait3A_2695] : memref<10x32x128xf32, #tpu.memory_space<vmem>> -> memref<1x32x128xf32, #tpu.memory_space<vmem>>
        %dma_wait3A_2697 = tpu.memref_squeeze %dma_wait3A_2696 : memref<1x32x128xf32, #tpu.memory_space<vmem>> -> memref<32x128xf32, #tpu.memory_space<vmem>>
        %dma_wait3A_2698 = arith.constant 0 : i32
        %dma_wait3A_2699 = arith.constant 0 : i32
        %dma_wait3A_2700 = tpu.memref_slice %arg3[%dma_wait3A_2698, %dma_wait3A_2699] : memref<32x100000xf32, #tpu.memory_space<hbm>> -> memref<32x128xf32, #tpu.memory_space<hbm>>
        %dma_wait3A_2701 = tpu.memref_slice %arg15[%rem3A_788] : memref<10x!tpu.dma_semaphore, #tpu.memory_space<semaphore_mem>> -> memref<1x!tpu.dma_semaphore, #tpu.memory_space<semaphore_mem>>
        %dma_wait3A_2702 = tpu.memref_squeeze %dma_wait3A_2701 : memref<1x!tpu.dma_semaphore, #tpu.memory_space<semaphore_mem>> -> memref<!tpu.dma_semaphore, #tpu.memory_space<semaphore_mem>>
        %dma_wait3A_2703 = arith.constant 0 : i32
        %dma_wait3A_2704 = arith.constant 0 : i32
        %dma_wait3A_2705 = tpu.memref_slice %arg11[%rem3A_788, %dma_wait3A_2703, %dma_wait3A_2704] : memref<10x32x128xf32, #tpu.memory_space<vmem>> -> memref<1x32x128xf32, #tpu.memory_space<vmem>>
        %dma_wait3A_2706 = tpu.memref_squeeze %dma_wait3A_2705 : memref<1x32x128xf32, #tpu.memory_space<vmem>> -> memref<32x128xf32, #tpu.memory_space<vmem>>
        %dma_wait3A_2707 = arith.constant 0 : i32
        %dma_wait3A_2708 = arith.constant 0 : i32
        %dma_wait3A_2709 = tpu.memref_slice %arg3[%dma_wait3A_2707, %dma_wait3A_2708] : memref<32x100000xf32, #tpu.memory_space<hbm>> -> memref<32x128xf32, #tpu.memory_space<hbm>>
        tpu.wait_dma2 semaphore(%dma_wait3A_2702 : memref<!tpu.dma_semaphore, #tpu.memory_space<semaphore_mem>>) src(%dma_wait3A_2709 : memref<32x128xf32, #tpu.memory_space<hbm>>) dst(%dma_wait3A_2706 : memref<32x128xf32, #tpu.memory_space<vmem>>)
        %rem3A_2710 = arith.constant 128 : i32
        %rem3A_2711 = arith.remsi %squeeze3A_2671, %rem3A_2710 : i32
        %broadcast_in_dim3A_2712 = vector.broadcast %rem3A_2711 : i32 to vector<16xi32>
        %rem3A_2713 = arith.constant 128 : i32
        %rem3A_2714 = arith.remsi %squeeze3A_2673, %rem3A_2713 : i32
        %broadcast_in_dim3A_2715 = vector.broadcast %rem3A_2714 : i32 to vector<16xi32>
        %broadcast_in_dim3A_2716 = vector.broadcast %sub3A_2677 : i32 to vector<16xi32>
        %gather3A_2717 = arith.constant 0 : i32
        %gather3A_2718 = arith.constant 0 : i32
        %gather3A_2719 = tpu.memref_slice %arg10[%rem3A_788, %gather3A_2717, %gather3A_2718] : memref<10x32x128xf32, #tpu.memory_space<vmem>> -> memref<1x32x128xf32, #tpu.memory_space<vmem>>
        %gather3A_2720 = tpu.memref_squeeze %gather3A_2719 : memref<1x32x128xf32, #tpu.memory_space<vmem>> -> memref<32x128xf32, #tpu.memory_space<vmem>>
        %gather3A_2721 = tpu.vector_load_idx %gather3A_2720[%iota3A, %broadcast_in_dim3A_2712] : memref<32x128xf32, #tpu.memory_space<vmem>>[vector<16xi32>, vector<16xi32>], vector<16xf32>,
        tpu.vector_store_idx %arg12[%iota3A, %broadcast_in_dim3A_2716], %gather3A_2721 : memref<32x512xf32, #tpu.memory_space<vmem>>[vector<16xi32>, vector<16xi32>], vector<16xf32>,
        %gather3A_2722 = arith.constant 0 : i32
        %gather3A_2723 = arith.constant 0 : i32
        %gather3A_2724 = tpu.memref_slice %arg11[%rem3A_788, %gather3A_2722, %gather3A_2723] : memref<10x32x128xf32, #tpu.memory_space<vmem>> -> memref<1x32x128xf32, #tpu.memory_space<vmem>>
        %gather3A_2725 = tpu.memref_squeeze %gather3A_2724 : memref<1x32x128xf32, #tpu.memory_space<vmem>> -> memref<32x128xf32, #tpu.memory_space<vmem>>
        %gather3A_2726 = tpu.vector_load_idx %gather3A_2725[%iota3A, %broadcast_in_dim3A_2715] : memref<32x128xf32, #tpu.memory_space<vmem>>[vector<16xi32>, vector<16xi32>], vector<16xf32>,
        tpu.vector_store_idx %arg13[%iota3A, %broadcast_in_dim3A_2716], %gather3A_2726 : memref<32x512xf32, #tpu.memory_space<vmem>>[vector<16xi32>, vector<16xi32>], vector<16xf32>,
        %gather3A_2727 = arith.constant 0 : i32
        %gather3A_2728 = arith.constant 0 : i32
        %gather3A_2729 = tpu.memref_slice %arg10[%rem3A_788, %gather3A_2727, %gather3A_2728] : memref<10x32x128xf32, #tpu.memory_space<vmem>> -> memref<1x32x128xf32, #tpu.memory_space<vmem>>
        %gather3A_2730 = tpu.memref_squeeze %gather3A_2729 : memref<1x32x128xf32, #tpu.memory_space<vmem>> -> memref<32x128xf32, #tpu.memory_space<vmem>>
        %gather3A_2731 = tpu.vector_load_idx %gather3A_2730[%add3A_5, %broadcast_in_dim3A_2712] : memref<32x128xf32, #tpu.memory_space<vmem>>[vector<16xi32>, vector<16xi32>], vector<16xf32>,
        tpu.vector_store_idx %arg12[%add3A_5, %broadcast_in_dim3A_2716], %gather3A_2731 : memref<32x512xf32, #tpu.memory_space<vmem>>[vector<16xi32>, vector<16xi32>], vector<16xf32>,
        %gather3A_2732 = arith.constant 0 : i32
        %gather3A_2733 = arith.constant 0 : i32
        %gather3A_2734 = tpu.memref_slice %arg11[%rem3A_788, %gather3A_2732, %gather3A_2733] : memref<10x32x128xf32, #tpu.memory_space<vmem>> -> memref<1x32x128xf32, #tpu.memory_space<vmem>>
        %gather3A_2735 = tpu.memref_squeeze %gather3A_2734 : memref<1x32x128xf32, #tpu.memory_space<vmem>> -> memref<32x128xf32, #tpu.memory_space<vmem>>
        %gather3A_2736 = tpu.vector_load_idx %gather3A_2735[%add3A_5, %broadcast_in_dim3A_2715] : memref<32x128xf32, #tpu.memory_space<vmem>>[vector<16xi32>, vector<16xi32>], vector<16xf32>,
        tpu.vector_store_idx %arg13[%add3A_5, %broadcast_in_dim3A_2716], %gather3A_2736 : memref<32x512xf32, #tpu.memory_space<vmem>>[vector<16xi32>, vector<16xi32>], vector<16xf32>,
      } else {
      }
      %slice3A_798 = vector.extract_strided_slice %get3A_682 {offsets = [1], sizes = [1], strides = [1]} : vector<16xi32> to vector<1xi32>
      %squeeze3A_799 = vector.extract %slice3A_798[0] : i32 from vector<1xi32>
      %slice3A_800 = vector.extract_strided_slice %get3A_684 {offsets = [1], sizes = [1], strides = [1]} : vector<16xi32> to vector<1xi32>
      %squeeze3A_801 = vector.extract %slice3A_800[0] : i32 from vector<1xi32>
      %jit3A_802 = arith.constant 128 : i32
      %div3A_803 = arith.divsi %squeeze3A_799, %jit3A_802 : i32
      %sign3A_804 = arith.constant 0 : i32
      %sign3A_805 = arith.cmpi sgt, %squeeze3A_799, %sign3A_804 : i32
      %sign3A_806 = arith.extui %sign3A_805 : i1 to i32
      %sign3A_807 = arith.constant 0 : i32
      %sign3A_808 = arith.cmpi slt, %squeeze3A_799, %sign3A_807 : i32
      %sign3A_809 = arith.extui %sign3A_808 : i1 to i32
      %sign3A_810 = arith.subi %sign3A_806, %sign3A_809 : i32
      %sign3A_811 = arith.constant 0 : i32
      %sign3A_812 = arith.cmpi sgt, %jit3A_802, %sign3A_811 : i32
      %sign3A_813 = arith.extui %sign3A_812 : i1 to i32
      %sign3A_814 = arith.constant 0 : i32
      %sign3A_815 = arith.cmpi slt, %jit3A_802, %sign3A_814 : i32
      %sign3A_816 = arith.extui %sign3A_815 : i1 to i32
      %sign3A_817 = arith.subi %sign3A_813, %sign3A_816 : i32
      %ne3A_818 = arith.cmpi ne, %sign3A_810, %sign3A_817 : i32
      %rem3A_819 = arith.remsi %squeeze3A_799, %jit3A_802 : i32
      %ne3A_820 = arith.constant 0 : i32
      %ne3A_821 = arith.cmpi ne, %rem3A_819, %ne3A_820 : i32
      %and3A_822 = arith.andi %ne3A_818, %ne3A_821 : i1
      %sub3A_823 = arith.constant 1 : i32
      %sub3A_824 = arith.subi %div3A_803, %sub3A_823 : i32
      %select_n3A_825 = arith.select %and3A_822, %sub3A_824, %div3A_803 : i32
      %mul3A_826 = arith.constant 128 : i32
      %mul3A_827 = arith.muli %select_n3A_825, %mul3A_826 : i32
      %multiple_of3A_828 = tpu.assume_multiple %mul3A_827, 128 : i32
      %jit3A_829 = arith.constant 128 : i32
      %div3A_830 = arith.divsi %squeeze3A_801, %jit3A_829 : i32
      %sign3A_831 = arith.constant 0 : i32
      %sign3A_832 = arith.cmpi sgt, %squeeze3A_801, %sign3A_831 : i32
      %sign3A_833 = arith.extui %sign3A_832 : i1 to i32
      %sign3A_834 = arith.constant 0 : i32
      %sign3A_835 = arith.cmpi slt, %squeeze3A_801, %sign3A_834 : i32
      %sign3A_836 = arith.extui %sign3A_835 : i1 to i32
      %sign3A_837 = arith.subi %sign3A_833, %sign3A_836 : i32
      %sign3A_838 = arith.constant 0 : i32
      %sign3A_839 = arith.cmpi sgt, %jit3A_829, %sign3A_838 : i32
      %sign3A_840 = arith.extui %sign3A_839 : i1 to i32
      %sign3A_841 = arith.constant 0 : i32
      %sign3A_842 = arith.cmpi slt, %jit3A_829, %sign3A_841 : i32
      %sign3A_843 = arith.extui %sign3A_842 : i1 to i32
      %sign3A_844 = arith.subi %sign3A_840, %sign3A_843 : i32
      %ne3A_845 = arith.cmpi ne, %sign3A_837, %sign3A_844 : i32
      %rem3A_846 = arith.remsi %squeeze3A_801, %jit3A_829 : i32
      %ne3A_847 = arith.constant 0 : i32
      %ne3A_848 = arith.cmpi ne, %rem3A_846, %ne3A_847 : i32
      %and3A_849 = arith.andi %ne3A_845, %ne3A_848 : i1
      %sub3A_850 = arith.constant 1 : i32
      %sub3A_851 = arith.subi %div3A_830, %sub3A_850 : i32
      %select_n3A_852 = arith.select %and3A_849, %sub3A_851, %div3A_830 : i32
      %mul3A_853 = arith.constant 128 : i32
      %mul3A_854 = arith.muli %select_n3A_852, %mul3A_853 : i32
      %multiple_of3A_855 = tpu.assume_multiple %mul3A_854, 128 : i32
      %dma_start3A_856 = arith.constant 0 : i32
      %dma_start3A_857 = arith.constant 0 : i32
      %dma_start3A_858 = tpu.memref_slice %arg10[%rem3A_792, %dma_start3A_856, %dma_start3A_857] : memref<10x32x128xf32, #tpu.memory_space<vmem>> -> memref<1x32x128xf32, #tpu.memory_space<vmem>>
      %dma_start3A_859 = tpu.memref_squeeze %dma_start3A_858 : memref<1x32x128xf32, #tpu.memory_space<vmem>> -> memref<32x128xf32, #tpu.memory_space<vmem>>
      %dma_start3A_860 = arith.constant 0 : i32
      %dma_start3A_861 = tpu.memref_slice %arg2[%dma_start3A_860, %multiple_of3A_828] : memref<32x1000000xf32, #tpu.memory_space<hbm>> -> memref<32x128xf32, #tpu.memory_space<hbm>>
      %dma_start3A_862 = tpu.memref_slice %arg14[%rem3A_792] : memref<10x!tpu.dma_semaphore, #tpu.memory_space<semaphore_mem>> -> memref<1x!tpu.dma_semaphore, #tpu.memory_space<semaphore_mem>>
      %dma_start3A_863 = tpu.memref_squeeze %dma_start3A_862 : memref<1x!tpu.dma_semaphore, #tpu.memory_space<semaphore_mem>> -> memref<!tpu.dma_semaphore, #tpu.memory_space<semaphore_mem>>
      %dma_start3A_864 = arith.constant 0 : i32
      %dma_start3A_865 = arith.constant 0 : i32
      %dma_start3A_866 = tpu.memref_slice %arg10[%rem3A_792, %dma_start3A_864, %dma_start3A_865] : memref<10x32x128xf32, #tpu.memory_space<vmem>> -> memref<1x32x128xf32, #tpu.memory_space<vmem>>
      %dma_start3A_867 = tpu.memref_squeeze %dma_start3A_866 : memref<1x32x128xf32, #tpu.memory_space<vmem>> -> memref<32x128xf32, #tpu.memory_space<vmem>>
      %dma_start3A_868 = arith.constant 0 : i32
      %dma_start3A_869 = tpu.memref_slice %arg2[%dma_start3A_868, %multiple_of3A_828] : memref<32x1000000xf32, #tpu.memory_space<hbm>> -> memref<32x128xf32, #tpu.memory_space<hbm>>
      tpu.enqueue_dma source(%dma_start3A_869 : memref<32x128xf32, #tpu.memory_space<hbm>>) target(%dma_start3A_867 : memref<32x128xf32, #tpu.memory_space<vmem>>) target_semaphore(%dma_start3A_863 : memref<!tpu.dma_semaphore, #tpu.memory_space<semaphore_mem>>)
      %dma_start3A_870 = arith.constant 0 : i32
      %dma_start3A_871 = arith.constant 0 : i32
      %dma_start3A_872 = tpu.memref_slice %arg11[%rem3A_792, %dma_start3A_870, %dma_start3A_871] : memref<10x32x128xf32, #tpu.memory_space<vmem>> -> memref<1x32x128xf32, #tpu.memory_space<vmem>>
      %dma_start3A_873 = tpu.memref_squeeze %dma_start3A_872 : memref<1x32x128xf32, #tpu.memory_space<vmem>> -> memref<32x128xf32, #tpu.memory_space<vmem>>
      %dma_start3A_874 = arith.constant 0 : i32
      %dma_start3A_875 = tpu.memref_slice %arg3[%dma_start3A_874, %multiple_of3A_855] : memref<32x100000xf32, #tpu.memory_space<hbm>> -> memref<32x128xf32, #tpu.memory_space<hbm>>
      %dma_start3A_876 = tpu.memref_slice %arg15[%rem3A_792] : memref<10x!tpu.dma_semaphore, #tpu.memory_space<semaphore_mem>> -> memref<1x!tpu.dma_semaphore, #tpu.memory_space<semaphore_mem>>
      %dma_start3A_877 = tpu.memref_squeeze %dma_start3A_876 : memref<1x!tpu.dma_semaphore, #tpu.memory_space<semaphore_mem>> -> memref<!tpu.dma_semaphore, #tpu.memory_space<semaphore_mem>>
      %dma_start3A_878 = arith.constant 0 : i32
      %dma_start3A_879 = arith.constant 0 : i32
      %dma_start3A_880 = tpu.memref_slice %arg11[%rem3A_792, %dma_start3A_878, %dma_start3A_879] : memref<10x32x128xf32, #tpu.memory_space<vmem>> -> memref<1x32x128xf32, #tpu.memory_space<vmem>>
      %dma_start3A_881 = tpu.memref_squeeze %dma_start3A_880 : memref<1x32x128xf32, #tpu.memory_space<vmem>> -> memref<32x128xf32, #tpu.memory_space<vmem>>
      %dma_start3A_882 = arith.constant 0 : i32
      %dma_start3A_883 = tpu.memref_slice %arg3[%dma_start3A_882, %multiple_of3A_855] : memref<32x100000xf32, #tpu.memory_space<hbm>> -> memref<32x128xf32, #tpu.memory_space<hbm>>
      tpu.enqueue_dma source(%dma_start3A_883 : memref<32x128xf32, #tpu.memory_space<hbm>>) target(%dma_start3A_881 : memref<32x128xf32, #tpu.memory_space<vmem>>) target_semaphore(%dma_start3A_877 : memref<!tpu.dma_semaphore, #tpu.memory_space<semaphore_mem>>)
      %add3A_884 = arith.constant 2 : i32
      %add3A_885 = arith.addi %mul3A_680, %add3A_884 : i32
      %sub3A_886 = arith.constant 10 : i32
      %sub3A_887 = arith.subi %add3A_885, %sub3A_886 : i32
      %rem3A_888 = arith.constant 10 : i32
      %rem3A_889 = arith.remsi %sub3A_887, %rem3A_888 : i32
      %add3A_890 = arith.constant 2 : i32
      %add3A_891 = arith.addi %mul3A_680, %add3A_890 : i32
      %rem3A_892 = arith.constant 10 : i32
      %rem3A_893 = arith.remsi %add3A_891, %rem3A_892 : i32
      %gt3A_894 = arith.constant 0 : i32
      %gt3A_895 = arith.cmpi sgt, %scan3A_678, %gt3A_894 : i32
      %convert_element_type3A_896 = arith.extui %gt3A_895 : i1 to i32
      %cond3A_897 = arith.constant 0 : i32
      %cond3A_898 = arith.cmpi ne, %convert_element_type3A_896, %cond3A_897 : i32
      scf.if %cond3A_898 {
        %slice3A_2670 = vector.extract_strided_slice %get3A_690 {offsets = [8], sizes = [1], strides = [1]} : vector<16xi32> to vector<1xi32>
        %squeeze3A_2671 = vector.extract %slice3A_2670[0] : i32 from vector<1xi32>
        %slice3A_2672 = vector.extract_strided_slice %get3A_692 {offsets = [8], sizes = [1], strides = [1]} : vector<16xi32> to vector<1xi32>
        %squeeze3A_2673 = vector.extract %slice3A_2672[0] : i32 from vector<1xi32>
        %add3A_2674 = arith.constant 2 : i32
        %add3A_2675 = arith.addi %mul3A_680, %add3A_2674 : i32
        %sub3A_2676 = arith.constant 10 : i32
        %sub3A_2677 = arith.subi %add3A_2675, %sub3A_2676 : i32
        %dma_wait3A_2678 = arith.constant 0 : i32
        %dma_wait3A_2679 = arith.constant 0 : i32
        %dma_wait3A_2680 = tpu.memref_slice %arg10[%rem3A_889, %dma_wait3A_2678, %dma_wait3A_2679] : memref<10x32x128xf32, #tpu.memory_space<vmem>> -> memref<1x32x128xf32, #tpu.memory_space<vmem>>
        %dma_wait3A_2681 = tpu.memref_squeeze %dma_wait3A_2680 : memref<1x32x128xf32, #tpu.memory_space<vmem>> -> memref<32x128xf32, #tpu.memory_space<vmem>>
        %dma_wait3A_2682 = arith.constant 0 : i32
        %dma_wait3A_2683 = arith.constant 0 : i32
        %dma_wait3A_2684 = tpu.memref_slice %arg2[%dma_wait3A_2682, %dma_wait3A_2683] : memref<32x1000000xf32, #tpu.memory_space<hbm>> -> memref<32x128xf32, #tpu.memory_space<hbm>>
        %dma_wait3A_2685 = tpu.memref_slice %arg14[%rem3A_889] : memref<10x!tpu.dma_semaphore, #tpu.memory_space<semaphore_mem>> -> memref<1x!tpu.dma_semaphore, #tpu.memory_space<semaphore_mem>>
        %dma_wait3A_2686 = tpu.memref_squeeze %dma_wait3A_2685 : memref<1x!tpu.dma_semaphore, #tpu.memory_space<semaphore_mem>> -> memref<!tpu.dma_semaphore, #tpu.memory_space<semaphore_mem>>
        %dma_wait3A_2687 = arith.constant 0 : i32
        %dma_wait3A_2688 = arith.constant 0 : i32
        %dma_wait3A_2689 = tpu.memref_slice %arg10[%rem3A_889, %dma_wait3A_2687, %dma_wait3A_2688] : memref<10x32x128xf32, #tpu.memory_space<vmem>> -> memref<1x32x128xf32, #tpu.memory_space<vmem>>
        %dma_wait3A_2690 = tpu.memref_squeeze %dma_wait3A_2689 : memref<1x32x128xf32, #tpu.memory_space<vmem>> -> memref<32x128xf32, #tpu.memory_space<vmem>>
        %dma_wait3A_2691 = arith.constant 0 : i32
        %dma_wait3A_2692 = arith.constant 0 : i32
        %dma_wait3A_2693 = tpu.memref_slice %arg2[%dma_wait3A_2691, %dma_wait3A_2692] : memref<32x1000000xf32, #tpu.memory_space<hbm>> -> memref<32x128xf32, #tpu.memory_space<hbm>>
        tpu.wait_dma2 semaphore(%dma_wait3A_2686 : memref<!tpu.dma_semaphore, #tpu.memory_space<semaphore_mem>>) src(%dma_wait3A_2693 : memref<32x128xf32, #tpu.memory_space<hbm>>) dst(%dma_wait3A_2690 : memref<32x128xf32, #tpu.memory_space<vmem>>)
        %dma_wait3A_2694 = arith.constant 0 : i32
        %dma_wait3A_2695 = arith.constant 0 : i32
        %dma_wait3A_2696 = tpu.memref_slice %arg11[%rem3A_889, %dma_wait3A_2694, %dma_wait3A_2695] : memref<10x32x128xf32, #tpu.memory_space<vmem>> -> memref<1x32x128xf32, #tpu.memory_space<vmem>>
        %dma_wait3A_2697 = tpu.memref_squeeze %dma_wait3A_2696 : memref<1x32x128xf32, #tpu.memory_space<vmem>> -> memref<32x128xf32, #tpu.memory_space<vmem>>
        %dma_wait3A_2698 = arith.constant 0 : i32
        %dma_wait3A_2699 = arith.constant 0 : i32
        %dma_wait3A_2700 = tpu.memref_slice %arg3[%dma_wait3A_2698, %dma_wait3A_2699] : memref<32x100000xf32, #tpu.memory_space<hbm>> -> memref<32x128xf32, #tpu.memory_space<hbm>>
        %dma_wait3A_2701 = tpu.memref_slice %arg15[%rem3A_889] : memref<10x!tpu.dma_semaphore, #tpu.memory_space<semaphore_mem>> -> memref<1x!tpu.dma_semaphore, #tpu.memory_space<semaphore_mem>>
        %dma_wait3A_2702 = tpu.memref_squeeze %dma_wait3A_2701 : memref<1x!tpu.dma_semaphore, #tpu.memory_space<semaphore_mem>> -> memref<!tpu.dma_semaphore, #tpu.memory_space<semaphore_mem>>
        %dma_wait3A_2703 = arith.constant 0 : i32
        %dma_wait3A_2704 = arith.constant 0 : i32
        %dma_wait3A_2705 = tpu.memref_slice %arg11[%rem3A_889, %dma_wait3A_2703, %dma_wait3A_2704] : memref<10x32x128xf32, #tpu.memory_space<vmem>> -> memref<1x32x128xf32, #tpu.memory_space<vmem>>
        %dma_wait3A_2706 = tpu.memref_squeeze %dma_wait3A_2705 : memref<1x32x128xf32, #tpu.memory_space<vmem>> -> memref<32x128xf32, #tpu.memory_space<vmem>>
        %dma_wait3A_2707 = arith.constant 0 : i32
        %dma_wait3A_2708 = arith.constant 0 : i32
        %dma_wait3A_2709 = tpu.memref_slice %arg3[%dma_wait3A_2707, %dma_wait3A_2708] : memref<32x100000xf32, #tpu.memory_space<hbm>> -> memref<32x128xf32, #tpu.memory_space<hbm>>
        tpu.wait_dma2 semaphore(%dma_wait3A_2702 : memref<!tpu.dma_semaphore, #tpu.memory_space<semaphore_mem>>) src(%dma_wait3A_2709 : memref<32x128xf32, #tpu.memory_space<hbm>>) dst(%dma_wait3A_2706 : memref<32x128xf32, #tpu.memory_space<vmem>>)
        %rem3A_2710 = arith.constant 128 : i32
        %rem3A_2711 = arith.remsi %squeeze3A_2671, %rem3A_2710 : i32
        %broadcast_in_dim3A_2712 = vector.broadcast %rem3A_2711 : i32 to vector<16xi32>
        %rem3A_2713 = arith.constant 128 : i32
        %rem3A_2714 = arith.remsi %squeeze3A_2673, %rem3A_2713 : i32
        %broadcast_in_dim3A_2715 = vector.broadcast %rem3A_2714 : i32 to vector<16xi32>
        %broadcast_in_dim3A_2716 = vector.broadcast %sub3A_2677 : i32 to vector<16xi32>
        %gather3A_2717 = arith.constant 0 : i32
        %gather3A_2718 = arith.constant 0 : i32
        %gather3A_2719 = tpu.memref_slice %arg10[%rem3A_889, %gather3A_2717, %gather3A_2718] : memref<10x32x128xf32, #tpu.memory_space<vmem>> -> memref<1x32x128xf32, #tpu.memory_space<vmem>>
        %gather3A_2720 = tpu.memref_squeeze %gather3A_2719 : memref<1x32x128xf32, #tpu.memory_space<vmem>> -> memref<32x128xf32, #tpu.memory_space<vmem>>
        %gather3A_2721 = tpu.vector_load_idx %gather3A_2720[%iota3A, %broadcast_in_dim3A_2712] : memref<32x128xf32, #tpu.memory_space<vmem>>[vector<16xi32>, vector<16xi32>], vector<16xf32>,
        tpu.vector_store_idx %arg12[%iota3A, %broadcast_in_dim3A_2716], %gather3A_2721 : memref<32x512xf32, #tpu.memory_space<vmem>>[vector<16xi32>, vector<16xi32>], vector<16xf32>,
        %gather3A_2722 = arith.constant 0 : i32
        %gather3A_2723 = arith.constant 0 : i32
        %gather3A_2724 = tpu.memref_slice %arg11[%rem3A_889, %gather3A_2722, %gather3A_2723] : memref<10x32x128xf32, #tpu.memory_space<vmem>> -> memref<1x32x128xf32, #tpu.memory_space<vmem>>
        %gather3A_2725 = tpu.memref_squeeze %gather3A_2724 : memref<1x32x128xf32, #tpu.memory_space<vmem>> -> memref<32x128xf32, #tpu.memory_space<vmem>>
        %gather3A_2726 = tpu.vector_load_idx %gather3A_2725[%iota3A, %broadcast_in_dim3A_2715] : memref<32x128xf32, #tpu.memory_space<vmem>>[vector<16xi32>, vector<16xi32>], vector<16xf32>,
        tpu.vector_store_idx %arg13[%iota3A, %broadcast_in_dim3A_2716], %gather3A_2726 : memref<32x512xf32, #tpu.memory_space<vmem>>[vector<16xi32>, vector<16xi32>], vector<16xf32>,
        %gather3A_2727 = arith.constant 0 : i32
        %gather3A_2728 = arith.constant 0 : i32
        %gather3A_2729 = tpu.memref_slice %arg10[%rem3A_889, %gather3A_2727, %gather3A_2728] : memref<10x32x128xf32, #tpu.memory_space<vmem>> -> memref<1x32x128xf32, #tpu.memory_space<vmem>>
        %gather3A_2730 = tpu.memref_squeeze %gather3A_2729 : memref<1x32x128xf32, #tpu.memory_space<vmem>> -> memref<32x128xf32, #tpu.memory_space<vmem>>
        %gather3A_2731 = tpu.vector_load_idx %gather3A_2730[%add3A_5, %broadcast_in_dim3A_2712] : memref<32x128xf32, #tpu.memory_space<vmem>>[vector<16xi32>, vector<16xi32>], vector<16xf32>,
        tpu.vector_store_idx %arg12[%add3A_5, %broadcast_in_dim3A_2716], %gather3A_2731 : memref<32x512xf32, #tpu.memory_space<vmem>>[vector<16xi32>, vector<16xi32>], vector<16xf32>,
        %gather3A_2732 = arith.constant 0 : i32
        %gather3A_2733 = arith.constant 0 : i32
        %gather3A_2734 = tpu.memref_slice %arg11[%rem3A_889, %gather3A_2732, %gather3A_2733] : memref<10x32x128xf32, #tpu.memory_space<vmem>> -> memref<1x32x128xf32, #tpu.memory_space<vmem>>
        %gather3A_2735 = tpu.memref_squeeze %gather3A_2734 : memref<1x32x128xf32, #tpu.memory_space<vmem>> -> memref<32x128xf32, #tpu.memory_space<vmem>>
        %gather3A_2736 = tpu.vector_load_idx %gather3A_2735[%add3A_5, %broadcast_in_dim3A_2715] : memref<32x128xf32, #tpu.memory_space<vmem>>[vector<16xi32>, vector<16xi32>], vector<16xf32>,
        tpu.vector_store_idx %arg13[%add3A_5, %broadcast_in_dim3A_2716], %gather3A_2736 : memref<32x512xf32, #tpu.memory_space<vmem>>[vector<16xi32>, vector<16xi32>], vector<16xf32>,
      } else {
      }
      %slice3A_899 = vector.extract_strided_slice %get3A_682 {offsets = [2], sizes = [1], strides = [1]} : vector<16xi32> to vector<1xi32>
      %squeeze3A_900 = vector.extract %slice3A_899[0] : i32 from vector<1xi32>
      %slice3A_901 = vector.extract_strided_slice %get3A_684 {offsets = [2], sizes = [1], strides = [1]} : vector<16xi32> to vector<1xi32>
      %squeeze3A_902 = vector.extract %slice3A_901[0] : i32 from vector<1xi32>
      %jit3A_903 = arith.constant 128 : i32
      %div3A_904 = arith.divsi %squeeze3A_900, %jit3A_903 : i32
      %sign3A_905 = arith.constant 0 : i32
      %sign3A_906 = arith.cmpi sgt, %squeeze3A_900, %sign3A_905 : i32
      %sign3A_907 = arith.extui %sign3A_906 : i1 to i32
      %sign3A_908 = arith.constant 0 : i32
      %sign3A_909 = arith.cmpi slt, %squeeze3A_900, %sign3A_908 : i32
      %sign3A_910 = arith.extui %sign3A_909 : i1 to i32
      %sign3A_911 = arith.subi %sign3A_907, %sign3A_910 : i32
      %sign3A_912 = arith.constant 0 : i32
      %sign3A_913 = arith.cmpi sgt, %jit3A_903, %sign3A_912 : i32
      %sign3A_914 = arith.extui %sign3A_913 : i1 to i32
      %sign3A_915 = arith.constant 0 : i32
      %sign3A_916 = arith.cmpi slt, %jit3A_903, %sign3A_915 : i32
      %sign3A_917 = arith.extui %sign3A_916 : i1 to i32
      %sign3A_918 = arith.subi %sign3A_914, %sign3A_917 : i32
      %ne3A_919 = arith.cmpi ne, %sign3A_911, %sign3A_918 : i32
      %rem3A_920 = arith.remsi %squeeze3A_900, %jit3A_903 : i32
      %ne3A_921 = arith.constant 0 : i32
      %ne3A_922 = arith.cmpi ne, %rem3A_920, %ne3A_921 : i32
      %and3A_923 = arith.andi %ne3A_919, %ne3A_922 : i1
      %sub3A_924 = arith.constant 1 : i32
      %sub3A_925 = arith.subi %div3A_904, %sub3A_924 : i32
      %select_n3A_926 = arith.select %and3A_923, %sub3A_925, %div3A_904 : i32
      %mul3A_927 = arith.constant 128 : i32
      %mul3A_928 = arith.muli %select_n3A_926, %mul3A_927 : i32
      %multiple_of3A_929 = tpu.assume_multiple %mul3A_928, 128 : i32
      %jit3A_930 = arith.constant 128 : i32
      %div3A_931 = arith.divsi %squeeze3A_902, %jit3A_930 : i32
      %sign3A_932 = arith.constant 0 : i32
      %sign3A_933 = arith.cmpi sgt, %squeeze3A_902, %sign3A_932 : i32
      %sign3A_934 = arith.extui %sign3A_933 : i1 to i32
      %sign3A_935 = arith.constant 0 : i32
      %sign3A_936 = arith.cmpi slt, %squeeze3A_902, %sign3A_935 : i32
      %sign3A_937 = arith.extui %sign3A_936 : i1 to i32
      %sign3A_938 = arith.subi %sign3A_934, %sign3A_937 : i32
      %sign3A_939 = arith.constant 0 : i32
      %sign3A_940 = arith.cmpi sgt, %jit3A_930, %sign3A_939 : i32
      %sign3A_941 = arith.extui %sign3A_940 : i1 to i32
      %sign3A_942 = arith.constant 0 : i32
      %sign3A_943 = arith.cmpi slt, %jit3A_930, %sign3A_942 : i32
      %sign3A_944 = arith.extui %sign3A_943 : i1 to i32
      %sign3A_945 = arith.subi %sign3A_941, %sign3A_944 : i32
      %ne3A_946 = arith.cmpi ne, %sign3A_938, %sign3A_945 : i32
      %rem3A_947 = arith.remsi %squeeze3A_902, %jit3A_930 : i32
      %ne3A_948 = arith.constant 0 : i32
      %ne3A_949 = arith.cmpi ne, %rem3A_947, %ne3A_948 : i32
      %and3A_950 = arith.andi %ne3A_946, %ne3A_949 : i1
      %sub3A_951 = arith.constant 1 : i32
      %sub3A_952 = arith.subi %div3A_931, %sub3A_951 : i32
      %select_n3A_953 = arith.select %and3A_950, %sub3A_952, %div3A_931 : i32
      %mul3A_954 = arith.constant 128 : i32
      %mul3A_955 = arith.muli %select_n3A_953, %mul3A_954 : i32
      %multiple_of3A_956 = tpu.assume_multiple %mul3A_955, 128 : i32
      %dma_start3A_957 = arith.constant 0 : i32
      %dma_start3A_958 = arith.constant 0 : i32
      %dma_start3A_959 = tpu.memref_slice %arg10[%rem3A_893, %dma_start3A_957, %dma_start3A_958] : memref<10x32x128xf32, #tpu.memory_space<vmem>> -> memref<1x32x128xf32, #tpu.memory_space<vmem>>
      %dma_start3A_960 = tpu.memref_squeeze %dma_start3A_959 : memref<1x32x128xf32, #tpu.memory_space<vmem>> -> memref<32x128xf32, #tpu.memory_space<vmem>>
      %dma_start3A_961 = arith.constant 0 : i32
      %dma_start3A_962 = tpu.memref_slice %arg2[%dma_start3A_961, %multiple_of3A_929] : memref<32x1000000xf32, #tpu.memory_space<hbm>> -> memref<32x128xf32, #tpu.memory_space<hbm>>
      %dma_start3A_963 = tpu.memref_slice %arg14[%rem3A_893] : memref<10x!tpu.dma_semaphore, #tpu.memory_space<semaphore_mem>> -> memref<1x!tpu.dma_semaphore, #tpu.memory_space<semaphore_mem>>
      %dma_start3A_964 = tpu.memref_squeeze %dma_start3A_963 : memref<1x!tpu.dma_semaphore, #tpu.memory_space<semaphore_mem>> -> memref<!tpu.dma_semaphore, #tpu.memory_space<semaphore_mem>>
      %dma_start3A_965 = arith.constant 0 : i32
      %dma_start3A_966 = arith.constant 0 : i32
      %dma_start3A_967 = tpu.memref_slice %arg10[%rem3A_893, %dma_start3A_965, %dma_start3A_966] : memref<10x32x128xf32, #tpu.memory_space<vmem>> -> memref<1x32x128xf32, #tpu.memory_space<vmem>>
      %dma_start3A_968 = tpu.memref_squeeze %dma_start3A_967 : memref<1x32x128xf32, #tpu.memory_space<vmem>> -> memref<32x128xf32, #tpu.memory_space<vmem>>
      %dma_start3A_969 = arith.constant 0 : i32
      %dma_start3A_970 = tpu.memref_slice %arg2[%dma_start3A_969, %multiple_of3A_929] : memref<32x1000000xf32, #tpu.memory_space<hbm>> -> memref<32x128xf32, #tpu.memory_space<hbm>>
      tpu.enqueue_dma source(%dma_start3A_970 : memref<32x128xf32, #tpu.memory_space<hbm>>) target(%dma_start3A_968 : memref<32x128xf32, #tpu.memory_space<vmem>>) target_semaphore(%dma_start3A_964 : memref<!tpu.dma_semaphore, #tpu.memory_space<semaphore_mem>>)
      %dma_start3A_971 = arith.constant 0 : i32
      %dma_start3A_972 = arith.constant 0 : i32
      %dma_start3A_973 = tpu.memref_slice %arg11[%rem3A_893, %dma_start3A_971, %dma_start3A_972] : memref<10x32x128xf32, #tpu.memory_space<vmem>> -> memref<1x32x128xf32, #tpu.memory_space<vmem>>
      %dma_start3A_974 = tpu.memref_squeeze %dma_start3A_973 : memref<1x32x128xf32, #tpu.memory_space<vmem>> -> memref<32x128xf32, #tpu.memory_space<vmem>>
      %dma_start3A_975 = arith.constant 0 : i32
      %dma_start3A_976 = tpu.memref_slice %arg3[%dma_start3A_975, %multiple_of3A_956] : memref<32x100000xf32, #tpu.memory_space<hbm>> -> memref<32x128xf32, #tpu.memory_space<hbm>>
      %dma_start3A_977 = tpu.memref_slice %arg15[%rem3A_893] : memref<10x!tpu.dma_semaphore, #tpu.memory_space<semaphore_mem>> -> memref<1x!tpu.dma_semaphore, #tpu.memory_space<semaphore_mem>>
      %dma_start3A_978 = tpu.memref_squeeze %dma_start3A_977 : memref<1x!tpu.dma_semaphore, #tpu.memory_space<semaphore_mem>> -> memref<!tpu.dma_semaphore, #tpu.memory_space<semaphore_mem>>
      %dma_start3A_979 = arith.constant 0 : i32
      %dma_start3A_980 = arith.constant 0 : i32
      %dma_start3A_981 = tpu.memref_slice %arg11[%rem3A_893, %dma_start3A_979, %dma_start3A_980] : memref<10x32x128xf32, #tpu.memory_space<vmem>> -> memref<1x32x128xf32, #tpu.memory_space<vmem>>
      %dma_start3A_982 = tpu.memref_squeeze %dma_start3A_981 : memref<1x32x128xf32, #tpu.memory_space<vmem>> -> memref<32x128xf32, #tpu.memory_space<vmem>>
      %dma_start3A_983 = arith.constant 0 : i32
      %dma_start3A_984 = tpu.memref_slice %arg3[%dma_start3A_983, %multiple_of3A_956] : memref<32x100000xf32, #tpu.memory_space<hbm>> -> memref<32x128xf32, #tpu.memory_space<hbm>>
      tpu.enqueue_dma source(%dma_start3A_984 : memref<32x128xf32, #tpu.memory_space<hbm>>) target(%dma_start3A_982 : memref<32x128xf32, #tpu.memory_space<vmem>>) target_semaphore(%dma_start3A_978 : memref<!tpu.dma_semaphore, #tpu.memory_space<semaphore_mem>>)
      %add3A_985 = arith.constant 3 : i32
      %add3A_986 = arith.addi %mul3A_680, %add3A_985 : i32
      %sub3A_987 = arith.constant 10 : i32
      %sub3A_988 = arith.subi %add3A_986, %sub3A_987 : i32
      %rem3A_989 = arith.constant 10 : i32
      %rem3A_990 = arith.remsi %sub3A_988, %rem3A_989 : i32
      %add3A_991 = arith.constant 3 : i32
      %add3A_992 = arith.addi %mul3A_680, %add3A_991 : i32
      %rem3A_993 = arith.constant 10 : i32
      %rem3A_994 = arith.remsi %add3A_992, %rem3A_993 : i32
      %gt3A_995 = arith.constant 0 : i32
      %gt3A_996 = arith.cmpi sgt, %scan3A_678, %gt3A_995 : i32
      %convert_element_type3A_997 = arith.extui %gt3A_996 : i1 to i32
      %cond3A_998 = arith.constant 0 : i32
      %cond3A_999 = arith.cmpi ne, %convert_element_type3A_997, %cond3A_998 : i32
      scf.if %cond3A_999 {
        %slice3A_2670 = vector.extract_strided_slice %get3A_690 {offsets = [9], sizes = [1], strides = [1]} : vector<16xi32> to vector<1xi32>
        %squeeze3A_2671 = vector.extract %slice3A_2670[0] : i32 from vector<1xi32>
        %slice3A_2672 = vector.extract_strided_slice %get3A_692 {offsets = [9], sizes = [1], strides = [1]} : vector<16xi32> to vector<1xi32>
        %squeeze3A_2673 = vector.extract %slice3A_2672[0] : i32 from vector<1xi32>
        %add3A_2674 = arith.constant 3 : i32
        %add3A_2675 = arith.addi %mul3A_680, %add3A_2674 : i32
        %sub3A_2676 = arith.constant 10 : i32
        %sub3A_2677 = arith.subi %add3A_2675, %sub3A_2676 : i32
        %dma_wait3A_2678 = arith.constant 0 : i32
        %dma_wait3A_2679 = arith.constant 0 : i32
        %dma_wait3A_2680 = tpu.memref_slice %arg10[%rem3A_990, %dma_wait3A_2678, %dma_wait3A_2679] : memref<10x32x128xf32, #tpu.memory_space<vmem>> -> memref<1x32x128xf32, #tpu.memory_space<vmem>>
        %dma_wait3A_2681 = tpu.memref_squeeze %dma_wait3A_2680 : memref<1x32x128xf32, #tpu.memory_space<vmem>> -> memref<32x128xf32, #tpu.memory_space<vmem>>
        %dma_wait3A_2682 = arith.constant 0 : i32
        %dma_wait3A_2683 = arith.constant 0 : i32
        %dma_wait3A_2684 = tpu.memref_slice %arg2[%dma_wait3A_2682, %dma_wait3A_2683] : memref<32x1000000xf32, #tpu.memory_space<hbm>> -> memref<32x128xf32, #tpu.memory_space<hbm>>
        %dma_wait3A_2685 = tpu.memref_slice %arg14[%rem3A_990] : memref<10x!tpu.dma_semaphore, #tpu.memory_space<semaphore_mem>> -> memref<1x!tpu.dma_semaphore, #tpu.memory_space<semaphore_mem>>
        %dma_wait3A_2686 = tpu.memref_squeeze %dma_wait3A_2685 : memref<1x!tpu.dma_semaphore, #tpu.memory_space<semaphore_mem>> -> memref<!tpu.dma_semaphore, #tpu.memory_space<semaphore_mem>>
        %dma_wait3A_2687 = arith.constant 0 : i32
        %dma_wait3A_2688 = arith.constant 0 : i32
        %dma_wait3A_2689 = tpu.memref_slice %arg10[%rem3A_990, %dma_wait3A_2687, %dma_wait3A_2688] : memref<10x32x128xf32, #tpu.memory_space<vmem>> -> memref<1x32x128xf32, #tpu.memory_space<vmem>>
        %dma_wait3A_2690 = tpu.memref_squeeze %dma_wait3A_2689 : memref<1x32x128xf32, #tpu.memory_space<vmem>> -> memref<32x128xf32, #tpu.memory_space<vmem>>
        %dma_wait3A_2691 = arith.constant 0 : i32
        %dma_wait3A_2692 = arith.constant 0 : i32
        %dma_wait3A_2693 = tpu.memref_slice %arg2[%dma_wait3A_2691, %dma_wait3A_2692] : memref<32x1000000xf32, #tpu.memory_space<hbm>> -> memref<32x128xf32, #tpu.memory_space<hbm>>
        tpu.wait_dma2 semaphore(%dma_wait3A_2686 : memref<!tpu.dma_semaphore, #tpu.memory_space<semaphore_mem>>) src(%dma_wait3A_2693 : memref<32x128xf32, #tpu.memory_space<hbm>>) dst(%dma_wait3A_2690 : memref<32x128xf32, #tpu.memory_space<vmem>>)
        %dma_wait3A_2694 = arith.constant 0 : i32
        %dma_wait3A_2695 = arith.constant 0 : i32
        %dma_wait3A_2696 = tpu.memref_slice %arg11[%rem3A_990, %dma_wait3A_2694, %dma_wait3A_2695] : memref<10x32x128xf32, #tpu.memory_space<vmem>> -> memref<1x32x128xf32, #tpu.memory_space<vmem>>
        %dma_wait3A_2697 = tpu.memref_squeeze %dma_wait3A_2696 : memref<1x32x128xf32, #tpu.memory_space<vmem>> -> memref<32x128xf32, #tpu.memory_space<vmem>>
        %dma_wait3A_2698 = arith.constant 0 : i32
        %dma_wait3A_2699 = arith.constant 0 : i32
        %dma_wait3A_2700 = tpu.memref_slice %arg3[%dma_wait3A_2698, %dma_wait3A_2699] : memref<32x100000xf32, #tpu.memory_space<hbm>> -> memref<32x128xf32, #tpu.memory_space<hbm>>
        %dma_wait3A_2701 = tpu.memref_slice %arg15[%rem3A_990] : memref<10x!tpu.dma_semaphore, #tpu.memory_space<semaphore_mem>> -> memref<1x!tpu.dma_semaphore, #tpu.memory_space<semaphore_mem>>
        %dma_wait3A_2702 = tpu.memref_squeeze %dma_wait3A_2701 : memref<1x!tpu.dma_semaphore, #tpu.memory_space<semaphore_mem>> -> memref<!tpu.dma_semaphore, #tpu.memory_space<semaphore_mem>>
        %dma_wait3A_2703 = arith.constant 0 : i32
        %dma_wait3A_2704 = arith.constant 0 : i32
        %dma_wait3A_2705 = tpu.memref_slice %arg11[%rem3A_990, %dma_wait3A_2703, %dma_wait3A_2704] : memref<10x32x128xf32, #tpu.memory_space<vmem>> -> memref<1x32x128xf32, #tpu.memory_space<vmem>>
        %dma_wait3A_2706 = tpu.memref_squeeze %dma_wait3A_2705 : memref<1x32x128xf32, #tpu.memory_space<vmem>> -> memref<32x128xf32, #tpu.memory_space<vmem>>
        %dma_wait3A_2707 = arith.constant 0 : i32
        %dma_wait3A_2708 = arith.constant 0 : i32
        %dma_wait3A_2709 = tpu.memref_slice %arg3[%dma_wait3A_2707, %dma_wait3A_2708] : memref<32x100000xf32, #tpu.memory_space<hbm>> -> memref<32x128xf32, #tpu.memory_space<hbm>>
        tpu.wait_dma2 semaphore(%dma_wait3A_2702 : memref<!tpu.dma_semaphore, #tpu.memory_space<semaphore_mem>>) src(%dma_wait3A_2709 : memref<32x128xf32, #tpu.memory_space<hbm>>) dst(%dma_wait3A_2706 : memref<32x128xf32, #tpu.memory_space<vmem>>)
        %rem3A_2710 = arith.constant 128 : i32
        %rem3A_2711 = arith.remsi %squeeze3A_2671, %rem3A_2710 : i32
        %broadcast_in_dim3A_2712 = vector.broadcast %rem3A_2711 : i32 to vector<16xi32>
        %rem3A_2713 = arith.constant 128 : i32
        %rem3A_2714 = arith.remsi %squeeze3A_2673, %rem3A_2713 : i32
        %broadcast_in_dim3A_2715 = vector.broadcast %rem3A_2714 : i32 to vector<16xi32>
        %broadcast_in_dim3A_2716 = vector.broadcast %sub3A_2677 : i32 to vector<16xi32>
        %gather3A_2717 = arith.constant 0 : i32
        %gather3A_2718 = arith.constant 0 : i32
        %gather3A_2719 = tpu.memref_slice %arg10[%rem3A_990, %gather3A_2717, %gather3A_2718] : memref<10x32x128xf32, #tpu.memory_space<vmem>> -> memref<1x32x128xf32, #tpu.memory_space<vmem>>
        %gather3A_2720 = tpu.memref_squeeze %gather3A_2719 : memref<1x32x128xf32, #tpu.memory_space<vmem>> -> memref<32x128xf32, #tpu.memory_space<vmem>>
        %gather3A_2721 = tpu.vector_load_idx %gather3A_2720[%iota3A, %broadcast_in_dim3A_2712] : memref<32x128xf32, #tpu.memory_space<vmem>>[vector<16xi32>, vector<16xi32>], vector<16xf32>,
        tpu.vector_store_idx %arg12[%iota3A, %broadcast_in_dim3A_2716], %gather3A_2721 : memref<32x512xf32, #tpu.memory_space<vmem>>[vector<16xi32>, vector<16xi32>], vector<16xf32>,
        %gather3A_2722 = arith.constant 0 : i32
        %gather3A_2723 = arith.constant 0 : i32
        %gather3A_2724 = tpu.memref_slice %arg11[%rem3A_990, %gather3A_2722, %gather3A_2723] : memref<10x32x128xf32, #tpu.memory_space<vmem>> -> memref<1x32x128xf32, #tpu.memory_space<vmem>>
        %gather3A_2725 = tpu.memref_squeeze %gather3A_2724 : memref<1x32x128xf32, #tpu.memory_space<vmem>> -> memref<32x128xf32, #tpu.memory_space<vmem>>
        %gather3A_2726 = tpu.vector_load_idx %gather3A_2725[%iota3A, %broadcast_in_dim3A_2715] : memref<32x128xf32, #tpu.memory_space<vmem>>[vector<16xi32>, vector<16xi32>], vector<16xf32>,
        tpu.vector_store_idx %arg13[%iota3A, %broadcast_in_dim3A_2716], %gather3A_2726 : memref<32x512xf32, #tpu.memory_space<vmem>>[vector<16xi32>, vector<16xi32>], vector<16xf32>,
        %gather3A_2727 = arith.constant 0 : i32
        %gather3A_2728 = arith.constant 0 : i32
        %gather3A_2729 = tpu.memref_slice %arg10[%rem3A_990, %gather3A_2727, %gather3A_2728] : memref<10x32x128xf32, #tpu.memory_space<vmem>> -> memref<1x32x128xf32, #tpu.memory_space<vmem>>
        %gather3A_2730 = tpu.memref_squeeze %gather3A_2729 : memref<1x32x128xf32, #tpu.memory_space<vmem>> -> memref<32x128xf32, #tpu.memory_space<vmem>>
        %gather3A_2731 = tpu.vector_load_idx %gather3A_2730[%add3A_5, %broadcast_in_dim3A_2712] : memref<32x128xf32, #tpu.memory_space<vmem>>[vector<16xi32>, vector<16xi32>], vector<16xf32>,
        tpu.vector_store_idx %arg12[%add3A_5, %broadcast_in_dim3A_2716], %gather3A_2731 : memref<32x512xf32, #tpu.memory_space<vmem>>[vector<16xi32>, vector<16xi32>], vector<16xf32>,
        %gather3A_2732 = arith.constant 0 : i32
        %gather3A_2733 = arith.constant 0 : i32
        %gather3A_2734 = tpu.memref_slice %arg11[%rem3A_990, %gather3A_2732, %gather3A_2733] : memref<10x32x128xf32, #tpu.memory_space<vmem>> -> memref<1x32x128xf32, #tpu.memory_space<vmem>>
        %gather3A_2735 = tpu.memref_squeeze %gather3A_2734 : memref<1x32x128xf32, #tpu.memory_space<vmem>> -> memref<32x128xf32, #tpu.memory_space<vmem>>
        %gather3A_2736 = tpu.vector_load_idx %gather3A_2735[%add3A_5, %broadcast_in_dim3A_2715] : memref<32x128xf32, #tpu.memory_space<vmem>>[vector<16xi32>, vector<16xi32>], vector<16xf32>,
        tpu.vector_store_idx %arg13[%add3A_5, %broadcast_in_dim3A_2716], %gather3A_2736 : memref<32x512xf32, #tpu.memory_space<vmem>>[vector<16xi32>, vector<16xi32>], vector<16xf32>,
      } else {
      }
      %slice3A_1000 = vector.extract_strided_slice %get3A_682 {offsets = [3], sizes = [1], strides = [1]} : vector<16xi32> to vector<1xi32>
      %squeeze3A_1001 = vector.extract %slice3A_1000[0] : i32 from vector<1xi32>
      %slice3A_1002 = vector.extract_strided_slice %get3A_684 {offsets = [3], sizes = [1], strides = [1]} : vector<16xi32> to vector<1xi32>
      %squeeze3A_1003 = vector.extract %slice3A_1002[0] : i32 from vector<1xi32>
      %jit3A_1004 = arith.constant 128 : i32
      %div3A_1005 = arith.divsi %squeeze3A_1001, %jit3A_1004 : i32
      %sign3A_1006 = arith.constant 0 : i32
      %sign3A_1007 = arith.cmpi sgt, %squeeze3A_1001, %sign3A_1006 : i32
      %sign3A_1008 = arith.extui %sign3A_1007 : i1 to i32
      %sign3A_1009 = arith.constant 0 : i32
      %sign3A_1010 = arith.cmpi slt, %squeeze3A_1001, %sign3A_1009 : i32
      %sign3A_1011 = arith.extui %sign3A_1010 : i1 to i32
      %sign3A_1012 = arith.subi %sign3A_1008, %sign3A_1011 : i32
      %sign3A_1013 = arith.constant 0 : i32
      %sign3A_1014 = arith.cmpi sgt, %jit3A_1004, %sign3A_1013 : i32
      %sign3A_1015 = arith.extui %sign3A_1014 : i1 to i32
      %sign3A_1016 = arith.constant 0 : i32
      %sign3A_1017 = arith.cmpi slt, %jit3A_1004, %sign3A_1016 : i32
      %sign3A_1018 = arith.extui %sign3A_1017 : i1 to i32
      %sign3A_1019 = arith.subi %sign3A_1015, %sign3A_1018 : i32
      %ne3A_1020 = arith.cmpi ne, %sign3A_1012, %sign3A_1019 : i32
      %rem3A_1021 = arith.remsi %squeeze3A_1001, %jit3A_1004 : i32
      %ne3A_1022 = arith.constant 0 : i32
      %ne3A_1023 = arith.cmpi ne, %rem3A_1021, %ne3A_1022 : i32
      %and3A_1024 = arith.andi %ne3A_1020, %ne3A_1023 : i1
      %sub3A_1025 = arith.constant 1 : i32
      %sub3A_1026 = arith.subi %div3A_1005, %sub3A_1025 : i32
      %select_n3A_1027 = arith.select %and3A_1024, %sub3A_1026, %div3A_1005 : i32
      %mul3A_1028 = arith.constant 128 : i32
      %mul3A_1029 = arith.muli %select_n3A_1027, %mul3A_1028 : i32
      %multiple_of3A_1030 = tpu.assume_multiple %mul3A_1029, 128 : i32
      %jit3A_1031 = arith.constant 128 : i32
      %div3A_1032 = arith.divsi %squeeze3A_1003, %jit3A_1031 : i32
      %sign3A_1033 = arith.constant 0 : i32
      %sign3A_1034 = arith.cmpi sgt, %squeeze3A_1003, %sign3A_1033 : i32
      %sign3A_1035 = arith.extui %sign3A_1034 : i1 to i32
      %sign3A_1036 = arith.constant 0 : i32
      %sign3A_1037 = arith.cmpi slt, %squeeze3A_1003, %sign3A_1036 : i32
      %sign3A_1038 = arith.extui %sign3A_1037 : i1 to i32
      %sign3A_1039 = arith.subi %sign3A_1035, %sign3A_1038 : i32
      %sign3A_1040 = arith.constant 0 : i32
      %sign3A_1041 = arith.cmpi sgt, %jit3A_1031, %sign3A_1040 : i32
      %sign3A_1042 = arith.extui %sign3A_1041 : i1 to i32
      %sign3A_1043 = arith.constant 0 : i32
      %sign3A_1044 = arith.cmpi slt, %jit3A_1031, %sign3A_1043 : i32
      %sign3A_1045 = arith.extui %sign3A_1044 : i1 to i32
      %sign3A_1046 = arith.subi %sign3A_1042, %sign3A_1045 : i32
      %ne3A_1047 = arith.cmpi ne, %sign3A_1039, %sign3A_1046 : i32
      %rem3A_1048 = arith.remsi %squeeze3A_1003, %jit3A_1031 : i32
      %ne3A_1049 = arith.constant 0 : i32
      %ne3A_1050 = arith.cmpi ne, %rem3A_1048, %ne3A_1049 : i32
      %and3A_1051 = arith.andi %ne3A_1047, %ne3A_1050 : i1
      %sub3A_1052 = arith.constant 1 : i32
      %sub3A_1053 = arith.subi %div3A_1032, %sub3A_1052 : i32
      %select_n3A_1054 = arith.select %and3A_1051, %sub3A_1053, %div3A_1032 : i32
      %mul3A_1055 = arith.constant 128 : i32
      %mul3A_1056 = arith.muli %select_n3A_1054, %mul3A_1055 : i32
      %multiple_of3A_1057 = tpu.assume_multiple %mul3A_1056, 128 : i32
      %dma_start3A_1058 = arith.constant 0 : i32
      %dma_start3A_1059 = arith.constant 0 : i32
      %dma_start3A_1060 = tpu.memref_slice %arg10[%rem3A_994, %dma_start3A_1058, %dma_start3A_1059] : memref<10x32x128xf32, #tpu.memory_space<vmem>> -> memref<1x32x128xf32, #tpu.memory_space<vmem>>
      %dma_start3A_1061 = tpu.memref_squeeze %dma_start3A_1060 : memref<1x32x128xf32, #tpu.memory_space<vmem>> -> memref<32x128xf32, #tpu.memory_space<vmem>>
      %dma_start3A_1062 = arith.constant 0 : i32
      %dma_start3A_1063 = tpu.memref_slice %arg2[%dma_start3A_1062, %multiple_of3A_1030] : memref<32x1000000xf32, #tpu.memory_space<hbm>> -> memref<32x128xf32, #tpu.memory_space<hbm>>
      %dma_start3A_1064 = tpu.memref_slice %arg14[%rem3A_994] : memref<10x!tpu.dma_semaphore, #tpu.memory_space<semaphore_mem>> -> memref<1x!tpu.dma_semaphore, #tpu.memory_space<semaphore_mem>>
      %dma_start3A_1065 = tpu.memref_squeeze %dma_start3A_1064 : memref<1x!tpu.dma_semaphore, #tpu.memory_space<semaphore_mem>> -> memref<!tpu.dma_semaphore, #tpu.memory_space<semaphore_mem>>
      %dma_start3A_1066 = arith.constant 0 : i32
      %dma_start3A_1067 = arith.constant 0 : i32
      %dma_start3A_1068 = tpu.memref_slice %arg10[%rem3A_994, %dma_start3A_1066, %dma_start3A_1067] : memref<10x32x128xf32, #tpu.memory_space<vmem>> -> memref<1x32x128xf32, #tpu.memory_space<vmem>>
      %dma_start3A_1069 = tpu.memref_squeeze %dma_start3A_1068 : memref<1x32x128xf32, #tpu.memory_space<vmem>> -> memref<32x128xf32, #tpu.memory_space<vmem>>
      %dma_start3A_1070 = arith.constant 0 : i32
      %dma_start3A_1071 = tpu.memref_slice %arg2[%dma_start3A_1070, %multiple_of3A_1030] : memref<32x1000000xf32, #tpu.memory_space<hbm>> -> memref<32x128xf32, #tpu.memory_space<hbm>>
      tpu.enqueue_dma source(%dma_start3A_1071 : memref<32x128xf32, #tpu.memory_space<hbm>>) target(%dma_start3A_1069 : memref<32x128xf32, #tpu.memory_space<vmem>>) target_semaphore(%dma_start3A_1065 : memref<!tpu.dma_semaphore, #tpu.memory_space<semaphore_mem>>)
      %dma_start3A_1072 = arith.constant 0 : i32
      %dma_start3A_1073 = arith.constant 0 : i32
      %dma_start3A_1074 = tpu.memref_slice %arg11[%rem3A_994, %dma_start3A_1072, %dma_start3A_1073] : memref<10x32x128xf32, #tpu.memory_space<vmem>> -> memref<1x32x128xf32, #tpu.memory_space<vmem>>
      %dma_start3A_1075 = tpu.memref_squeeze %dma_start3A_1074 : memref<1x32x128xf32, #tpu.memory_space<vmem>> -> memref<32x128xf32, #tpu.memory_space<vmem>>
      %dma_start3A_1076 = arith.constant 0 : i32
      %dma_start3A_1077 = tpu.memref_slice %arg3[%dma_start3A_1076, %multiple_of3A_1057] : memref<32x100000xf32, #tpu.memory_space<hbm>> -> memref<32x128xf32, #tpu.memory_space<hbm>>
      %dma_start3A_1078 = tpu.memref_slice %arg15[%rem3A_994] : memref<10x!tpu.dma_semaphore, #tpu.memory_space<semaphore_mem>> -> memref<1x!tpu.dma_semaphore, #tpu.memory_space<semaphore_mem>>
      %dma_start3A_1079 = tpu.memref_squeeze %dma_start3A_1078 : memref<1x!tpu.dma_semaphore, #tpu.memory_space<semaphore_mem>> -> memref<!tpu.dma_semaphore, #tpu.memory_space<semaphore_mem>>
      %dma_start3A_1080 = arith.constant 0 : i32
      %dma_start3A_1081 = arith.constant 0 : i32
      %dma_start3A_1082 = tpu.memref_slice %arg11[%rem3A_994, %dma_start3A_1080, %dma_start3A_1081] : memref<10x32x128xf32, #tpu.memory_space<vmem>> -> memref<1x32x128xf32, #tpu.memory_space<vmem>>
      %dma_start3A_1083 = tpu.memref_squeeze %dma_start3A_1082 : memref<1x32x128xf32, #tpu.memory_space<vmem>> -> memref<32x128xf32, #tpu.memory_space<vmem>>
      %dma_start3A_1084 = arith.constant 0 : i32
      %dma_start3A_1085 = tpu.memref_slice %arg3[%dma_start3A_1084, %multiple_of3A_1057] : memref<32x100000xf32, #tpu.memory_space<hbm>> -> memref<32x128xf32, #tpu.memory_space<hbm>>
      tpu.enqueue_dma source(%dma_start3A_1085 : memref<32x128xf32, #tpu.memory_space<hbm>>) target(%dma_start3A_1083 : memref<32x128xf32, #tpu.memory_space<vmem>>) target_semaphore(%dma_start3A_1079 : memref<!tpu.dma_semaphore, #tpu.memory_space<semaphore_mem>>)
      %add3A_1086 = arith.constant 4 : i32
      %add3A_1087 = arith.addi %mul3A_680, %add3A_1086 : i32
      %sub3A_1088 = arith.constant 10 : i32
      %sub3A_1089 = arith.subi %add3A_1087, %sub3A_1088 : i32
      %rem3A_1090 = arith.constant 10 : i32
      %rem3A_1091 = arith.remsi %sub3A_1089, %rem3A_1090 : i32
      %add3A_1092 = arith.constant 4 : i32
      %add3A_1093 = arith.addi %mul3A_680, %add3A_1092 : i32
      %rem3A_1094 = arith.constant 10 : i32
      %rem3A_1095 = arith.remsi %add3A_1093, %rem3A_1094 : i32
      %gt3A_1096 = arith.constant 0 : i32
      %gt3A_1097 = arith.cmpi sgt, %scan3A_678, %gt3A_1096 : i32
      %convert_element_type3A_1098 = arith.extui %gt3A_1097 : i1 to i32
      %cond3A_1099 = arith.constant 0 : i32
      %cond3A_1100 = arith.cmpi ne, %convert_element_type3A_1098, %cond3A_1099 : i32
      scf.if %cond3A_1100 {
        %slice3A_2670 = vector.extract_strided_slice %get3A_690 {offsets = [10], sizes = [1], strides = [1]} : vector<16xi32> to vector<1xi32>
        %squeeze3A_2671 = vector.extract %slice3A_2670[0] : i32 from vector<1xi32>
        %slice3A_2672 = vector.extract_strided_slice %get3A_692 {offsets = [10], sizes = [1], strides = [1]} : vector<16xi32> to vector<1xi32>
        %squeeze3A_2673 = vector.extract %slice3A_2672[0] : i32 from vector<1xi32>
        %add3A_2674 = arith.constant 4 : i32
        %add3A_2675 = arith.addi %mul3A_680, %add3A_2674 : i32
        %sub3A_2676 = arith.constant 10 : i32
        %sub3A_2677 = arith.subi %add3A_2675, %sub3A_2676 : i32
        %dma_wait3A_2678 = arith.constant 0 : i32
        %dma_wait3A_2679 = arith.constant 0 : i32
        %dma_wait3A_2680 = tpu.memref_slice %arg10[%rem3A_1091, %dma_wait3A_2678, %dma_wait3A_2679] : memref<10x32x128xf32, #tpu.memory_space<vmem>> -> memref<1x32x128xf32, #tpu.memory_space<vmem>>
        %dma_wait3A_2681 = tpu.memref_squeeze %dma_wait3A_2680 : memref<1x32x128xf32, #tpu.memory_space<vmem>> -> memref<32x128xf32, #tpu.memory_space<vmem>>
        %dma_wait3A_2682 = arith.constant 0 : i32
        %dma_wait3A_2683 = arith.constant 0 : i32
        %dma_wait3A_2684 = tpu.memref_slice %arg2[%dma_wait3A_2682, %dma_wait3A_2683] : memref<32x1000000xf32, #tpu.memory_space<hbm>> -> memref<32x128xf32, #tpu.memory_space<hbm>>
        %dma_wait3A_2685 = tpu.memref_slice %arg14[%rem3A_1091] : memref<10x!tpu.dma_semaphore, #tpu.memory_space<semaphore_mem>> -> memref<1x!tpu.dma_semaphore, #tpu.memory_space<semaphore_mem>>
        %dma_wait3A_2686 = tpu.memref_squeeze %dma_wait3A_2685 : memref<1x!tpu.dma_semaphore, #tpu.memory_space<semaphore_mem>> -> memref<!tpu.dma_semaphore, #tpu.memory_space<semaphore_mem>>
        %dma_wait3A_2687 = arith.constant 0 : i32
        %dma_wait3A_2688 = arith.constant 0 : i32
        %dma_wait3A_2689 = tpu.memref_slice %arg10[%rem3A_1091, %dma_wait3A_2687, %dma_wait3A_2688] : memref<10x32x128xf32, #tpu.memory_space<vmem>> -> memref<1x32x128xf32, #tpu.memory_space<vmem>>
        %dma_wait3A_2690 = tpu.memref_squeeze %dma_wait3A_2689 : memref<1x32x128xf32, #tpu.memory_space<vmem>> -> memref<32x128xf32, #tpu.memory_space<vmem>>
        %dma_wait3A_2691 = arith.constant 0 : i32
        %dma_wait3A_2692 = arith.constant 0 : i32
        %dma_wait3A_2693 = tpu.memref_slice %arg2[%dma_wait3A_2691, %dma_wait3A_2692] : memref<32x1000000xf32, #tpu.memory_space<hbm>> -> memref<32x128xf32, #tpu.memory_space<hbm>>
        tpu.wait_dma2 semaphore(%dma_wait3A_2686 : memref<!tpu.dma_semaphore, #tpu.memory_space<semaphore_mem>>) src(%dma_wait3A_2693 : memref<32x128xf32, #tpu.memory_space<hbm>>) dst(%dma_wait3A_2690 : memref<32x128xf32, #tpu.memory_space<vmem>>)
        %dma_wait3A_2694 = arith.constant 0 : i32
        %dma_wait3A_2695 = arith.constant 0 : i32
        %dma_wait3A_2696 = tpu.memref_slice %arg11[%rem3A_1091, %dma_wait3A_2694, %dma_wait3A_2695] : memref<10x32x128xf32, #tpu.memory_space<vmem>> -> memref<1x32x128xf32, #tpu.memory_space<vmem>>
        %dma_wait3A_2697 = tpu.memref_squeeze %dma_wait3A_2696 : memref<1x32x128xf32, #tpu.memory_space<vmem>> -> memref<32x128xf32, #tpu.memory_space<vmem>>
        %dma_wait3A_2698 = arith.constant 0 : i32
        %dma_wait3A_2699 = arith.constant 0 : i32
        %dma_wait3A_2700 = tpu.memref_slice %arg3[%dma_wait3A_2698, %dma_wait3A_2699] : memref<32x100000xf32, #tpu.memory_space<hbm>> -> memref<32x128xf32, #tpu.memory_space<hbm>>
        %dma_wait3A_2701 = tpu.memref_slice %arg15[%rem3A_1091] : memref<10x!tpu.dma_semaphore, #tpu.memory_space<semaphore_mem>> -> memref<1x!tpu.dma_semaphore, #tpu.memory_space<semaphore_mem>>
        %dma_wait3A_2702 = tpu.memref_squeeze %dma_wait3A_2701 : memref<1x!tpu.dma_semaphore, #tpu.memory_space<semaphore_mem>> -> memref<!tpu.dma_semaphore, #tpu.memory_space<semaphore_mem>>
        %dma_wait3A_2703 = arith.constant 0 : i32
        %dma_wait3A_2704 = arith.constant 0 : i32
        %dma_wait3A_2705 = tpu.memref_slice %arg11[%rem3A_1091, %dma_wait3A_2703, %dma_wait3A_2704] : memref<10x32x128xf32, #tpu.memory_space<vmem>> -> memref<1x32x128xf32, #tpu.memory_space<vmem>>
        %dma_wait3A_2706 = tpu.memref_squeeze %dma_wait3A_2705 : memref<1x32x128xf32, #tpu.memory_space<vmem>> -> memref<32x128xf32, #tpu.memory_space<vmem>>
        %dma_wait3A_2707 = arith.constant 0 : i32
        %dma_wait3A_2708 = arith.constant 0 : i32
        %dma_wait3A_2709 = tpu.memref_slice %arg3[%dma_wait3A_2707, %dma_wait3A_2708] : memref<32x100000xf32, #tpu.memory_space<hbm>> -> memref<32x128xf32, #tpu.memory_space<hbm>>
        tpu.wait_dma2 semaphore(%dma_wait3A_2702 : memref<!tpu.dma_semaphore, #tpu.memory_space<semaphore_mem>>) src(%dma_wait3A_2709 : memref<32x128xf32, #tpu.memory_space<hbm>>) dst(%dma_wait3A_2706 : memref<32x128xf32, #tpu.memory_space<vmem>>)
        %rem3A_2710 = arith.constant 128 : i32
        %rem3A_2711 = arith.remsi %squeeze3A_2671, %rem3A_2710 : i32
        %broadcast_in_dim3A_2712 = vector.broadcast %rem3A_2711 : i32 to vector<16xi32>
        %rem3A_2713 = arith.constant 128 : i32
        %rem3A_2714 = arith.remsi %squeeze3A_2673, %rem3A_2713 : i32
        %broadcast_in_dim3A_2715 = vector.broadcast %rem3A_2714 : i32 to vector<16xi32>
        %broadcast_in_dim3A_2716 = vector.broadcast %sub3A_2677 : i32 to vector<16xi32>
        %gather3A_2717 = arith.constant 0 : i32
        %gather3A_2718 = arith.constant 0 : i32
        %gather3A_2719 = tpu.memref_slice %arg10[%rem3A_1091, %gather3A_2717, %gather3A_2718] : memref<10x32x128xf32, #tpu.memory_space<vmem>> -> memref<1x32x128xf32, #tpu.memory_space<vmem>>
        %gather3A_2720 = tpu.memref_squeeze %gather3A_2719 : memref<1x32x128xf32, #tpu.memory_space<vmem>> -> memref<32x128xf32, #tpu.memory_space<vmem>>
        %gather3A_2721 = tpu.vector_load_idx %gather3A_2720[%iota3A, %broadcast_in_dim3A_2712] : memref<32x128xf32, #tpu.memory_space<vmem>>[vector<16xi32>, vector<16xi32>], vector<16xf32>,
        tpu.vector_store_idx %arg12[%iota3A, %broadcast_in_dim3A_2716], %gather3A_2721 : memref<32x512xf32, #tpu.memory_space<vmem>>[vector<16xi32>, vector<16xi32>], vector<16xf32>,
        %gather3A_2722 = arith.constant 0 : i32
        %gather3A_2723 = arith.constant 0 : i32
        %gather3A_2724 = tpu.memref_slice %arg11[%rem3A_1091, %gather3A_2722, %gather3A_2723] : memref<10x32x128xf32, #tpu.memory_space<vmem>> -> memref<1x32x128xf32, #tpu.memory_space<vmem>>
        %gather3A_2725 = tpu.memref_squeeze %gather3A_2724 : memref<1x32x128xf32, #tpu.memory_space<vmem>> -> memref<32x128xf32, #tpu.memory_space<vmem>>
        %gather3A_2726 = tpu.vector_load_idx %gather3A_2725[%iota3A, %broadcast_in_dim3A_2715] : memref<32x128xf32, #tpu.memory_space<vmem>>[vector<16xi32>, vector<16xi32>], vector<16xf32>,
        tpu.vector_store_idx %arg13[%iota3A, %broadcast_in_dim3A_2716], %gather3A_2726 : memref<32x512xf32, #tpu.memory_space<vmem>>[vector<16xi32>, vector<16xi32>], vector<16xf32>,
        %gather3A_2727 = arith.constant 0 : i32
        %gather3A_2728 = arith.constant 0 : i32
        %gather3A_2729 = tpu.memref_slice %arg10[%rem3A_1091, %gather3A_2727, %gather3A_2728] : memref<10x32x128xf32, #tpu.memory_space<vmem>> -> memref<1x32x128xf32, #tpu.memory_space<vmem>>
        %gather3A_2730 = tpu.memref_squeeze %gather3A_2729 : memref<1x32x128xf32, #tpu.memory_space<vmem>> -> memref<32x128xf32, #tpu.memory_space<vmem>>
        %gather3A_2731 = tpu.vector_load_idx %gather3A_2730[%add3A_5, %broadcast_in_dim3A_2712] : memref<32x128xf32, #tpu.memory_space<vmem>>[vector<16xi32>, vector<16xi32>], vector<16xf32>,
        tpu.vector_store_idx %arg12[%add3A_5, %broadcast_in_dim3A_2716], %gather3A_2731 : memref<32x512xf32, #tpu.memory_space<vmem>>[vector<16xi32>, vector<16xi32>], vector<16xf32>,
        %gather3A_2732 = arith.constant 0 : i32
        %gather3A_2733 = arith.constant 0 : i32
        %gather3A_2734 = tpu.memref_slice %arg11[%rem3A_1091, %gather3A_2732, %gather3A_2733] : memref<10x32x128xf32, #tpu.memory_space<vmem>> -> memref<1x32x128xf32, #tpu.memory_space<vmem>>
        %gather3A_2735 = tpu.memref_squeeze %gather3A_2734 : memref<1x32x128xf32, #tpu.memory_space<vmem>> -> memref<32x128xf32, #tpu.memory_space<vmem>>
        %gather3A_2736 = tpu.vector_load_idx %gather3A_2735[%add3A_5, %broadcast_in_dim3A_2715] : memref<32x128xf32, #tpu.memory_space<vmem>>[vector<16xi32>, vector<16xi32>], vector<16xf32>,
        tpu.vector_store_idx %arg13[%add3A_5, %broadcast_in_dim3A_2716], %gather3A_2736 : memref<32x512xf32, #tpu.memory_space<vmem>>[vector<16xi32>, vector<16xi32>], vector<16xf32>,
      } else {
      }
      %slice3A_1101 = vector.extract_strided_slice %get3A_682 {offsets = [4], sizes = [1], strides = [1]} : vector<16xi32> to vector<1xi32>
      %squeeze3A_1102 = vector.extract %slice3A_1101[0] : i32 from vector<1xi32>
      %slice3A_1103 = vector.extract_strided_slice %get3A_684 {offsets = [4], sizes = [1], strides = [1]} : vector<16xi32> to vector<1xi32>
      %squeeze3A_1104 = vector.extract %slice3A_1103[0] : i32 from vector<1xi32>
      %jit3A_1105 = arith.constant 128 : i32
      %div3A_1106 = arith.divsi %squeeze3A_1102, %jit3A_1105 : i32
      %sign3A_1107 = arith.constant 0 : i32
      %sign3A_1108 = arith.cmpi sgt, %squeeze3A_1102, %sign3A_1107 : i32
      %sign3A_1109 = arith.extui %sign3A_1108 : i1 to i32
      %sign3A_1110 = arith.constant 0 : i32
      %sign3A_1111 = arith.cmpi slt, %squeeze3A_1102, %sign3A_1110 : i32
      %sign3A_1112 = arith.extui %sign3A_1111 : i1 to i32
      %sign3A_1113 = arith.subi %sign3A_1109, %sign3A_1112 : i32
      %sign3A_1114 = arith.constant 0 : i32
      %sign3A_1115 = arith.cmpi sgt, %jit3A_1105, %sign3A_1114 : i32
      %sign3A_1116 = arith.extui %sign3A_1115 : i1 to i32
      %sign3A_1117 = arith.constant 0 : i32
      %sign3A_1118 = arith.cmpi slt, %jit3A_1105, %sign3A_1117 : i32
      %sign3A_1119 = arith.extui %sign3A_1118 : i1 to i32
      %sign3A_1120 = arith.subi %sign3A_1116, %sign3A_1119 : i32
      %ne3A_1121 = arith.cmpi ne, %sign3A_1113, %sign3A_1120 : i32
      %rem3A_1122 = arith.remsi %squeeze3A_1102, %jit3A_1105 : i32
      %ne3A_1123 = arith.constant 0 : i32
      %ne3A_1124 = arith.cmpi ne, %rem3A_1122, %ne3A_1123 : i32
      %and3A_1125 = arith.andi %ne3A_1121, %ne3A_1124 : i1
      %sub3A_1126 = arith.constant 1 : i32
      %sub3A_1127 = arith.subi %div3A_1106, %sub3A_1126 : i32
      %select_n3A_1128 = arith.select %and3A_1125, %sub3A_1127, %div3A_1106 : i32
      %mul3A_1129 = arith.constant 128 : i32
      %mul3A_1130 = arith.muli %select_n3A_1128, %mul3A_1129 : i32
      %multiple_of3A_1131 = tpu.assume_multiple %mul3A_1130, 128 : i32
      %jit3A_1132 = arith.constant 128 : i32
      %div3A_1133 = arith.divsi %squeeze3A_1104, %jit3A_1132 : i32
      %sign3A_1134 = arith.constant 0 : i32
      %sign3A_1135 = arith.cmpi sgt, %squeeze3A_1104, %sign3A_1134 : i32
      %sign3A_1136 = arith.extui %sign3A_1135 : i1 to i32
      %sign3A_1137 = arith.constant 0 : i32
      %sign3A_1138 = arith.cmpi slt, %squeeze3A_1104, %sign3A_1137 : i32
      %sign3A_1139 = arith.extui %sign3A_1138 : i1 to i32
      %sign3A_1140 = arith.subi %sign3A_1136, %sign3A_1139 : i32
      %sign3A_1141 = arith.constant 0 : i32
      %sign3A_1142 = arith.cmpi sgt, %jit3A_1132, %sign3A_1141 : i32
      %sign3A_1143 = arith.extui %sign3A_1142 : i1 to i32
      %sign3A_1144 = arith.constant 0 : i32
      %sign3A_1145 = arith.cmpi slt, %jit3A_1132, %sign3A_1144 : i32
      %sign3A_1146 = arith.extui %sign3A_1145 : i1 to i32
      %sign3A_1147 = arith.subi %sign3A_1143, %sign3A_1146 : i32
      %ne3A_1148 = arith.cmpi ne, %sign3A_1140, %sign3A_1147 : i32
      %rem3A_1149 = arith.remsi %squeeze3A_1104, %jit3A_1132 : i32
      %ne3A_1150 = arith.constant 0 : i32
      %ne3A_1151 = arith.cmpi ne, %rem3A_1149, %ne3A_1150 : i32
      %and3A_1152 = arith.andi %ne3A_1148, %ne3A_1151 : i1
      %sub3A_1153 = arith.constant 1 : i32
      %sub3A_1154 = arith.subi %div3A_1133, %sub3A_1153 : i32
      %select_n3A_1155 = arith.select %and3A_1152, %sub3A_1154, %div3A_1133 : i32
      %mul3A_1156 = arith.constant 128 : i32
      %mul3A_1157 = arith.muli %select_n3A_1155, %mul3A_1156 : i32
      %multiple_of3A_1158 = tpu.assume_multiple %mul3A_1157, 128 : i32
      %dma_start3A_1159 = arith.constant 0 : i32
      %dma_start3A_1160 = arith.constant 0 : i32
      %dma_start3A_1161 = tpu.memref_slice %arg10[%rem3A_1095, %dma_start3A_1159, %dma_start3A_1160] : memref<10x32x128xf32, #tpu.memory_space<vmem>> -> memref<1x32x128xf32, #tpu.memory_space<vmem>>
      %dma_start3A_1162 = tpu.memref_squeeze %dma_start3A_1161 : memref<1x32x128xf32, #tpu.memory_space<vmem>> -> memref<32x128xf32, #tpu.memory_space<vmem>>
      %dma_start3A_1163 = arith.constant 0 : i32
      %dma_start3A_1164 = tpu.memref_slice %arg2[%dma_start3A_1163, %multiple_of3A_1131] : memref<32x1000000xf32, #tpu.memory_space<hbm>> -> memref<32x128xf32, #tpu.memory_space<hbm>>
      %dma_start3A_1165 = tpu.memref_slice %arg14[%rem3A_1095] : memref<10x!tpu.dma_semaphore, #tpu.memory_space<semaphore_mem>> -> memref<1x!tpu.dma_semaphore, #tpu.memory_space<semaphore_mem>>
      %dma_start3A_1166 = tpu.memref_squeeze %dma_start3A_1165 : memref<1x!tpu.dma_semaphore, #tpu.memory_space<semaphore_mem>> -> memref<!tpu.dma_semaphore, #tpu.memory_space<semaphore_mem>>
      %dma_start3A_1167 = arith.constant 0 : i32
      %dma_start3A_1168 = arith.constant 0 : i32
      %dma_start3A_1169 = tpu.memref_slice %arg10[%rem3A_1095, %dma_start3A_1167, %dma_start3A_1168] : memref<10x32x128xf32, #tpu.memory_space<vmem>> -> memref<1x32x128xf32, #tpu.memory_space<vmem>>
      %dma_start3A_1170 = tpu.memref_squeeze %dma_start3A_1169 : memref<1x32x128xf32, #tpu.memory_space<vmem>> -> memref<32x128xf32, #tpu.memory_space<vmem>>
      %dma_start3A_1171 = arith.constant 0 : i32
      %dma_start3A_1172 = tpu.memref_slice %arg2[%dma_start3A_1171, %multiple_of3A_1131] : memref<32x1000000xf32, #tpu.memory_space<hbm>> -> memref<32x128xf32, #tpu.memory_space<hbm>>
      tpu.enqueue_dma source(%dma_start3A_1172 : memref<32x128xf32, #tpu.memory_space<hbm>>) target(%dma_start3A_1170 : memref<32x128xf32, #tpu.memory_space<vmem>>) target_semaphore(%dma_start3A_1166 : memref<!tpu.dma_semaphore, #tpu.memory_space<semaphore_mem>>)
      %dma_start3A_1173 = arith.constant 0 : i32
      %dma_start3A_1174 = arith.constant 0 : i32
      %dma_start3A_1175 = tpu.memref_slice %arg11[%rem3A_1095, %dma_start3A_1173, %dma_start3A_1174] : memref<10x32x128xf32, #tpu.memory_space<vmem>> -> memref<1x32x128xf32, #tpu.memory_space<vmem>>
      %dma_start3A_1176 = tpu.memref_squeeze %dma_start3A_1175 : memref<1x32x128xf32, #tpu.memory_space<vmem>> -> memref<32x128xf32, #tpu.memory_space<vmem>>
      %dma_start3A_1177 = arith.constant 0 : i32
      %dma_start3A_1178 = tpu.memref_slice %arg3[%dma_start3A_1177, %multiple_of3A_1158] : memref<32x100000xf32, #tpu.memory_space<hbm>> -> memref<32x128xf32, #tpu.memory_space<hbm>>
      %dma_start3A_1179 = tpu.memref_slice %arg15[%rem3A_1095] : memref<10x!tpu.dma_semaphore, #tpu.memory_space<semaphore_mem>> -> memref<1x!tpu.dma_semaphore, #tpu.memory_space<semaphore_mem>>
      %dma_start3A_1180 = tpu.memref_squeeze %dma_start3A_1179 : memref<1x!tpu.dma_semaphore, #tpu.memory_space<semaphore_mem>> -> memref<!tpu.dma_semaphore, #tpu.memory_space<semaphore_mem>>
      %dma_start3A_1181 = arith.constant 0 : i32
      %dma_start3A_1182 = arith.constant 0 : i32
      %dma_start3A_1183 = tpu.memref_slice %arg11[%rem3A_1095, %dma_start3A_1181, %dma_start3A_1182] : memref<10x32x128xf32, #tpu.memory_space<vmem>> -> memref<1x32x128xf32, #tpu.memory_space<vmem>>
      %dma_start3A_1184 = tpu.memref_squeeze %dma_start3A_1183 : memref<1x32x128xf32, #tpu.memory_space<vmem>> -> memref<32x128xf32, #tpu.memory_space<vmem>>
      %dma_start3A_1185 = arith.constant 0 : i32
      %dma_start3A_1186 = tpu.memref_slice %arg3[%dma_start3A_1185, %multiple_of3A_1158] : memref<32x100000xf32, #tpu.memory_space<hbm>> -> memref<32x128xf32, #tpu.memory_space<hbm>>
      tpu.enqueue_dma source(%dma_start3A_1186 : memref<32x128xf32, #tpu.memory_space<hbm>>) target(%dma_start3A_1184 : memref<32x128xf32, #tpu.memory_space<vmem>>) target_semaphore(%dma_start3A_1180 : memref<!tpu.dma_semaphore, #tpu.memory_space<semaphore_mem>>)
      %add3A_1187 = arith.constant 5 : i32
      %add3A_1188 = arith.addi %mul3A_680, %add3A_1187 : i32
      %sub3A_1189 = arith.constant 10 : i32
      %sub3A_1190 = arith.subi %add3A_1188, %sub3A_1189 : i32
      %rem3A_1191 = arith.constant 10 : i32
      %rem3A_1192 = arith.remsi %sub3A_1190, %rem3A_1191 : i32
      %add3A_1193 = arith.constant 5 : i32
      %add3A_1194 = arith.addi %mul3A_680, %add3A_1193 : i32
      %rem3A_1195 = arith.constant 10 : i32
      %rem3A_1196 = arith.remsi %add3A_1194, %rem3A_1195 : i32
      %gt3A_1197 = arith.constant 0 : i32
      %gt3A_1198 = arith.cmpi sgt, %scan3A_678, %gt3A_1197 : i32
      %convert_element_type3A_1199 = arith.extui %gt3A_1198 : i1 to i32
      %cond3A_1200 = arith.constant 0 : i32
      %cond3A_1201 = arith.cmpi ne, %convert_element_type3A_1199, %cond3A_1200 : i32
      scf.if %cond3A_1201 {
        %slice3A_2670 = vector.extract_strided_slice %get3A_690 {offsets = [11], sizes = [1], strides = [1]} : vector<16xi32> to vector<1xi32>
        %squeeze3A_2671 = vector.extract %slice3A_2670[0] : i32 from vector<1xi32>
        %slice3A_2672 = vector.extract_strided_slice %get3A_692 {offsets = [11], sizes = [1], strides = [1]} : vector<16xi32> to vector<1xi32>
        %squeeze3A_2673 = vector.extract %slice3A_2672[0] : i32 from vector<1xi32>
        %add3A_2674 = arith.constant 5 : i32
        %add3A_2675 = arith.addi %mul3A_680, %add3A_2674 : i32
        %sub3A_2676 = arith.constant 10 : i32
        %sub3A_2677 = arith.subi %add3A_2675, %sub3A_2676 : i32
        %dma_wait3A_2678 = arith.constant 0 : i32
        %dma_wait3A_2679 = arith.constant 0 : i32
        %dma_wait3A_2680 = tpu.memref_slice %arg10[%rem3A_1192, %dma_wait3A_2678, %dma_wait3A_2679] : memref<10x32x128xf32, #tpu.memory_space<vmem>> -> memref<1x32x128xf32, #tpu.memory_space<vmem>>
        %dma_wait3A_2681 = tpu.memref_squeeze %dma_wait3A_2680 : memref<1x32x128xf32, #tpu.memory_space<vmem>> -> memref<32x128xf32, #tpu.memory_space<vmem>>
        %dma_wait3A_2682 = arith.constant 0 : i32
        %dma_wait3A_2683 = arith.constant 0 : i32
        %dma_wait3A_2684 = tpu.memref_slice %arg2[%dma_wait3A_2682, %dma_wait3A_2683] : memref<32x1000000xf32, #tpu.memory_space<hbm>> -> memref<32x128xf32, #tpu.memory_space<hbm>>
        %dma_wait3A_2685 = tpu.memref_slice %arg14[%rem3A_1192] : memref<10x!tpu.dma_semaphore, #tpu.memory_space<semaphore_mem>> -> memref<1x!tpu.dma_semaphore, #tpu.memory_space<semaphore_mem>>
        %dma_wait3A_2686 = tpu.memref_squeeze %dma_wait3A_2685 : memref<1x!tpu.dma_semaphore, #tpu.memory_space<semaphore_mem>> -> memref<!tpu.dma_semaphore, #tpu.memory_space<semaphore_mem>>
        %dma_wait3A_2687 = arith.constant 0 : i32
        %dma_wait3A_2688 = arith.constant 0 : i32
        %dma_wait3A_2689 = tpu.memref_slice %arg10[%rem3A_1192, %dma_wait3A_2687, %dma_wait3A_2688] : memref<10x32x128xf32, #tpu.memory_space<vmem>> -> memref<1x32x128xf32, #tpu.memory_space<vmem>>
        %dma_wait3A_2690 = tpu.memref_squeeze %dma_wait3A_2689 : memref<1x32x128xf32, #tpu.memory_space<vmem>> -> memref<32x128xf32, #tpu.memory_space<vmem>>
        %dma_wait3A_2691 = arith.constant 0 : i32
        %dma_wait3A_2692 = arith.constant 0 : i32
        %dma_wait3A_2693 = tpu.memref_slice %arg2[%dma_wait3A_2691, %dma_wait3A_2692] : memref<32x1000000xf32, #tpu.memory_space<hbm>> -> memref<32x128xf32, #tpu.memory_space<hbm>>
        tpu.wait_dma2 semaphore(%dma_wait3A_2686 : memref<!tpu.dma_semaphore, #tpu.memory_space<semaphore_mem>>) src(%dma_wait3A_2693 : memref<32x128xf32, #tpu.memory_space<hbm>>) dst(%dma_wait3A_2690 : memref<32x128xf32, #tpu.memory_space<vmem>>)
        %dma_wait3A_2694 = arith.constant 0 : i32
        %dma_wait3A_2695 = arith.constant 0 : i32
        %dma_wait3A_2696 = tpu.memref_slice %arg11[%rem3A_1192, %dma_wait3A_2694, %dma_wait3A_2695] : memref<10x32x128xf32, #tpu.memory_space<vmem>> -> memref<1x32x128xf32, #tpu.memory_space<vmem>>
        %dma_wait3A_2697 = tpu.memref_squeeze %dma_wait3A_2696 : memref<1x32x128xf32, #tpu.memory_space<vmem>> -> memref<32x128xf32, #tpu.memory_space<vmem>>
        %dma_wait3A_2698 = arith.constant 0 : i32
        %dma_wait3A_2699 = arith.constant 0 : i32
        %dma_wait3A_2700 = tpu.memref_slice %arg3[%dma_wait3A_2698, %dma_wait3A_2699] : memref<32x100000xf32, #tpu.memory_space<hbm>> -> memref<32x128xf32, #tpu.memory_space<hbm>>
        %dma_wait3A_2701 = tpu.memref_slice %arg15[%rem3A_1192] : memref<10x!tpu.dma_semaphore, #tpu.memory_space<semaphore_mem>> -> memref<1x!tpu.dma_semaphore, #tpu.memory_space<semaphore_mem>>
        %dma_wait3A_2702 = tpu.memref_squeeze %dma_wait3A_2701 : memref<1x!tpu.dma_semaphore, #tpu.memory_space<semaphore_mem>> -> memref<!tpu.dma_semaphore, #tpu.memory_space<semaphore_mem>>
        %dma_wait3A_2703 = arith.constant 0 : i32
        %dma_wait3A_2704 = arith.constant 0 : i32
        %dma_wait3A_2705 = tpu.memref_slice %arg11[%rem3A_1192, %dma_wait3A_2703, %dma_wait3A_2704] : memref<10x32x128xf32, #tpu.memory_space<vmem>> -> memref<1x32x128xf32, #tpu.memory_space<vmem>>
        %dma_wait3A_2706 = tpu.memref_squeeze %dma_wait3A_2705 : memref<1x32x128xf32, #tpu.memory_space<vmem>> -> memref<32x128xf32, #tpu.memory_space<vmem>>
        %dma_wait3A_2707 = arith.constant 0 : i32
        %dma_wait3A_2708 = arith.constant 0 : i32
        %dma_wait3A_2709 = tpu.memref_slice %arg3[%dma_wait3A_2707, %dma_wait3A_2708] : memref<32x100000xf32, #tpu.memory_space<hbm>> -> memref<32x128xf32, #tpu.memory_space<hbm>>
        tpu.wait_dma2 semaphore(%dma_wait3A_2702 : memref<!tpu.dma_semaphore, #tpu.memory_space<semaphore_mem>>) src(%dma_wait3A_2709 : memref<32x128xf32, #tpu.memory_space<hbm>>) dst(%dma_wait3A_2706 : memref<32x128xf32, #tpu.memory_space<vmem>>)
        %rem3A_2710 = arith.constant 128 : i32
        %rem3A_2711 = arith.remsi %squeeze3A_2671, %rem3A_2710 : i32
        %broadcast_in_dim3A_2712 = vector.broadcast %rem3A_2711 : i32 to vector<16xi32>
        %rem3A_2713 = arith.constant 128 : i32
        %rem3A_2714 = arith.remsi %squeeze3A_2673, %rem3A_2713 : i32
        %broadcast_in_dim3A_2715 = vector.broadcast %rem3A_2714 : i32 to vector<16xi32>
        %broadcast_in_dim3A_2716 = vector.broadcast %sub3A_2677 : i32 to vector<16xi32>
        %gather3A_2717 = arith.constant 0 : i32
        %gather3A_2718 = arith.constant 0 : i32
        %gather3A_2719 = tpu.memref_slice %arg10[%rem3A_1192, %gather3A_2717, %gather3A_2718] : memref<10x32x128xf32, #tpu.memory_space<vmem>> -> memref<1x32x128xf32, #tpu.memory_space<vmem>>
        %gather3A_2720 = tpu.memref_squeeze %gather3A_2719 : memref<1x32x128xf32, #tpu.memory_space<vmem>> -> memref<32x128xf32, #tpu.memory_space<vmem>>
        %gather3A_2721 = tpu.vector_load_idx %gather3A_2720[%iota3A, %broadcast_in_dim3A_2712] : memref<32x128xf32, #tpu.memory_space<vmem>>[vector<16xi32>, vector<16xi32>], vector<16xf32>,
        tpu.vector_store_idx %arg12[%iota3A, %broadcast_in_dim3A_2716], %gather3A_2721 : memref<32x512xf32, #tpu.memory_space<vmem>>[vector<16xi32>, vector<16xi32>], vector<16xf32>,
        %gather3A_2722 = arith.constant 0 : i32
        %gather3A_2723 = arith.constant 0 : i32
        %gather3A_2724 = tpu.memref_slice %arg11[%rem3A_1192, %gather3A_2722, %gather3A_2723] : memref<10x32x128xf32, #tpu.memory_space<vmem>> -> memref<1x32x128xf32, #tpu.memory_space<vmem>>
        %gather3A_2725 = tpu.memref_squeeze %gather3A_2724 : memref<1x32x128xf32, #tpu.memory_space<vmem>> -> memref<32x128xf32, #tpu.memory_space<vmem>>
        %gather3A_2726 = tpu.vector_load_idx %gather3A_2725[%iota3A, %broadcast_in_dim3A_2715] : memref<32x128xf32, #tpu.memory_space<vmem>>[vector<16xi32>, vector<16xi32>], vector<16xf32>,
        tpu.vector_store_idx %arg13[%iota3A, %broadcast_in_dim3A_2716], %gather3A_2726 : memref<32x512xf32, #tpu.memory_space<vmem>>[vector<16xi32>, vector<16xi32>], vector<16xf32>,
        %gather3A_2727 = arith.constant 0 : i32
        %gather3A_2728 = arith.constant 0 : i32
        %gather3A_2729 = tpu.memref_slice %arg10[%rem3A_1192, %gather3A_2727, %gather3A_2728] : memref<10x32x128xf32, #tpu.memory_space<vmem>> -> memref<1x32x128xf32, #tpu.memory_space<vmem>>
        %gather3A_2730 = tpu.memref_squeeze %gather3A_2729 : memref<1x32x128xf32, #tpu.memory_space<vmem>> -> memref<32x128xf32, #tpu.memory_space<vmem>>
        %gather3A_2731 = tpu.vector_load_idx %gather3A_2730[%add3A_5, %broadcast_in_dim3A_2712] : memref<32x128xf32, #tpu.memory_space<vmem>>[vector<16xi32>, vector<16xi32>], vector<16xf32>,
        tpu.vector_store_idx %arg12[%add3A_5, %broadcast_in_dim3A_2716], %gather3A_2731 : memref<32x512xf32, #tpu.memory_space<vmem>>[vector<16xi32>, vector<16xi32>], vector<16xf32>,
        %gather3A_2732 = arith.constant 0 : i32
        %gather3A_2733 = arith.constant 0 : i32
        %gather3A_2734 = tpu.memref_slice %arg11[%rem3A_1192, %gather3A_2732, %gather3A_2733] : memref<10x32x128xf32, #tpu.memory_space<vmem>> -> memref<1x32x128xf32, #tpu.memory_space<vmem>>
        %gather3A_2735 = tpu.memref_squeeze %gather3A_2734 : memref<1x32x128xf32, #tpu.memory_space<vmem>> -> memref<32x128xf32, #tpu.memory_space<vmem>>
        %gather3A_2736 = tpu.vector_load_idx %gather3A_2735[%add3A_5, %broadcast_in_dim3A_2715] : memref<32x128xf32, #tpu.memory_space<vmem>>[vector<16xi32>, vector<16xi32>], vector<16xf32>,
        tpu.vector_store_idx %arg13[%add3A_5, %broadcast_in_dim3A_2716], %gather3A_2736 : memref<32x512xf32, #tpu.memory_space<vmem>>[vector<16xi32>, vector<16xi32>], vector<16xf32>,
      } else {
      }
      %slice3A_1202 = vector.extract_strided_slice %get3A_682 {offsets = [5], sizes = [1], strides = [1]} : vector<16xi32> to vector<1xi32>
      %squeeze3A_1203 = vector.extract %slice3A_1202[0] : i32 from vector<1xi32>
      %slice3A_1204 = vector.extract_strided_slice %get3A_684 {offsets = [5], sizes = [1], strides = [1]} : vector<16xi32> to vector<1xi32>
      %squeeze3A_1205 = vector.extract %slice3A_1204[0] : i32 from vector<1xi32>
      %jit3A_1206 = arith.constant 128 : i32
      %div3A_1207 = arith.divsi %squeeze3A_1203, %jit3A_1206 : i32
      %sign3A_1208 = arith.constant 0 : i32
      %sign3A_1209 = arith.cmpi sgt, %squeeze3A_1203, %sign3A_1208 : i32
      %sign3A_1210 = arith.extui %sign3A_1209 : i1 to i32
      %sign3A_1211 = arith.constant 0 : i32
      %sign3A_1212 = arith.cmpi slt, %squeeze3A_1203, %sign3A_1211 : i32
      %sign3A_1213 = arith.extui %sign3A_1212 : i1 to i32
      %sign3A_1214 = arith.subi %sign3A_1210, %sign3A_1213 : i32
      %sign3A_1215 = arith.constant 0 : i32
      %sign3A_1216 = arith.cmpi sgt, %jit3A_1206, %sign3A_1215 : i32
      %sign3A_1217 = arith.extui %sign3A_1216 : i1 to i32
      %sign3A_1218 = arith.constant 0 : i32
      %sign3A_1219 = arith.cmpi slt, %jit3A_1206, %sign3A_1218 : i32
      %sign3A_1220 = arith.extui %sign3A_1219 : i1 to i32
      %sign3A_1221 = arith.subi %sign3A_1217, %sign3A_1220 : i32
      %ne3A_1222 = arith.cmpi ne, %sign3A_1214, %sign3A_1221 : i32
      %rem3A_1223 = arith.remsi %squeeze3A_1203, %jit3A_1206 : i32
      %ne3A_1224 = arith.constant 0 : i32
      %ne3A_1225 = arith.cmpi ne, %rem3A_1223, %ne3A_1224 : i32
      %and3A_1226 = arith.andi %ne3A_1222, %ne3A_1225 : i1
      %sub3A_1227 = arith.constant 1 : i32
      %sub3A_1228 = arith.subi %div3A_1207, %sub3A_1227 : i32
      %select_n3A_1229 = arith.select %and3A_1226, %sub3A_1228, %div3A_1207 : i32
      %mul3A_1230 = arith.constant 128 : i32
      %mul3A_1231 = arith.muli %select_n3A_1229, %mul3A_1230 : i32
      %multiple_of3A_1232 = tpu.assume_multiple %mul3A_1231, 128 : i32
      %jit3A_1233 = arith.constant 128 : i32
      %div3A_1234 = arith.divsi %squeeze3A_1205, %jit3A_1233 : i32
      %sign3A_1235 = arith.constant 0 : i32
      %sign3A_1236 = arith.cmpi sgt, %squeeze3A_1205, %sign3A_1235 : i32
      %sign3A_1237 = arith.extui %sign3A_1236 : i1 to i32
      %sign3A_1238 = arith.constant 0 : i32
      %sign3A_1239 = arith.cmpi slt, %squeeze3A_1205, %sign3A_1238 : i32
      %sign3A_1240 = arith.extui %sign3A_1239 : i1 to i32
      %sign3A_1241 = arith.subi %sign3A_1237, %sign3A_1240 : i32
      %sign3A_1242 = arith.constant 0 : i32
      %sign3A_1243 = arith.cmpi sgt, %jit3A_1233, %sign3A_1242 : i32
      %sign3A_1244 = arith.extui %sign3A_1243 : i1 to i32
      %sign3A_1245 = arith.constant 0 : i32
      %sign3A_1246 = arith.cmpi slt, %jit3A_1233, %sign3A_1245 : i32
      %sign3A_1247 = arith.extui %sign3A_1246 : i1 to i32
      %sign3A_1248 = arith.subi %sign3A_1244, %sign3A_1247 : i32
      %ne3A_1249 = arith.cmpi ne, %sign3A_1241, %sign3A_1248 : i32
      %rem3A_1250 = arith.remsi %squeeze3A_1205, %jit3A_1233 : i32
      %ne3A_1251 = arith.constant 0 : i32
      %ne3A_1252 = arith.cmpi ne, %rem3A_1250, %ne3A_1251 : i32
      %and3A_1253 = arith.andi %ne3A_1249, %ne3A_1252 : i1
      %sub3A_1254 = arith.constant 1 : i32
      %sub3A_1255 = arith.subi %div3A_1234, %sub3A_1254 : i32
      %select_n3A_1256 = arith.select %and3A_1253, %sub3A_1255, %div3A_1234 : i32
      %mul3A_1257 = arith.constant 128 : i32
      %mul3A_1258 = arith.muli %select_n3A_1256, %mul3A_1257 : i32
      %multiple_of3A_1259 = tpu.assume_multiple %mul3A_1258, 128 : i32
      %dma_start3A_1260 = arith.constant 0 : i32
      %dma_start3A_1261 = arith.constant 0 : i32
      %dma_start3A_1262 = tpu.memref_slice %arg10[%rem3A_1196, %dma_start3A_1260, %dma_start3A_1261] : memref<10x32x128xf32, #tpu.memory_space<vmem>> -> memref<1x32x128xf32, #tpu.memory_space<vmem>>
      %dma_start3A_1263 = tpu.memref_squeeze %dma_start3A_1262 : memref<1x32x128xf32, #tpu.memory_space<vmem>> -> memref<32x128xf32, #tpu.memory_space<vmem>>
      %dma_start3A_1264 = arith.constant 0 : i32
      %dma_start3A_1265 = tpu.memref_slice %arg2[%dma_start3A_1264, %multiple_of3A_1232] : memref<32x1000000xf32, #tpu.memory_space<hbm>> -> memref<32x128xf32, #tpu.memory_space<hbm>>
      %dma_start3A_1266 = tpu.memref_slice %arg14[%rem3A_1196] : memref<10x!tpu.dma_semaphore, #tpu.memory_space<semaphore_mem>> -> memref<1x!tpu.dma_semaphore, #tpu.memory_space<semaphore_mem>>
      %dma_start3A_1267 = tpu.memref_squeeze %dma_start3A_1266 : memref<1x!tpu.dma_semaphore, #tpu.memory_space<semaphore_mem>> -> memref<!tpu.dma_semaphore, #tpu.memory_space<semaphore_mem>>
      %dma_start3A_1268 = arith.constant 0 : i32
      %dma_start3A_1269 = arith.constant 0 : i32
      %dma_start3A_1270 = tpu.memref_slice %arg10[%rem3A_1196, %dma_start3A_1268, %dma_start3A_1269] : memref<10x32x128xf32, #tpu.memory_space<vmem>> -> memref<1x32x128xf32, #tpu.memory_space<vmem>>
      %dma_start3A_1271 = tpu.memref_squeeze %dma_start3A_1270 : memref<1x32x128xf32, #tpu.memory_space<vmem>> -> memref<32x128xf32, #tpu.memory_space<vmem>>
      %dma_start3A_1272 = arith.constant 0 : i32
      %dma_start3A_1273 = tpu.memref_slice %arg2[%dma_start3A_1272, %multiple_of3A_1232] : memref<32x1000000xf32, #tpu.memory_space<hbm>> -> memref<32x128xf32, #tpu.memory_space<hbm>>
      tpu.enqueue_dma source(%dma_start3A_1273 : memref<32x128xf32, #tpu.memory_space<hbm>>) target(%dma_start3A_1271 : memref<32x128xf32, #tpu.memory_space<vmem>>) target_semaphore(%dma_start3A_1267 : memref<!tpu.dma_semaphore, #tpu.memory_space<semaphore_mem>>)
      %dma_start3A_1274 = arith.constant 0 : i32
      %dma_start3A_1275 = arith.constant 0 : i32
      %dma_start3A_1276 = tpu.memref_slice %arg11[%rem3A_1196, %dma_start3A_1274, %dma_start3A_1275] : memref<10x32x128xf32, #tpu.memory_space<vmem>> -> memref<1x32x128xf32, #tpu.memory_space<vmem>>
      %dma_start3A_1277 = tpu.memref_squeeze %dma_start3A_1276 : memref<1x32x128xf32, #tpu.memory_space<vmem>> -> memref<32x128xf32, #tpu.memory_space<vmem>>
      %dma_start3A_1278 = arith.constant 0 : i32
      %dma_start3A_1279 = tpu.memref_slice %arg3[%dma_start3A_1278, %multiple_of3A_1259] : memref<32x100000xf32, #tpu.memory_space<hbm>> -> memref<32x128xf32, #tpu.memory_space<hbm>>
      %dma_start3A_1280 = tpu.memref_slice %arg15[%rem3A_1196] : memref<10x!tpu.dma_semaphore, #tpu.memory_space<semaphore_mem>> -> memref<1x!tpu.dma_semaphore, #tpu.memory_space<semaphore_mem>>
      %dma_start3A_1281 = tpu.memref_squeeze %dma_start3A_1280 : memref<1x!tpu.dma_semaphore, #tpu.memory_space<semaphore_mem>> -> memref<!tpu.dma_semaphore, #tpu.memory_space<semaphore_mem>>
      %dma_start3A_1282 = arith.constant 0 : i32
      %dma_start3A_1283 = arith.constant 0 : i32
      %dma_start3A_1284 = tpu.memref_slice %arg11[%rem3A_1196, %dma_start3A_1282, %dma_start3A_1283] : memref<10x32x128xf32, #tpu.memory_space<vmem>> -> memref<1x32x128xf32, #tpu.memory_space<vmem>>
      %dma_start3A_1285 = tpu.memref_squeeze %dma_start3A_1284 : memref<1x32x128xf32, #tpu.memory_space<vmem>> -> memref<32x128xf32, #tpu.memory_space<vmem>>
      %dma_start3A_1286 = arith.constant 0 : i32
      %dma_start3A_1287 = tpu.memref_slice %arg3[%dma_start3A_1286, %multiple_of3A_1259] : memref<32x100000xf32, #tpu.memory_space<hbm>> -> memref<32x128xf32, #tpu.memory_space<hbm>>
      tpu.enqueue_dma source(%dma_start3A_1287 : memref<32x128xf32, #tpu.memory_space<hbm>>) target(%dma_start3A_1285 : memref<32x128xf32, #tpu.memory_space<vmem>>) target_semaphore(%dma_start3A_1281 : memref<!tpu.dma_semaphore, #tpu.memory_space<semaphore_mem>>)
      %add3A_1288 = arith.constant 6 : i32
      %add3A_1289 = arith.addi %mul3A_680, %add3A_1288 : i32
      %sub3A_1290 = arith.constant 10 : i32
      %sub3A_1291 = arith.subi %add3A_1289, %sub3A_1290 : i32
      %rem3A_1292 = arith.constant 10 : i32
      %rem3A_1293 = arith.remsi %sub3A_1291, %rem3A_1292 : i32
      %add3A_1294 = arith.constant 6 : i32
      %add3A_1295 = arith.addi %mul3A_680, %add3A_1294 : i32
      %rem3A_1296 = arith.constant 10 : i32
      %rem3A_1297 = arith.remsi %add3A_1295, %rem3A_1296 : i32
      %gt3A_1298 = arith.constant 0 : i32
      %gt3A_1299 = arith.cmpi sgt, %scan3A_678, %gt3A_1298 : i32
      %convert_element_type3A_1300 = arith.extui %gt3A_1299 : i1 to i32
      %cond3A_1301 = arith.constant 0 : i32
      %cond3A_1302 = arith.cmpi ne, %convert_element_type3A_1300, %cond3A_1301 : i32
      scf.if %cond3A_1302 {
        %slice3A_2670 = vector.extract_strided_slice %get3A_690 {offsets = [12], sizes = [1], strides = [1]} : vector<16xi32> to vector<1xi32>
        %squeeze3A_2671 = vector.extract %slice3A_2670[0] : i32 from vector<1xi32>
        %slice3A_2672 = vector.extract_strided_slice %get3A_692 {offsets = [12], sizes = [1], strides = [1]} : vector<16xi32> to vector<1xi32>
        %squeeze3A_2673 = vector.extract %slice3A_2672[0] : i32 from vector<1xi32>
        %add3A_2674 = arith.constant 6 : i32
        %add3A_2675 = arith.addi %mul3A_680, %add3A_2674 : i32
        %sub3A_2676 = arith.constant 10 : i32
        %sub3A_2677 = arith.subi %add3A_2675, %sub3A_2676 : i32
        %dma_wait3A_2678 = arith.constant 0 : i32
        %dma_wait3A_2679 = arith.constant 0 : i32
        %dma_wait3A_2680 = tpu.memref_slice %arg10[%rem3A_1293, %dma_wait3A_2678, %dma_wait3A_2679] : memref<10x32x128xf32, #tpu.memory_space<vmem>> -> memref<1x32x128xf32, #tpu.memory_space<vmem>>
        %dma_wait3A_2681 = tpu.memref_squeeze %dma_wait3A_2680 : memref<1x32x128xf32, #tpu.memory_space<vmem>> -> memref<32x128xf32, #tpu.memory_space<vmem>>
        %dma_wait3A_2682 = arith.constant 0 : i32
        %dma_wait3A_2683 = arith.constant 0 : i32
        %dma_wait3A_2684 = tpu.memref_slice %arg2[%dma_wait3A_2682, %dma_wait3A_2683] : memref<32x1000000xf32, #tpu.memory_space<hbm>> -> memref<32x128xf32, #tpu.memory_space<hbm>>
        %dma_wait3A_2685 = tpu.memref_slice %arg14[%rem3A_1293] : memref<10x!tpu.dma_semaphore, #tpu.memory_space<semaphore_mem>> -> memref<1x!tpu.dma_semaphore, #tpu.memory_space<semaphore_mem>>
        %dma_wait3A_2686 = tpu.memref_squeeze %dma_wait3A_2685 : memref<1x!tpu.dma_semaphore, #tpu.memory_space<semaphore_mem>> -> memref<!tpu.dma_semaphore, #tpu.memory_space<semaphore_mem>>
        %dma_wait3A_2687 = arith.constant 0 : i32
        %dma_wait3A_2688 = arith.constant 0 : i32
        %dma_wait3A_2689 = tpu.memref_slice %arg10[%rem3A_1293, %dma_wait3A_2687, %dma_wait3A_2688] : memref<10x32x128xf32, #tpu.memory_space<vmem>> -> memref<1x32x128xf32, #tpu.memory_space<vmem>>
        %dma_wait3A_2690 = tpu.memref_squeeze %dma_wait3A_2689 : memref<1x32x128xf32, #tpu.memory_space<vmem>> -> memref<32x128xf32, #tpu.memory_space<vmem>>
        %dma_wait3A_2691 = arith.constant 0 : i32
        %dma_wait3A_2692 = arith.constant 0 : i32
        %dma_wait3A_2693 = tpu.memref_slice %arg2[%dma_wait3A_2691, %dma_wait3A_2692] : memref<32x1000000xf32, #tpu.memory_space<hbm>> -> memref<32x128xf32, #tpu.memory_space<hbm>>
        tpu.wait_dma2 semaphore(%dma_wait3A_2686 : memref<!tpu.dma_semaphore, #tpu.memory_space<semaphore_mem>>) src(%dma_wait3A_2693 : memref<32x128xf32, #tpu.memory_space<hbm>>) dst(%dma_wait3A_2690 : memref<32x128xf32, #tpu.memory_space<vmem>>)
        %dma_wait3A_2694 = arith.constant 0 : i32
        %dma_wait3A_2695 = arith.constant 0 : i32
        %dma_wait3A_2696 = tpu.memref_slice %arg11[%rem3A_1293, %dma_wait3A_2694, %dma_wait3A_2695] : memref<10x32x128xf32, #tpu.memory_space<vmem>> -> memref<1x32x128xf32, #tpu.memory_space<vmem>>
        %dma_wait3A_2697 = tpu.memref_squeeze %dma_wait3A_2696 : memref<1x32x128xf32, #tpu.memory_space<vmem>> -> memref<32x128xf32, #tpu.memory_space<vmem>>
        %dma_wait3A_2698 = arith.constant 0 : i32
        %dma_wait3A_2699 = arith.constant 0 : i32
        %dma_wait3A_2700 = tpu.memref_slice %arg3[%dma_wait3A_2698, %dma_wait3A_2699] : memref<32x100000xf32, #tpu.memory_space<hbm>> -> memref<32x128xf32, #tpu.memory_space<hbm>>
        %dma_wait3A_2701 = tpu.memref_slice %arg15[%rem3A_1293] : memref<10x!tpu.dma_semaphore, #tpu.memory_space<semaphore_mem>> -> memref<1x!tpu.dma_semaphore, #tpu.memory_space<semaphore_mem>>
        %dma_wait3A_2702 = tpu.memref_squeeze %dma_wait3A_2701 : memref<1x!tpu.dma_semaphore, #tpu.memory_space<semaphore_mem>> -> memref<!tpu.dma_semaphore, #tpu.memory_space<semaphore_mem>>
        %dma_wait3A_2703 = arith.constant 0 : i32
        %dma_wait3A_2704 = arith.constant 0 : i32
        %dma_wait3A_2705 = tpu.memref_slice %arg11[%rem3A_1293, %dma_wait3A_2703, %dma_wait3A_2704] : memref<10x32x128xf32, #tpu.memory_space<vmem>> -> memref<1x32x128xf32, #tpu.memory_space<vmem>>
        %dma_wait3A_2706 = tpu.memref_squeeze %dma_wait3A_2705 : memref<1x32x128xf32, #tpu.memory_space<vmem>> -> memref<32x128xf32, #tpu.memory_space<vmem>>
        %dma_wait3A_2707 = arith.constant 0 : i32
        %dma_wait3A_2708 = arith.constant 0 : i32
        %dma_wait3A_2709 = tpu.memref_slice %arg3[%dma_wait3A_2707, %dma_wait3A_2708] : memref<32x100000xf32, #tpu.memory_space<hbm>> -> memref<32x128xf32, #tpu.memory_space<hbm>>
        tpu.wait_dma2 semaphore(%dma_wait3A_2702 : memref<!tpu.dma_semaphore, #tpu.memory_space<semaphore_mem>>) src(%dma_wait3A_2709 : memref<32x128xf32, #tpu.memory_space<hbm>>) dst(%dma_wait3A_2706 : memref<32x128xf32, #tpu.memory_space<vmem>>)
        %rem3A_2710 = arith.constant 128 : i32
        %rem3A_2711 = arith.remsi %squeeze3A_2671, %rem3A_2710 : i32
        %broadcast_in_dim3A_2712 = vector.broadcast %rem3A_2711 : i32 to vector<16xi32>
        %rem3A_2713 = arith.constant 128 : i32
        %rem3A_2714 = arith.remsi %squeeze3A_2673, %rem3A_2713 : i32
        %broadcast_in_dim3A_2715 = vector.broadcast %rem3A_2714 : i32 to vector<16xi32>
        %broadcast_in_dim3A_2716 = vector.broadcast %sub3A_2677 : i32 to vector<16xi32>
        %gather3A_2717 = arith.constant 0 : i32
        %gather3A_2718 = arith.constant 0 : i32
        %gather3A_2719 = tpu.memref_slice %arg10[%rem3A_1293, %gather3A_2717, %gather3A_2718] : memref<10x32x128xf32, #tpu.memory_space<vmem>> -> memref<1x32x128xf32, #tpu.memory_space<vmem>>
        %gather3A_2720 = tpu.memref_squeeze %gather3A_2719 : memref<1x32x128xf32, #tpu.memory_space<vmem>> -> memref<32x128xf32, #tpu.memory_space<vmem>>
        %gather3A_2721 = tpu.vector_load_idx %gather3A_2720[%iota3A, %broadcast_in_dim3A_2712] : memref<32x128xf32, #tpu.memory_space<vmem>>[vector<16xi32>, vector<16xi32>], vector<16xf32>,
        tpu.vector_store_idx %arg12[%iota3A, %broadcast_in_dim3A_2716], %gather3A_2721 : memref<32x512xf32, #tpu.memory_space<vmem>>[vector<16xi32>, vector<16xi32>], vector<16xf32>,
        %gather3A_2722 = arith.constant 0 : i32
        %gather3A_2723 = arith.constant 0 : i32
        %gather3A_2724 = tpu.memref_slice %arg11[%rem3A_1293, %gather3A_2722, %gather3A_2723] : memref<10x32x128xf32, #tpu.memory_space<vmem>> -> memref<1x32x128xf32, #tpu.memory_space<vmem>>
        %gather3A_2725 = tpu.memref_squeeze %gather3A_2724 : memref<1x32x128xf32, #tpu.memory_space<vmem>> -> memref<32x128xf32, #tpu.memory_space<vmem>>
        %gather3A_2726 = tpu.vector_load_idx %gather3A_2725[%iota3A, %broadcast_in_dim3A_2715] : memref<32x128xf32, #tpu.memory_space<vmem>>[vector<16xi32>, vector<16xi32>], vector<16xf32>,
        tpu.vector_store_idx %arg13[%iota3A, %broadcast_in_dim3A_2716], %gather3A_2726 : memref<32x512xf32, #tpu.memory_space<vmem>>[vector<16xi32>, vector<16xi32>], vector<16xf32>,
        %gather3A_2727 = arith.constant 0 : i32
        %gather3A_2728 = arith.constant 0 : i32
        %gather3A_2729 = tpu.memref_slice %arg10[%rem3A_1293, %gather3A_2727, %gather3A_2728] : memref<10x32x128xf32, #tpu.memory_space<vmem>> -> memref<1x32x128xf32, #tpu.memory_space<vmem>>
        %gather3A_2730 = tpu.memref_squeeze %gather3A_2729 : memref<1x32x128xf32, #tpu.memory_space<vmem>> -> memref<32x128xf32, #tpu.memory_space<vmem>>
        %gather3A_2731 = tpu.vector_load_idx %gather3A_2730[%add3A_5, %broadcast_in_dim3A_2712] : memref<32x128xf32, #tpu.memory_space<vmem>>[vector<16xi32>, vector<16xi32>], vector<16xf32>,
        tpu.vector_store_idx %arg12[%add3A_5, %broadcast_in_dim3A_2716], %gather3A_2731 : memref<32x512xf32, #tpu.memory_space<vmem>>[vector<16xi32>, vector<16xi32>], vector<16xf32>,
        %gather3A_2732 = arith.constant 0 : i32
        %gather3A_2733 = arith.constant 0 : i32
        %gather3A_2734 = tpu.memref_slice %arg11[%rem3A_1293, %gather3A_2732, %gather3A_2733] : memref<10x32x128xf32, #tpu.memory_space<vmem>> -> memref<1x32x128xf32, #tpu.memory_space<vmem>>
        %gather3A_2735 = tpu.memref_squeeze %gather3A_2734 : memref<1x32x128xf32, #tpu.memory_space<vmem>> -> memref<32x128xf32, #tpu.memory_space<vmem>>
        %gather3A_2736 = tpu.vector_load_idx %gather3A_2735[%add3A_5, %broadcast_in_dim3A_2715] : memref<32x128xf32, #tpu.memory_space<vmem>>[vector<16xi32>, vector<16xi32>], vector<16xf32>,
        tpu.vector_store_idx %arg13[%add3A_5, %broadcast_in_dim3A_2716], %gather3A_2736 : memref<32x512xf32, #tpu.memory_space<vmem>>[vector<16xi32>, vector<16xi32>], vector<16xf32>,
      } else {
      }
      %slice3A_1303 = vector.extract_strided_slice %get3A_682 {offsets = [6], sizes = [1], strides = [1]} : vector<16xi32> to vector<1xi32>
      %squeeze3A_1304 = vector.extract %slice3A_1303[0] : i32 from vector<1xi32>
      %slice3A_1305 = vector.extract_strided_slice %get3A_684 {offsets = [6], sizes = [1], strides = [1]} : vector<16xi32> to vector<1xi32>
      %squeeze3A_1306 = vector.extract %slice3A_1305[0] : i32 from vector<1xi32>
      %jit3A_1307 = arith.constant 128 : i32
      %div3A_1308 = arith.divsi %squeeze3A_1304, %jit3A_1307 : i32
      %sign3A_1309 = arith.constant 0 : i32
      %sign3A_1310 = arith.cmpi sgt, %squeeze3A_1304, %sign3A_1309 : i32
      %sign3A_1311 = arith.extui %sign3A_1310 : i1 to i32
      %sign3A_1312 = arith.constant 0 : i32
      %sign3A_1313 = arith.cmpi slt, %squeeze3A_1304, %sign3A_1312 : i32
      %sign3A_1314 = arith.extui %sign3A_1313 : i1 to i32
      %sign3A_1315 = arith.subi %sign3A_1311, %sign3A_1314 : i32
      %sign3A_1316 = arith.constant 0 : i32
      %sign3A_1317 = arith.cmpi sgt, %jit3A_1307, %sign3A_1316 : i32
      %sign3A_1318 = arith.extui %sign3A_1317 : i1 to i32
      %sign3A_1319 = arith.constant 0 : i32
      %sign3A_1320 = arith.cmpi slt, %jit3A_1307, %sign3A_1319 : i32
      %sign3A_1321 = arith.extui %sign3A_1320 : i1 to i32
      %sign3A_1322 = arith.subi %sign3A_1318, %sign3A_1321 : i32
      %ne3A_1323 = arith.cmpi ne, %sign3A_1315, %sign3A_1322 : i32
      %rem3A_1324 = arith.remsi %squeeze3A_1304, %jit3A_1307 : i32
      %ne3A_1325 = arith.constant 0 : i32
      %ne3A_1326 = arith.cmpi ne, %rem3A_1324, %ne3A_1325 : i32
      %and3A_1327 = arith.andi %ne3A_1323, %ne3A_1326 : i1
      %sub3A_1328 = arith.constant 1 : i32
      %sub3A_1329 = arith.subi %div3A_1308, %sub3A_1328 : i32
      %select_n3A_1330 = arith.select %and3A_1327, %sub3A_1329, %div3A_1308 : i32
      %mul3A_1331 = arith.constant 128 : i32
      %mul3A_1332 = arith.muli %select_n3A_1330, %mul3A_1331 : i32
      %multiple_of3A_1333 = tpu.assume_multiple %mul3A_1332, 128 : i32
      %jit3A_1334 = arith.constant 128 : i32
      %div3A_1335 = arith.divsi %squeeze3A_1306, %jit3A_1334 : i32
      %sign3A_1336 = arith.constant 0 : i32
      %sign3A_1337 = arith.cmpi sgt, %squeeze3A_1306, %sign3A_1336 : i32
      %sign3A_1338 = arith.extui %sign3A_1337 : i1 to i32
      %sign3A_1339 = arith.constant 0 : i32
      %sign3A_1340 = arith.cmpi slt, %squeeze3A_1306, %sign3A_1339 : i32
      %sign3A_1341 = arith.extui %sign3A_1340 : i1 to i32
      %sign3A_1342 = arith.subi %sign3A_1338, %sign3A_1341 : i32
      %sign3A_1343 = arith.constant 0 : i32
      %sign3A_1344 = arith.cmpi sgt, %jit3A_1334, %sign3A_1343 : i32
      %sign3A_1345 = arith.extui %sign3A_1344 : i1 to i32
      %sign3A_1346 = arith.constant 0 : i32
      %sign3A_1347 = arith.cmpi slt, %jit3A_1334, %sign3A_1346 : i32
      %sign3A_1348 = arith.extui %sign3A_1347 : i1 to i32
      %sign3A_1349 = arith.subi %sign3A_1345, %sign3A_1348 : i32
      %ne3A_1350 = arith.cmpi ne, %sign3A_1342, %sign3A_1349 : i32
      %rem3A_1351 = arith.remsi %squeeze3A_1306, %jit3A_1334 : i32
      %ne3A_1352 = arith.constant 0 : i32
      %ne3A_1353 = arith.cmpi ne, %rem3A_1351, %ne3A_1352 : i32
      %and3A_1354 = arith.andi %ne3A_1350, %ne3A_1353 : i1
      %sub3A_1355 = arith.constant 1 : i32
      %sub3A_1356 = arith.subi %div3A_1335, %sub3A_1355 : i32
      %select_n3A_1357 = arith.select %and3A_1354, %sub3A_1356, %div3A_1335 : i32
      %mul3A_1358 = arith.constant 128 : i32
      %mul3A_1359 = arith.muli %select_n3A_1357, %mul3A_1358 : i32
      %multiple_of3A_1360 = tpu.assume_multiple %mul3A_1359, 128 : i32
      %dma_start3A_1361 = arith.constant 0 : i32
      %dma_start3A_1362 = arith.constant 0 : i32
      %dma_start3A_1363 = tpu.memref_slice %arg10[%rem3A_1297, %dma_start3A_1361, %dma_start3A_1362] : memref<10x32x128xf32, #tpu.memory_space<vmem>> -> memref<1x32x128xf32, #tpu.memory_space<vmem>>
      %dma_start3A_1364 = tpu.memref_squeeze %dma_start3A_1363 : memref<1x32x128xf32, #tpu.memory_space<vmem>> -> memref<32x128xf32, #tpu.memory_space<vmem>>
      %dma_start3A_1365 = arith.constant 0 : i32
      %dma_start3A_1366 = tpu.memref_slice %arg2[%dma_start3A_1365, %multiple_of3A_1333] : memref<32x1000000xf32, #tpu.memory_space<hbm>> -> memref<32x128xf32, #tpu.memory_space<hbm>>
      %dma_start3A_1367 = tpu.memref_slice %arg14[%rem3A_1297] : memref<10x!tpu.dma_semaphore, #tpu.memory_space<semaphore_mem>> -> memref<1x!tpu.dma_semaphore, #tpu.memory_space<semaphore_mem>>
      %dma_start3A_1368 = tpu.memref_squeeze %dma_start3A_1367 : memref<1x!tpu.dma_semaphore, #tpu.memory_space<semaphore_mem>> -> memref<!tpu.dma_semaphore, #tpu.memory_space<semaphore_mem>>
      %dma_start3A_1369 = arith.constant 0 : i32
      %dma_start3A_1370 = arith.constant 0 : i32
      %dma_start3A_1371 = tpu.memref_slice %arg10[%rem3A_1297, %dma_start3A_1369, %dma_start3A_1370] : memref<10x32x128xf32, #tpu.memory_space<vmem>> -> memref<1x32x128xf32, #tpu.memory_space<vmem>>
      %dma_start3A_1372 = tpu.memref_squeeze %dma_start3A_1371 : memref<1x32x128xf32, #tpu.memory_space<vmem>> -> memref<32x128xf32, #tpu.memory_space<vmem>>
      %dma_start3A_1373 = arith.constant 0 : i32
      %dma_start3A_1374 = tpu.memref_slice %arg2[%dma_start3A_1373, %multiple_of3A_1333] : memref<32x1000000xf32, #tpu.memory_space<hbm>> -> memref<32x128xf32, #tpu.memory_space<hbm>>
      tpu.enqueue_dma source(%dma_start3A_1374 : memref<32x128xf32, #tpu.memory_space<hbm>>) target(%dma_start3A_1372 : memref<32x128xf32, #tpu.memory_space<vmem>>) target_semaphore(%dma_start3A_1368 : memref<!tpu.dma_semaphore, #tpu.memory_space<semaphore_mem>>)
      %dma_start3A_1375 = arith.constant 0 : i32
      %dma_start3A_1376 = arith.constant 0 : i32
      %dma_start3A_1377 = tpu.memref_slice %arg11[%rem3A_1297, %dma_start3A_1375, %dma_start3A_1376] : memref<10x32x128xf32, #tpu.memory_space<vmem>> -> memref<1x32x128xf32, #tpu.memory_space<vmem>>
      %dma_start3A_1378 = tpu.memref_squeeze %dma_start3A_1377 : memref<1x32x128xf32, #tpu.memory_space<vmem>> -> memref<32x128xf32, #tpu.memory_space<vmem>>
      %dma_start3A_1379 = arith.constant 0 : i32
      %dma_start3A_1380 = tpu.memref_slice %arg3[%dma_start3A_1379, %multiple_of3A_1360] : memref<32x100000xf32, #tpu.memory_space<hbm>> -> memref<32x128xf32, #tpu.memory_space<hbm>>
      %dma_start3A_1381 = tpu.memref_slice %arg15[%rem3A_1297] : memref<10x!tpu.dma_semaphore, #tpu.memory_space<semaphore_mem>> -> memref<1x!tpu.dma_semaphore, #tpu.memory_space<semaphore_mem>>
      %dma_start3A_1382 = tpu.memref_squeeze %dma_start3A_1381 : memref<1x!tpu.dma_semaphore, #tpu.memory_space<semaphore_mem>> -> memref<!tpu.dma_semaphore, #tpu.memory_space<semaphore_mem>>
      %dma_start3A_1383 = arith.constant 0 : i32
      %dma_start3A_1384 = arith.constant 0 : i32
      %dma_start3A_1385 = tpu.memref_slice %arg11[%rem3A_1297, %dma_start3A_1383, %dma_start3A_1384] : memref<10x32x128xf32, #tpu.memory_space<vmem>> -> memref<1x32x128xf32, #tpu.memory_space<vmem>>
      %dma_start3A_1386 = tpu.memref_squeeze %dma_start3A_1385 : memref<1x32x128xf32, #tpu.memory_space<vmem>> -> memref<32x128xf32, #tpu.memory_space<vmem>>
      %dma_start3A_1387 = arith.constant 0 : i32
      %dma_start3A_1388 = tpu.memref_slice %arg3[%dma_start3A_1387, %multiple_of3A_1360] : memref<32x100000xf32, #tpu.memory_space<hbm>> -> memref<32x128xf32, #tpu.memory_space<hbm>>
      tpu.enqueue_dma source(%dma_start3A_1388 : memref<32x128xf32, #tpu.memory_space<hbm>>) target(%dma_start3A_1386 : memref<32x128xf32, #tpu.memory_space<vmem>>) target_semaphore(%dma_start3A_1382 : memref<!tpu.dma_semaphore, #tpu.memory_space<semaphore_mem>>)
      %add3A_1389 = arith.constant 7 : i32
      %add3A_1390 = arith.addi %mul3A_680, %add3A_1389 : i32
      %sub3A_1391 = arith.constant 10 : i32
      %sub3A_1392 = arith.subi %add3A_1390, %sub3A_1391 : i32
      %rem3A_1393 = arith.constant 10 : i32
      %rem3A_1394 = arith.remsi %sub3A_1392, %rem3A_1393 : i32
      %add3A_1395 = arith.constant 7 : i32
      %add3A_1396 = arith.addi %mul3A_680, %add3A_1395 : i32
      %rem3A_1397 = arith.constant 10 : i32
      %rem3A_1398 = arith.remsi %add3A_1396, %rem3A_1397 : i32
      %gt3A_1399 = arith.constant 0 : i32
      %gt3A_1400 = arith.cmpi sgt, %scan3A_678, %gt3A_1399 : i32
      %convert_element_type3A_1401 = arith.extui %gt3A_1400 : i1 to i32
      %cond3A_1402 = arith.constant 0 : i32
      %cond3A_1403 = arith.cmpi ne, %convert_element_type3A_1401, %cond3A_1402 : i32
      scf.if %cond3A_1403 {
        %slice3A_2670 = vector.extract_strided_slice %get3A_690 {offsets = [13], sizes = [1], strides = [1]} : vector<16xi32> to vector<1xi32>
        %squeeze3A_2671 = vector.extract %slice3A_2670[0] : i32 from vector<1xi32>
        %slice3A_2672 = vector.extract_strided_slice %get3A_692 {offsets = [13], sizes = [1], strides = [1]} : vector<16xi32> to vector<1xi32>
        %squeeze3A_2673 = vector.extract %slice3A_2672[0] : i32 from vector<1xi32>
        %add3A_2674 = arith.constant 7 : i32
        %add3A_2675 = arith.addi %mul3A_680, %add3A_2674 : i32
        %sub3A_2676 = arith.constant 10 : i32
        %sub3A_2677 = arith.subi %add3A_2675, %sub3A_2676 : i32
        %dma_wait3A_2678 = arith.constant 0 : i32
        %dma_wait3A_2679 = arith.constant 0 : i32
        %dma_wait3A_2680 = tpu.memref_slice %arg10[%rem3A_1394, %dma_wait3A_2678, %dma_wait3A_2679] : memref<10x32x128xf32, #tpu.memory_space<vmem>> -> memref<1x32x128xf32, #tpu.memory_space<vmem>>
        %dma_wait3A_2681 = tpu.memref_squeeze %dma_wait3A_2680 : memref<1x32x128xf32, #tpu.memory_space<vmem>> -> memref<32x128xf32, #tpu.memory_space<vmem>>
        %dma_wait3A_2682 = arith.constant 0 : i32
        %dma_wait3A_2683 = arith.constant 0 : i32
        %dma_wait3A_2684 = tpu.memref_slice %arg2[%dma_wait3A_2682, %dma_wait3A_2683] : memref<32x1000000xf32, #tpu.memory_space<hbm>> -> memref<32x128xf32, #tpu.memory_space<hbm>>
        %dma_wait3A_2685 = tpu.memref_slice %arg14[%rem3A_1394] : memref<10x!tpu.dma_semaphore, #tpu.memory_space<semaphore_mem>> -> memref<1x!tpu.dma_semaphore, #tpu.memory_space<semaphore_mem>>
        %dma_wait3A_2686 = tpu.memref_squeeze %dma_wait3A_2685 : memref<1x!tpu.dma_semaphore, #tpu.memory_space<semaphore_mem>> -> memref<!tpu.dma_semaphore, #tpu.memory_space<semaphore_mem>>
        %dma_wait3A_2687 = arith.constant 0 : i32
        %dma_wait3A_2688 = arith.constant 0 : i32
        %dma_wait3A_2689 = tpu.memref_slice %arg10[%rem3A_1394, %dma_wait3A_2687, %dma_wait3A_2688] : memref<10x32x128xf32, #tpu.memory_space<vmem>> -> memref<1x32x128xf32, #tpu.memory_space<vmem>>
        %dma_wait3A_2690 = tpu.memref_squeeze %dma_wait3A_2689 : memref<1x32x128xf32, #tpu.memory_space<vmem>> -> memref<32x128xf32, #tpu.memory_space<vmem>>
        %dma_wait3A_2691 = arith.constant 0 : i32
        %dma_wait3A_2692 = arith.constant 0 : i32
        %dma_wait3A_2693 = tpu.memref_slice %arg2[%dma_wait3A_2691, %dma_wait3A_2692] : memref<32x1000000xf32, #tpu.memory_space<hbm>> -> memref<32x128xf32, #tpu.memory_space<hbm>>
        tpu.wait_dma2 semaphore(%dma_wait3A_2686 : memref<!tpu.dma_semaphore, #tpu.memory_space<semaphore_mem>>) src(%dma_wait3A_2693 : memref<32x128xf32, #tpu.memory_space<hbm>>) dst(%dma_wait3A_2690 : memref<32x128xf32, #tpu.memory_space<vmem>>)
        %dma_wait3A_2694 = arith.constant 0 : i32
        %dma_wait3A_2695 = arith.constant 0 : i32
        %dma_wait3A_2696 = tpu.memref_slice %arg11[%rem3A_1394, %dma_wait3A_2694, %dma_wait3A_2695] : memref<10x32x128xf32, #tpu.memory_space<vmem>> -> memref<1x32x128xf32, #tpu.memory_space<vmem>>
        %dma_wait3A_2697 = tpu.memref_squeeze %dma_wait3A_2696 : memref<1x32x128xf32, #tpu.memory_space<vmem>> -> memref<32x128xf32, #tpu.memory_space<vmem>>
        %dma_wait3A_2698 = arith.constant 0 : i32
        %dma_wait3A_2699 = arith.constant 0 : i32
        %dma_wait3A_2700 = tpu.memref_slice %arg3[%dma_wait3A_2698, %dma_wait3A_2699] : memref<32x100000xf32, #tpu.memory_space<hbm>> -> memref<32x128xf32, #tpu.memory_space<hbm>>
        %dma_wait3A_2701 = tpu.memref_slice %arg15[%rem3A_1394] : memref<10x!tpu.dma_semaphore, #tpu.memory_space<semaphore_mem>> -> memref<1x!tpu.dma_semaphore, #tpu.memory_space<semaphore_mem>>
        %dma_wait3A_2702 = tpu.memref_squeeze %dma_wait3A_2701 : memref<1x!tpu.dma_semaphore, #tpu.memory_space<semaphore_mem>> -> memref<!tpu.dma_semaphore, #tpu.memory_space<semaphore_mem>>
        %dma_wait3A_2703 = arith.constant 0 : i32
        %dma_wait3A_2704 = arith.constant 0 : i32
        %dma_wait3A_2705 = tpu.memref_slice %arg11[%rem3A_1394, %dma_wait3A_2703, %dma_wait3A_2704] : memref<10x32x128xf32, #tpu.memory_space<vmem>> -> memref<1x32x128xf32, #tpu.memory_space<vmem>>
        %dma_wait3A_2706 = tpu.memref_squeeze %dma_wait3A_2705 : memref<1x32x128xf32, #tpu.memory_space<vmem>> -> memref<32x128xf32, #tpu.memory_space<vmem>>
        %dma_wait3A_2707 = arith.constant 0 : i32
        %dma_wait3A_2708 = arith.constant 0 : i32
        %dma_wait3A_2709 = tpu.memref_slice %arg3[%dma_wait3A_2707, %dma_wait3A_2708] : memref<32x100000xf32, #tpu.memory_space<hbm>> -> memref<32x128xf32, #tpu.memory_space<hbm>>
        tpu.wait_dma2 semaphore(%dma_wait3A_2702 : memref<!tpu.dma_semaphore, #tpu.memory_space<semaphore_mem>>) src(%dma_wait3A_2709 : memref<32x128xf32, #tpu.memory_space<hbm>>) dst(%dma_wait3A_2706 : memref<32x128xf32, #tpu.memory_space<vmem>>)
        %rem3A_2710 = arith.constant 128 : i32
        %rem3A_2711 = arith.remsi %squeeze3A_2671, %rem3A_2710 : i32
        %broadcast_in_dim3A_2712 = vector.broadcast %rem3A_2711 : i32 to vector<16xi32>
        %rem3A_2713 = arith.constant 128 : i32
        %rem3A_2714 = arith.remsi %squeeze3A_2673, %rem3A_2713 : i32
        %broadcast_in_dim3A_2715 = vector.broadcast %rem3A_2714 : i32 to vector<16xi32>
        %broadcast_in_dim3A_2716 = vector.broadcast %sub3A_2677 : i32 to vector<16xi32>
        %gather3A_2717 = arith.constant 0 : i32
        %gather3A_2718 = arith.constant 0 : i32
        %gather3A_2719 = tpu.memref_slice %arg10[%rem3A_1394, %gather3A_2717, %gather3A_2718] : memref<10x32x128xf32, #tpu.memory_space<vmem>> -> memref<1x32x128xf32, #tpu.memory_space<vmem>>
        %gather3A_2720 = tpu.memref_squeeze %gather3A_2719 : memref<1x32x128xf32, #tpu.memory_space<vmem>> -> memref<32x128xf32, #tpu.memory_space<vmem>>
        %gather3A_2721 = tpu.vector_load_idx %gather3A_2720[%iota3A, %broadcast_in_dim3A_2712] : memref<32x128xf32, #tpu.memory_space<vmem>>[vector<16xi32>, vector<16xi32>], vector<16xf32>,
        tpu.vector_store_idx %arg12[%iota3A, %broadcast_in_dim3A_2716], %gather3A_2721 : memref<32x512xf32, #tpu.memory_space<vmem>>[vector<16xi32>, vector<16xi32>], vector<16xf32>,
        %gather3A_2722 = arith.constant 0 : i32
        %gather3A_2723 = arith.constant 0 : i32
        %gather3A_2724 = tpu.memref_slice %arg11[%rem3A_1394, %gather3A_2722, %gather3A_2723] : memref<10x32x128xf32, #tpu.memory_space<vmem>> -> memref<1x32x128xf32, #tpu.memory_space<vmem>>
        %gather3A_2725 = tpu.memref_squeeze %gather3A_2724 : memref<1x32x128xf32, #tpu.memory_space<vmem>> -> memref<32x128xf32, #tpu.memory_space<vmem>>
        %gather3A_2726 = tpu.vector_load_idx %gather3A_2725[%iota3A, %broadcast_in_dim3A_2715] : memref<32x128xf32, #tpu.memory_space<vmem>>[vector<16xi32>, vector<16xi32>], vector<16xf32>,
        tpu.vector_store_idx %arg13[%iota3A, %broadcast_in_dim3A_2716], %gather3A_2726 : memref<32x512xf32, #tpu.memory_space<vmem>>[vector<16xi32>, vector<16xi32>], vector<16xf32>,
        %gather3A_2727 = arith.constant 0 : i32
        %gather3A_2728 = arith.constant 0 : i32
        %gather3A_2729 = tpu.memref_slice %arg10[%rem3A_1394, %gather3A_2727, %gather3A_2728] : memref<10x32x128xf32, #tpu.memory_space<vmem>> -> memref<1x32x128xf32, #tpu.memory_space<vmem>>
        %gather3A_2730 = tpu.memref_squeeze %gather3A_2729 : memref<1x32x128xf32, #tpu.memory_space<vmem>> -> memref<32x128xf32, #tpu.memory_space<vmem>>
        %gather3A_2731 = tpu.vector_load_idx %gather3A_2730[%add3A_5, %broadcast_in_dim3A_2712] : memref<32x128xf32, #tpu.memory_space<vmem>>[vector<16xi32>, vector<16xi32>], vector<16xf32>,
        tpu.vector_store_idx %arg12[%add3A_5, %broadcast_in_dim3A_2716], %gather3A_2731 : memref<32x512xf32, #tpu.memory_space<vmem>>[vector<16xi32>, vector<16xi32>], vector<16xf32>,
        %gather3A_2732 = arith.constant 0 : i32
        %gather3A_2733 = arith.constant 0 : i32
        %gather3A_2734 = tpu.memref_slice %arg11[%rem3A_1394, %gather3A_2732, %gather3A_2733] : memref<10x32x128xf32, #tpu.memory_space<vmem>> -> memref<1x32x128xf32, #tpu.memory_space<vmem>>
        %gather3A_2735 = tpu.memref_squeeze %gather3A_2734 : memref<1x32x128xf32, #tpu.memory_space<vmem>> -> memref<32x128xf32, #tpu.memory_space<vmem>>
        %gather3A_2736 = tpu.vector_load_idx %gather3A_2735[%add3A_5, %broadcast_in_dim3A_2715] : memref<32x128xf32, #tpu.memory_space<vmem>>[vector<16xi32>, vector<16xi32>], vector<16xf32>,
        tpu.vector_store_idx %arg13[%add3A_5, %broadcast_in_dim3A_2716], %gather3A_2736 : memref<32x512xf32, #tpu.memory_space<vmem>>[vector<16xi32>, vector<16xi32>], vector<16xf32>,
      } else {
      }
      %slice3A_1404 = vector.extract_strided_slice %get3A_682 {offsets = [7], sizes = [1], strides = [1]} : vector<16xi32> to vector<1xi32>
      %squeeze3A_1405 = vector.extract %slice3A_1404[0] : i32 from vector<1xi32>
      %slice3A_1406 = vector.extract_strided_slice %get3A_684 {offsets = [7], sizes = [1], strides = [1]} : vector<16xi32> to vector<1xi32>
      %squeeze3A_1407 = vector.extract %slice3A_1406[0] : i32 from vector<1xi32>
      %jit3A_1408 = arith.constant 128 : i32
      %div3A_1409 = arith.divsi %squeeze3A_1405, %jit3A_1408 : i32
      %sign3A_1410 = arith.constant 0 : i32
      %sign3A_1411 = arith.cmpi sgt, %squeeze3A_1405, %sign3A_1410 : i32
      %sign3A_1412 = arith.extui %sign3A_1411 : i1 to i32
      %sign3A_1413 = arith.constant 0 : i32
      %sign3A_1414 = arith.cmpi slt, %squeeze3A_1405, %sign3A_1413 : i32
      %sign3A_1415 = arith.extui %sign3A_1414 : i1 to i32
      %sign3A_1416 = arith.subi %sign3A_1412, %sign3A_1415 : i32
      %sign3A_1417 = arith.constant 0 : i32
      %sign3A_1418 = arith.cmpi sgt, %jit3A_1408, %sign3A_1417 : i32
      %sign3A_1419 = arith.extui %sign3A_1418 : i1 to i32
      %sign3A_1420 = arith.constant 0 : i32
      %sign3A_1421 = arith.cmpi slt, %jit3A_1408, %sign3A_1420 : i32
      %sign3A_1422 = arith.extui %sign3A_1421 : i1 to i32
      %sign3A_1423 = arith.subi %sign3A_1419, %sign3A_1422 : i32
      %ne3A_1424 = arith.cmpi ne, %sign3A_1416, %sign3A_1423 : i32
      %rem3A_1425 = arith.remsi %squeeze3A_1405, %jit3A_1408 : i32
      %ne3A_1426 = arith.constant 0 : i32
      %ne3A_1427 = arith.cmpi ne, %rem3A_1425, %ne3A_1426 : i32
      %and3A_1428 = arith.andi %ne3A_1424, %ne3A_1427 : i1
      %sub3A_1429 = arith.constant 1 : i32
      %sub3A_1430 = arith.subi %div3A_1409, %sub3A_1429 : i32
      %select_n3A_1431 = arith.select %and3A_1428, %sub3A_1430, %div3A_1409 : i32
      %mul3A_1432 = arith.constant 128 : i32
      %mul3A_1433 = arith.muli %select_n3A_1431, %mul3A_1432 : i32
      %multiple_of3A_1434 = tpu.assume_multiple %mul3A_1433, 128 : i32
      %jit3A_1435 = arith.constant 128 : i32
      %div3A_1436 = arith.divsi %squeeze3A_1407, %jit3A_1435 : i32
      %sign3A_1437 = arith.constant 0 : i32
      %sign3A_1438 = arith.cmpi sgt, %squeeze3A_1407, %sign3A_1437 : i32
      %sign3A_1439 = arith.extui %sign3A_1438 : i1 to i32
      %sign3A_1440 = arith.constant 0 : i32
      %sign3A_1441 = arith.cmpi slt, %squeeze3A_1407, %sign3A_1440 : i32
      %sign3A_1442 = arith.extui %sign3A_1441 : i1 to i32
      %sign3A_1443 = arith.subi %sign3A_1439, %sign3A_1442 : i32
      %sign3A_1444 = arith.constant 0 : i32
      %sign3A_1445 = arith.cmpi sgt, %jit3A_1435, %sign3A_1444 : i32
      %sign3A_1446 = arith.extui %sign3A_1445 : i1 to i32
      %sign3A_1447 = arith.constant 0 : i32
      %sign3A_1448 = arith.cmpi slt, %jit3A_1435, %sign3A_1447 : i32
      %sign3A_1449 = arith.extui %sign3A_1448 : i1 to i32
      %sign3A_1450 = arith.subi %sign3A_1446, %sign3A_1449 : i32
      %ne3A_1451 = arith.cmpi ne, %sign3A_1443, %sign3A_1450 : i32
      %rem3A_1452 = arith.remsi %squeeze3A_1407, %jit3A_1435 : i32
      %ne3A_1453 = arith.constant 0 : i32
      %ne3A_1454 = arith.cmpi ne, %rem3A_1452, %ne3A_1453 : i32
      %and3A_1455 = arith.andi %ne3A_1451, %ne3A_1454 : i1
      %sub3A_1456 = arith.constant 1 : i32
      %sub3A_1457 = arith.subi %div3A_1436, %sub3A_1456 : i32
      %select_n3A_1458 = arith.select %and3A_1455, %sub3A_1457, %div3A_1436 : i32
      %mul3A_1459 = arith.constant 128 : i32
      %mul3A_1460 = arith.muli %select_n3A_1458, %mul3A_1459 : i32
      %multiple_of3A_1461 = tpu.assume_multiple %mul3A_1460, 128 : i32
      %dma_start3A_1462 = arith.constant 0 : i32
      %dma_start3A_1463 = arith.constant 0 : i32
      %dma_start3A_1464 = tpu.memref_slice %arg10[%rem3A_1398, %dma_start3A_1462, %dma_start3A_1463] : memref<10x32x128xf32, #tpu.memory_space<vmem>> -> memref<1x32x128xf32, #tpu.memory_space<vmem>>
      %dma_start3A_1465 = tpu.memref_squeeze %dma_start3A_1464 : memref<1x32x128xf32, #tpu.memory_space<vmem>> -> memref<32x128xf32, #tpu.memory_space<vmem>>
      %dma_start3A_1466 = arith.constant 0 : i32
      %dma_start3A_1467 = tpu.memref_slice %arg2[%dma_start3A_1466, %multiple_of3A_1434] : memref<32x1000000xf32, #tpu.memory_space<hbm>> -> memref<32x128xf32, #tpu.memory_space<hbm>>
      %dma_start3A_1468 = tpu.memref_slice %arg14[%rem3A_1398] : memref<10x!tpu.dma_semaphore, #tpu.memory_space<semaphore_mem>> -> memref<1x!tpu.dma_semaphore, #tpu.memory_space<semaphore_mem>>
      %dma_start3A_1469 = tpu.memref_squeeze %dma_start3A_1468 : memref<1x!tpu.dma_semaphore, #tpu.memory_space<semaphore_mem>> -> memref<!tpu.dma_semaphore, #tpu.memory_space<semaphore_mem>>
      %dma_start3A_1470 = arith.constant 0 : i32
      %dma_start3A_1471 = arith.constant 0 : i32
      %dma_start3A_1472 = tpu.memref_slice %arg10[%rem3A_1398, %dma_start3A_1470, %dma_start3A_1471] : memref<10x32x128xf32, #tpu.memory_space<vmem>> -> memref<1x32x128xf32, #tpu.memory_space<vmem>>
      %dma_start3A_1473 = tpu.memref_squeeze %dma_start3A_1472 : memref<1x32x128xf32, #tpu.memory_space<vmem>> -> memref<32x128xf32, #tpu.memory_space<vmem>>
      %dma_start3A_1474 = arith.constant 0 : i32
      %dma_start3A_1475 = tpu.memref_slice %arg2[%dma_start3A_1474, %multiple_of3A_1434] : memref<32x1000000xf32, #tpu.memory_space<hbm>> -> memref<32x128xf32, #tpu.memory_space<hbm>>
      tpu.enqueue_dma source(%dma_start3A_1475 : memref<32x128xf32, #tpu.memory_space<hbm>>) target(%dma_start3A_1473 : memref<32x128xf32, #tpu.memory_space<vmem>>) target_semaphore(%dma_start3A_1469 : memref<!tpu.dma_semaphore, #tpu.memory_space<semaphore_mem>>)
      %dma_start3A_1476 = arith.constant 0 : i32
      %dma_start3A_1477 = arith.constant 0 : i32
      %dma_start3A_1478 = tpu.memref_slice %arg11[%rem3A_1398, %dma_start3A_1476, %dma_start3A_1477] : memref<10x32x128xf32, #tpu.memory_space<vmem>> -> memref<1x32x128xf32, #tpu.memory_space<vmem>>
      %dma_start3A_1479 = tpu.memref_squeeze %dma_start3A_1478 : memref<1x32x128xf32, #tpu.memory_space<vmem>> -> memref<32x128xf32, #tpu.memory_space<vmem>>
      %dma_start3A_1480 = arith.constant 0 : i32
      %dma_start3A_1481 = tpu.memref_slice %arg3[%dma_start3A_1480, %multiple_of3A_1461] : memref<32x100000xf32, #tpu.memory_space<hbm>> -> memref<32x128xf32, #tpu.memory_space<hbm>>
      %dma_start3A_1482 = tpu.memref_slice %arg15[%rem3A_1398] : memref<10x!tpu.dma_semaphore, #tpu.memory_space<semaphore_mem>> -> memref<1x!tpu.dma_semaphore, #tpu.memory_space<semaphore_mem>>
      %dma_start3A_1483 = tpu.memref_squeeze %dma_start3A_1482 : memref<1x!tpu.dma_semaphore, #tpu.memory_space<semaphore_mem>> -> memref<!tpu.dma_semaphore, #tpu.memory_space<semaphore_mem>>
      %dma_start3A_1484 = arith.constant 0 : i32
      %dma_start3A_1485 = arith.constant 0 : i32
      %dma_start3A_1486 = tpu.memref_slice %arg11[%rem3A_1398, %dma_start3A_1484, %dma_start3A_1485] : memref<10x32x128xf32, #tpu.memory_space<vmem>> -> memref<1x32x128xf32, #tpu.memory_space<vmem>>
      %dma_start3A_1487 = tpu.memref_squeeze %dma_start3A_1486 : memref<1x32x128xf32, #tpu.memory_space<vmem>> -> memref<32x128xf32, #tpu.memory_space<vmem>>
      %dma_start3A_1488 = arith.constant 0 : i32
      %dma_start3A_1489 = tpu.memref_slice %arg3[%dma_start3A_1488, %multiple_of3A_1461] : memref<32x100000xf32, #tpu.memory_space<hbm>> -> memref<32x128xf32, #tpu.memory_space<hbm>>
      tpu.enqueue_dma source(%dma_start3A_1489 : memref<32x128xf32, #tpu.memory_space<hbm>>) target(%dma_start3A_1487 : memref<32x128xf32, #tpu.memory_space<vmem>>) target_semaphore(%dma_start3A_1483 : memref<!tpu.dma_semaphore, #tpu.memory_space<semaphore_mem>>)
      %add3A_1490 = arith.constant 8 : i32
      %add3A_1491 = arith.addi %mul3A_680, %add3A_1490 : i32
      %sub3A_1492 = arith.constant 10 : i32
      %sub3A_1493 = arith.subi %add3A_1491, %sub3A_1492 : i32
      %rem3A_1494 = arith.constant 10 : i32
      %rem3A_1495 = arith.remsi %sub3A_1493, %rem3A_1494 : i32
      %add3A_1496 = arith.constant 8 : i32
      %add3A_1497 = arith.addi %mul3A_680, %add3A_1496 : i32
      %rem3A_1498 = arith.constant 10 : i32
      %rem3A_1499 = arith.remsi %add3A_1497, %rem3A_1498 : i32
      %gt3A_1500 = arith.constant 0 : i32
      %gt3A_1501 = arith.cmpi sgt, %scan3A_678, %gt3A_1500 : i32
      %convert_element_type3A_1502 = arith.extui %gt3A_1501 : i1 to i32
      %cond3A_1503 = arith.constant 0 : i32
      %cond3A_1504 = arith.cmpi ne, %convert_element_type3A_1502, %cond3A_1503 : i32
      scf.if %cond3A_1504 {
        %slice3A_2670 = vector.extract_strided_slice %get3A_690 {offsets = [14], sizes = [1], strides = [1]} : vector<16xi32> to vector<1xi32>
        %squeeze3A_2671 = vector.extract %slice3A_2670[0] : i32 from vector<1xi32>
        %slice3A_2672 = vector.extract_strided_slice %get3A_692 {offsets = [14], sizes = [1], strides = [1]} : vector<16xi32> to vector<1xi32>
        %squeeze3A_2673 = vector.extract %slice3A_2672[0] : i32 from vector<1xi32>
        %add3A_2674 = arith.constant 8 : i32
        %add3A_2675 = arith.addi %mul3A_680, %add3A_2674 : i32
        %sub3A_2676 = arith.constant 10 : i32
        %sub3A_2677 = arith.subi %add3A_2675, %sub3A_2676 : i32
        %dma_wait3A_2678 = arith.constant 0 : i32
        %dma_wait3A_2679 = arith.constant 0 : i32
        %dma_wait3A_2680 = tpu.memref_slice %arg10[%rem3A_1495, %dma_wait3A_2678, %dma_wait3A_2679] : memref<10x32x128xf32, #tpu.memory_space<vmem>> -> memref<1x32x128xf32, #tpu.memory_space<vmem>>
        %dma_wait3A_2681 = tpu.memref_squeeze %dma_wait3A_2680 : memref<1x32x128xf32, #tpu.memory_space<vmem>> -> memref<32x128xf32, #tpu.memory_space<vmem>>
        %dma_wait3A_2682 = arith.constant 0 : i32
        %dma_wait3A_2683 = arith.constant 0 : i32
        %dma_wait3A_2684 = tpu.memref_slice %arg2[%dma_wait3A_2682, %dma_wait3A_2683] : memref<32x1000000xf32, #tpu.memory_space<hbm>> -> memref<32x128xf32, #tpu.memory_space<hbm>>
        %dma_wait3A_2685 = tpu.memref_slice %arg14[%rem3A_1495] : memref<10x!tpu.dma_semaphore, #tpu.memory_space<semaphore_mem>> -> memref<1x!tpu.dma_semaphore, #tpu.memory_space<semaphore_mem>>
        %dma_wait3A_2686 = tpu.memref_squeeze %dma_wait3A_2685 : memref<1x!tpu.dma_semaphore, #tpu.memory_space<semaphore_mem>> -> memref<!tpu.dma_semaphore, #tpu.memory_space<semaphore_mem>>
        %dma_wait3A_2687 = arith.constant 0 : i32
        %dma_wait3A_2688 = arith.constant 0 : i32
        %dma_wait3A_2689 = tpu.memref_slice %arg10[%rem3A_1495, %dma_wait3A_2687, %dma_wait3A_2688] : memref<10x32x128xf32, #tpu.memory_space<vmem>> -> memref<1x32x128xf32, #tpu.memory_space<vmem>>
        %dma_wait3A_2690 = tpu.memref_squeeze %dma_wait3A_2689 : memref<1x32x128xf32, #tpu.memory_space<vmem>> -> memref<32x128xf32, #tpu.memory_space<vmem>>
        %dma_wait3A_2691 = arith.constant 0 : i32
        %dma_wait3A_2692 = arith.constant 0 : i32
        %dma_wait3A_2693 = tpu.memref_slice %arg2[%dma_wait3A_2691, %dma_wait3A_2692] : memref<32x1000000xf32, #tpu.memory_space<hbm>> -> memref<32x128xf32, #tpu.memory_space<hbm>>
        tpu.wait_dma2 semaphore(%dma_wait3A_2686 : memref<!tpu.dma_semaphore, #tpu.memory_space<semaphore_mem>>) src(%dma_wait3A_2693 : memref<32x128xf32, #tpu.memory_space<hbm>>) dst(%dma_wait3A_2690 : memref<32x128xf32, #tpu.memory_space<vmem>>)
        %dma_wait3A_2694 = arith.constant 0 : i32
        %dma_wait3A_2695 = arith.constant 0 : i32
        %dma_wait3A_2696 = tpu.memref_slice %arg11[%rem3A_1495, %dma_wait3A_2694, %dma_wait3A_2695] : memref<10x32x128xf32, #tpu.memory_space<vmem>> -> memref<1x32x128xf32, #tpu.memory_space<vmem>>
        %dma_wait3A_2697 = tpu.memref_squeeze %dma_wait3A_2696 : memref<1x32x128xf32, #tpu.memory_space<vmem>> -> memref<32x128xf32, #tpu.memory_space<vmem>>
        %dma_wait3A_2698 = arith.constant 0 : i32
        %dma_wait3A_2699 = arith.constant 0 : i32
        %dma_wait3A_2700 = tpu.memref_slice %arg3[%dma_wait3A_2698, %dma_wait3A_2699] : memref<32x100000xf32, #tpu.memory_space<hbm>> -> memref<32x128xf32, #tpu.memory_space<hbm>>
        %dma_wait3A_2701 = tpu.memref_slice %arg15[%rem3A_1495] : memref<10x!tpu.dma_semaphore, #tpu.memory_space<semaphore_mem>> -> memref<1x!tpu.dma_semaphore, #tpu.memory_space<semaphore_mem>>
        %dma_wait3A_2702 = tpu.memref_squeeze %dma_wait3A_2701 : memref<1x!tpu.dma_semaphore, #tpu.memory_space<semaphore_mem>> -> memref<!tpu.dma_semaphore, #tpu.memory_space<semaphore_mem>>
        %dma_wait3A_2703 = arith.constant 0 : i32
        %dma_wait3A_2704 = arith.constant 0 : i32
        %dma_wait3A_2705 = tpu.memref_slice %arg11[%rem3A_1495, %dma_wait3A_2703, %dma_wait3A_2704] : memref<10x32x128xf32, #tpu.memory_space<vmem>> -> memref<1x32x128xf32, #tpu.memory_space<vmem>>
        %dma_wait3A_2706 = tpu.memref_squeeze %dma_wait3A_2705 : memref<1x32x128xf32, #tpu.memory_space<vmem>> -> memref<32x128xf32, #tpu.memory_space<vmem>>
        %dma_wait3A_2707 = arith.constant 0 : i32
        %dma_wait3A_2708 = arith.constant 0 : i32
        %dma_wait3A_2709 = tpu.memref_slice %arg3[%dma_wait3A_2707, %dma_wait3A_2708] : memref<32x100000xf32, #tpu.memory_space<hbm>> -> memref<32x128xf32, #tpu.memory_space<hbm>>
        tpu.wait_dma2 semaphore(%dma_wait3A_2702 : memref<!tpu.dma_semaphore, #tpu.memory_space<semaphore_mem>>) src(%dma_wait3A_2709 : memref<32x128xf32, #tpu.memory_space<hbm>>) dst(%dma_wait3A_2706 : memref<32x128xf32, #tpu.memory_space<vmem>>)
        %rem3A_2710 = arith.constant 128 : i32
        %rem3A_2711 = arith.remsi %squeeze3A_2671, %rem3A_2710 : i32
        %broadcast_in_dim3A_2712 = vector.broadcast %rem3A_2711 : i32 to vector<16xi32>
        %rem3A_2713 = arith.constant 128 : i32
        %rem3A_2714 = arith.remsi %squeeze3A_2673, %rem3A_2713 : i32
        %broadcast_in_dim3A_2715 = vector.broadcast %rem3A_2714 : i32 to vector<16xi32>
        %broadcast_in_dim3A_2716 = vector.broadcast %sub3A_2677 : i32 to vector<16xi32>
        %gather3A_2717 = arith.constant 0 : i32
        %gather3A_2718 = arith.constant 0 : i32
        %gather3A_2719 = tpu.memref_slice %arg10[%rem3A_1495, %gather3A_2717, %gather3A_2718] : memref<10x32x128xf32, #tpu.memory_space<vmem>> -> memref<1x32x128xf32, #tpu.memory_space<vmem>>
        %gather3A_2720 = tpu.memref_squeeze %gather3A_2719 : memref<1x32x128xf32, #tpu.memory_space<vmem>> -> memref<32x128xf32, #tpu.memory_space<vmem>>
        %gather3A_2721 = tpu.vector_load_idx %gather3A_2720[%iota3A, %broadcast_in_dim3A_2712] : memref<32x128xf32, #tpu.memory_space<vmem>>[vector<16xi32>, vector<16xi32>], vector<16xf32>,
        tpu.vector_store_idx %arg12[%iota3A, %broadcast_in_dim3A_2716], %gather3A_2721 : memref<32x512xf32, #tpu.memory_space<vmem>>[vector<16xi32>, vector<16xi32>], vector<16xf32>,
        %gather3A_2722 = arith.constant 0 : i32
        %gather3A_2723 = arith.constant 0 : i32
        %gather3A_2724 = tpu.memref_slice %arg11[%rem3A_1495, %gather3A_2722, %gather3A_2723] : memref<10x32x128xf32, #tpu.memory_space<vmem>> -> memref<1x32x128xf32, #tpu.memory_space<vmem>>
        %gather3A_2725 = tpu.memref_squeeze %gather3A_2724 : memref<1x32x128xf32, #tpu.memory_space<vmem>> -> memref<32x128xf32, #tpu.memory_space<vmem>>
        %gather3A_2726 = tpu.vector_load_idx %gather3A_2725[%iota3A, %broadcast_in_dim3A_2715] : memref<32x128xf32, #tpu.memory_space<vmem>>[vector<16xi32>, vector<16xi32>], vector<16xf32>,
        tpu.vector_store_idx %arg13[%iota3A, %broadcast_in_dim3A_2716], %gather3A_2726 : memref<32x512xf32, #tpu.memory_space<vmem>>[vector<16xi32>, vector<16xi32>], vector<16xf32>,
        %gather3A_2727 = arith.constant 0 : i32
        %gather3A_2728 = arith.constant 0 : i32
        %gather3A_2729 = tpu.memref_slice %arg10[%rem3A_1495, %gather3A_2727, %gather3A_2728] : memref<10x32x128xf32, #tpu.memory_space<vmem>> -> memref<1x32x128xf32, #tpu.memory_space<vmem>>
        %gather3A_2730 = tpu.memref_squeeze %gather3A_2729 : memref<1x32x128xf32, #tpu.memory_space<vmem>> -> memref<32x128xf32, #tpu.memory_space<vmem>>
        %gather3A_2731 = tpu.vector_load_idx %gather3A_2730[%add3A_5, %broadcast_in_dim3A_2712] : memref<32x128xf32, #tpu.memory_space<vmem>>[vector<16xi32>, vector<16xi32>], vector<16xf32>,
        tpu.vector_store_idx %arg12[%add3A_5, %broadcast_in_dim3A_2716], %gather3A_2731 : memref<32x512xf32, #tpu.memory_space<vmem>>[vector<16xi32>, vector<16xi32>], vector<16xf32>,
        %gather3A_2732 = arith.constant 0 : i32
        %gather3A_2733 = arith.constant 0 : i32
        %gather3A_2734 = tpu.memref_slice %arg11[%rem3A_1495, %gather3A_2732, %gather3A_2733] : memref<10x32x128xf32, #tpu.memory_space<vmem>> -> memref<1x32x128xf32, #tpu.memory_space<vmem>>
        %gather3A_2735 = tpu.memref_squeeze %gather3A_2734 : memref<1x32x128xf32, #tpu.memory_space<vmem>> -> memref<32x128xf32, #tpu.memory_space<vmem>>
        %gather3A_2736 = tpu.vector_load_idx %gather3A_2735[%add3A_5, %broadcast_in_dim3A_2715] : memref<32x128xf32, #tpu.memory_space<vmem>>[vector<16xi32>, vector<16xi32>], vector<16xf32>,
        tpu.vector_store_idx %arg13[%add3A_5, %broadcast_in_dim3A_2716], %gather3A_2736 : memref<32x512xf32, #tpu.memory_space<vmem>>[vector<16xi32>, vector<16xi32>], vector<16xf32>,
      } else {
      }
      %slice3A_1505 = vector.extract_strided_slice %get3A_682 {offsets = [8], sizes = [1], strides = [1]} : vector<16xi32> to vector<1xi32>
      %squeeze3A_1506 = vector.extract %slice3A_1505[0] : i32 from vector<1xi32>
      %slice3A_1507 = vector.extract_strided_slice %get3A_684 {offsets = [8], sizes = [1], strides = [1]} : vector<16xi32> to vector<1xi32>
      %squeeze3A_1508 = vector.extract %slice3A_1507[0] : i32 from vector<1xi32>
      %jit3A_1509 = arith.constant 128 : i32
      %div3A_1510 = arith.divsi %squeeze3A_1506, %jit3A_1509 : i32
      %sign3A_1511 = arith.constant 0 : i32
      %sign3A_1512 = arith.cmpi sgt, %squeeze3A_1506, %sign3A_1511 : i32
      %sign3A_1513 = arith.extui %sign3A_1512 : i1 to i32
      %sign3A_1514 = arith.constant 0 : i32
      %sign3A_1515 = arith.cmpi slt, %squeeze3A_1506, %sign3A_1514 : i32
      %sign3A_1516 = arith.extui %sign3A_1515 : i1 to i32
      %sign3A_1517 = arith.subi %sign3A_1513, %sign3A_1516 : i32
      %sign3A_1518 = arith.constant 0 : i32
      %sign3A_1519 = arith.cmpi sgt, %jit3A_1509, %sign3A_1518 : i32
      %sign3A_1520 = arith.extui %sign3A_1519 : i1 to i32
      %sign3A_1521 = arith.constant 0 : i32
      %sign3A_1522 = arith.cmpi slt, %jit3A_1509, %sign3A_1521 : i32
      %sign3A_1523 = arith.extui %sign3A_1522 : i1 to i32
      %sign3A_1524 = arith.subi %sign3A_1520, %sign3A_1523 : i32
      %ne3A_1525 = arith.cmpi ne, %sign3A_1517, %sign3A_1524 : i32
      %rem3A_1526 = arith.remsi %squeeze3A_1506, %jit3A_1509 : i32
      %ne3A_1527 = arith.constant 0 : i32
      %ne3A_1528 = arith.cmpi ne, %rem3A_1526, %ne3A_1527 : i32
      %and3A_1529 = arith.andi %ne3A_1525, %ne3A_1528 : i1
      %sub3A_1530 = arith.constant 1 : i32
      %sub3A_1531 = arith.subi %div3A_1510, %sub3A_1530 : i32
      %select_n3A_1532 = arith.select %and3A_1529, %sub3A_1531, %div3A_1510 : i32
      %mul3A_1533 = arith.constant 128 : i32
      %mul3A_1534 = arith.muli %select_n3A_1532, %mul3A_1533 : i32
      %multiple_of3A_1535 = tpu.assume_multiple %mul3A_1534, 128 : i32
      %jit3A_1536 = arith.constant 128 : i32
      %div3A_1537 = arith.divsi %squeeze3A_1508, %jit3A_1536 : i32
      %sign3A_1538 = arith.constant 0 : i32
      %sign3A_1539 = arith.cmpi sgt, %squeeze3A_1508, %sign3A_1538 : i32
      %sign3A_1540 = arith.extui %sign3A_1539 : i1 to i32
      %sign3A_1541 = arith.constant 0 : i32
      %sign3A_1542 = arith.cmpi slt, %squeeze3A_1508, %sign3A_1541 : i32
      %sign3A_1543 = arith.extui %sign3A_1542 : i1 to i32
      %sign3A_1544 = arith.subi %sign3A_1540, %sign3A_1543 : i32
      %sign3A_1545 = arith.constant 0 : i32
      %sign3A_1546 = arith.cmpi sgt, %jit3A_1536, %sign3A_1545 : i32
      %sign3A_1547 = arith.extui %sign3A_1546 : i1 to i32
      %sign3A_1548 = arith.constant 0 : i32
      %sign3A_1549 = arith.cmpi slt, %jit3A_1536, %sign3A_1548 : i32
      %sign3A_1550 = arith.extui %sign3A_1549 : i1 to i32
      %sign3A_1551 = arith.subi %sign3A_1547, %sign3A_1550 : i32
      %ne3A_1552 = arith.cmpi ne, %sign3A_1544, %sign3A_1551 : i32
      %rem3A_1553 = arith.remsi %squeeze3A_1508, %jit3A_1536 : i32
      %ne3A_1554 = arith.constant 0 : i32
      %ne3A_1555 = arith.cmpi ne, %rem3A_1553, %ne3A_1554 : i32
      %and3A_1556 = arith.andi %ne3A_1552, %ne3A_1555 : i1
      %sub3A_1557 = arith.constant 1 : i32
      %sub3A_1558 = arith.subi %div3A_1537, %sub3A_1557 : i32
      %select_n3A_1559 = arith.select %and3A_1556, %sub3A_1558, %div3A_1537 : i32
      %mul3A_1560 = arith.constant 128 : i32
      %mul3A_1561 = arith.muli %select_n3A_1559, %mul3A_1560 : i32
      %multiple_of3A_1562 = tpu.assume_multiple %mul3A_1561, 128 : i32
      %dma_start3A_1563 = arith.constant 0 : i32
      %dma_start3A_1564 = arith.constant 0 : i32
      %dma_start3A_1565 = tpu.memref_slice %arg10[%rem3A_1499, %dma_start3A_1563, %dma_start3A_1564] : memref<10x32x128xf32, #tpu.memory_space<vmem>> -> memref<1x32x128xf32, #tpu.memory_space<vmem>>
      %dma_start3A_1566 = tpu.memref_squeeze %dma_start3A_1565 : memref<1x32x128xf32, #tpu.memory_space<vmem>> -> memref<32x128xf32, #tpu.memory_space<vmem>>
      %dma_start3A_1567 = arith.constant 0 : i32
      %dma_start3A_1568 = tpu.memref_slice %arg2[%dma_start3A_1567, %multiple_of3A_1535] : memref<32x1000000xf32, #tpu.memory_space<hbm>> -> memref<32x128xf32, #tpu.memory_space<hbm>>
      %dma_start3A_1569 = tpu.memref_slice %arg14[%rem3A_1499] : memref<10x!tpu.dma_semaphore, #tpu.memory_space<semaphore_mem>> -> memref<1x!tpu.dma_semaphore, #tpu.memory_space<semaphore_mem>>
      %dma_start3A_1570 = tpu.memref_squeeze %dma_start3A_1569 : memref<1x!tpu.dma_semaphore, #tpu.memory_space<semaphore_mem>> -> memref<!tpu.dma_semaphore, #tpu.memory_space<semaphore_mem>>
      %dma_start3A_1571 = arith.constant 0 : i32
      %dma_start3A_1572 = arith.constant 0 : i32
      %dma_start3A_1573 = tpu.memref_slice %arg10[%rem3A_1499, %dma_start3A_1571, %dma_start3A_1572] : memref<10x32x128xf32, #tpu.memory_space<vmem>> -> memref<1x32x128xf32, #tpu.memory_space<vmem>>
      %dma_start3A_1574 = tpu.memref_squeeze %dma_start3A_1573 : memref<1x32x128xf32, #tpu.memory_space<vmem>> -> memref<32x128xf32, #tpu.memory_space<vmem>>
      %dma_start3A_1575 = arith.constant 0 : i32
      %dma_start3A_1576 = tpu.memref_slice %arg2[%dma_start3A_1575, %multiple_of3A_1535] : memref<32x1000000xf32, #tpu.memory_space<hbm>> -> memref<32x128xf32, #tpu.memory_space<hbm>>
      tpu.enqueue_dma source(%dma_start3A_1576 : memref<32x128xf32, #tpu.memory_space<hbm>>) target(%dma_start3A_1574 : memref<32x128xf32, #tpu.memory_space<vmem>>) target_semaphore(%dma_start3A_1570 : memref<!tpu.dma_semaphore, #tpu.memory_space<semaphore_mem>>)
      %dma_start3A_1577 = arith.constant 0 : i32
      %dma_start3A_1578 = arith.constant 0 : i32
      %dma_start3A_1579 = tpu.memref_slice %arg11[%rem3A_1499, %dma_start3A_1577, %dma_start3A_1578] : memref<10x32x128xf32, #tpu.memory_space<vmem>> -> memref<1x32x128xf32, #tpu.memory_space<vmem>>
      %dma_start3A_1580 = tpu.memref_squeeze %dma_start3A_1579 : memref<1x32x128xf32, #tpu.memory_space<vmem>> -> memref<32x128xf32, #tpu.memory_space<vmem>>
      %dma_start3A_1581 = arith.constant 0 : i32
      %dma_start3A_1582 = tpu.memref_slice %arg3[%dma_start3A_1581, %multiple_of3A_1562] : memref<32x100000xf32, #tpu.memory_space<hbm>> -> memref<32x128xf32, #tpu.memory_space<hbm>>
      %dma_start3A_1583 = tpu.memref_slice %arg15[%rem3A_1499] : memref<10x!tpu.dma_semaphore, #tpu.memory_space<semaphore_mem>> -> memref<1x!tpu.dma_semaphore, #tpu.memory_space<semaphore_mem>>
      %dma_start3A_1584 = tpu.memref_squeeze %dma_start3A_1583 : memref<1x!tpu.dma_semaphore, #tpu.memory_space<semaphore_mem>> -> memref<!tpu.dma_semaphore, #tpu.memory_space<semaphore_mem>>
      %dma_start3A_1585 = arith.constant 0 : i32
      %dma_start3A_1586 = arith.constant 0 : i32
      %dma_start3A_1587 = tpu.memref_slice %arg11[%rem3A_1499, %dma_start3A_1585, %dma_start3A_1586] : memref<10x32x128xf32, #tpu.memory_space<vmem>> -> memref<1x32x128xf32, #tpu.memory_space<vmem>>
      %dma_start3A_1588 = tpu.memref_squeeze %dma_start3A_1587 : memref<1x32x128xf32, #tpu.memory_space<vmem>> -> memref<32x128xf32, #tpu.memory_space<vmem>>
      %dma_start3A_1589 = arith.constant 0 : i32
      %dma_start3A_1590 = tpu.memref_slice %arg3[%dma_start3A_1589, %multiple_of3A_1562] : memref<32x100000xf32, #tpu.memory_space<hbm>> -> memref<32x128xf32, #tpu.memory_space<hbm>>
      tpu.enqueue_dma source(%dma_start3A_1590 : memref<32x128xf32, #tpu.memory_space<hbm>>) target(%dma_start3A_1588 : memref<32x128xf32, #tpu.memory_space<vmem>>) target_semaphore(%dma_start3A_1584 : memref<!tpu.dma_semaphore, #tpu.memory_space<semaphore_mem>>)
      %add3A_1591 = arith.constant 9 : i32
      %add3A_1592 = arith.addi %mul3A_680, %add3A_1591 : i32
      %sub3A_1593 = arith.constant 10 : i32
      %sub3A_1594 = arith.subi %add3A_1592, %sub3A_1593 : i32
      %rem3A_1595 = arith.constant 10 : i32
      %rem3A_1596 = arith.remsi %sub3A_1594, %rem3A_1595 : i32
      %add3A_1597 = arith.constant 9 : i32
      %add3A_1598 = arith.addi %mul3A_680, %add3A_1597 : i32
      %rem3A_1599 = arith.constant 10 : i32
      %rem3A_1600 = arith.remsi %add3A_1598, %rem3A_1599 : i32
      %gt3A_1601 = arith.constant 0 : i32
      %gt3A_1602 = arith.cmpi sgt, %scan3A_678, %gt3A_1601 : i32
      %convert_element_type3A_1603 = arith.extui %gt3A_1602 : i1 to i32
      %cond3A_1604 = arith.constant 0 : i32
      %cond3A_1605 = arith.cmpi ne, %convert_element_type3A_1603, %cond3A_1604 : i32
      scf.if %cond3A_1605 {
        %slice3A_2670 = vector.extract_strided_slice %get3A_690 {offsets = [15], sizes = [1], strides = [1]} : vector<16xi32> to vector<1xi32>
        %squeeze3A_2671 = vector.extract %slice3A_2670[0] : i32 from vector<1xi32>
        %slice3A_2672 = vector.extract_strided_slice %get3A_692 {offsets = [15], sizes = [1], strides = [1]} : vector<16xi32> to vector<1xi32>
        %squeeze3A_2673 = vector.extract %slice3A_2672[0] : i32 from vector<1xi32>
        %add3A_2674 = arith.constant 9 : i32
        %add3A_2675 = arith.addi %mul3A_680, %add3A_2674 : i32
        %sub3A_2676 = arith.constant 10 : i32
        %sub3A_2677 = arith.subi %add3A_2675, %sub3A_2676 : i32
        %dma_wait3A_2678 = arith.constant 0 : i32
        %dma_wait3A_2679 = arith.constant 0 : i32
        %dma_wait3A_2680 = tpu.memref_slice %arg10[%rem3A_1596, %dma_wait3A_2678, %dma_wait3A_2679] : memref<10x32x128xf32, #tpu.memory_space<vmem>> -> memref<1x32x128xf32, #tpu.memory_space<vmem>>
        %dma_wait3A_2681 = tpu.memref_squeeze %dma_wait3A_2680 : memref<1x32x128xf32, #tpu.memory_space<vmem>> -> memref<32x128xf32, #tpu.memory_space<vmem>>
        %dma_wait3A_2682 = arith.constant 0 : i32
        %dma_wait3A_2683 = arith.constant 0 : i32
        %dma_wait3A_2684 = tpu.memref_slice %arg2[%dma_wait3A_2682, %dma_wait3A_2683] : memref<32x1000000xf32, #tpu.memory_space<hbm>> -> memref<32x128xf32, #tpu.memory_space<hbm>>
        %dma_wait3A_2685 = tpu.memref_slice %arg14[%rem3A_1596] : memref<10x!tpu.dma_semaphore, #tpu.memory_space<semaphore_mem>> -> memref<1x!tpu.dma_semaphore, #tpu.memory_space<semaphore_mem>>
        %dma_wait3A_2686 = tpu.memref_squeeze %dma_wait3A_2685 : memref<1x!tpu.dma_semaphore, #tpu.memory_space<semaphore_mem>> -> memref<!tpu.dma_semaphore, #tpu.memory_space<semaphore_mem>>
        %dma_wait3A_2687 = arith.constant 0 : i32
        %dma_wait3A_2688 = arith.constant 0 : i32
        %dma_wait3A_2689 = tpu.memref_slice %arg10[%rem3A_1596, %dma_wait3A_2687, %dma_wait3A_2688] : memref<10x32x128xf32, #tpu.memory_space<vmem>> -> memref<1x32x128xf32, #tpu.memory_space<vmem>>
        %dma_wait3A_2690 = tpu.memref_squeeze %dma_wait3A_2689 : memref<1x32x128xf32, #tpu.memory_space<vmem>> -> memref<32x128xf32, #tpu.memory_space<vmem>>
        %dma_wait3A_2691 = arith.constant 0 : i32
        %dma_wait3A_2692 = arith.constant 0 : i32
        %dma_wait3A_2693 = tpu.memref_slice %arg2[%dma_wait3A_2691, %dma_wait3A_2692] : memref<32x1000000xf32, #tpu.memory_space<hbm>> -> memref<32x128xf32, #tpu.memory_space<hbm>>
        tpu.wait_dma2 semaphore(%dma_wait3A_2686 : memref<!tpu.dma_semaphore, #tpu.memory_space<semaphore_mem>>) src(%dma_wait3A_2693 : memref<32x128xf32, #tpu.memory_space<hbm>>) dst(%dma_wait3A_2690 : memref<32x128xf32, #tpu.memory_space<vmem>>)
        %dma_wait3A_2694 = arith.constant 0 : i32
        %dma_wait3A_2695 = arith.constant 0 : i32
        %dma_wait3A_2696 = tpu.memref_slice %arg11[%rem3A_1596, %dma_wait3A_2694, %dma_wait3A_2695] : memref<10x32x128xf32, #tpu.memory_space<vmem>> -> memref<1x32x128xf32, #tpu.memory_space<vmem>>
        %dma_wait3A_2697 = tpu.memref_squeeze %dma_wait3A_2696 : memref<1x32x128xf32, #tpu.memory_space<vmem>> -> memref<32x128xf32, #tpu.memory_space<vmem>>
        %dma_wait3A_2698 = arith.constant 0 : i32
        %dma_wait3A_2699 = arith.constant 0 : i32
        %dma_wait3A_2700 = tpu.memref_slice %arg3[%dma_wait3A_2698, %dma_wait3A_2699] : memref<32x100000xf32, #tpu.memory_space<hbm>> -> memref<32x128xf32, #tpu.memory_space<hbm>>
        %dma_wait3A_2701 = tpu.memref_slice %arg15[%rem3A_1596] : memref<10x!tpu.dma_semaphore, #tpu.memory_space<semaphore_mem>> -> memref<1x!tpu.dma_semaphore, #tpu.memory_space<semaphore_mem>>
        %dma_wait3A_2702 = tpu.memref_squeeze %dma_wait3A_2701 : memref<1x!tpu.dma_semaphore, #tpu.memory_space<semaphore_mem>> -> memref<!tpu.dma_semaphore, #tpu.memory_space<semaphore_mem>>
        %dma_wait3A_2703 = arith.constant 0 : i32
        %dma_wait3A_2704 = arith.constant 0 : i32
        %dma_wait3A_2705 = tpu.memref_slice %arg11[%rem3A_1596, %dma_wait3A_2703, %dma_wait3A_2704] : memref<10x32x128xf32, #tpu.memory_space<vmem>> -> memref<1x32x128xf32, #tpu.memory_space<vmem>>
        %dma_wait3A_2706 = tpu.memref_squeeze %dma_wait3A_2705 : memref<1x32x128xf32, #tpu.memory_space<vmem>> -> memref<32x128xf32, #tpu.memory_space<vmem>>
        %dma_wait3A_2707 = arith.constant 0 : i32
        %dma_wait3A_2708 = arith.constant 0 : i32
        %dma_wait3A_2709 = tpu.memref_slice %arg3[%dma_wait3A_2707, %dma_wait3A_2708] : memref<32x100000xf32, #tpu.memory_space<hbm>> -> memref<32x128xf32, #tpu.memory_space<hbm>>
        tpu.wait_dma2 semaphore(%dma_wait3A_2702 : memref<!tpu.dma_semaphore, #tpu.memory_space<semaphore_mem>>) src(%dma_wait3A_2709 : memref<32x128xf32, #tpu.memory_space<hbm>>) dst(%dma_wait3A_2706 : memref<32x128xf32, #tpu.memory_space<vmem>>)
        %rem3A_2710 = arith.constant 128 : i32
        %rem3A_2711 = arith.remsi %squeeze3A_2671, %rem3A_2710 : i32
        %broadcast_in_dim3A_2712 = vector.broadcast %rem3A_2711 : i32 to vector<16xi32>
        %rem3A_2713 = arith.constant 128 : i32
        %rem3A_2714 = arith.remsi %squeeze3A_2673, %rem3A_2713 : i32
        %broadcast_in_dim3A_2715 = vector.broadcast %rem3A_2714 : i32 to vector<16xi32>
        %broadcast_in_dim3A_2716 = vector.broadcast %sub3A_2677 : i32 to vector<16xi32>
        %gather3A_2717 = arith.constant 0 : i32
        %gather3A_2718 = arith.constant 0 : i32
        %gather3A_2719 = tpu.memref_slice %arg10[%rem3A_1596, %gather3A_2717, %gather3A_2718] : memref<10x32x128xf32, #tpu.memory_space<vmem>> -> memref<1x32x128xf32, #tpu.memory_space<vmem>>
        %gather3A_2720 = tpu.memref_squeeze %gather3A_2719 : memref<1x32x128xf32, #tpu.memory_space<vmem>> -> memref<32x128xf32, #tpu.memory_space<vmem>>
        %gather3A_2721 = tpu.vector_load_idx %gather3A_2720[%iota3A, %broadcast_in_dim3A_2712] : memref<32x128xf32, #tpu.memory_space<vmem>>[vector<16xi32>, vector<16xi32>], vector<16xf32>,
        tpu.vector_store_idx %arg12[%iota3A, %broadcast_in_dim3A_2716], %gather3A_2721 : memref<32x512xf32, #tpu.memory_space<vmem>>[vector<16xi32>, vector<16xi32>], vector<16xf32>,
        %gather3A_2722 = arith.constant 0 : i32
        %gather3A_2723 = arith.constant 0 : i32
        %gather3A_2724 = tpu.memref_slice %arg11[%rem3A_1596, %gather3A_2722, %gather3A_2723] : memref<10x32x128xf32, #tpu.memory_space<vmem>> -> memref<1x32x128xf32, #tpu.memory_space<vmem>>
        %gather3A_2725 = tpu.memref_squeeze %gather3A_2724 : memref<1x32x128xf32, #tpu.memory_space<vmem>> -> memref<32x128xf32, #tpu.memory_space<vmem>>
        %gather3A_2726 = tpu.vector_load_idx %gather3A_2725[%iota3A, %broadcast_in_dim3A_2715] : memref<32x128xf32, #tpu.memory_space<vmem>>[vector<16xi32>, vector<16xi32>], vector<16xf32>,
        tpu.vector_store_idx %arg13[%iota3A, %broadcast_in_dim3A_2716], %gather3A_2726 : memref<32x512xf32, #tpu.memory_space<vmem>>[vector<16xi32>, vector<16xi32>], vector<16xf32>,
        %gather3A_2727 = arith.constant 0 : i32
        %gather3A_2728 = arith.constant 0 : i32
        %gather3A_2729 = tpu.memref_slice %arg10[%rem3A_1596, %gather3A_2727, %gather3A_2728] : memref<10x32x128xf32, #tpu.memory_space<vmem>> -> memref<1x32x128xf32, #tpu.memory_space<vmem>>
        %gather3A_2730 = tpu.memref_squeeze %gather3A_2729 : memref<1x32x128xf32, #tpu.memory_space<vmem>> -> memref<32x128xf32, #tpu.memory_space<vmem>>
        %gather3A_2731 = tpu.vector_load_idx %gather3A_2730[%add3A_5, %broadcast_in_dim3A_2712] : memref<32x128xf32, #tpu.memory_space<vmem>>[vector<16xi32>, vector<16xi32>], vector<16xf32>,
        tpu.vector_store_idx %arg12[%add3A_5, %broadcast_in_dim3A_2716], %gather3A_2731 : memref<32x512xf32, #tpu.memory_space<vmem>>[vector<16xi32>, vector<16xi32>], vector<16xf32>,
        %gather3A_2732 = arith.constant 0 : i32
        %gather3A_2733 = arith.constant 0 : i32
        %gather3A_2734 = tpu.memref_slice %arg11[%rem3A_1596, %gather3A_2732, %gather3A_2733] : memref<10x32x128xf32, #tpu.memory_space<vmem>> -> memref<1x32x128xf32, #tpu.memory_space<vmem>>
        %gather3A_2735 = tpu.memref_squeeze %gather3A_2734 : memref<1x32x128xf32, #tpu.memory_space<vmem>> -> memref<32x128xf32, #tpu.memory_space<vmem>>
        %gather3A_2736 = tpu.vector_load_idx %gather3A_2735[%add3A_5, %broadcast_in_dim3A_2715] : memref<32x128xf32, #tpu.memory_space<vmem>>[vector<16xi32>, vector<16xi32>], vector<16xf32>,
        tpu.vector_store_idx %arg13[%add3A_5, %broadcast_in_dim3A_2716], %gather3A_2736 : memref<32x512xf32, #tpu.memory_space<vmem>>[vector<16xi32>, vector<16xi32>], vector<16xf32>,
      } else {
      }
      %slice3A_1606 = vector.extract_strided_slice %get3A_682 {offsets = [9], sizes = [1], strides = [1]} : vector<16xi32> to vector<1xi32>
      %squeeze3A_1607 = vector.extract %slice3A_1606[0] : i32 from vector<1xi32>
      %slice3A_1608 = vector.extract_strided_slice %get3A_684 {offsets = [9], sizes = [1], strides = [1]} : vector<16xi32> to vector<1xi32>
      %squeeze3A_1609 = vector.extract %slice3A_1608[0] : i32 from vector<1xi32>
      %jit3A_1610 = arith.constant 128 : i32
      %div3A_1611 = arith.divsi %squeeze3A_1607, %jit3A_1610 : i32
      %sign3A_1612 = arith.constant 0 : i32
      %sign3A_1613 = arith.cmpi sgt, %squeeze3A_1607, %sign3A_1612 : i32
      %sign3A_1614 = arith.extui %sign3A_1613 : i1 to i32
      %sign3A_1615 = arith.constant 0 : i32
      %sign3A_1616 = arith.cmpi slt, %squeeze3A_1607, %sign3A_1615 : i32
      %sign3A_1617 = arith.extui %sign3A_1616 : i1 to i32
      %sign3A_1618 = arith.subi %sign3A_1614, %sign3A_1617 : i32
      %sign3A_1619 = arith.constant 0 : i32
      %sign3A_1620 = arith.cmpi sgt, %jit3A_1610, %sign3A_1619 : i32
      %sign3A_1621 = arith.extui %sign3A_1620 : i1 to i32
      %sign3A_1622 = arith.constant 0 : i32
      %sign3A_1623 = arith.cmpi slt, %jit3A_1610, %sign3A_1622 : i32
      %sign3A_1624 = arith.extui %sign3A_1623 : i1 to i32
      %sign3A_1625 = arith.subi %sign3A_1621, %sign3A_1624 : i32
      %ne3A_1626 = arith.cmpi ne, %sign3A_1618, %sign3A_1625 : i32
      %rem3A_1627 = arith.remsi %squeeze3A_1607, %jit3A_1610 : i32
      %ne3A_1628 = arith.constant 0 : i32
      %ne3A_1629 = arith.cmpi ne, %rem3A_1627, %ne3A_1628 : i32
      %and3A_1630 = arith.andi %ne3A_1626, %ne3A_1629 : i1
      %sub3A_1631 = arith.constant 1 : i32
      %sub3A_1632 = arith.subi %div3A_1611, %sub3A_1631 : i32
      %select_n3A_1633 = arith.select %and3A_1630, %sub3A_1632, %div3A_1611 : i32
      %mul3A_1634 = arith.constant 128 : i32
      %mul3A_1635 = arith.muli %select_n3A_1633, %mul3A_1634 : i32
      %multiple_of3A_1636 = tpu.assume_multiple %mul3A_1635, 128 : i32
      %jit3A_1637 = arith.constant 128 : i32
      %div3A_1638 = arith.divsi %squeeze3A_1609, %jit3A_1637 : i32
      %sign3A_1639 = arith.constant 0 : i32
      %sign3A_1640 = arith.cmpi sgt, %squeeze3A_1609, %sign3A_1639 : i32
      %sign3A_1641 = arith.extui %sign3A_1640 : i1 to i32
      %sign3A_1642 = arith.constant 0 : i32
      %sign3A_1643 = arith.cmpi slt, %squeeze3A_1609, %sign3A_1642 : i32
      %sign3A_1644 = arith.extui %sign3A_1643 : i1 to i32
      %sign3A_1645 = arith.subi %sign3A_1641, %sign3A_1644 : i32
      %sign3A_1646 = arith.constant 0 : i32
      %sign3A_1647 = arith.cmpi sgt, %jit3A_1637, %sign3A_1646 : i32
      %sign3A_1648 = arith.extui %sign3A_1647 : i1 to i32
      %sign3A_1649 = arith.constant 0 : i32
      %sign3A_1650 = arith.cmpi slt, %jit3A_1637, %sign3A_1649 : i32
      %sign3A_1651 = arith.extui %sign3A_1650 : i1 to i32
      %sign3A_1652 = arith.subi %sign3A_1648, %sign3A_1651 : i32
      %ne3A_1653 = arith.cmpi ne, %sign3A_1645, %sign3A_1652 : i32
      %rem3A_1654 = arith.remsi %squeeze3A_1609, %jit3A_1637 : i32
      %ne3A_1655 = arith.constant 0 : i32
      %ne3A_1656 = arith.cmpi ne, %rem3A_1654, %ne3A_1655 : i32
      %and3A_1657 = arith.andi %ne3A_1653, %ne3A_1656 : i1
      %sub3A_1658 = arith.constant 1 : i32
      %sub3A_1659 = arith.subi %div3A_1638, %sub3A_1658 : i32
      %select_n3A_1660 = arith.select %and3A_1657, %sub3A_1659, %div3A_1638 : i32
      %mul3A_1661 = arith.constant 128 : i32
      %mul3A_1662 = arith.muli %select_n3A_1660, %mul3A_1661 : i32
      %multiple_of3A_1663 = tpu.assume_multiple %mul3A_1662, 128 : i32
      %dma_start3A_1664 = arith.constant 0 : i32
      %dma_start3A_1665 = arith.constant 0 : i32
      %dma_start3A_1666 = tpu.memref_slice %arg10[%rem3A_1600, %dma_start3A_1664, %dma_start3A_1665] : memref<10x32x128xf32, #tpu.memory_space<vmem>> -> memref<1x32x128xf32, #tpu.memory_space<vmem>>
      %dma_start3A_1667 = tpu.memref_squeeze %dma_start3A_1666 : memref<1x32x128xf32, #tpu.memory_space<vmem>> -> memref<32x128xf32, #tpu.memory_space<vmem>>
      %dma_start3A_1668 = arith.constant 0 : i32
      %dma_start3A_1669 = tpu.memref_slice %arg2[%dma_start3A_1668, %multiple_of3A_1636] : memref<32x1000000xf32, #tpu.memory_space<hbm>> -> memref<32x128xf32, #tpu.memory_space<hbm>>
      %dma_start3A_1670 = tpu.memref_slice %arg14[%rem3A_1600] : memref<10x!tpu.dma_semaphore, #tpu.memory_space<semaphore_mem>> -> memref<1x!tpu.dma_semaphore, #tpu.memory_space<semaphore_mem>>
      %dma_start3A_1671 = tpu.memref_squeeze %dma_start3A_1670 : memref<1x!tpu.dma_semaphore, #tpu.memory_space<semaphore_mem>> -> memref<!tpu.dma_semaphore, #tpu.memory_space<semaphore_mem>>
      %dma_start3A_1672 = arith.constant 0 : i32
      %dma_start3A_1673 = arith.constant 0 : i32
      %dma_start3A_1674 = tpu.memref_slice %arg10[%rem3A_1600, %dma_start3A_1672, %dma_start3A_1673] : memref<10x32x128xf32, #tpu.memory_space<vmem>> -> memref<1x32x128xf32, #tpu.memory_space<vmem>>
      %dma_start3A_1675 = tpu.memref_squeeze %dma_start3A_1674 : memref<1x32x128xf32, #tpu.memory_space<vmem>> -> memref<32x128xf32, #tpu.memory_space<vmem>>
      %dma_start3A_1676 = arith.constant 0 : i32
      %dma_start3A_1677 = tpu.memref_slice %arg2[%dma_start3A_1676, %multiple_of3A_1636] : memref<32x1000000xf32, #tpu.memory_space<hbm>> -> memref<32x128xf32, #tpu.memory_space<hbm>>
      tpu.enqueue_dma source(%dma_start3A_1677 : memref<32x128xf32, #tpu.memory_space<hbm>>) target(%dma_start3A_1675 : memref<32x128xf32, #tpu.memory_space<vmem>>) target_semaphore(%dma_start3A_1671 : memref<!tpu.dma_semaphore, #tpu.memory_space<semaphore_mem>>)
      %dma_start3A_1678 = arith.constant 0 : i32
      %dma_start3A_1679 = arith.constant 0 : i32
      %dma_start3A_1680 = tpu.memref_slice %arg11[%rem3A_1600, %dma_start3A_1678, %dma_start3A_1679] : memref<10x32x128xf32, #tpu.memory_space<vmem>> -> memref<1x32x128xf32, #tpu.memory_space<vmem>>
      %dma_start3A_1681 = tpu.memref_squeeze %dma_start3A_1680 : memref<1x32x128xf32, #tpu.memory_space<vmem>> -> memref<32x128xf32, #tpu.memory_space<vmem>>
      %dma_start3A_1682 = arith.constant 0 : i32
      %dma_start3A_1683 = tpu.memref_slice %arg3[%dma_start3A_1682, %multiple_of3A_1663] : memref<32x100000xf32, #tpu.memory_space<hbm>> -> memref<32x128xf32, #tpu.memory_space<hbm>>
      %dma_start3A_1684 = tpu.memref_slice %arg15[%rem3A_1600] : memref<10x!tpu.dma_semaphore, #tpu.memory_space<semaphore_mem>> -> memref<1x!tpu.dma_semaphore, #tpu.memory_space<semaphore_mem>>
      %dma_start3A_1685 = tpu.memref_squeeze %dma_start3A_1684 : memref<1x!tpu.dma_semaphore, #tpu.memory_space<semaphore_mem>> -> memref<!tpu.dma_semaphore, #tpu.memory_space<semaphore_mem>>
      %dma_start3A_1686 = arith.constant 0 : i32
      %dma_start3A_1687 = arith.constant 0 : i32
      %dma_start3A_1688 = tpu.memref_slice %arg11[%rem3A_1600, %dma_start3A_1686, %dma_start3A_1687] : memref<10x32x128xf32, #tpu.memory_space<vmem>> -> memref<1x32x128xf32, #tpu.memory_space<vmem>>
      %dma_start3A_1689 = tpu.memref_squeeze %dma_start3A_1688 : memref<1x32x128xf32, #tpu.memory_space<vmem>> -> memref<32x128xf32, #tpu.memory_space<vmem>>
      %dma_start3A_1690 = arith.constant 0 : i32
      %dma_start3A_1691 = tpu.memref_slice %arg3[%dma_start3A_1690, %multiple_of3A_1663] : memref<32x100000xf32, #tpu.memory_space<hbm>> -> memref<32x128xf32, #tpu.memory_space<hbm>>
      tpu.enqueue_dma source(%dma_start3A_1691 : memref<32x128xf32, #tpu.memory_space<hbm>>) target(%dma_start3A_1689 : memref<32x128xf32, #tpu.memory_space<vmem>>) target_semaphore(%dma_start3A_1685 : memref<!tpu.dma_semaphore, #tpu.memory_space<semaphore_mem>>)
      %add3A_1692 = arith.constant 10 : i32
      %add3A_1693 = arith.addi %mul3A_680, %add3A_1692 : i32
      %sub3A_1694 = arith.constant 10 : i32
      %sub3A_1695 = arith.subi %add3A_1693, %sub3A_1694 : i32
      %rem3A_1696 = arith.constant 10 : i32
      %rem3A_1697 = arith.remsi %sub3A_1695, %rem3A_1696 : i32
      %add3A_1698 = arith.constant 10 : i32
      %add3A_1699 = arith.addi %mul3A_680, %add3A_1698 : i32
      %rem3A_1700 = arith.constant 10 : i32
      %rem3A_1701 = arith.remsi %add3A_1699, %rem3A_1700 : i32
      %slice3A_1702 = vector.extract_strided_slice %get3A_682 {offsets = [0], sizes = [1], strides = [1]} : vector<16xi32> to vector<1xi32>
      %squeeze3A_1703 = vector.extract %slice3A_1702[0] : i32 from vector<1xi32>
      %slice3A_1704 = vector.extract_strided_slice %get3A_684 {offsets = [0], sizes = [1], strides = [1]} : vector<16xi32> to vector<1xi32>
      %squeeze3A_1705 = vector.extract %slice3A_1704[0] : i32 from vector<1xi32>
      %add3A_1706 = arith.constant 10 : i32
      %add3A_1707 = arith.addi %mul3A_680, %add3A_1706 : i32
      %sub3A_1708 = arith.constant 10 : i32
      %sub3A_1709 = arith.subi %add3A_1707, %sub3A_1708 : i32
      %dma_wait3A_1710 = arith.constant 0 : i32
      %dma_wait3A_1711 = arith.constant 0 : i32
      %dma_wait3A_1712 = tpu.memref_slice %arg10[%rem3A_1697, %dma_wait3A_1710, %dma_wait3A_1711] : memref<10x32x128xf32, #tpu.memory_space<vmem>> -> memref<1x32x128xf32, #tpu.memory_space<vmem>>
      %dma_wait3A_1713 = tpu.memref_squeeze %dma_wait3A_1712 : memref<1x32x128xf32, #tpu.memory_space<vmem>> -> memref<32x128xf32, #tpu.memory_space<vmem>>
      %dma_wait3A_1714 = arith.constant 0 : i32
      %dma_wait3A_1715 = arith.constant 0 : i32
      %dma_wait3A_1716 = tpu.memref_slice %arg2[%dma_wait3A_1714, %dma_wait3A_1715] : memref<32x1000000xf32, #tpu.memory_space<hbm>> -> memref<32x128xf32, #tpu.memory_space<hbm>>
      %dma_wait3A_1717 = tpu.memref_slice %arg14[%rem3A_1697] : memref<10x!tpu.dma_semaphore, #tpu.memory_space<semaphore_mem>> -> memref<1x!tpu.dma_semaphore, #tpu.memory_space<semaphore_mem>>
      %dma_wait3A_1718 = tpu.memref_squeeze %dma_wait3A_1717 : memref<1x!tpu.dma_semaphore, #tpu.memory_space<semaphore_mem>> -> memref<!tpu.dma_semaphore, #tpu.memory_space<semaphore_mem>>
      %dma_wait3A_1719 = arith.constant 0 : i32
      %dma_wait3A_1720 = arith.constant 0 : i32
      %dma_wait3A_1721 = tpu.memref_slice %arg10[%rem3A_1697, %dma_wait3A_1719, %dma_wait3A_1720] : memref<10x32x128xf32, #tpu.memory_space<vmem>> -> memref<1x32x128xf32, #tpu.memory_space<vmem>>
      %dma_wait3A_1722 = tpu.memref_squeeze %dma_wait3A_1721 : memref<1x32x128xf32, #tpu.memory_space<vmem>> -> memref<32x128xf32, #tpu.memory_space<vmem>>
      %dma_wait3A_1723 = arith.constant 0 : i32
      %dma_wait3A_1724 = arith.constant 0 : i32
      %dma_wait3A_1725 = tpu.memref_slice %arg2[%dma_wait3A_1723, %dma_wait3A_1724] : memref<32x1000000xf32, #tpu.memory_space<hbm>> -> memref<32x128xf32, #tpu.memory_space<hbm>>
      tpu.wait_dma2 semaphore(%dma_wait3A_1718 : memref<!tpu.dma_semaphore, #tpu.memory_space<semaphore_mem>>) src(%dma_wait3A_1725 : memref<32x128xf32, #tpu.memory_space<hbm>>) dst(%dma_wait3A_1722 : memref<32x128xf32, #tpu.memory_space<vmem>>)
      %dma_wait3A_1726 = arith.constant 0 : i32
      %dma_wait3A_1727 = arith.constant 0 : i32
      %dma_wait3A_1728 = tpu.memref_slice %arg11[%rem3A_1697, %dma_wait3A_1726, %dma_wait3A_1727] : memref<10x32x128xf32, #tpu.memory_space<vmem>> -> memref<1x32x128xf32, #tpu.memory_space<vmem>>
      %dma_wait3A_1729 = tpu.memref_squeeze %dma_wait3A_1728 : memref<1x32x128xf32, #tpu.memory_space<vmem>> -> memref<32x128xf32, #tpu.memory_space<vmem>>
      %dma_wait3A_1730 = arith.constant 0 : i32
      %dma_wait3A_1731 = arith.constant 0 : i32
      %dma_wait3A_1732 = tpu.memref_slice %arg3[%dma_wait3A_1730, %dma_wait3A_1731] : memref<32x100000xf32, #tpu.memory_space<hbm>> -> memref<32x128xf32, #tpu.memory_space<hbm>>
      %dma_wait3A_1733 = tpu.memref_slice %arg15[%rem3A_1697] : memref<10x!tpu.dma_semaphore, #tpu.memory_space<semaphore_mem>> -> memref<1x!tpu.dma_semaphore, #tpu.memory_space<semaphore_mem>>
      %dma_wait3A_1734 = tpu.memref_squeeze %dma_wait3A_1733 : memref<1x!tpu.dma_semaphore, #tpu.memory_space<semaphore_mem>> -> memref<!tpu.dma_semaphore, #tpu.memory_space<semaphore_mem>>
      %dma_wait3A_1735 = arith.constant 0 : i32
      %dma_wait3A_1736 = arith.constant 0 : i32
      %dma_wait3A_1737 = tpu.memref_slice %arg11[%rem3A_1697, %dma_wait3A_1735, %dma_wait3A_1736] : memref<10x32x128xf32, #tpu.memory_space<vmem>> -> memref<1x32x128xf32, #tpu.memory_space<vmem>>
      %dma_wait3A_1738 = tpu.memref_squeeze %dma_wait3A_1737 : memref<1x32x128xf32, #tpu.memory_space<vmem>> -> memref<32x128xf32, #tpu.memory_space<vmem>>
      %dma_wait3A_1739 = arith.constant 0 : i32
      %dma_wait3A_1740 = arith.constant 0 : i32
      %dma_wait3A_1741 = tpu.memref_slice %arg3[%dma_wait3A_1739, %dma_wait3A_1740] : memref<32x100000xf32, #tpu.memory_space<hbm>> -> memref<32x128xf32, #tpu.memory_space<hbm>>
      tpu.wait_dma2 semaphore(%dma_wait3A_1734 : memref<!tpu.dma_semaphore, #tpu.memory_space<semaphore_mem>>) src(%dma_wait3A_1741 : memref<32x128xf32, #tpu.memory_space<hbm>>) dst(%dma_wait3A_1738 : memref<32x128xf32, #tpu.memory_space<vmem>>)
      %rem3A_1742 = arith.constant 128 : i32
      %rem3A_1743 = arith.remsi %squeeze3A_1703, %rem3A_1742 : i32
      %broadcast_in_dim3A_1744 = vector.broadcast %rem3A_1743 : i32 to vector<16xi32>
      %rem3A_1745 = arith.constant 128 : i32
      %rem3A_1746 = arith.remsi %squeeze3A_1705, %rem3A_1745 : i32
      %broadcast_in_dim3A_1747 = vector.broadcast %rem3A_1746 : i32 to vector<16xi32>
      %broadcast_in_dim3A_1748 = vector.broadcast %sub3A_1709 : i32 to vector<16xi32>
      %gather3A_1749 = arith.constant 0 : i32
      %gather3A_1750 = arith.constant 0 : i32
      %gather3A_1751 = tpu.memref_slice %arg10[%rem3A_1697, %gather3A_1749, %gather3A_1750] : memref<10x32x128xf32, #tpu.memory_space<vmem>> -> memref<1x32x128xf32, #tpu.memory_space<vmem>>
      %gather3A_1752 = tpu.memref_squeeze %gather3A_1751 : memref<1x32x128xf32, #tpu.memory_space<vmem>> -> memref<32x128xf32, #tpu.memory_space<vmem>>
      %gather3A_1753 = tpu.vector_load_idx %gather3A_1752[%iota3A, %broadcast_in_dim3A_1744] : memref<32x128xf32, #tpu.memory_space<vmem>>[vector<16xi32>, vector<16xi32>], vector<16xf32>,
      tpu.vector_store_idx %arg12[%iota3A, %broadcast_in_dim3A_1748], %gather3A_1753 : memref<32x512xf32, #tpu.memory_space<vmem>>[vector<16xi32>, vector<16xi32>], vector<16xf32>,
      %gather3A_1754 = arith.constant 0 : i32
      %gather3A_1755 = arith.constant 0 : i32
      %gather3A_1756 = tpu.memref_slice %arg11[%rem3A_1697, %gather3A_1754, %gather3A_1755] : memref<10x32x128xf32, #tpu.memory_space<vmem>> -> memref<1x32x128xf32, #tpu.memory_space<vmem>>
      %gather3A_1757 = tpu.memref_squeeze %gather3A_1756 : memref<1x32x128xf32, #tpu.memory_space<vmem>> -> memref<32x128xf32, #tpu.memory_space<vmem>>
      %gather3A_1758 = tpu.vector_load_idx %gather3A_1757[%iota3A, %broadcast_in_dim3A_1747] : memref<32x128xf32, #tpu.memory_space<vmem>>[vector<16xi32>, vector<16xi32>], vector<16xf32>,
      tpu.vector_store_idx %arg13[%iota3A, %broadcast_in_dim3A_1748], %gather3A_1758 : memref<32x512xf32, #tpu.memory_space<vmem>>[vector<16xi32>, vector<16xi32>], vector<16xf32>,
      %gather3A_1759 = arith.constant 0 : i32
      %gather3A_1760 = arith.constant 0 : i32
      %gather3A_1761 = tpu.memref_slice %arg10[%rem3A_1697, %gather3A_1759, %gather3A_1760] : memref<10x32x128xf32, #tpu.memory_space<vmem>> -> memref<1x32x128xf32, #tpu.memory_space<vmem>>
      %gather3A_1762 = tpu.memref_squeeze %gather3A_1761 : memref<1x32x128xf32, #tpu.memory_space<vmem>> -> memref<32x128xf32, #tpu.memory_space<vmem>>
      %gather3A_1763 = tpu.vector_load_idx %gather3A_1762[%add3A_5, %broadcast_in_dim3A_1744] : memref<32x128xf32, #tpu.memory_space<vmem>>[vector<16xi32>, vector<16xi32>], vector<16xf32>,
      tpu.vector_store_idx %arg12[%add3A_5, %broadcast_in_dim3A_1748], %gather3A_1763 : memref<32x512xf32, #tpu.memory_space<vmem>>[vector<16xi32>, vector<16xi32>], vector<16xf32>,
      %gather3A_1764 = arith.constant 0 : i32
      %gather3A_1765 = arith.constant 0 : i32
      %gather3A_1766 = tpu.memref_slice %arg11[%rem3A_1697, %gather3A_1764, %gather3A_1765] : memref<10x32x128xf32, #tpu.memory_space<vmem>> -> memref<1x32x128xf32, #tpu.memory_space<vmem>>
      %gather3A_1767 = tpu.memref_squeeze %gather3A_1766 : memref<1x32x128xf32, #tpu.memory_space<vmem>> -> memref<32x128xf32, #tpu.memory_space<vmem>>
      %gather3A_1768 = tpu.vector_load_idx %gather3A_1767[%add3A_5, %broadcast_in_dim3A_1747] : memref<32x128xf32, #tpu.memory_space<vmem>>[vector<16xi32>, vector<16xi32>], vector<16xf32>,
      tpu.vector_store_idx %arg13[%add3A_5, %broadcast_in_dim3A_1748], %gather3A_1768 : memref<32x512xf32, #tpu.memory_space<vmem>>[vector<16xi32>, vector<16xi32>], vector<16xf32>,
      %slice3A_1769 = vector.extract_strided_slice %get3A_682 {offsets = [10], sizes = [1], strides = [1]} : vector<16xi32> to vector<1xi32>
      %squeeze3A_1770 = vector.extract %slice3A_1769[0] : i32 from vector<1xi32>
      %slice3A_1771 = vector.extract_strided_slice %get3A_684 {offsets = [10], sizes = [1], strides = [1]} : vector<16xi32> to vector<1xi32>
      %squeeze3A_1772 = vector.extract %slice3A_1771[0] : i32 from vector<1xi32>
      %jit3A_1773 = arith.constant 128 : i32
      %div3A_1774 = arith.divsi %squeeze3A_1770, %jit3A_1773 : i32
      %sign3A_1775 = arith.constant 0 : i32
      %sign3A_1776 = arith.cmpi sgt, %squeeze3A_1770, %sign3A_1775 : i32
      %sign3A_1777 = arith.extui %sign3A_1776 : i1 to i32
      %sign3A_1778 = arith.constant 0 : i32
      %sign3A_1779 = arith.cmpi slt, %squeeze3A_1770, %sign3A_1778 : i32
      %sign3A_1780 = arith.extui %sign3A_1779 : i1 to i32
      %sign3A_1781 = arith.subi %sign3A_1777, %sign3A_1780 : i32
      %sign3A_1782 = arith.constant 0 : i32
      %sign3A_1783 = arith.cmpi sgt, %jit3A_1773, %sign3A_1782 : i32
      %sign3A_1784 = arith.extui %sign3A_1783 : i1 to i32
      %sign3A_1785 = arith.constant 0 : i32
      %sign3A_1786 = arith.cmpi slt, %jit3A_1773, %sign3A_1785 : i32
      %sign3A_1787 = arith.extui %sign3A_1786 : i1 to i32
      %sign3A_1788 = arith.subi %sign3A_1784, %sign3A_1787 : i32
      %ne3A_1789 = arith.cmpi ne, %sign3A_1781, %sign3A_1788 : i32
      %rem3A_1790 = arith.remsi %squeeze3A_1770, %jit3A_1773 : i32
      %ne3A_1791 = arith.constant 0 : i32
      %ne3A_1792 = arith.cmpi ne, %rem3A_1790, %ne3A_1791 : i32
      %and3A_1793 = arith.andi %ne3A_1789, %ne3A_1792 : i1
      %sub3A_1794 = arith.constant 1 : i32
      %sub3A_1795 = arith.subi %div3A_1774, %sub3A_1794 : i32
      %select_n3A_1796 = arith.select %and3A_1793, %sub3A_1795, %div3A_1774 : i32
      %mul3A_1797 = arith.constant 128 : i32
      %mul3A_1798 = arith.muli %select_n3A_1796, %mul3A_1797 : i32
      %multiple_of3A_1799 = tpu.assume_multiple %mul3A_1798, 128 : i32
      %jit3A_1800 = arith.constant 128 : i32
      %div3A_1801 = arith.divsi %squeeze3A_1772, %jit3A_1800 : i32
      %sign3A_1802 = arith.constant 0 : i32
      %sign3A_1803 = arith.cmpi sgt, %squeeze3A_1772, %sign3A_1802 : i32
      %sign3A_1804 = arith.extui %sign3A_1803 : i1 to i32
      %sign3A_1805 = arith.constant 0 : i32
      %sign3A_1806 = arith.cmpi slt, %squeeze3A_1772, %sign3A_1805 : i32
      %sign3A_1807 = arith.extui %sign3A_1806 : i1 to i32
      %sign3A_1808 = arith.subi %sign3A_1804, %sign3A_1807 : i32
      %sign3A_1809 = arith.constant 0 : i32
      %sign3A_1810 = arith.cmpi sgt, %jit3A_1800, %sign3A_1809 : i32
      %sign3A_1811 = arith.extui %sign3A_1810 : i1 to i32
      %sign3A_1812 = arith.constant 0 : i32
      %sign3A_1813 = arith.cmpi slt, %jit3A_1800, %sign3A_1812 : i32
      %sign3A_1814 = arith.extui %sign3A_1813 : i1 to i32
      %sign3A_1815 = arith.subi %sign3A_1811, %sign3A_1814 : i32
      %ne3A_1816 = arith.cmpi ne, %sign3A_1808, %sign3A_1815 : i32
      %rem3A_1817 = arith.remsi %squeeze3A_1772, %jit3A_1800 : i32
      %ne3A_1818 = arith.constant 0 : i32
      %ne3A_1819 = arith.cmpi ne, %rem3A_1817, %ne3A_1818 : i32
      %and3A_1820 = arith.andi %ne3A_1816, %ne3A_1819 : i1
      %sub3A_1821 = arith.constant 1 : i32
      %sub3A_1822 = arith.subi %div3A_1801, %sub3A_1821 : i32
      %select_n3A_1823 = arith.select %and3A_1820, %sub3A_1822, %div3A_1801 : i32
      %mul3A_1824 = arith.constant 128 : i32
      %mul3A_1825 = arith.muli %select_n3A_1823, %mul3A_1824 : i32
      %multiple_of3A_1826 = tpu.assume_multiple %mul3A_1825, 128 : i32
      %dma_start3A_1827 = arith.constant 0 : i32
      %dma_start3A_1828 = arith.constant 0 : i32
      %dma_start3A_1829 = tpu.memref_slice %arg10[%rem3A_1701, %dma_start3A_1827, %dma_start3A_1828] : memref<10x32x128xf32, #tpu.memory_space<vmem>> -> memref<1x32x128xf32, #tpu.memory_space<vmem>>
      %dma_start3A_1830 = tpu.memref_squeeze %dma_start3A_1829 : memref<1x32x128xf32, #tpu.memory_space<vmem>> -> memref<32x128xf32, #tpu.memory_space<vmem>>
      %dma_start3A_1831 = arith.constant 0 : i32
      %dma_start3A_1832 = tpu.memref_slice %arg2[%dma_start3A_1831, %multiple_of3A_1799] : memref<32x1000000xf32, #tpu.memory_space<hbm>> -> memref<32x128xf32, #tpu.memory_space<hbm>>
      %dma_start3A_1833 = tpu.memref_slice %arg14[%rem3A_1701] : memref<10x!tpu.dma_semaphore, #tpu.memory_space<semaphore_mem>> -> memref<1x!tpu.dma_semaphore, #tpu.memory_space<semaphore_mem>>
      %dma_start3A_1834 = tpu.memref_squeeze %dma_start3A_1833 : memref<1x!tpu.dma_semaphore, #tpu.memory_space<semaphore_mem>> -> memref<!tpu.dma_semaphore, #tpu.memory_space<semaphore_mem>>
      %dma_start3A_1835 = arith.constant 0 : i32
      %dma_start3A_1836 = arith.constant 0 : i32
      %dma_start3A_1837 = tpu.memref_slice %arg10[%rem3A_1701, %dma_start3A_1835, %dma_start3A_1836] : memref<10x32x128xf32, #tpu.memory_space<vmem>> -> memref<1x32x128xf32, #tpu.memory_space<vmem>>
      %dma_start3A_1838 = tpu.memref_squeeze %dma_start3A_1837 : memref<1x32x128xf32, #tpu.memory_space<vmem>> -> memref<32x128xf32, #tpu.memory_space<vmem>>
      %dma_start3A_1839 = arith.constant 0 : i32
      %dma_start3A_1840 = tpu.memref_slice %arg2[%dma_start3A_1839, %multiple_of3A_1799] : memref<32x1000000xf32, #tpu.memory_space<hbm>> -> memref<32x128xf32, #tpu.memory_space<hbm>>
      tpu.enqueue_dma source(%dma_start3A_1840 : memref<32x128xf32, #tpu.memory_space<hbm>>) target(%dma_start3A_1838 : memref<32x128xf32, #tpu.memory_space<vmem>>) target_semaphore(%dma_start3A_1834 : memref<!tpu.dma_semaphore, #tpu.memory_space<semaphore_mem>>)
      %dma_start3A_1841 = arith.constant 0 : i32
      %dma_start3A_1842 = arith.constant 0 : i32
      %dma_start3A_1843 = tpu.memref_slice %arg11[%rem3A_1701, %dma_start3A_1841, %dma_start3A_1842] : memref<10x32x128xf32, #tpu.memory_space<vmem>> -> memref<1x32x128xf32, #tpu.memory_space<vmem>>
      %dma_start3A_1844 = tpu.memref_squeeze %dma_start3A_1843 : memref<1x32x128xf32, #tpu.memory_space<vmem>> -> memref<32x128xf32, #tpu.memory_space<vmem>>
      %dma_start3A_1845 = arith.constant 0 : i32
      %dma_start3A_1846 = tpu.memref_slice %arg3[%dma_start3A_1845, %multiple_of3A_1826] : memref<32x100000xf32, #tpu.memory_space<hbm>> -> memref<32x128xf32, #tpu.memory_space<hbm>>
      %dma_start3A_1847 = tpu.memref_slice %arg15[%rem3A_1701] : memref<10x!tpu.dma_semaphore, #tpu.memory_space<semaphore_mem>> -> memref<1x!tpu.dma_semaphore, #tpu.memory_space<semaphore_mem>>
      %dma_start3A_1848 = tpu.memref_squeeze %dma_start3A_1847 : memref<1x!tpu.dma_semaphore, #tpu.memory_space<semaphore_mem>> -> memref<!tpu.dma_semaphore, #tpu.memory_space<semaphore_mem>>
      %dma_start3A_1849 = arith.constant 0 : i32
      %dma_start3A_1850 = arith.constant 0 : i32
      %dma_start3A_1851 = tpu.memref_slice %arg11[%rem3A_1701, %dma_start3A_1849, %dma_start3A_1850] : memref<10x32x128xf32, #tpu.memory_space<vmem>> -> memref<1x32x128xf32, #tpu.memory_space<vmem>>
      %dma_start3A_1852 = tpu.memref_squeeze %dma_start3A_1851 : memref<1x32x128xf32, #tpu.memory_space<vmem>> -> memref<32x128xf32, #tpu.memory_space<vmem>>
      %dma_start3A_1853 = arith.constant 0 : i32
      %dma_start3A_1854 = tpu.memref_slice %arg3[%dma_start3A_1853, %multiple_of3A_1826] : memref<32x100000xf32, #tpu.memory_space<hbm>> -> memref<32x128xf32, #tpu.memory_space<hbm>>
      tpu.enqueue_dma source(%dma_start3A_1854 : memref<32x128xf32, #tpu.memory_space<hbm>>) target(%dma_start3A_1852 : memref<32x128xf32, #tpu.memory_space<vmem>>) target_semaphore(%dma_start3A_1848 : memref<!tpu.dma_semaphore, #tpu.memory_space<semaphore_mem>>)
      %add3A_1855 = arith.constant 11 : i32
      %add3A_1856 = arith.addi %mul3A_680, %add3A_1855 : i32
      %sub3A_1857 = arith.constant 10 : i32
      %sub3A_1858 = arith.subi %add3A_1856, %sub3A_1857 : i32
      %rem3A_1859 = arith.constant 10 : i32
      %rem3A_1860 = arith.remsi %sub3A_1858, %rem3A_1859 : i32
      %add3A_1861 = arith.constant 11 : i32
      %add3A_1862 = arith.addi %mul3A_680, %add3A_1861 : i32
      %rem3A_1863 = arith.constant 10 : i32
      %rem3A_1864 = arith.remsi %add3A_1862, %rem3A_1863 : i32
      %slice3A_1865 = vector.extract_strided_slice %get3A_682 {offsets = [1], sizes = [1], strides = [1]} : vector<16xi32> to vector<1xi32>
      %squeeze3A_1866 = vector.extract %slice3A_1865[0] : i32 from vector<1xi32>
      %slice3A_1867 = vector.extract_strided_slice %get3A_684 {offsets = [1], sizes = [1], strides = [1]} : vector<16xi32> to vector<1xi32>
      %squeeze3A_1868 = vector.extract %slice3A_1867[0] : i32 from vector<1xi32>
      %add3A_1869 = arith.constant 11 : i32
      %add3A_1870 = arith.addi %mul3A_680, %add3A_1869 : i32
      %sub3A_1871 = arith.constant 10 : i32
      %sub3A_1872 = arith.subi %add3A_1870, %sub3A_1871 : i32
      %dma_wait3A_1873 = arith.constant 0 : i32
      %dma_wait3A_1874 = arith.constant 0 : i32
      %dma_wait3A_1875 = tpu.memref_slice %arg10[%rem3A_1860, %dma_wait3A_1873, %dma_wait3A_1874] : memref<10x32x128xf32, #tpu.memory_space<vmem>> -> memref<1x32x128xf32, #tpu.memory_space<vmem>>
      %dma_wait3A_1876 = tpu.memref_squeeze %dma_wait3A_1875 : memref<1x32x128xf32, #tpu.memory_space<vmem>> -> memref<32x128xf32, #tpu.memory_space<vmem>>
      %dma_wait3A_1877 = arith.constant 0 : i32
      %dma_wait3A_1878 = arith.constant 0 : i32
      %dma_wait3A_1879 = tpu.memref_slice %arg2[%dma_wait3A_1877, %dma_wait3A_1878] : memref<32x1000000xf32, #tpu.memory_space<hbm>> -> memref<32x128xf32, #tpu.memory_space<hbm>>
      %dma_wait3A_1880 = tpu.memref_slice %arg14[%rem3A_1860] : memref<10x!tpu.dma_semaphore, #tpu.memory_space<semaphore_mem>> -> memref<1x!tpu.dma_semaphore, #tpu.memory_space<semaphore_mem>>
      %dma_wait3A_1881 = tpu.memref_squeeze %dma_wait3A_1880 : memref<1x!tpu.dma_semaphore, #tpu.memory_space<semaphore_mem>> -> memref<!tpu.dma_semaphore, #tpu.memory_space<semaphore_mem>>
      %dma_wait3A_1882 = arith.constant 0 : i32
      %dma_wait3A_1883 = arith.constant 0 : i32
      %dma_wait3A_1884 = tpu.memref_slice %arg10[%rem3A_1860, %dma_wait3A_1882, %dma_wait3A_1883] : memref<10x32x128xf32, #tpu.memory_space<vmem>> -> memref<1x32x128xf32, #tpu.memory_space<vmem>>
      %dma_wait3A_1885 = tpu.memref_squeeze %dma_wait3A_1884 : memref<1x32x128xf32, #tpu.memory_space<vmem>> -> memref<32x128xf32, #tpu.memory_space<vmem>>
      %dma_wait3A_1886 = arith.constant 0 : i32
      %dma_wait3A_1887 = arith.constant 0 : i32
      %dma_wait3A_1888 = tpu.memref_slice %arg2[%dma_wait3A_1886, %dma_wait3A_1887] : memref<32x1000000xf32, #tpu.memory_space<hbm>> -> memref<32x128xf32, #tpu.memory_space<hbm>>
      tpu.wait_dma2 semaphore(%dma_wait3A_1881 : memref<!tpu.dma_semaphore, #tpu.memory_space<semaphore_mem>>) src(%dma_wait3A_1888 : memref<32x128xf32, #tpu.memory_space<hbm>>) dst(%dma_wait3A_1885 : memref<32x128xf32, #tpu.memory_space<vmem>>)
      %dma_wait3A_1889 = arith.constant 0 : i32
      %dma_wait3A_1890 = arith.constant 0 : i32
      %dma_wait3A_1891 = tpu.memref_slice %arg11[%rem3A_1860, %dma_wait3A_1889, %dma_wait3A_1890] : memref<10x32x128xf32, #tpu.memory_space<vmem>> -> memref<1x32x128xf32, #tpu.memory_space<vmem>>
      %dma_wait3A_1892 = tpu.memref_squeeze %dma_wait3A_1891 : memref<1x32x128xf32, #tpu.memory_space<vmem>> -> memref<32x128xf32, #tpu.memory_space<vmem>>
      %dma_wait3A_1893 = arith.constant 0 : i32
      %dma_wait3A_1894 = arith.constant 0 : i32
      %dma_wait3A_1895 = tpu.memref_slice %arg3[%dma_wait3A_1893, %dma_wait3A_1894] : memref<32x100000xf32, #tpu.memory_space<hbm>> -> memref<32x128xf32, #tpu.memory_space<hbm>>
      %dma_wait3A_1896 = tpu.memref_slice %arg15[%rem3A_1860] : memref<10x!tpu.dma_semaphore, #tpu.memory_space<semaphore_mem>> -> memref<1x!tpu.dma_semaphore, #tpu.memory_space<semaphore_mem>>
      %dma_wait3A_1897 = tpu.memref_squeeze %dma_wait3A_1896 : memref<1x!tpu.dma_semaphore, #tpu.memory_space<semaphore_mem>> -> memref<!tpu.dma_semaphore, #tpu.memory_space<semaphore_mem>>
      %dma_wait3A_1898 = arith.constant 0 : i32
      %dma_wait3A_1899 = arith.constant 0 : i32
      %dma_wait3A_1900 = tpu.memref_slice %arg11[%rem3A_1860, %dma_wait3A_1898, %dma_wait3A_1899] : memref<10x32x128xf32, #tpu.memory_space<vmem>> -> memref<1x32x128xf32, #tpu.memory_space<vmem>>
      %dma_wait3A_1901 = tpu.memref_squeeze %dma_wait3A_1900 : memref<1x32x128xf32, #tpu.memory_space<vmem>> -> memref<32x128xf32, #tpu.memory_space<vmem>>
      %dma_wait3A_1902 = arith.constant 0 : i32
      %dma_wait3A_1903 = arith.constant 0 : i32
      %dma_wait3A_1904 = tpu.memref_slice %arg3[%dma_wait3A_1902, %dma_wait3A_1903] : memref<32x100000xf32, #tpu.memory_space<hbm>> -> memref<32x128xf32, #tpu.memory_space<hbm>>
      tpu.wait_dma2 semaphore(%dma_wait3A_1897 : memref<!tpu.dma_semaphore, #tpu.memory_space<semaphore_mem>>) src(%dma_wait3A_1904 : memref<32x128xf32, #tpu.memory_space<hbm>>) dst(%dma_wait3A_1901 : memref<32x128xf32, #tpu.memory_space<vmem>>)
      %rem3A_1905 = arith.constant 128 : i32
      %rem3A_1906 = arith.remsi %squeeze3A_1866, %rem3A_1905 : i32
      %broadcast_in_dim3A_1907 = vector.broadcast %rem3A_1906 : i32 to vector<16xi32>
      %rem3A_1908 = arith.constant 128 : i32
      %rem3A_1909 = arith.remsi %squeeze3A_1868, %rem3A_1908 : i32
      %broadcast_in_dim3A_1910 = vector.broadcast %rem3A_1909 : i32 to vector<16xi32>
      %broadcast_in_dim3A_1911 = vector.broadcast %sub3A_1872 : i32 to vector<16xi32>
      %gather3A_1912 = arith.constant 0 : i32
      %gather3A_1913 = arith.constant 0 : i32
      %gather3A_1914 = tpu.memref_slice %arg10[%rem3A_1860, %gather3A_1912, %gather3A_1913] : memref<10x32x128xf32, #tpu.memory_space<vmem>> -> memref<1x32x128xf32, #tpu.memory_space<vmem>>
      %gather3A_1915 = tpu.memref_squeeze %gather3A_1914 : memref<1x32x128xf32, #tpu.memory_space<vmem>> -> memref<32x128xf32, #tpu.memory_space<vmem>>
      %gather3A_1916 = tpu.vector_load_idx %gather3A_1915[%iota3A, %broadcast_in_dim3A_1907] : memref<32x128xf32, #tpu.memory_space<vmem>>[vector<16xi32>, vector<16xi32>], vector<16xf32>,
      tpu.vector_store_idx %arg12[%iota3A, %broadcast_in_dim3A_1911], %gather3A_1916 : memref<32x512xf32, #tpu.memory_space<vmem>>[vector<16xi32>, vector<16xi32>], vector<16xf32>,
      %gather3A_1917 = arith.constant 0 : i32
      %gather3A_1918 = arith.constant 0 : i32
      %gather3A_1919 = tpu.memref_slice %arg11[%rem3A_1860, %gather3A_1917, %gather3A_1918] : memref<10x32x128xf32, #tpu.memory_space<vmem>> -> memref<1x32x128xf32, #tpu.memory_space<vmem>>
      %gather3A_1920 = tpu.memref_squeeze %gather3A_1919 : memref<1x32x128xf32, #tpu.memory_space<vmem>> -> memref<32x128xf32, #tpu.memory_space<vmem>>
      %gather3A_1921 = tpu.vector_load_idx %gather3A_1920[%iota3A, %broadcast_in_dim3A_1910] : memref<32x128xf32, #tpu.memory_space<vmem>>[vector<16xi32>, vector<16xi32>], vector<16xf32>,
      tpu.vector_store_idx %arg13[%iota3A, %broadcast_in_dim3A_1911], %gather3A_1921 : memref<32x512xf32, #tpu.memory_space<vmem>>[vector<16xi32>, vector<16xi32>], vector<16xf32>,
      %gather3A_1922 = arith.constant 0 : i32
      %gather3A_1923 = arith.constant 0 : i32
      %gather3A_1924 = tpu.memref_slice %arg10[%rem3A_1860, %gather3A_1922, %gather3A_1923] : memref<10x32x128xf32, #tpu.memory_space<vmem>> -> memref<1x32x128xf32, #tpu.memory_space<vmem>>
      %gather3A_1925 = tpu.memref_squeeze %gather3A_1924 : memref<1x32x128xf32, #tpu.memory_space<vmem>> -> memref<32x128xf32, #tpu.memory_space<vmem>>
      %gather3A_1926 = tpu.vector_load_idx %gather3A_1925[%add3A_5, %broadcast_in_dim3A_1907] : memref<32x128xf32, #tpu.memory_space<vmem>>[vector<16xi32>, vector<16xi32>], vector<16xf32>,
      tpu.vector_store_idx %arg12[%add3A_5, %broadcast_in_dim3A_1911], %gather3A_1926 : memref<32x512xf32, #tpu.memory_space<vmem>>[vector<16xi32>, vector<16xi32>], vector<16xf32>,
      %gather3A_1927 = arith.constant 0 : i32
      %gather3A_1928 = arith.constant 0 : i32
      %gather3A_1929 = tpu.memref_slice %arg11[%rem3A_1860, %gather3A_1927, %gather3A_1928] : memref<10x32x128xf32, #tpu.memory_space<vmem>> -> memref<1x32x128xf32, #tpu.memory_space<vmem>>
      %gather3A_1930 = tpu.memref_squeeze %gather3A_1929 : memref<1x32x128xf32, #tpu.memory_space<vmem>> -> memref<32x128xf32, #tpu.memory_space<vmem>>
      %gather3A_1931 = tpu.vector_load_idx %gather3A_1930[%add3A_5, %broadcast_in_dim3A_1910] : memref<32x128xf32, #tpu.memory_space<vmem>>[vector<16xi32>, vector<16xi32>], vector<16xf32>,
      tpu.vector_store_idx %arg13[%add3A_5, %broadcast_in_dim3A_1911], %gather3A_1931 : memref<32x512xf32, #tpu.memory_space<vmem>>[vector<16xi32>, vector<16xi32>], vector<16xf32>,
      %slice3A_1932 = vector.extract_strided_slice %get3A_682 {offsets = [11], sizes = [1], strides = [1]} : vector<16xi32> to vector<1xi32>
      %squeeze3A_1933 = vector.extract %slice3A_1932[0] : i32 from vector<1xi32>
      %slice3A_1934 = vector.extract_strided_slice %get3A_684 {offsets = [11], sizes = [1], strides = [1]} : vector<16xi32> to vector<1xi32>
      %squeeze3A_1935 = vector.extract %slice3A_1934[0] : i32 from vector<1xi32>
      %jit3A_1936 = arith.constant 128 : i32
      %div3A_1937 = arith.divsi %squeeze3A_1933, %jit3A_1936 : i32
      %sign3A_1938 = arith.constant 0 : i32
      %sign3A_1939 = arith.cmpi sgt, %squeeze3A_1933, %sign3A_1938 : i32
      %sign3A_1940 = arith.extui %sign3A_1939 : i1 to i32
      %sign3A_1941 = arith.constant 0 : i32
      %sign3A_1942 = arith.cmpi slt, %squeeze3A_1933, %sign3A_1941 : i32
      %sign3A_1943 = arith.extui %sign3A_1942 : i1 to i32
      %sign3A_1944 = arith.subi %sign3A_1940, %sign3A_1943 : i32
      %sign3A_1945 = arith.constant 0 : i32
      %sign3A_1946 = arith.cmpi sgt, %jit3A_1936, %sign3A_1945 : i32
      %sign3A_1947 = arith.extui %sign3A_1946 : i1 to i32
      %sign3A_1948 = arith.constant 0 : i32
      %sign3A_1949 = arith.cmpi slt, %jit3A_1936, %sign3A_1948 : i32
      %sign3A_1950 = arith.extui %sign3A_1949 : i1 to i32
      %sign3A_1951 = arith.subi %sign3A_1947, %sign3A_1950 : i32
      %ne3A_1952 = arith.cmpi ne, %sign3A_1944, %sign3A_1951 : i32
      %rem3A_1953 = arith.remsi %squeeze3A_1933, %jit3A_1936 : i32
      %ne3A_1954 = arith.constant 0 : i32
      %ne3A_1955 = arith.cmpi ne, %rem3A_1953, %ne3A_1954 : i32
      %and3A_1956 = arith.andi %ne3A_1952, %ne3A_1955 : i1
      %sub3A_1957 = arith.constant 1 : i32
      %sub3A_1958 = arith.subi %div3A_1937, %sub3A_1957 : i32
      %select_n3A_1959 = arith.select %and3A_1956, %sub3A_1958, %div3A_1937 : i32
      %mul3A_1960 = arith.constant 128 : i32
      %mul3A_1961 = arith.muli %select_n3A_1959, %mul3A_1960 : i32
      %multiple_of3A_1962 = tpu.assume_multiple %mul3A_1961, 128 : i32
      %jit3A_1963 = arith.constant 128 : i32
      %div3A_1964 = arith.divsi %squeeze3A_1935, %jit3A_1963 : i32
      %sign3A_1965 = arith.constant 0 : i32
      %sign3A_1966 = arith.cmpi sgt, %squeeze3A_1935, %sign3A_1965 : i32
      %sign3A_1967 = arith.extui %sign3A_1966 : i1 to i32
      %sign3A_1968 = arith.constant 0 : i32
      %sign3A_1969 = arith.cmpi slt, %squeeze3A_1935, %sign3A_1968 : i32
      %sign3A_1970 = arith.extui %sign3A_1969 : i1 to i32
      %sign3A_1971 = arith.subi %sign3A_1967, %sign3A_1970 : i32
      %sign3A_1972 = arith.constant 0 : i32
      %sign3A_1973 = arith.cmpi sgt, %jit3A_1963, %sign3A_1972 : i32
      %sign3A_1974 = arith.extui %sign3A_1973 : i1 to i32
      %sign3A_1975 = arith.constant 0 : i32
      %sign3A_1976 = arith.cmpi slt, %jit3A_1963, %sign3A_1975 : i32
      %sign3A_1977 = arith.extui %sign3A_1976 : i1 to i32
      %sign3A_1978 = arith.subi %sign3A_1974, %sign3A_1977 : i32
      %ne3A_1979 = arith.cmpi ne, %sign3A_1971, %sign3A_1978 : i32
      %rem3A_1980 = arith.remsi %squeeze3A_1935, %jit3A_1963 : i32
      %ne3A_1981 = arith.constant 0 : i32
      %ne3A_1982 = arith.cmpi ne, %rem3A_1980, %ne3A_1981 : i32
      %and3A_1983 = arith.andi %ne3A_1979, %ne3A_1982 : i1
      %sub3A_1984 = arith.constant 1 : i32
      %sub3A_1985 = arith.subi %div3A_1964, %sub3A_1984 : i32
      %select_n3A_1986 = arith.select %and3A_1983, %sub3A_1985, %div3A_1964 : i32
      %mul3A_1987 = arith.constant 128 : i32
      %mul3A_1988 = arith.muli %select_n3A_1986, %mul3A_1987 : i32
      %multiple_of3A_1989 = tpu.assume_multiple %mul3A_1988, 128 : i32
      %dma_start3A_1990 = arith.constant 0 : i32
      %dma_start3A_1991 = arith.constant 0 : i32
      %dma_start3A_1992 = tpu.memref_slice %arg10[%rem3A_1864, %dma_start3A_1990, %dma_start3A_1991] : memref<10x32x128xf32, #tpu.memory_space<vmem>> -> memref<1x32x128xf32, #tpu.memory_space<vmem>>
      %dma_start3A_1993 = tpu.memref_squeeze %dma_start3A_1992 : memref<1x32x128xf32, #tpu.memory_space<vmem>> -> memref<32x128xf32, #tpu.memory_space<vmem>>
      %dma_start3A_1994 = arith.constant 0 : i32
      %dma_start3A_1995 = tpu.memref_slice %arg2[%dma_start3A_1994, %multiple_of3A_1962] : memref<32x1000000xf32, #tpu.memory_space<hbm>> -> memref<32x128xf32, #tpu.memory_space<hbm>>
      %dma_start3A_1996 = tpu.memref_slice %arg14[%rem3A_1864] : memref<10x!tpu.dma_semaphore, #tpu.memory_space<semaphore_mem>> -> memref<1x!tpu.dma_semaphore, #tpu.memory_space<semaphore_mem>>
      %dma_start3A_1997 = tpu.memref_squeeze %dma_start3A_1996 : memref<1x!tpu.dma_semaphore, #tpu.memory_space<semaphore_mem>> -> memref<!tpu.dma_semaphore, #tpu.memory_space<semaphore_mem>>
      %dma_start3A_1998 = arith.constant 0 : i32
      %dma_start3A_1999 = arith.constant 0 : i32
      %dma_start3A_2000 = tpu.memref_slice %arg10[%rem3A_1864, %dma_start3A_1998, %dma_start3A_1999] : memref<10x32x128xf32, #tpu.memory_space<vmem>> -> memref<1x32x128xf32, #tpu.memory_space<vmem>>
      %dma_start3A_2001 = tpu.memref_squeeze %dma_start3A_2000 : memref<1x32x128xf32, #tpu.memory_space<vmem>> -> memref<32x128xf32, #tpu.memory_space<vmem>>
      %dma_start3A_2002 = arith.constant 0 : i32
      %dma_start3A_2003 = tpu.memref_slice %arg2[%dma_start3A_2002, %multiple_of3A_1962] : memref<32x1000000xf32, #tpu.memory_space<hbm>> -> memref<32x128xf32, #tpu.memory_space<hbm>>
      tpu.enqueue_dma source(%dma_start3A_2003 : memref<32x128xf32, #tpu.memory_space<hbm>>) target(%dma_start3A_2001 : memref<32x128xf32, #tpu.memory_space<vmem>>) target_semaphore(%dma_start3A_1997 : memref<!tpu.dma_semaphore, #tpu.memory_space<semaphore_mem>>)
      %dma_start3A_2004 = arith.constant 0 : i32
      %dma_start3A_2005 = arith.constant 0 : i32
      %dma_start3A_2006 = tpu.memref_slice %arg11[%rem3A_1864, %dma_start3A_2004, %dma_start3A_2005] : memref<10x32x128xf32, #tpu.memory_space<vmem>> -> memref<1x32x128xf32, #tpu.memory_space<vmem>>
      %dma_start3A_2007 = tpu.memref_squeeze %dma_start3A_2006 : memref<1x32x128xf32, #tpu.memory_space<vmem>> -> memref<32x128xf32, #tpu.memory_space<vmem>>
      %dma_start3A_2008 = arith.constant 0 : i32
      %dma_start3A_2009 = tpu.memref_slice %arg3[%dma_start3A_2008, %multiple_of3A_1989] : memref<32x100000xf32, #tpu.memory_space<hbm>> -> memref<32x128xf32, #tpu.memory_space<hbm>>
      %dma_start3A_2010 = tpu.memref_slice %arg15[%rem3A_1864] : memref<10x!tpu.dma_semaphore, #tpu.memory_space<semaphore_mem>> -> memref<1x!tpu.dma_semaphore, #tpu.memory_space<semaphore_mem>>
      %dma_start3A_2011 = tpu.memref_squeeze %dma_start3A_2010 : memref<1x!tpu.dma_semaphore, #tpu.memory_space<semaphore_mem>> -> memref<!tpu.dma_semaphore, #tpu.memory_space<semaphore_mem>>
      %dma_start3A_2012 = arith.constant 0 : i32
      %dma_start3A_2013 = arith.constant 0 : i32
      %dma_start3A_2014 = tpu.memref_slice %arg11[%rem3A_1864, %dma_start3A_2012, %dma_start3A_2013] : memref<10x32x128xf32, #tpu.memory_space<vmem>> -> memref<1x32x128xf32, #tpu.memory_space<vmem>>
      %dma_start3A_2015 = tpu.memref_squeeze %dma_start3A_2014 : memref<1x32x128xf32, #tpu.memory_space<vmem>> -> memref<32x128xf32, #tpu.memory_space<vmem>>
      %dma_start3A_2016 = arith.constant 0 : i32
      %dma_start3A_2017 = tpu.memref_slice %arg3[%dma_start3A_2016, %multiple_of3A_1989] : memref<32x100000xf32, #tpu.memory_space<hbm>> -> memref<32x128xf32, #tpu.memory_space<hbm>>
      tpu.enqueue_dma source(%dma_start3A_2017 : memref<32x128xf32, #tpu.memory_space<hbm>>) target(%dma_start3A_2015 : memref<32x128xf32, #tpu.memory_space<vmem>>) target_semaphore(%dma_start3A_2011 : memref<!tpu.dma_semaphore, #tpu.memory_space<semaphore_mem>>)
      %add3A_2018 = arith.constant 12 : i32
      %add3A_2019 = arith.addi %mul3A_680, %add3A_2018 : i32
      %sub3A_2020 = arith.constant 10 : i32
      %sub3A_2021 = arith.subi %add3A_2019, %sub3A_2020 : i32
      %rem3A_2022 = arith.constant 10 : i32
      %rem3A_2023 = arith.remsi %sub3A_2021, %rem3A_2022 : i32
      %add3A_2024 = arith.constant 12 : i32
      %add3A_2025 = arith.addi %mul3A_680, %add3A_2024 : i32
      %rem3A_2026 = arith.constant 10 : i32
      %rem3A_2027 = arith.remsi %add3A_2025, %rem3A_2026 : i32
      %slice3A_2028 = vector.extract_strided_slice %get3A_682 {offsets = [2], sizes = [1], strides = [1]} : vector<16xi32> to vector<1xi32>
      %squeeze3A_2029 = vector.extract %slice3A_2028[0] : i32 from vector<1xi32>
      %slice3A_2030 = vector.extract_strided_slice %get3A_684 {offsets = [2], sizes = [1], strides = [1]} : vector<16xi32> to vector<1xi32>
      %squeeze3A_2031 = vector.extract %slice3A_2030[0] : i32 from vector<1xi32>
      %add3A_2032 = arith.constant 12 : i32
      %add3A_2033 = arith.addi %mul3A_680, %add3A_2032 : i32
      %sub3A_2034 = arith.constant 10 : i32
      %sub3A_2035 = arith.subi %add3A_2033, %sub3A_2034 : i32
      %dma_wait3A_2036 = arith.constant 0 : i32
      %dma_wait3A_2037 = arith.constant 0 : i32
      %dma_wait3A_2038 = tpu.memref_slice %arg10[%rem3A_2023, %dma_wait3A_2036, %dma_wait3A_2037] : memref<10x32x128xf32, #tpu.memory_space<vmem>> -> memref<1x32x128xf32, #tpu.memory_space<vmem>>
      %dma_wait3A_2039 = tpu.memref_squeeze %dma_wait3A_2038 : memref<1x32x128xf32, #tpu.memory_space<vmem>> -> memref<32x128xf32, #tpu.memory_space<vmem>>
      %dma_wait3A_2040 = arith.constant 0 : i32
      %dma_wait3A_2041 = arith.constant 0 : i32
      %dma_wait3A_2042 = tpu.memref_slice %arg2[%dma_wait3A_2040, %dma_wait3A_2041] : memref<32x1000000xf32, #tpu.memory_space<hbm>> -> memref<32x128xf32, #tpu.memory_space<hbm>>
      %dma_wait3A_2043 = tpu.memref_slice %arg14[%rem3A_2023] : memref<10x!tpu.dma_semaphore, #tpu.memory_space<semaphore_mem>> -> memref<1x!tpu.dma_semaphore, #tpu.memory_space<semaphore_mem>>
      %dma_wait3A_2044 = tpu.memref_squeeze %dma_wait3A_2043 : memref<1x!tpu.dma_semaphore, #tpu.memory_space<semaphore_mem>> -> memref<!tpu.dma_semaphore, #tpu.memory_space<semaphore_mem>>
      %dma_wait3A_2045 = arith.constant 0 : i32
      %dma_wait3A_2046 = arith.constant 0 : i32
      %dma_wait3A_2047 = tpu.memref_slice %arg10[%rem3A_2023, %dma_wait3A_2045, %dma_wait3A_2046] : memref<10x32x128xf32, #tpu.memory_space<vmem>> -> memref<1x32x128xf32, #tpu.memory_space<vmem>>
      %dma_wait3A_2048 = tpu.memref_squeeze %dma_wait3A_2047 : memref<1x32x128xf32, #tpu.memory_space<vmem>> -> memref<32x128xf32, #tpu.memory_space<vmem>>
      %dma_wait3A_2049 = arith.constant 0 : i32
      %dma_wait3A_2050 = arith.constant 0 : i32
      %dma_wait3A_2051 = tpu.memref_slice %arg2[%dma_wait3A_2049, %dma_wait3A_2050] : memref<32x1000000xf32, #tpu.memory_space<hbm>> -> memref<32x128xf32, #tpu.memory_space<hbm>>
      tpu.wait_dma2 semaphore(%dma_wait3A_2044 : memref<!tpu.dma_semaphore, #tpu.memory_space<semaphore_mem>>) src(%dma_wait3A_2051 : memref<32x128xf32, #tpu.memory_space<hbm>>) dst(%dma_wait3A_2048 : memref<32x128xf32, #tpu.memory_space<vmem>>)
      %dma_wait3A_2052 = arith.constant 0 : i32
      %dma_wait3A_2053 = arith.constant 0 : i32
      %dma_wait3A_2054 = tpu.memref_slice %arg11[%rem3A_2023, %dma_wait3A_2052, %dma_wait3A_2053] : memref<10x32x128xf32, #tpu.memory_space<vmem>> -> memref<1x32x128xf32, #tpu.memory_space<vmem>>
      %dma_wait3A_2055 = tpu.memref_squeeze %dma_wait3A_2054 : memref<1x32x128xf32, #tpu.memory_space<vmem>> -> memref<32x128xf32, #tpu.memory_space<vmem>>
      %dma_wait3A_2056 = arith.constant 0 : i32
      %dma_wait3A_2057 = arith.constant 0 : i32
      %dma_wait3A_2058 = tpu.memref_slice %arg3[%dma_wait3A_2056, %dma_wait3A_2057] : memref<32x100000xf32, #tpu.memory_space<hbm>> -> memref<32x128xf32, #tpu.memory_space<hbm>>
      %dma_wait3A_2059 = tpu.memref_slice %arg15[%rem3A_2023] : memref<10x!tpu.dma_semaphore, #tpu.memory_space<semaphore_mem>> -> memref<1x!tpu.dma_semaphore, #tpu.memory_space<semaphore_mem>>
      %dma_wait3A_2060 = tpu.memref_squeeze %dma_wait3A_2059 : memref<1x!tpu.dma_semaphore, #tpu.memory_space<semaphore_mem>> -> memref<!tpu.dma_semaphore, #tpu.memory_space<semaphore_mem>>
      %dma_wait3A_2061 = arith.constant 0 : i32
      %dma_wait3A_2062 = arith.constant 0 : i32
      %dma_wait3A_2063 = tpu.memref_slice %arg11[%rem3A_2023, %dma_wait3A_2061, %dma_wait3A_2062] : memref<10x32x128xf32, #tpu.memory_space<vmem>> -> memref<1x32x128xf32, #tpu.memory_space<vmem>>
      %dma_wait3A_2064 = tpu.memref_squeeze %dma_wait3A_2063 : memref<1x32x128xf32, #tpu.memory_space<vmem>> -> memref<32x128xf32, #tpu.memory_space<vmem>>
      %dma_wait3A_2065 = arith.constant 0 : i32
      %dma_wait3A_2066 = arith.constant 0 : i32
      %dma_wait3A_2067 = tpu.memref_slice %arg3[%dma_wait3A_2065, %dma_wait3A_2066] : memref<32x100000xf32, #tpu.memory_space<hbm>> -> memref<32x128xf32, #tpu.memory_space<hbm>>
      tpu.wait_dma2 semaphore(%dma_wait3A_2060 : memref<!tpu.dma_semaphore, #tpu.memory_space<semaphore_mem>>) src(%dma_wait3A_2067 : memref<32x128xf32, #tpu.memory_space<hbm>>) dst(%dma_wait3A_2064 : memref<32x128xf32, #tpu.memory_space<vmem>>)
      %rem3A_2068 = arith.constant 128 : i32
      %rem3A_2069 = arith.remsi %squeeze3A_2029, %rem3A_2068 : i32
      %broadcast_in_dim3A_2070 = vector.broadcast %rem3A_2069 : i32 to vector<16xi32>
      %rem3A_2071 = arith.constant 128 : i32
      %rem3A_2072 = arith.remsi %squeeze3A_2031, %rem3A_2071 : i32
      %broadcast_in_dim3A_2073 = vector.broadcast %rem3A_2072 : i32 to vector<16xi32>
      %broadcast_in_dim3A_2074 = vector.broadcast %sub3A_2035 : i32 to vector<16xi32>
      %gather3A_2075 = arith.constant 0 : i32
      %gather3A_2076 = arith.constant 0 : i32
      %gather3A_2077 = tpu.memref_slice %arg10[%rem3A_2023, %gather3A_2075, %gather3A_2076] : memref<10x32x128xf32, #tpu.memory_space<vmem>> -> memref<1x32x128xf32, #tpu.memory_space<vmem>>
      %gather3A_2078 = tpu.memref_squeeze %gather3A_2077 : memref<1x32x128xf32, #tpu.memory_space<vmem>> -> memref<32x128xf32, #tpu.memory_space<vmem>>
      %gather3A_2079 = tpu.vector_load_idx %gather3A_2078[%iota3A, %broadcast_in_dim3A_2070] : memref<32x128xf32, #tpu.memory_space<vmem>>[vector<16xi32>, vector<16xi32>], vector<16xf32>,
      tpu.vector_store_idx %arg12[%iota3A, %broadcast_in_dim3A_2074], %gather3A_2079 : memref<32x512xf32, #tpu.memory_space<vmem>>[vector<16xi32>, vector<16xi32>], vector<16xf32>,
      %gather3A_2080 = arith.constant 0 : i32
      %gather3A_2081 = arith.constant 0 : i32
      %gather3A_2082 = tpu.memref_slice %arg11[%rem3A_2023, %gather3A_2080, %gather3A_2081] : memref<10x32x128xf32, #tpu.memory_space<vmem>> -> memref<1x32x128xf32, #tpu.memory_space<vmem>>
      %gather3A_2083 = tpu.memref_squeeze %gather3A_2082 : memref<1x32x128xf32, #tpu.memory_space<vmem>> -> memref<32x128xf32, #tpu.memory_space<vmem>>
      %gather3A_2084 = tpu.vector_load_idx %gather3A_2083[%iota3A, %broadcast_in_dim3A_2073] : memref<32x128xf32, #tpu.memory_space<vmem>>[vector<16xi32>, vector<16xi32>], vector<16xf32>,
      tpu.vector_store_idx %arg13[%iota3A, %broadcast_in_dim3A_2074], %gather3A_2084 : memref<32x512xf32, #tpu.memory_space<vmem>>[vector<16xi32>, vector<16xi32>], vector<16xf32>,
      %gather3A_2085 = arith.constant 0 : i32
      %gather3A_2086 = arith.constant 0 : i32
      %gather3A_2087 = tpu.memref_slice %arg10[%rem3A_2023, %gather3A_2085, %gather3A_2086] : memref<10x32x128xf32, #tpu.memory_space<vmem>> -> memref<1x32x128xf32, #tpu.memory_space<vmem>>
      %gather3A_2088 = tpu.memref_squeeze %gather3A_2087 : memref<1x32x128xf32, #tpu.memory_space<vmem>> -> memref<32x128xf32, #tpu.memory_space<vmem>>
      %gather3A_2089 = tpu.vector_load_idx %gather3A_2088[%add3A_5, %broadcast_in_dim3A_2070] : memref<32x128xf32, #tpu.memory_space<vmem>>[vector<16xi32>, vector<16xi32>], vector<16xf32>,
      tpu.vector_store_idx %arg12[%add3A_5, %broadcast_in_dim3A_2074], %gather3A_2089 : memref<32x512xf32, #tpu.memory_space<vmem>>[vector<16xi32>, vector<16xi32>], vector<16xf32>,
      %gather3A_2090 = arith.constant 0 : i32
      %gather3A_2091 = arith.constant 0 : i32
      %gather3A_2092 = tpu.memref_slice %arg11[%rem3A_2023, %gather3A_2090, %gather3A_2091] : memref<10x32x128xf32, #tpu.memory_space<vmem>> -> memref<1x32x128xf32, #tpu.memory_space<vmem>>
      %gather3A_2093 = tpu.memref_squeeze %gather3A_2092 : memref<1x32x128xf32, #tpu.memory_space<vmem>> -> memref<32x128xf32, #tpu.memory_space<vmem>>
      %gather3A_2094 = tpu.vector_load_idx %gather3A_2093[%add3A_5, %broadcast_in_dim3A_2073] : memref<32x128xf32, #tpu.memory_space<vmem>>[vector<16xi32>, vector<16xi32>], vector<16xf32>,
      tpu.vector_store_idx %arg13[%add3A_5, %broadcast_in_dim3A_2074], %gather3A_2094 : memref<32x512xf32, #tpu.memory_space<vmem>>[vector<16xi32>, vector<16xi32>], vector<16xf32>,
      %slice3A_2095 = vector.extract_strided_slice %get3A_682 {offsets = [12], sizes = [1], strides = [1]} : vector<16xi32> to vector<1xi32>
      %squeeze3A_2096 = vector.extract %slice3A_2095[0] : i32 from vector<1xi32>
      %slice3A_2097 = vector.extract_strided_slice %get3A_684 {offsets = [12], sizes = [1], strides = [1]} : vector<16xi32> to vector<1xi32>
      %squeeze3A_2098 = vector.extract %slice3A_2097[0] : i32 from vector<1xi32>
      %jit3A_2099 = arith.constant 128 : i32
      %div3A_2100 = arith.divsi %squeeze3A_2096, %jit3A_2099 : i32
      %sign3A_2101 = arith.constant 0 : i32
      %sign3A_2102 = arith.cmpi sgt, %squeeze3A_2096, %sign3A_2101 : i32
      %sign3A_2103 = arith.extui %sign3A_2102 : i1 to i32
      %sign3A_2104 = arith.constant 0 : i32
      %sign3A_2105 = arith.cmpi slt, %squeeze3A_2096, %sign3A_2104 : i32
      %sign3A_2106 = arith.extui %sign3A_2105 : i1 to i32
      %sign3A_2107 = arith.subi %sign3A_2103, %sign3A_2106 : i32
      %sign3A_2108 = arith.constant 0 : i32
      %sign3A_2109 = arith.cmpi sgt, %jit3A_2099, %sign3A_2108 : i32
      %sign3A_2110 = arith.extui %sign3A_2109 : i1 to i32
      %sign3A_2111 = arith.constant 0 : i32
      %sign3A_2112 = arith.cmpi slt, %jit3A_2099, %sign3A_2111 : i32
      %sign3A_2113 = arith.extui %sign3A_2112 : i1 to i32
      %sign3A_2114 = arith.subi %sign3A_2110, %sign3A_2113 : i32
      %ne3A_2115 = arith.cmpi ne, %sign3A_2107, %sign3A_2114 : i32
      %rem3A_2116 = arith.remsi %squeeze3A_2096, %jit3A_2099 : i32
      %ne3A_2117 = arith.constant 0 : i32
      %ne3A_2118 = arith.cmpi ne, %rem3A_2116, %ne3A_2117 : i32
      %and3A_2119 = arith.andi %ne3A_2115, %ne3A_2118 : i1
      %sub3A_2120 = arith.constant 1 : i32
      %sub3A_2121 = arith.subi %div3A_2100, %sub3A_2120 : i32
      %select_n3A_2122 = arith.select %and3A_2119, %sub3A_2121, %div3A_2100 : i32
      %mul3A_2123 = arith.constant 128 : i32
      %mul3A_2124 = arith.muli %select_n3A_2122, %mul3A_2123 : i32
      %multiple_of3A_2125 = tpu.assume_multiple %mul3A_2124, 128 : i32
      %jit3A_2126 = arith.constant 128 : i32
      %div3A_2127 = arith.divsi %squeeze3A_2098, %jit3A_2126 : i32
      %sign3A_2128 = arith.constant 0 : i32
      %sign3A_2129 = arith.cmpi sgt, %squeeze3A_2098, %sign3A_2128 : i32
      %sign3A_2130 = arith.extui %sign3A_2129 : i1 to i32
      %sign3A_2131 = arith.constant 0 : i32
      %sign3A_2132 = arith.cmpi slt, %squeeze3A_2098, %sign3A_2131 : i32
      %sign3A_2133 = arith.extui %sign3A_2132 : i1 to i32
      %sign3A_2134 = arith.subi %sign3A_2130, %sign3A_2133 : i32
      %sign3A_2135 = arith.constant 0 : i32
      %sign3A_2136 = arith.cmpi sgt, %jit3A_2126, %sign3A_2135 : i32
      %sign3A_2137 = arith.extui %sign3A_2136 : i1 to i32
      %sign3A_2138 = arith.constant 0 : i32
      %sign3A_2139 = arith.cmpi slt, %jit3A_2126, %sign3A_2138 : i32
      %sign3A_2140 = arith.extui %sign3A_2139 : i1 to i32
      %sign3A_2141 = arith.subi %sign3A_2137, %sign3A_2140 : i32
      %ne3A_2142 = arith.cmpi ne, %sign3A_2134, %sign3A_2141 : i32
      %rem3A_2143 = arith.remsi %squeeze3A_2098, %jit3A_2126 : i32
      %ne3A_2144 = arith.constant 0 : i32
      %ne3A_2145 = arith.cmpi ne, %rem3A_2143, %ne3A_2144 : i32
      %and3A_2146 = arith.andi %ne3A_2142, %ne3A_2145 : i1
      %sub3A_2147 = arith.constant 1 : i32
      %sub3A_2148 = arith.subi %div3A_2127, %sub3A_2147 : i32
      %select_n3A_2149 = arith.select %and3A_2146, %sub3A_2148, %div3A_2127 : i32
      %mul3A_2150 = arith.constant 128 : i32
      %mul3A_2151 = arith.muli %select_n3A_2149, %mul3A_2150 : i32
      %multiple_of3A_2152 = tpu.assume_multiple %mul3A_2151, 128 : i32
      %dma_start3A_2153 = arith.constant 0 : i32
      %dma_start3A_2154 = arith.constant 0 : i32
      %dma_start3A_2155 = tpu.memref_slice %arg10[%rem3A_2027, %dma_start3A_2153, %dma_start3A_2154] : memref<10x32x128xf32, #tpu.memory_space<vmem>> -> memref<1x32x128xf32, #tpu.memory_space<vmem>>
      %dma_start3A_2156 = tpu.memref_squeeze %dma_start3A_2155 : memref<1x32x128xf32, #tpu.memory_space<vmem>> -> memref<32x128xf32, #tpu.memory_space<vmem>>
      %dma_start3A_2157 = arith.constant 0 : i32
      %dma_start3A_2158 = tpu.memref_slice %arg2[%dma_start3A_2157, %multiple_of3A_2125] : memref<32x1000000xf32, #tpu.memory_space<hbm>> -> memref<32x128xf32, #tpu.memory_space<hbm>>
      %dma_start3A_2159 = tpu.memref_slice %arg14[%rem3A_2027] : memref<10x!tpu.dma_semaphore, #tpu.memory_space<semaphore_mem>> -> memref<1x!tpu.dma_semaphore, #tpu.memory_space<semaphore_mem>>
      %dma_start3A_2160 = tpu.memref_squeeze %dma_start3A_2159 : memref<1x!tpu.dma_semaphore, #tpu.memory_space<semaphore_mem>> -> memref<!tpu.dma_semaphore, #tpu.memory_space<semaphore_mem>>
      %dma_start3A_2161 = arith.constant 0 : i32
      %dma_start3A_2162 = arith.constant 0 : i32
      %dma_start3A_2163 = tpu.memref_slice %arg10[%rem3A_2027, %dma_start3A_2161, %dma_start3A_2162] : memref<10x32x128xf32, #tpu.memory_space<vmem>> -> memref<1x32x128xf32, #tpu.memory_space<vmem>>
      %dma_start3A_2164 = tpu.memref_squeeze %dma_start3A_2163 : memref<1x32x128xf32, #tpu.memory_space<vmem>> -> memref<32x128xf32, #tpu.memory_space<vmem>>
      %dma_start3A_2165 = arith.constant 0 : i32
      %dma_start3A_2166 = tpu.memref_slice %arg2[%dma_start3A_2165, %multiple_of3A_2125] : memref<32x1000000xf32, #tpu.memory_space<hbm>> -> memref<32x128xf32, #tpu.memory_space<hbm>>
      tpu.enqueue_dma source(%dma_start3A_2166 : memref<32x128xf32, #tpu.memory_space<hbm>>) target(%dma_start3A_2164 : memref<32x128xf32, #tpu.memory_space<vmem>>) target_semaphore(%dma_start3A_2160 : memref<!tpu.dma_semaphore, #tpu.memory_space<semaphore_mem>>)
      %dma_start3A_2167 = arith.constant 0 : i32
      %dma_start3A_2168 = arith.constant 0 : i32
      %dma_start3A_2169 = tpu.memref_slice %arg11[%rem3A_2027, %dma_start3A_2167, %dma_start3A_2168] : memref<10x32x128xf32, #tpu.memory_space<vmem>> -> memref<1x32x128xf32, #tpu.memory_space<vmem>>
      %dma_start3A_2170 = tpu.memref_squeeze %dma_start3A_2169 : memref<1x32x128xf32, #tpu.memory_space<vmem>> -> memref<32x128xf32, #tpu.memory_space<vmem>>
      %dma_start3A_2171 = arith.constant 0 : i32
      %dma_start3A_2172 = tpu.memref_slice %arg3[%dma_start3A_2171, %multiple_of3A_2152] : memref<32x100000xf32, #tpu.memory_space<hbm>> -> memref<32x128xf32, #tpu.memory_space<hbm>>
      %dma_start3A_2173 = tpu.memref_slice %arg15[%rem3A_2027] : memref<10x!tpu.dma_semaphore, #tpu.memory_space<semaphore_mem>> -> memref<1x!tpu.dma_semaphore, #tpu.memory_space<semaphore_mem>>
      %dma_start3A_2174 = tpu.memref_squeeze %dma_start3A_2173 : memref<1x!tpu.dma_semaphore, #tpu.memory_space<semaphore_mem>> -> memref<!tpu.dma_semaphore, #tpu.memory_space<semaphore_mem>>
      %dma_start3A_2175 = arith.constant 0 : i32
      %dma_start3A_2176 = arith.constant 0 : i32
      %dma_start3A_2177 = tpu.memref_slice %arg11[%rem3A_2027, %dma_start3A_2175, %dma_start3A_2176] : memref<10x32x128xf32, #tpu.memory_space<vmem>> -> memref<1x32x128xf32, #tpu.memory_space<vmem>>
      %dma_start3A_2178 = tpu.memref_squeeze %dma_start3A_2177 : memref<1x32x128xf32, #tpu.memory_space<vmem>> -> memref<32x128xf32, #tpu.memory_space<vmem>>
      %dma_start3A_2179 = arith.constant 0 : i32
      %dma_start3A_2180 = tpu.memref_slice %arg3[%dma_start3A_2179, %multiple_of3A_2152] : memref<32x100000xf32, #tpu.memory_space<hbm>> -> memref<32x128xf32, #tpu.memory_space<hbm>>
      tpu.enqueue_dma source(%dma_start3A_2180 : memref<32x128xf32, #tpu.memory_space<hbm>>) target(%dma_start3A_2178 : memref<32x128xf32, #tpu.memory_space<vmem>>) target_semaphore(%dma_start3A_2174 : memref<!tpu.dma_semaphore, #tpu.memory_space<semaphore_mem>>)
      %add3A_2181 = arith.constant 13 : i32
      %add3A_2182 = arith.addi %mul3A_680, %add3A_2181 : i32
      %sub3A_2183 = arith.constant 10 : i32
      %sub3A_2184 = arith.subi %add3A_2182, %sub3A_2183 : i32
      %rem3A_2185 = arith.constant 10 : i32
      %rem3A_2186 = arith.remsi %sub3A_2184, %rem3A_2185 : i32
      %add3A_2187 = arith.constant 13 : i32
      %add3A_2188 = arith.addi %mul3A_680, %add3A_2187 : i32
      %rem3A_2189 = arith.constant 10 : i32
      %rem3A_2190 = arith.remsi %add3A_2188, %rem3A_2189 : i32
      %slice3A_2191 = vector.extract_strided_slice %get3A_682 {offsets = [3], sizes = [1], strides = [1]} : vector<16xi32> to vector<1xi32>
      %squeeze3A_2192 = vector.extract %slice3A_2191[0] : i32 from vector<1xi32>
      %slice3A_2193 = vector.extract_strided_slice %get3A_684 {offsets = [3], sizes = [1], strides = [1]} : vector<16xi32> to vector<1xi32>
      %squeeze3A_2194 = vector.extract %slice3A_2193[0] : i32 from vector<1xi32>
      %add3A_2195 = arith.constant 13 : i32
      %add3A_2196 = arith.addi %mul3A_680, %add3A_2195 : i32
      %sub3A_2197 = arith.constant 10 : i32
      %sub3A_2198 = arith.subi %add3A_2196, %sub3A_2197 : i32
      %dma_wait3A_2199 = arith.constant 0 : i32
      %dma_wait3A_2200 = arith.constant 0 : i32
      %dma_wait3A_2201 = tpu.memref_slice %arg10[%rem3A_2186, %dma_wait3A_2199, %dma_wait3A_2200] : memref<10x32x128xf32, #tpu.memory_space<vmem>> -> memref<1x32x128xf32, #tpu.memory_space<vmem>>
      %dma_wait3A_2202 = tpu.memref_squeeze %dma_wait3A_2201 : memref<1x32x128xf32, #tpu.memory_space<vmem>> -> memref<32x128xf32, #tpu.memory_space<vmem>>
      %dma_wait3A_2203 = arith.constant 0 : i32
      %dma_wait3A_2204 = arith.constant 0 : i32
      %dma_wait3A_2205 = tpu.memref_slice %arg2[%dma_wait3A_2203, %dma_wait3A_2204] : memref<32x1000000xf32, #tpu.memory_space<hbm>> -> memref<32x128xf32, #tpu.memory_space<hbm>>
      %dma_wait3A_2206 = tpu.memref_slice %arg14[%rem3A_2186] : memref<10x!tpu.dma_semaphore, #tpu.memory_space<semaphore_mem>> -> memref<1x!tpu.dma_semaphore, #tpu.memory_space<semaphore_mem>>
      %dma_wait3A_2207 = tpu.memref_squeeze %dma_wait3A_2206 : memref<1x!tpu.dma_semaphore, #tpu.memory_space<semaphore_mem>> -> memref<!tpu.dma_semaphore, #tpu.memory_space<semaphore_mem>>
      %dma_wait3A_2208 = arith.constant 0 : i32
      %dma_wait3A_2209 = arith.constant 0 : i32
      %dma_wait3A_2210 = tpu.memref_slice %arg10[%rem3A_2186, %dma_wait3A_2208, %dma_wait3A_2209] : memref<10x32x128xf32, #tpu.memory_space<vmem>> -> memref<1x32x128xf32, #tpu.memory_space<vmem>>
      %dma_wait3A_2211 = tpu.memref_squeeze %dma_wait3A_2210 : memref<1x32x128xf32, #tpu.memory_space<vmem>> -> memref<32x128xf32, #tpu.memory_space<vmem>>
      %dma_wait3A_2212 = arith.constant 0 : i32
      %dma_wait3A_2213 = arith.constant 0 : i32
      %dma_wait3A_2214 = tpu.memref_slice %arg2[%dma_wait3A_2212, %dma_wait3A_2213] : memref<32x1000000xf32, #tpu.memory_space<hbm>> -> memref<32x128xf32, #tpu.memory_space<hbm>>
      tpu.wait_dma2 semaphore(%dma_wait3A_2207 : memref<!tpu.dma_semaphore, #tpu.memory_space<semaphore_mem>>) src(%dma_wait3A_2214 : memref<32x128xf32, #tpu.memory_space<hbm>>) dst(%dma_wait3A_2211 : memref<32x128xf32, #tpu.memory_space<vmem>>)
      %dma_wait3A_2215 = arith.constant 0 : i32
      %dma_wait3A_2216 = arith.constant 0 : i32
      %dma_wait3A_2217 = tpu.memref_slice %arg11[%rem3A_2186, %dma_wait3A_2215, %dma_wait3A_2216] : memref<10x32x128xf32, #tpu.memory_space<vmem>> -> memref<1x32x128xf32, #tpu.memory_space<vmem>>
      %dma_wait3A_2218 = tpu.memref_squeeze %dma_wait3A_2217 : memref<1x32x128xf32, #tpu.memory_space<vmem>> -> memref<32x128xf32, #tpu.memory_space<vmem>>
      %dma_wait3A_2219 = arith.constant 0 : i32
      %dma_wait3A_2220 = arith.constant 0 : i32
      %dma_wait3A_2221 = tpu.memref_slice %arg3[%dma_wait3A_2219, %dma_wait3A_2220] : memref<32x100000xf32, #tpu.memory_space<hbm>> -> memref<32x128xf32, #tpu.memory_space<hbm>>
      %dma_wait3A_2222 = tpu.memref_slice %arg15[%rem3A_2186] : memref<10x!tpu.dma_semaphore, #tpu.memory_space<semaphore_mem>> -> memref<1x!tpu.dma_semaphore, #tpu.memory_space<semaphore_mem>>
      %dma_wait3A_2223 = tpu.memref_squeeze %dma_wait3A_2222 : memref<1x!tpu.dma_semaphore, #tpu.memory_space<semaphore_mem>> -> memref<!tpu.dma_semaphore, #tpu.memory_space<semaphore_mem>>
      %dma_wait3A_2224 = arith.constant 0 : i32
      %dma_wait3A_2225 = arith.constant 0 : i32
      %dma_wait3A_2226 = tpu.memref_slice %arg11[%rem3A_2186, %dma_wait3A_2224, %dma_wait3A_2225] : memref<10x32x128xf32, #tpu.memory_space<vmem>> -> memref<1x32x128xf32, #tpu.memory_space<vmem>>
      %dma_wait3A_2227 = tpu.memref_squeeze %dma_wait3A_2226 : memref<1x32x128xf32, #tpu.memory_space<vmem>> -> memref<32x128xf32, #tpu.memory_space<vmem>>
      %dma_wait3A_2228 = arith.constant 0 : i32
      %dma_wait3A_2229 = arith.constant 0 : i32
      %dma_wait3A_2230 = tpu.memref_slice %arg3[%dma_wait3A_2228, %dma_wait3A_2229] : memref<32x100000xf32, #tpu.memory_space<hbm>> -> memref<32x128xf32, #tpu.memory_space<hbm>>
      tpu.wait_dma2 semaphore(%dma_wait3A_2223 : memref<!tpu.dma_semaphore, #tpu.memory_space<semaphore_mem>>) src(%dma_wait3A_2230 : memref<32x128xf32, #tpu.memory_space<hbm>>) dst(%dma_wait3A_2227 : memref<32x128xf32, #tpu.memory_space<vmem>>)
      %rem3A_2231 = arith.constant 128 : i32
      %rem3A_2232 = arith.remsi %squeeze3A_2192, %rem3A_2231 : i32
      %broadcast_in_dim3A_2233 = vector.broadcast %rem3A_2232 : i32 to vector<16xi32>
      %rem3A_2234 = arith.constant 128 : i32
      %rem3A_2235 = arith.remsi %squeeze3A_2194, %rem3A_2234 : i32
      %broadcast_in_dim3A_2236 = vector.broadcast %rem3A_2235 : i32 to vector<16xi32>
      %broadcast_in_dim3A_2237 = vector.broadcast %sub3A_2198 : i32 to vector<16xi32>
      %gather3A_2238 = arith.constant 0 : i32
      %gather3A_2239 = arith.constant 0 : i32
      %gather3A_2240 = tpu.memref_slice %arg10[%rem3A_2186, %gather3A_2238, %gather3A_2239] : memref<10x32x128xf32, #tpu.memory_space<vmem>> -> memref<1x32x128xf32, #tpu.memory_space<vmem>>
      %gather3A_2241 = tpu.memref_squeeze %gather3A_2240 : memref<1x32x128xf32, #tpu.memory_space<vmem>> -> memref<32x128xf32, #tpu.memory_space<vmem>>
      %gather3A_2242 = tpu.vector_load_idx %gather3A_2241[%iota3A, %broadcast_in_dim3A_2233] : memref<32x128xf32, #tpu.memory_space<vmem>>[vector<16xi32>, vector<16xi32>], vector<16xf32>,
      tpu.vector_store_idx %arg12[%iota3A, %broadcast_in_dim3A_2237], %gather3A_2242 : memref<32x512xf32, #tpu.memory_space<vmem>>[vector<16xi32>, vector<16xi32>], vector<16xf32>,
      %gather3A_2243 = arith.constant 0 : i32
      %gather3A_2244 = arith.constant 0 : i32
      %gather3A_2245 = tpu.memref_slice %arg11[%rem3A_2186, %gather3A_2243, %gather3A_2244] : memref<10x32x128xf32, #tpu.memory_space<vmem>> -> memref<1x32x128xf32, #tpu.memory_space<vmem>>
      %gather3A_2246 = tpu.memref_squeeze %gather3A_2245 : memref<1x32x128xf32, #tpu.memory_space<vmem>> -> memref<32x128xf32, #tpu.memory_space<vmem>>
      %gather3A_2247 = tpu.vector_load_idx %gather3A_2246[%iota3A, %broadcast_in_dim3A_2236] : memref<32x128xf32, #tpu.memory_space<vmem>>[vector<16xi32>, vector<16xi32>], vector<16xf32>,
      tpu.vector_store_idx %arg13[%iota3A, %broadcast_in_dim3A_2237], %gather3A_2247 : memref<32x512xf32, #tpu.memory_space<vmem>>[vector<16xi32>, vector<16xi32>], vector<16xf32>,
      %gather3A_2248 = arith.constant 0 : i32
      %gather3A_2249 = arith.constant 0 : i32
      %gather3A_2250 = tpu.memref_slice %arg10[%rem3A_2186, %gather3A_2248, %gather3A_2249] : memref<10x32x128xf32, #tpu.memory_space<vmem>> -> memref<1x32x128xf32, #tpu.memory_space<vmem>>
      %gather3A_2251 = tpu.memref_squeeze %gather3A_2250 : memref<1x32x128xf32, #tpu.memory_space<vmem>> -> memref<32x128xf32, #tpu.memory_space<vmem>>
      %gather3A_2252 = tpu.vector_load_idx %gather3A_2251[%add3A_5, %broadcast_in_dim3A_2233] : memref<32x128xf32, #tpu.memory_space<vmem>>[vector<16xi32>, vector<16xi32>], vector<16xf32>,
      tpu.vector_store_idx %arg12[%add3A_5, %broadcast_in_dim3A_2237], %gather3A_2252 : memref<32x512xf32, #tpu.memory_space<vmem>>[vector<16xi32>, vector<16xi32>], vector<16xf32>,
      %gather3A_2253 = arith.constant 0 : i32
      %gather3A_2254 = arith.constant 0 : i32
      %gather3A_2255 = tpu.memref_slice %arg11[%rem3A_2186, %gather3A_2253, %gather3A_2254] : memref<10x32x128xf32, #tpu.memory_space<vmem>> -> memref<1x32x128xf32, #tpu.memory_space<vmem>>
      %gather3A_2256 = tpu.memref_squeeze %gather3A_2255 : memref<1x32x128xf32, #tpu.memory_space<vmem>> -> memref<32x128xf32, #tpu.memory_space<vmem>>
      %gather3A_2257 = tpu.vector_load_idx %gather3A_2256[%add3A_5, %broadcast_in_dim3A_2236] : memref<32x128xf32, #tpu.memory_space<vmem>>[vector<16xi32>, vector<16xi32>], vector<16xf32>,
      tpu.vector_store_idx %arg13[%add3A_5, %broadcast_in_dim3A_2237], %gather3A_2257 : memref<32x512xf32, #tpu.memory_space<vmem>>[vector<16xi32>, vector<16xi32>], vector<16xf32>,
      %slice3A_2258 = vector.extract_strided_slice %get3A_682 {offsets = [13], sizes = [1], strides = [1]} : vector<16xi32> to vector<1xi32>
      %squeeze3A_2259 = vector.extract %slice3A_2258[0] : i32 from vector<1xi32>
      %slice3A_2260 = vector.extract_strided_slice %get3A_684 {offsets = [13], sizes = [1], strides = [1]} : vector<16xi32> to vector<1xi32>
      %squeeze3A_2261 = vector.extract %slice3A_2260[0] : i32 from vector<1xi32>
      %jit3A_2262 = arith.constant 128 : i32
      %div3A_2263 = arith.divsi %squeeze3A_2259, %jit3A_2262 : i32
      %sign3A_2264 = arith.constant 0 : i32
      %sign3A_2265 = arith.cmpi sgt, %squeeze3A_2259, %sign3A_2264 : i32
      %sign3A_2266 = arith.extui %sign3A_2265 : i1 to i32
      %sign3A_2267 = arith.constant 0 : i32
      %sign3A_2268 = arith.cmpi slt, %squeeze3A_2259, %sign3A_2267 : i32
      %sign3A_2269 = arith.extui %sign3A_2268 : i1 to i32
      %sign3A_2270 = arith.subi %sign3A_2266, %sign3A_2269 : i32
      %sign3A_2271 = arith.constant 0 : i32
      %sign3A_2272 = arith.cmpi sgt, %jit3A_2262, %sign3A_2271 : i32
      %sign3A_2273 = arith.extui %sign3A_2272 : i1 to i32
      %sign3A_2274 = arith.constant 0 : i32
      %sign3A_2275 = arith.cmpi slt, %jit3A_2262, %sign3A_2274 : i32
      %sign3A_2276 = arith.extui %sign3A_2275 : i1 to i32
      %sign3A_2277 = arith.subi %sign3A_2273, %sign3A_2276 : i32
      %ne3A_2278 = arith.cmpi ne, %sign3A_2270, %sign3A_2277 : i32
      %rem3A_2279 = arith.remsi %squeeze3A_2259, %jit3A_2262 : i32
      %ne3A_2280 = arith.constant 0 : i32
      %ne3A_2281 = arith.cmpi ne, %rem3A_2279, %ne3A_2280 : i32
      %and3A_2282 = arith.andi %ne3A_2278, %ne3A_2281 : i1
      %sub3A_2283 = arith.constant 1 : i32
      %sub3A_2284 = arith.subi %div3A_2263, %sub3A_2283 : i32
      %select_n3A_2285 = arith.select %and3A_2282, %sub3A_2284, %div3A_2263 : i32
      %mul3A_2286 = arith.constant 128 : i32
      %mul3A_2287 = arith.muli %select_n3A_2285, %mul3A_2286 : i32
      %multiple_of3A_2288 = tpu.assume_multiple %mul3A_2287, 128 : i32
      %jit3A_2289 = arith.constant 128 : i32
      %div3A_2290 = arith.divsi %squeeze3A_2261, %jit3A_2289 : i32
      %sign3A_2291 = arith.constant 0 : i32
      %sign3A_2292 = arith.cmpi sgt, %squeeze3A_2261, %sign3A_2291 : i32
      %sign3A_2293 = arith.extui %sign3A_2292 : i1 to i32
      %sign3A_2294 = arith.constant 0 : i32
      %sign3A_2295 = arith.cmpi slt, %squeeze3A_2261, %sign3A_2294 : i32
      %sign3A_2296 = arith.extui %sign3A_2295 : i1 to i32
      %sign3A_2297 = arith.subi %sign3A_2293, %sign3A_2296 : i32
      %sign3A_2298 = arith.constant 0 : i32
      %sign3A_2299 = arith.cmpi sgt, %jit3A_2289, %sign3A_2298 : i32
      %sign3A_2300 = arith.extui %sign3A_2299 : i1 to i32
      %sign3A_2301 = arith.constant 0 : i32
      %sign3A_2302 = arith.cmpi slt, %jit3A_2289, %sign3A_2301 : i32
      %sign3A_2303 = arith.extui %sign3A_2302 : i1 to i32
      %sign3A_2304 = arith.subi %sign3A_2300, %sign3A_2303 : i32
      %ne3A_2305 = arith.cmpi ne, %sign3A_2297, %sign3A_2304 : i32
      %rem3A_2306 = arith.remsi %squeeze3A_2261, %jit3A_2289 : i32
      %ne3A_2307 = arith.constant 0 : i32
      %ne3A_2308 = arith.cmpi ne, %rem3A_2306, %ne3A_2307 : i32
      %and3A_2309 = arith.andi %ne3A_2305, %ne3A_2308 : i1
      %sub3A_2310 = arith.constant 1 : i32
      %sub3A_2311 = arith.subi %div3A_2290, %sub3A_2310 : i32
      %select_n3A_2312 = arith.select %and3A_2309, %sub3A_2311, %div3A_2290 : i32
      %mul3A_2313 = arith.constant 128 : i32
      %mul3A_2314 = arith.muli %select_n3A_2312, %mul3A_2313 : i32
      %multiple_of3A_2315 = tpu.assume_multiple %mul3A_2314, 128 : i32
      %dma_start3A_2316 = arith.constant 0 : i32
      %dma_start3A_2317 = arith.constant 0 : i32
      %dma_start3A_2318 = tpu.memref_slice %arg10[%rem3A_2190, %dma_start3A_2316, %dma_start3A_2317] : memref<10x32x128xf32, #tpu.memory_space<vmem>> -> memref<1x32x128xf32, #tpu.memory_space<vmem>>
      %dma_start3A_2319 = tpu.memref_squeeze %dma_start3A_2318 : memref<1x32x128xf32, #tpu.memory_space<vmem>> -> memref<32x128xf32, #tpu.memory_space<vmem>>
      %dma_start3A_2320 = arith.constant 0 : i32
      %dma_start3A_2321 = tpu.memref_slice %arg2[%dma_start3A_2320, %multiple_of3A_2288] : memref<32x1000000xf32, #tpu.memory_space<hbm>> -> memref<32x128xf32, #tpu.memory_space<hbm>>
      %dma_start3A_2322 = tpu.memref_slice %arg14[%rem3A_2190] : memref<10x!tpu.dma_semaphore, #tpu.memory_space<semaphore_mem>> -> memref<1x!tpu.dma_semaphore, #tpu.memory_space<semaphore_mem>>
      %dma_start3A_2323 = tpu.memref_squeeze %dma_start3A_2322 : memref<1x!tpu.dma_semaphore, #tpu.memory_space<semaphore_mem>> -> memref<!tpu.dma_semaphore, #tpu.memory_space<semaphore_mem>>
      %dma_start3A_2324 = arith.constant 0 : i32
      %dma_start3A_2325 = arith.constant 0 : i32
      %dma_start3A_2326 = tpu.memref_slice %arg10[%rem3A_2190, %dma_start3A_2324, %dma_start3A_2325] : memref<10x32x128xf32, #tpu.memory_space<vmem>> -> memref<1x32x128xf32, #tpu.memory_space<vmem>>
      %dma_start3A_2327 = tpu.memref_squeeze %dma_start3A_2326 : memref<1x32x128xf32, #tpu.memory_space<vmem>> -> memref<32x128xf32, #tpu.memory_space<vmem>>
      %dma_start3A_2328 = arith.constant 0 : i32
      %dma_start3A_2329 = tpu.memref_slice %arg2[%dma_start3A_2328, %multiple_of3A_2288] : memref<32x1000000xf32, #tpu.memory_space<hbm>> -> memref<32x128xf32, #tpu.memory_space<hbm>>
      tpu.enqueue_dma source(%dma_start3A_2329 : memref<32x128xf32, #tpu.memory_space<hbm>>) target(%dma_start3A_2327 : memref<32x128xf32, #tpu.memory_space<vmem>>) target_semaphore(%dma_start3A_2323 : memref<!tpu.dma_semaphore, #tpu.memory_space<semaphore_mem>>)
      %dma_start3A_2330 = arith.constant 0 : i32
      %dma_start3A_2331 = arith.constant 0 : i32
      %dma_start3A_2332 = tpu.memref_slice %arg11[%rem3A_2190, %dma_start3A_2330, %dma_start3A_2331] : memref<10x32x128xf32, #tpu.memory_space<vmem>> -> memref<1x32x128xf32, #tpu.memory_space<vmem>>
      %dma_start3A_2333 = tpu.memref_squeeze %dma_start3A_2332 : memref<1x32x128xf32, #tpu.memory_space<vmem>> -> memref<32x128xf32, #tpu.memory_space<vmem>>
      %dma_start3A_2334 = arith.constant 0 : i32
      %dma_start3A_2335 = tpu.memref_slice %arg3[%dma_start3A_2334, %multiple_of3A_2315] : memref<32x100000xf32, #tpu.memory_space<hbm>> -> memref<32x128xf32, #tpu.memory_space<hbm>>
      %dma_start3A_2336 = tpu.memref_slice %arg15[%rem3A_2190] : memref<10x!tpu.dma_semaphore, #tpu.memory_space<semaphore_mem>> -> memref<1x!tpu.dma_semaphore, #tpu.memory_space<semaphore_mem>>
      %dma_start3A_2337 = tpu.memref_squeeze %dma_start3A_2336 : memref<1x!tpu.dma_semaphore, #tpu.memory_space<semaphore_mem>> -> memref<!tpu.dma_semaphore, #tpu.memory_space<semaphore_mem>>
      %dma_start3A_2338 = arith.constant 0 : i32
      %dma_start3A_2339 = arith.constant 0 : i32
      %dma_start3A_2340 = tpu.memref_slice %arg11[%rem3A_2190, %dma_start3A_2338, %dma_start3A_2339] : memref<10x32x128xf32, #tpu.memory_space<vmem>> -> memref<1x32x128xf32, #tpu.memory_space<vmem>>
      %dma_start3A_2341 = tpu.memref_squeeze %dma_start3A_2340 : memref<1x32x128xf32, #tpu.memory_space<vmem>> -> memref<32x128xf32, #tpu.memory_space<vmem>>
      %dma_start3A_2342 = arith.constant 0 : i32
      %dma_start3A_2343 = tpu.memref_slice %arg3[%dma_start3A_2342, %multiple_of3A_2315] : memref<32x100000xf32, #tpu.memory_space<hbm>> -> memref<32x128xf32, #tpu.memory_space<hbm>>
      tpu.enqueue_dma source(%dma_start3A_2343 : memref<32x128xf32, #tpu.memory_space<hbm>>) target(%dma_start3A_2341 : memref<32x128xf32, #tpu.memory_space<vmem>>) target_semaphore(%dma_start3A_2337 : memref<!tpu.dma_semaphore, #tpu.memory_space<semaphore_mem>>)
      %add3A_2344 = arith.constant 14 : i32
      %add3A_2345 = arith.addi %mul3A_680, %add3A_2344 : i32
      %sub3A_2346 = arith.constant 10 : i32
      %sub3A_2347 = arith.subi %add3A_2345, %sub3A_2346 : i32
      %rem3A_2348 = arith.constant 10 : i32
      %rem3A_2349 = arith.remsi %sub3A_2347, %rem3A_2348 : i32
      %add3A_2350 = arith.constant 14 : i32
      %add3A_2351 = arith.addi %mul3A_680, %add3A_2350 : i32
      %rem3A_2352 = arith.constant 10 : i32
      %rem3A_2353 = arith.remsi %add3A_2351, %rem3A_2352 : i32
      %slice3A_2354 = vector.extract_strided_slice %get3A_682 {offsets = [4], sizes = [1], strides = [1]} : vector<16xi32> to vector<1xi32>
      %squeeze3A_2355 = vector.extract %slice3A_2354[0] : i32 from vector<1xi32>
      %slice3A_2356 = vector.extract_strided_slice %get3A_684 {offsets = [4], sizes = [1], strides = [1]} : vector<16xi32> to vector<1xi32>
      %squeeze3A_2357 = vector.extract %slice3A_2356[0] : i32 from vector<1xi32>
      %add3A_2358 = arith.constant 14 : i32
      %add3A_2359 = arith.addi %mul3A_680, %add3A_2358 : i32
      %sub3A_2360 = arith.constant 10 : i32
      %sub3A_2361 = arith.subi %add3A_2359, %sub3A_2360 : i32
      %dma_wait3A_2362 = arith.constant 0 : i32
      %dma_wait3A_2363 = arith.constant 0 : i32
      %dma_wait3A_2364 = tpu.memref_slice %arg10[%rem3A_2349, %dma_wait3A_2362, %dma_wait3A_2363] : memref<10x32x128xf32, #tpu.memory_space<vmem>> -> memref<1x32x128xf32, #tpu.memory_space<vmem>>
      %dma_wait3A_2365 = tpu.memref_squeeze %dma_wait3A_2364 : memref<1x32x128xf32, #tpu.memory_space<vmem>> -> memref<32x128xf32, #tpu.memory_space<vmem>>
      %dma_wait3A_2366 = arith.constant 0 : i32
      %dma_wait3A_2367 = arith.constant 0 : i32
      %dma_wait3A_2368 = tpu.memref_slice %arg2[%dma_wait3A_2366, %dma_wait3A_2367] : memref<32x1000000xf32, #tpu.memory_space<hbm>> -> memref<32x128xf32, #tpu.memory_space<hbm>>
      %dma_wait3A_2369 = tpu.memref_slice %arg14[%rem3A_2349] : memref<10x!tpu.dma_semaphore, #tpu.memory_space<semaphore_mem>> -> memref<1x!tpu.dma_semaphore, #tpu.memory_space<semaphore_mem>>
      %dma_wait3A_2370 = tpu.memref_squeeze %dma_wait3A_2369 : memref<1x!tpu.dma_semaphore, #tpu.memory_space<semaphore_mem>> -> memref<!tpu.dma_semaphore, #tpu.memory_space<semaphore_mem>>
      %dma_wait3A_2371 = arith.constant 0 : i32
      %dma_wait3A_2372 = arith.constant 0 : i32
      %dma_wait3A_2373 = tpu.memref_slice %arg10[%rem3A_2349, %dma_wait3A_2371, %dma_wait3A_2372] : memref<10x32x128xf32, #tpu.memory_space<vmem>> -> memref<1x32x128xf32, #tpu.memory_space<vmem>>
      %dma_wait3A_2374 = tpu.memref_squeeze %dma_wait3A_2373 : memref<1x32x128xf32, #tpu.memory_space<vmem>> -> memref<32x128xf32, #tpu.memory_space<vmem>>
      %dma_wait3A_2375 = arith.constant 0 : i32
      %dma_wait3A_2376 = arith.constant 0 : i32
      %dma_wait3A_2377 = tpu.memref_slice %arg2[%dma_wait3A_2375, %dma_wait3A_2376] : memref<32x1000000xf32, #tpu.memory_space<hbm>> -> memref<32x128xf32, #tpu.memory_space<hbm>>
      tpu.wait_dma2 semaphore(%dma_wait3A_2370 : memref<!tpu.dma_semaphore, #tpu.memory_space<semaphore_mem>>) src(%dma_wait3A_2377 : memref<32x128xf32, #tpu.memory_space<hbm>>) dst(%dma_wait3A_2374 : memref<32x128xf32, #tpu.memory_space<vmem>>)
      %dma_wait3A_2378 = arith.constant 0 : i32
      %dma_wait3A_2379 = arith.constant 0 : i32
      %dma_wait3A_2380 = tpu.memref_slice %arg11[%rem3A_2349, %dma_wait3A_2378, %dma_wait3A_2379] : memref<10x32x128xf32, #tpu.memory_space<vmem>> -> memref<1x32x128xf32, #tpu.memory_space<vmem>>
      %dma_wait3A_2381 = tpu.memref_squeeze %dma_wait3A_2380 : memref<1x32x128xf32, #tpu.memory_space<vmem>> -> memref<32x128xf32, #tpu.memory_space<vmem>>
      %dma_wait3A_2382 = arith.constant 0 : i32
      %dma_wait3A_2383 = arith.constant 0 : i32
      %dma_wait3A_2384 = tpu.memref_slice %arg3[%dma_wait3A_2382, %dma_wait3A_2383] : memref<32x100000xf32, #tpu.memory_space<hbm>> -> memref<32x128xf32, #tpu.memory_space<hbm>>
      %dma_wait3A_2385 = tpu.memref_slice %arg15[%rem3A_2349] : memref<10x!tpu.dma_semaphore, #tpu.memory_space<semaphore_mem>> -> memref<1x!tpu.dma_semaphore, #tpu.memory_space<semaphore_mem>>
      %dma_wait3A_2386 = tpu.memref_squeeze %dma_wait3A_2385 : memref<1x!tpu.dma_semaphore, #tpu.memory_space<semaphore_mem>> -> memref<!tpu.dma_semaphore, #tpu.memory_space<semaphore_mem>>
      %dma_wait3A_2387 = arith.constant 0 : i32
      %dma_wait3A_2388 = arith.constant 0 : i32
      %dma_wait3A_2389 = tpu.memref_slice %arg11[%rem3A_2349, %dma_wait3A_2387, %dma_wait3A_2388] : memref<10x32x128xf32, #tpu.memory_space<vmem>> -> memref<1x32x128xf32, #tpu.memory_space<vmem>>
      %dma_wait3A_2390 = tpu.memref_squeeze %dma_wait3A_2389 : memref<1x32x128xf32, #tpu.memory_space<vmem>> -> memref<32x128xf32, #tpu.memory_space<vmem>>
      %dma_wait3A_2391 = arith.constant 0 : i32
      %dma_wait3A_2392 = arith.constant 0 : i32
      %dma_wait3A_2393 = tpu.memref_slice %arg3[%dma_wait3A_2391, %dma_wait3A_2392] : memref<32x100000xf32, #tpu.memory_space<hbm>> -> memref<32x128xf32, #tpu.memory_space<hbm>>
      tpu.wait_dma2 semaphore(%dma_wait3A_2386 : memref<!tpu.dma_semaphore, #tpu.memory_space<semaphore_mem>>) src(%dma_wait3A_2393 : memref<32x128xf32, #tpu.memory_space<hbm>>) dst(%dma_wait3A_2390 : memref<32x128xf32, #tpu.memory_space<vmem>>)
      %rem3A_2394 = arith.constant 128 : i32
      %rem3A_2395 = arith.remsi %squeeze3A_2355, %rem3A_2394 : i32
      %broadcast_in_dim3A_2396 = vector.broadcast %rem3A_2395 : i32 to vector<16xi32>
      %rem3A_2397 = arith.constant 128 : i32
      %rem3A_2398 = arith.remsi %squeeze3A_2357, %rem3A_2397 : i32
      %broadcast_in_dim3A_2399 = vector.broadcast %rem3A_2398 : i32 to vector<16xi32>
      %broadcast_in_dim3A_2400 = vector.broadcast %sub3A_2361 : i32 to vector<16xi32>
      %gather3A_2401 = arith.constant 0 : i32
      %gather3A_2402 = arith.constant 0 : i32
      %gather3A_2403 = tpu.memref_slice %arg10[%rem3A_2349, %gather3A_2401, %gather3A_2402] : memref<10x32x128xf32, #tpu.memory_space<vmem>> -> memref<1x32x128xf32, #tpu.memory_space<vmem>>
      %gather3A_2404 = tpu.memref_squeeze %gather3A_2403 : memref<1x32x128xf32, #tpu.memory_space<vmem>> -> memref<32x128xf32, #tpu.memory_space<vmem>>
      %gather3A_2405 = tpu.vector_load_idx %gather3A_2404[%iota3A, %broadcast_in_dim3A_2396] : memref<32x128xf32, #tpu.memory_space<vmem>>[vector<16xi32>, vector<16xi32>], vector<16xf32>,
      tpu.vector_store_idx %arg12[%iota3A, %broadcast_in_dim3A_2400], %gather3A_2405 : memref<32x512xf32, #tpu.memory_space<vmem>>[vector<16xi32>, vector<16xi32>], vector<16xf32>,
      %gather3A_2406 = arith.constant 0 : i32
      %gather3A_2407 = arith.constant 0 : i32
      %gather3A_2408 = tpu.memref_slice %arg11[%rem3A_2349, %gather3A_2406, %gather3A_2407] : memref<10x32x128xf32, #tpu.memory_space<vmem>> -> memref<1x32x128xf32, #tpu.memory_space<vmem>>
      %gather3A_2409 = tpu.memref_squeeze %gather3A_2408 : memref<1x32x128xf32, #tpu.memory_space<vmem>> -> memref<32x128xf32, #tpu.memory_space<vmem>>
      %gather3A_2410 = tpu.vector_load_idx %gather3A_2409[%iota3A, %broadcast_in_dim3A_2399] : memref<32x128xf32, #tpu.memory_space<vmem>>[vector<16xi32>, vector<16xi32>], vector<16xf32>,
      tpu.vector_store_idx %arg13[%iota3A, %broadcast_in_dim3A_2400], %gather3A_2410 : memref<32x512xf32, #tpu.memory_space<vmem>>[vector<16xi32>, vector<16xi32>], vector<16xf32>,
      %gather3A_2411 = arith.constant 0 : i32
      %gather3A_2412 = arith.constant 0 : i32
      %gather3A_2413 = tpu.memref_slice %arg10[%rem3A_2349, %gather3A_2411, %gather3A_2412] : memref<10x32x128xf32, #tpu.memory_space<vmem>> -> memref<1x32x128xf32, #tpu.memory_space<vmem>>
      %gather3A_2414 = tpu.memref_squeeze %gather3A_2413 : memref<1x32x128xf32, #tpu.memory_space<vmem>> -> memref<32x128xf32, #tpu.memory_space<vmem>>
      %gather3A_2415 = tpu.vector_load_idx %gather3A_2414[%add3A_5, %broadcast_in_dim3A_2396] : memref<32x128xf32, #tpu.memory_space<vmem>>[vector<16xi32>, vector<16xi32>], vector<16xf32>,
      tpu.vector_store_idx %arg12[%add3A_5, %broadcast_in_dim3A_2400], %gather3A_2415 : memref<32x512xf32, #tpu.memory_space<vmem>>[vector<16xi32>, vector<16xi32>], vector<16xf32>,
      %gather3A_2416 = arith.constant 0 : i32
      %gather3A_2417 = arith.constant 0 : i32
      %gather3A_2418 = tpu.memref_slice %arg11[%rem3A_2349, %gather3A_2416, %gather3A_2417] : memref<10x32x128xf32, #tpu.memory_space<vmem>> -> memref<1x32x128xf32, #tpu.memory_space<vmem>>
      %gather3A_2419 = tpu.memref_squeeze %gather3A_2418 : memref<1x32x128xf32, #tpu.memory_space<vmem>> -> memref<32x128xf32, #tpu.memory_space<vmem>>
      %gather3A_2420 = tpu.vector_load_idx %gather3A_2419[%add3A_5, %broadcast_in_dim3A_2399] : memref<32x128xf32, #tpu.memory_space<vmem>>[vector<16xi32>, vector<16xi32>], vector<16xf32>,
      tpu.vector_store_idx %arg13[%add3A_5, %broadcast_in_dim3A_2400], %gather3A_2420 : memref<32x512xf32, #tpu.memory_space<vmem>>[vector<16xi32>, vector<16xi32>], vector<16xf32>,
      %slice3A_2421 = vector.extract_strided_slice %get3A_682 {offsets = [14], sizes = [1], strides = [1]} : vector<16xi32> to vector<1xi32>
      %squeeze3A_2422 = vector.extract %slice3A_2421[0] : i32 from vector<1xi32>
      %slice3A_2423 = vector.extract_strided_slice %get3A_684 {offsets = [14], sizes = [1], strides = [1]} : vector<16xi32> to vector<1xi32>
      %squeeze3A_2424 = vector.extract %slice3A_2423[0] : i32 from vector<1xi32>
      %jit3A_2425 = arith.constant 128 : i32
      %div3A_2426 = arith.divsi %squeeze3A_2422, %jit3A_2425 : i32
      %sign3A_2427 = arith.constant 0 : i32
      %sign3A_2428 = arith.cmpi sgt, %squeeze3A_2422, %sign3A_2427 : i32
      %sign3A_2429 = arith.extui %sign3A_2428 : i1 to i32
      %sign3A_2430 = arith.constant 0 : i32
      %sign3A_2431 = arith.cmpi slt, %squeeze3A_2422, %sign3A_2430 : i32
      %sign3A_2432 = arith.extui %sign3A_2431 : i1 to i32
      %sign3A_2433 = arith.subi %sign3A_2429, %sign3A_2432 : i32
      %sign3A_2434 = arith.constant 0 : i32
      %sign3A_2435 = arith.cmpi sgt, %jit3A_2425, %sign3A_2434 : i32
      %sign3A_2436 = arith.extui %sign3A_2435 : i1 to i32
      %sign3A_2437 = arith.constant 0 : i32
      %sign3A_2438 = arith.cmpi slt, %jit3A_2425, %sign3A_2437 : i32
      %sign3A_2439 = arith.extui %sign3A_2438 : i1 to i32
      %sign3A_2440 = arith.subi %sign3A_2436, %sign3A_2439 : i32
      %ne3A_2441 = arith.cmpi ne, %sign3A_2433, %sign3A_2440 : i32
      %rem3A_2442 = arith.remsi %squeeze3A_2422, %jit3A_2425 : i32
      %ne3A_2443 = arith.constant 0 : i32
      %ne3A_2444 = arith.cmpi ne, %rem3A_2442, %ne3A_2443 : i32
      %and3A_2445 = arith.andi %ne3A_2441, %ne3A_2444 : i1
      %sub3A_2446 = arith.constant 1 : i32
      %sub3A_2447 = arith.subi %div3A_2426, %sub3A_2446 : i32
      %select_n3A_2448 = arith.select %and3A_2445, %sub3A_2447, %div3A_2426 : i32
      %mul3A_2449 = arith.constant 128 : i32
      %mul3A_2450 = arith.muli %select_n3A_2448, %mul3A_2449 : i32
      %multiple_of3A_2451 = tpu.assume_multiple %mul3A_2450, 128 : i32
      %jit3A_2452 = arith.constant 128 : i32
      %div3A_2453 = arith.divsi %squeeze3A_2424, %jit3A_2452 : i32
      %sign3A_2454 = arith.constant 0 : i32
      %sign3A_2455 = arith.cmpi sgt, %squeeze3A_2424, %sign3A_2454 : i32
      %sign3A_2456 = arith.extui %sign3A_2455 : i1 to i32
      %sign3A_2457 = arith.constant 0 : i32
      %sign3A_2458 = arith.cmpi slt, %squeeze3A_2424, %sign3A_2457 : i32
      %sign3A_2459 = arith.extui %sign3A_2458 : i1 to i32
      %sign3A_2460 = arith.subi %sign3A_2456, %sign3A_2459 : i32
      %sign3A_2461 = arith.constant 0 : i32
      %sign3A_2462 = arith.cmpi sgt, %jit3A_2452, %sign3A_2461 : i32
      %sign3A_2463 = arith.extui %sign3A_2462 : i1 to i32
      %sign3A_2464 = arith.constant 0 : i32
      %sign3A_2465 = arith.cmpi slt, %jit3A_2452, %sign3A_2464 : i32
      %sign3A_2466 = arith.extui %sign3A_2465 : i1 to i32
      %sign3A_2467 = arith.subi %sign3A_2463, %sign3A_2466 : i32
      %ne3A_2468 = arith.cmpi ne, %sign3A_2460, %sign3A_2467 : i32
      %rem3A_2469 = arith.remsi %squeeze3A_2424, %jit3A_2452 : i32
      %ne3A_2470 = arith.constant 0 : i32
      %ne3A_2471 = arith.cmpi ne, %rem3A_2469, %ne3A_2470 : i32
      %and3A_2472 = arith.andi %ne3A_2468, %ne3A_2471 : i1
      %sub3A_2473 = arith.constant 1 : i32
      %sub3A_2474 = arith.subi %div3A_2453, %sub3A_2473 : i32
      %select_n3A_2475 = arith.select %and3A_2472, %sub3A_2474, %div3A_2453 : i32
      %mul3A_2476 = arith.constant 128 : i32
      %mul3A_2477 = arith.muli %select_n3A_2475, %mul3A_2476 : i32
      %multiple_of3A_2478 = tpu.assume_multiple %mul3A_2477, 128 : i32
      %dma_start3A_2479 = arith.constant 0 : i32
      %dma_start3A_2480 = arith.constant 0 : i32
      %dma_start3A_2481 = tpu.memref_slice %arg10[%rem3A_2353, %dma_start3A_2479, %dma_start3A_2480] : memref<10x32x128xf32, #tpu.memory_space<vmem>> -> memref<1x32x128xf32, #tpu.memory_space<vmem>>
      %dma_start3A_2482 = tpu.memref_squeeze %dma_start3A_2481 : memref<1x32x128xf32, #tpu.memory_space<vmem>> -> memref<32x128xf32, #tpu.memory_space<vmem>>
      %dma_start3A_2483 = arith.constant 0 : i32
      %dma_start3A_2484 = tpu.memref_slice %arg2[%dma_start3A_2483, %multiple_of3A_2451] : memref<32x1000000xf32, #tpu.memory_space<hbm>> -> memref<32x128xf32, #tpu.memory_space<hbm>>
      %dma_start3A_2485 = tpu.memref_slice %arg14[%rem3A_2353] : memref<10x!tpu.dma_semaphore, #tpu.memory_space<semaphore_mem>> -> memref<1x!tpu.dma_semaphore, #tpu.memory_space<semaphore_mem>>
      %dma_start3A_2486 = tpu.memref_squeeze %dma_start3A_2485 : memref<1x!tpu.dma_semaphore, #tpu.memory_space<semaphore_mem>> -> memref<!tpu.dma_semaphore, #tpu.memory_space<semaphore_mem>>
      %dma_start3A_2487 = arith.constant 0 : i32
      %dma_start3A_2488 = arith.constant 0 : i32
      %dma_start3A_2489 = tpu.memref_slice %arg10[%rem3A_2353, %dma_start3A_2487, %dma_start3A_2488] : memref<10x32x128xf32, #tpu.memory_space<vmem>> -> memref<1x32x128xf32, #tpu.memory_space<vmem>>
      %dma_start3A_2490 = tpu.memref_squeeze %dma_start3A_2489 : memref<1x32x128xf32, #tpu.memory_space<vmem>> -> memref<32x128xf32, #tpu.memory_space<vmem>>
      %dma_start3A_2491 = arith.constant 0 : i32
      %dma_start3A_2492 = tpu.memref_slice %arg2[%dma_start3A_2491, %multiple_of3A_2451] : memref<32x1000000xf32, #tpu.memory_space<hbm>> -> memref<32x128xf32, #tpu.memory_space<hbm>>
      tpu.enqueue_dma source(%dma_start3A_2492 : memref<32x128xf32, #tpu.memory_space<hbm>>) target(%dma_start3A_2490 : memref<32x128xf32, #tpu.memory_space<vmem>>) target_semaphore(%dma_start3A_2486 : memref<!tpu.dma_semaphore, #tpu.memory_space<semaphore_mem>>)
      %dma_start3A_2493 = arith.constant 0 : i32
      %dma_start3A_2494 = arith.constant 0 : i32
      %dma_start3A_2495 = tpu.memref_slice %arg11[%rem3A_2353, %dma_start3A_2493, %dma_start3A_2494] : memref<10x32x128xf32, #tpu.memory_space<vmem>> -> memref<1x32x128xf32, #tpu.memory_space<vmem>>
      %dma_start3A_2496 = tpu.memref_squeeze %dma_start3A_2495 : memref<1x32x128xf32, #tpu.memory_space<vmem>> -> memref<32x128xf32, #tpu.memory_space<vmem>>
      %dma_start3A_2497 = arith.constant 0 : i32
      %dma_start3A_2498 = tpu.memref_slice %arg3[%dma_start3A_2497, %multiple_of3A_2478] : memref<32x100000xf32, #tpu.memory_space<hbm>> -> memref<32x128xf32, #tpu.memory_space<hbm>>
      %dma_start3A_2499 = tpu.memref_slice %arg15[%rem3A_2353] : memref<10x!tpu.dma_semaphore, #tpu.memory_space<semaphore_mem>> -> memref<1x!tpu.dma_semaphore, #tpu.memory_space<semaphore_mem>>
      %dma_start3A_2500 = tpu.memref_squeeze %dma_start3A_2499 : memref<1x!tpu.dma_semaphore, #tpu.memory_space<semaphore_mem>> -> memref<!tpu.dma_semaphore, #tpu.memory_space<semaphore_mem>>
      %dma_start3A_2501 = arith.constant 0 : i32
      %dma_start3A_2502 = arith.constant 0 : i32
      %dma_start3A_2503 = tpu.memref_slice %arg11[%rem3A_2353, %dma_start3A_2501, %dma_start3A_2502] : memref<10x32x128xf32, #tpu.memory_space<vmem>> -> memref<1x32x128xf32, #tpu.memory_space<vmem>>
      %dma_start3A_2504 = tpu.memref_squeeze %dma_start3A_2503 : memref<1x32x128xf32, #tpu.memory_space<vmem>> -> memref<32x128xf32, #tpu.memory_space<vmem>>
      %dma_start3A_2505 = arith.constant 0 : i32
      %dma_start3A_2506 = tpu.memref_slice %arg3[%dma_start3A_2505, %multiple_of3A_2478] : memref<32x100000xf32, #tpu.memory_space<hbm>> -> memref<32x128xf32, #tpu.memory_space<hbm>>
      tpu.enqueue_dma source(%dma_start3A_2506 : memref<32x128xf32, #tpu.memory_space<hbm>>) target(%dma_start3A_2504 : memref<32x128xf32, #tpu.memory_space<vmem>>) target_semaphore(%dma_start3A_2500 : memref<!tpu.dma_semaphore, #tpu.memory_space<semaphore_mem>>)
      %add3A_2507 = arith.constant 15 : i32
      %add3A_2508 = arith.addi %mul3A_680, %add3A_2507 : i32
      %sub3A_2509 = arith.constant 10 : i32
      %sub3A_2510 = arith.subi %add3A_2508, %sub3A_2509 : i32
      %rem3A_2511 = arith.constant 10 : i32
      %rem3A_2512 = arith.remsi %sub3A_2510, %rem3A_2511 : i32
      %add3A_2513 = arith.constant 15 : i32
      %add3A_2514 = arith.addi %mul3A_680, %add3A_2513 : i32
      %rem3A_2515 = arith.constant 10 : i32
      %rem3A_2516 = arith.remsi %add3A_2514, %rem3A_2515 : i32
      %slice3A_2517 = vector.extract_strided_slice %get3A_682 {offsets = [5], sizes = [1], strides = [1]} : vector<16xi32> to vector<1xi32>
      %squeeze3A_2518 = vector.extract %slice3A_2517[0] : i32 from vector<1xi32>
      %slice3A_2519 = vector.extract_strided_slice %get3A_684 {offsets = [5], sizes = [1], strides = [1]} : vector<16xi32> to vector<1xi32>
      %squeeze3A_2520 = vector.extract %slice3A_2519[0] : i32 from vector<1xi32>
      %add3A_2521 = arith.constant 15 : i32
      %add3A_2522 = arith.addi %mul3A_680, %add3A_2521 : i32
      %sub3A_2523 = arith.constant 10 : i32
      %sub3A_2524 = arith.subi %add3A_2522, %sub3A_2523 : i32
      %dma_wait3A_2525 = arith.constant 0 : i32
      %dma_wait3A_2526 = arith.constant 0 : i32
      %dma_wait3A_2527 = tpu.memref_slice %arg10[%rem3A_2512, %dma_wait3A_2525, %dma_wait3A_2526] : memref<10x32x128xf32, #tpu.memory_space<vmem>> -> memref<1x32x128xf32, #tpu.memory_space<vmem>>
      %dma_wait3A_2528 = tpu.memref_squeeze %dma_wait3A_2527 : memref<1x32x128xf32, #tpu.memory_space<vmem>> -> memref<32x128xf32, #tpu.memory_space<vmem>>
      %dma_wait3A_2529 = arith.constant 0 : i32
      %dma_wait3A_2530 = arith.constant 0 : i32
      %dma_wait3A_2531 = tpu.memref_slice %arg2[%dma_wait3A_2529, %dma_wait3A_2530] : memref<32x1000000xf32, #tpu.memory_space<hbm>> -> memref<32x128xf32, #tpu.memory_space<hbm>>
      %dma_wait3A_2532 = tpu.memref_slice %arg14[%rem3A_2512] : memref<10x!tpu.dma_semaphore, #tpu.memory_space<semaphore_mem>> -> memref<1x!tpu.dma_semaphore, #tpu.memory_space<semaphore_mem>>
      %dma_wait3A_2533 = tpu.memref_squeeze %dma_wait3A_2532 : memref<1x!tpu.dma_semaphore, #tpu.memory_space<semaphore_mem>> -> memref<!tpu.dma_semaphore, #tpu.memory_space<semaphore_mem>>
      %dma_wait3A_2534 = arith.constant 0 : i32
      %dma_wait3A_2535 = arith.constant 0 : i32
      %dma_wait3A_2536 = tpu.memref_slice %arg10[%rem3A_2512, %dma_wait3A_2534, %dma_wait3A_2535] : memref<10x32x128xf32, #tpu.memory_space<vmem>> -> memref<1x32x128xf32, #tpu.memory_space<vmem>>
      %dma_wait3A_2537 = tpu.memref_squeeze %dma_wait3A_2536 : memref<1x32x128xf32, #tpu.memory_space<vmem>> -> memref<32x128xf32, #tpu.memory_space<vmem>>
      %dma_wait3A_2538 = arith.constant 0 : i32
      %dma_wait3A_2539 = arith.constant 0 : i32
      %dma_wait3A_2540 = tpu.memref_slice %arg2[%dma_wait3A_2538, %dma_wait3A_2539] : memref<32x1000000xf32, #tpu.memory_space<hbm>> -> memref<32x128xf32, #tpu.memory_space<hbm>>
      tpu.wait_dma2 semaphore(%dma_wait3A_2533 : memref<!tpu.dma_semaphore, #tpu.memory_space<semaphore_mem>>) src(%dma_wait3A_2540 : memref<32x128xf32, #tpu.memory_space<hbm>>) dst(%dma_wait3A_2537 : memref<32x128xf32, #tpu.memory_space<vmem>>)
      %dma_wait3A_2541 = arith.constant 0 : i32
      %dma_wait3A_2542 = arith.constant 0 : i32
      %dma_wait3A_2543 = tpu.memref_slice %arg11[%rem3A_2512, %dma_wait3A_2541, %dma_wait3A_2542] : memref<10x32x128xf32, #tpu.memory_space<vmem>> -> memref<1x32x128xf32, #tpu.memory_space<vmem>>
      %dma_wait3A_2544 = tpu.memref_squeeze %dma_wait3A_2543 : memref<1x32x128xf32, #tpu.memory_space<vmem>> -> memref<32x128xf32, #tpu.memory_space<vmem>>
      %dma_wait3A_2545 = arith.constant 0 : i32
      %dma_wait3A_2546 = arith.constant 0 : i32
      %dma_wait3A_2547 = tpu.memref_slice %arg3[%dma_wait3A_2545, %dma_wait3A_2546] : memref<32x100000xf32, #tpu.memory_space<hbm>> -> memref<32x128xf32, #tpu.memory_space<hbm>>
      %dma_wait3A_2548 = tpu.memref_slice %arg15[%rem3A_2512] : memref<10x!tpu.dma_semaphore, #tpu.memory_space<semaphore_mem>> -> memref<1x!tpu.dma_semaphore, #tpu.memory_space<semaphore_mem>>
      %dma_wait3A_2549 = tpu.memref_squeeze %dma_wait3A_2548 : memref<1x!tpu.dma_semaphore, #tpu.memory_space<semaphore_mem>> -> memref<!tpu.dma_semaphore, #tpu.memory_space<semaphore_mem>>
      %dma_wait3A_2550 = arith.constant 0 : i32
      %dma_wait3A_2551 = arith.constant 0 : i32
      %dma_wait3A_2552 = tpu.memref_slice %arg11[%rem3A_2512, %dma_wait3A_2550, %dma_wait3A_2551] : memref<10x32x128xf32, #tpu.memory_space<vmem>> -> memref<1x32x128xf32, #tpu.memory_space<vmem>>
      %dma_wait3A_2553 = tpu.memref_squeeze %dma_wait3A_2552 : memref<1x32x128xf32, #tpu.memory_space<vmem>> -> memref<32x128xf32, #tpu.memory_space<vmem>>
      %dma_wait3A_2554 = arith.constant 0 : i32
      %dma_wait3A_2555 = arith.constant 0 : i32
      %dma_wait3A_2556 = tpu.memref_slice %arg3[%dma_wait3A_2554, %dma_wait3A_2555] : memref<32x100000xf32, #tpu.memory_space<hbm>> -> memref<32x128xf32, #tpu.memory_space<hbm>>
      tpu.wait_dma2 semaphore(%dma_wait3A_2549 : memref<!tpu.dma_semaphore, #tpu.memory_space<semaphore_mem>>) src(%dma_wait3A_2556 : memref<32x128xf32, #tpu.memory_space<hbm>>) dst(%dma_wait3A_2553 : memref<32x128xf32, #tpu.memory_space<vmem>>)
      %rem3A_2557 = arith.constant 128 : i32
      %rem3A_2558 = arith.remsi %squeeze3A_2518, %rem3A_2557 : i32
      %broadcast_in_dim3A_2559 = vector.broadcast %rem3A_2558 : i32 to vector<16xi32>
      %rem3A_2560 = arith.constant 128 : i32
      %rem3A_2561 = arith.remsi %squeeze3A_2520, %rem3A_2560 : i32
      %broadcast_in_dim3A_2562 = vector.broadcast %rem3A_2561 : i32 to vector<16xi32>
      %broadcast_in_dim3A_2563 = vector.broadcast %sub3A_2524 : i32 to vector<16xi32>
      %gather3A_2564 = arith.constant 0 : i32
      %gather3A_2565 = arith.constant 0 : i32
      %gather3A_2566 = tpu.memref_slice %arg10[%rem3A_2512, %gather3A_2564, %gather3A_2565] : memref<10x32x128xf32, #tpu.memory_space<vmem>> -> memref<1x32x128xf32, #tpu.memory_space<vmem>>
      %gather3A_2567 = tpu.memref_squeeze %gather3A_2566 : memref<1x32x128xf32, #tpu.memory_space<vmem>> -> memref<32x128xf32, #tpu.memory_space<vmem>>
      %gather3A_2568 = tpu.vector_load_idx %gather3A_2567[%iota3A, %broadcast_in_dim3A_2559] : memref<32x128xf32, #tpu.memory_space<vmem>>[vector<16xi32>, vector<16xi32>], vector<16xf32>,
      tpu.vector_store_idx %arg12[%iota3A, %broadcast_in_dim3A_2563], %gather3A_2568 : memref<32x512xf32, #tpu.memory_space<vmem>>[vector<16xi32>, vector<16xi32>], vector<16xf32>,
      %gather3A_2569 = arith.constant 0 : i32
      %gather3A_2570 = arith.constant 0 : i32
      %gather3A_2571 = tpu.memref_slice %arg11[%rem3A_2512, %gather3A_2569, %gather3A_2570] : memref<10x32x128xf32, #tpu.memory_space<vmem>> -> memref<1x32x128xf32, #tpu.memory_space<vmem>>
      %gather3A_2572 = tpu.memref_squeeze %gather3A_2571 : memref<1x32x128xf32, #tpu.memory_space<vmem>> -> memref<32x128xf32, #tpu.memory_space<vmem>>
      %gather3A_2573 = tpu.vector_load_idx %gather3A_2572[%iota3A, %broadcast_in_dim3A_2562] : memref<32x128xf32, #tpu.memory_space<vmem>>[vector<16xi32>, vector<16xi32>], vector<16xf32>,
      tpu.vector_store_idx %arg13[%iota3A, %broadcast_in_dim3A_2563], %gather3A_2573 : memref<32x512xf32, #tpu.memory_space<vmem>>[vector<16xi32>, vector<16xi32>], vector<16xf32>,
      %gather3A_2574 = arith.constant 0 : i32
      %gather3A_2575 = arith.constant 0 : i32
      %gather3A_2576 = tpu.memref_slice %arg10[%rem3A_2512, %gather3A_2574, %gather3A_2575] : memref<10x32x128xf32, #tpu.memory_space<vmem>> -> memref<1x32x128xf32, #tpu.memory_space<vmem>>
      %gather3A_2577 = tpu.memref_squeeze %gather3A_2576 : memref<1x32x128xf32, #tpu.memory_space<vmem>> -> memref<32x128xf32, #tpu.memory_space<vmem>>
      %gather3A_2578 = tpu.vector_load_idx %gather3A_2577[%add3A_5, %broadcast_in_dim3A_2559] : memref<32x128xf32, #tpu.memory_space<vmem>>[vector<16xi32>, vector<16xi32>], vector<16xf32>,
      tpu.vector_store_idx %arg12[%add3A_5, %broadcast_in_dim3A_2563], %gather3A_2578 : memref<32x512xf32, #tpu.memory_space<vmem>>[vector<16xi32>, vector<16xi32>], vector<16xf32>,
      %gather3A_2579 = arith.constant 0 : i32
      %gather3A_2580 = arith.constant 0 : i32
      %gather3A_2581 = tpu.memref_slice %arg11[%rem3A_2512, %gather3A_2579, %gather3A_2580] : memref<10x32x128xf32, #tpu.memory_space<vmem>> -> memref<1x32x128xf32, #tpu.memory_space<vmem>>
      %gather3A_2582 = tpu.memref_squeeze %gather3A_2581 : memref<1x32x128xf32, #tpu.memory_space<vmem>> -> memref<32x128xf32, #tpu.memory_space<vmem>>
      %gather3A_2583 = tpu.vector_load_idx %gather3A_2582[%add3A_5, %broadcast_in_dim3A_2562] : memref<32x128xf32, #tpu.memory_space<vmem>>[vector<16xi32>, vector<16xi32>], vector<16xf32>,
      tpu.vector_store_idx %arg13[%add3A_5, %broadcast_in_dim3A_2563], %gather3A_2583 : memref<32x512xf32, #tpu.memory_space<vmem>>[vector<16xi32>, vector<16xi32>], vector<16xf32>,
      %slice3A_2584 = vector.extract_strided_slice %get3A_682 {offsets = [15], sizes = [1], strides = [1]} : vector<16xi32> to vector<1xi32>
      %squeeze3A_2585 = vector.extract %slice3A_2584[0] : i32 from vector<1xi32>
      %slice3A_2586 = vector.extract_strided_slice %get3A_684 {offsets = [15], sizes = [1], strides = [1]} : vector<16xi32> to vector<1xi32>
      %squeeze3A_2587 = vector.extract %slice3A_2586[0] : i32 from vector<1xi32>
      %jit3A_2588 = arith.constant 128 : i32
      %div3A_2589 = arith.divsi %squeeze3A_2585, %jit3A_2588 : i32
      %sign3A_2590 = arith.constant 0 : i32
      %sign3A_2591 = arith.cmpi sgt, %squeeze3A_2585, %sign3A_2590 : i32
      %sign3A_2592 = arith.extui %sign3A_2591 : i1 to i32
      %sign3A_2593 = arith.constant 0 : i32
      %sign3A_2594 = arith.cmpi slt, %squeeze3A_2585, %sign3A_2593 : i32
      %sign3A_2595 = arith.extui %sign3A_2594 : i1 to i32
      %sign3A_2596 = arith.subi %sign3A_2592, %sign3A_2595 : i32
      %sign3A_2597 = arith.constant 0 : i32
      %sign3A_2598 = arith.cmpi sgt, %jit3A_2588, %sign3A_2597 : i32
      %sign3A_2599 = arith.extui %sign3A_2598 : i1 to i32
      %sign3A_2600 = arith.constant 0 : i32
      %sign3A_2601 = arith.cmpi slt, %jit3A_2588, %sign3A_2600 : i32
      %sign3A_2602 = arith.extui %sign3A_2601 : i1 to i32
      %sign3A_2603 = arith.subi %sign3A_2599, %sign3A_2602 : i32
      %ne3A_2604 = arith.cmpi ne, %sign3A_2596, %sign3A_2603 : i32
      %rem3A_2605 = arith.remsi %squeeze3A_2585, %jit3A_2588 : i32
      %ne3A_2606 = arith.constant 0 : i32
      %ne3A_2607 = arith.cmpi ne, %rem3A_2605, %ne3A_2606 : i32
      %and3A_2608 = arith.andi %ne3A_2604, %ne3A_2607 : i1
      %sub3A_2609 = arith.constant 1 : i32
      %sub3A_2610 = arith.subi %div3A_2589, %sub3A_2609 : i32
      %select_n3A_2611 = arith.select %and3A_2608, %sub3A_2610, %div3A_2589 : i32
      %mul3A_2612 = arith.constant 128 : i32
      %mul3A_2613 = arith.muli %select_n3A_2611, %mul3A_2612 : i32
      %multiple_of3A_2614 = tpu.assume_multiple %mul3A_2613, 128 : i32
      %jit3A_2615 = arith.constant 128 : i32
      %div3A_2616 = arith.divsi %squeeze3A_2587, %jit3A_2615 : i32
      %sign3A_2617 = arith.constant 0 : i32
      %sign3A_2618 = arith.cmpi sgt, %squeeze3A_2587, %sign3A_2617 : i32
      %sign3A_2619 = arith.extui %sign3A_2618 : i1 to i32
      %sign3A_2620 = arith.constant 0 : i32
      %sign3A_2621 = arith.cmpi slt, %squeeze3A_2587, %sign3A_2620 : i32
      %sign3A_2622 = arith.extui %sign3A_2621 : i1 to i32
      %sign3A_2623 = arith.subi %sign3A_2619, %sign3A_2622 : i32
      %sign3A_2624 = arith.constant 0 : i32
      %sign3A_2625 = arith.cmpi sgt, %jit3A_2615, %sign3A_2624 : i32
      %sign3A_2626 = arith.extui %sign3A_2625 : i1 to i32
      %sign3A_2627 = arith.constant 0 : i32
      %sign3A_2628 = arith.cmpi slt, %jit3A_2615, %sign3A_2627 : i32
      %sign3A_2629 = arith.extui %sign3A_2628 : i1 to i32
      %sign3A_2630 = arith.subi %sign3A_2626, %sign3A_2629 : i32
      %ne3A_2631 = arith.cmpi ne, %sign3A_2623, %sign3A_2630 : i32
      %rem3A_2632 = arith.remsi %squeeze3A_2587, %jit3A_2615 : i32
      %ne3A_2633 = arith.constant 0 : i32
      %ne3A_2634 = arith.cmpi ne, %rem3A_2632, %ne3A_2633 : i32
      %and3A_2635 = arith.andi %ne3A_2631, %ne3A_2634 : i1
      %sub3A_2636 = arith.constant 1 : i32
      %sub3A_2637 = arith.subi %div3A_2616, %sub3A_2636 : i32
      %select_n3A_2638 = arith.select %and3A_2635, %sub3A_2637, %div3A_2616 : i32
      %mul3A_2639 = arith.constant 128 : i32
      %mul3A_2640 = arith.muli %select_n3A_2638, %mul3A_2639 : i32
      %multiple_of3A_2641 = tpu.assume_multiple %mul3A_2640, 128 : i32
      %dma_start3A_2642 = arith.constant 0 : i32
      %dma_start3A_2643 = arith.constant 0 : i32
      %dma_start3A_2644 = tpu.memref_slice %arg10[%rem3A_2516, %dma_start3A_2642, %dma_start3A_2643] : memref<10x32x128xf32, #tpu.memory_space<vmem>> -> memref<1x32x128xf32, #tpu.memory_space<vmem>>
      %dma_start3A_2645 = tpu.memref_squeeze %dma_start3A_2644 : memref<1x32x128xf32, #tpu.memory_space<vmem>> -> memref<32x128xf32, #tpu.memory_space<vmem>>
      %dma_start3A_2646 = arith.constant 0 : i32
      %dma_start3A_2647 = tpu.memref_slice %arg2[%dma_start3A_2646, %multiple_of3A_2614] : memref<32x1000000xf32, #tpu.memory_space<hbm>> -> memref<32x128xf32, #tpu.memory_space<hbm>>
      %dma_start3A_2648 = tpu.memref_slice %arg14[%rem3A_2516] : memref<10x!tpu.dma_semaphore, #tpu.memory_space<semaphore_mem>> -> memref<1x!tpu.dma_semaphore, #tpu.memory_space<semaphore_mem>>
      %dma_start3A_2649 = tpu.memref_squeeze %dma_start3A_2648 : memref<1x!tpu.dma_semaphore, #tpu.memory_space<semaphore_mem>> -> memref<!tpu.dma_semaphore, #tpu.memory_space<semaphore_mem>>
      %dma_start3A_2650 = arith.constant 0 : i32
      %dma_start3A_2651 = arith.constant 0 : i32
      %dma_start3A_2652 = tpu.memref_slice %arg10[%rem3A_2516, %dma_start3A_2650, %dma_start3A_2651] : memref<10x32x128xf32, #tpu.memory_space<vmem>> -> memref<1x32x128xf32, #tpu.memory_space<vmem>>
      %dma_start3A_2653 = tpu.memref_squeeze %dma_start3A_2652 : memref<1x32x128xf32, #tpu.memory_space<vmem>> -> memref<32x128xf32, #tpu.memory_space<vmem>>
      %dma_start3A_2654 = arith.constant 0 : i32
      %dma_start3A_2655 = tpu.memref_slice %arg2[%dma_start3A_2654, %multiple_of3A_2614] : memref<32x1000000xf32, #tpu.memory_space<hbm>> -> memref<32x128xf32, #tpu.memory_space<hbm>>
      tpu.enqueue_dma source(%dma_start3A_2655 : memref<32x128xf32, #tpu.memory_space<hbm>>) target(%dma_start3A_2653 : memref<32x128xf32, #tpu.memory_space<vmem>>) target_semaphore(%dma_start3A_2649 : memref<!tpu.dma_semaphore, #tpu.memory_space<semaphore_mem>>)
      %dma_start3A_2656 = arith.constant 0 : i32
      %dma_start3A_2657 = arith.constant 0 : i32
      %dma_start3A_2658 = tpu.memref_slice %arg11[%rem3A_2516, %dma_start3A_2656, %dma_start3A_2657] : memref<10x32x128xf32, #tpu.memory_space<vmem>> -> memref<1x32x128xf32, #tpu.memory_space<vmem>>
      %dma_start3A_2659 = tpu.memref_squeeze %dma_start3A_2658 : memref<1x32x128xf32, #tpu.memory_space<vmem>> -> memref<32x128xf32, #tpu.memory_space<vmem>>
      %dma_start3A_2660 = arith.constant 0 : i32
      %dma_start3A_2661 = tpu.memref_slice %arg3[%dma_start3A_2660, %multiple_of3A_2641] : memref<32x100000xf32, #tpu.memory_space<hbm>> -> memref<32x128xf32, #tpu.memory_space<hbm>>
      %dma_start3A_2662 = tpu.memref_slice %arg15[%rem3A_2516] : memref<10x!tpu.dma_semaphore, #tpu.memory_space<semaphore_mem>> -> memref<1x!tpu.dma_semaphore, #tpu.memory_space<semaphore_mem>>
      %dma_start3A_2663 = tpu.memref_squeeze %dma_start3A_2662 : memref<1x!tpu.dma_semaphore, #tpu.memory_space<semaphore_mem>> -> memref<!tpu.dma_semaphore, #tpu.memory_space<semaphore_mem>>
      %dma_start3A_2664 = arith.constant 0 : i32
      %dma_start3A_2665 = arith.constant 0 : i32
      %dma_start3A_2666 = tpu.memref_slice %arg11[%rem3A_2516, %dma_start3A_2664, %dma_start3A_2665] : memref<10x32x128xf32, #tpu.memory_space<vmem>> -> memref<1x32x128xf32, #tpu.memory_space<vmem>>
      %dma_start3A_2667 = tpu.memref_squeeze %dma_start3A_2666 : memref<1x32x128xf32, #tpu.memory_space<vmem>> -> memref<32x128xf32, #tpu.memory_space<vmem>>
      %dma_start3A_2668 = arith.constant 0 : i32
      %dma_start3A_2669 = tpu.memref_slice %arg3[%dma_start3A_2668, %multiple_of3A_2641] : memref<32x100000xf32, #tpu.memory_space<hbm>> -> memref<32x128xf32, #tpu.memory_space<hbm>>
      tpu.enqueue_dma source(%dma_start3A_2669 : memref<32x128xf32, #tpu.memory_space<hbm>>) target(%dma_start3A_2667 : memref<32x128xf32, #tpu.memory_space<vmem>>) target_semaphore(%dma_start3A_2663 : memref<!tpu.dma_semaphore, #tpu.memory_space<semaphore_mem>>)
    }
    %scan3A_10 = arith.constant 32 : i32
    %get3A = arith.constant 496 : index
    %get3A_11 = tpu.vector_load %arg8[%get3A] {strides = array<i32>} : memref<512xi32, #tpu.memory_space<vmem>>, vector<16xi32>,
    %get3A_12 = arith.constant 496 : index
    %get3A_13 = tpu.vector_load %arg9[%get3A_12] {strides = array<i32>} : memref<512xi32, #tpu.memory_space<vmem>>, vector<16xi32>,
    %slice3A = vector.extract_strided_slice %get3A_11 {offsets = [6], sizes = [1], strides = [1]} : vector<16xi32> to vector<1xi32>
    %squeeze3A = vector.extract %slice3A[0] : i32 from vector<1xi32>
    %slice3A_14 = vector.extract_strided_slice %get3A_13 {offsets = [6], sizes = [1], strides = [1]} : vector<16xi32> to vector<1xi32>
    %squeeze3A_15 = vector.extract %slice3A_14[0] : i32 from vector<1xi32>
    %rem3A = arith.constant 502 : i32
    %rem3A_16 = arith.constant 10 : i32
    %rem3A_17 = arith.remsi %rem3A, %rem3A_16 : i32
    %dma_wait3A = arith.constant 0 : i32
    %dma_wait3A_18 = arith.constant 0 : i32
    %dma_wait3A_19 = tpu.memref_slice %arg10[%rem3A_17, %dma_wait3A, %dma_wait3A_18] : memref<10x32x128xf32, #tpu.memory_space<vmem>> -> memref<1x32x128xf32, #tpu.memory_space<vmem>>
    %dma_wait3A_20 = tpu.memref_squeeze %dma_wait3A_19 : memref<1x32x128xf32, #tpu.memory_space<vmem>> -> memref<32x128xf32, #tpu.memory_space<vmem>>
    %dma_wait3A_21 = arith.constant 0 : i32
    %dma_wait3A_22 = arith.constant 0 : i32
    %dma_wait3A_23 = tpu.memref_slice %arg2[%dma_wait3A_21, %dma_wait3A_22] : memref<32x1000000xf32, #tpu.memory_space<hbm>> -> memref<32x128xf32, #tpu.memory_space<hbm>>
    %dma_wait3A_24 = tpu.memref_slice %arg14[%rem3A_17] : memref<10x!tpu.dma_semaphore, #tpu.memory_space<semaphore_mem>> -> memref<1x!tpu.dma_semaphore, #tpu.memory_space<semaphore_mem>>
    %dma_wait3A_25 = tpu.memref_squeeze %dma_wait3A_24 : memref<1x!tpu.dma_semaphore, #tpu.memory_space<semaphore_mem>> -> memref<!tpu.dma_semaphore, #tpu.memory_space<semaphore_mem>>
    %dma_wait3A_26 = arith.constant 0 : i32
    %dma_wait3A_27 = arith.constant 0 : i32
    %dma_wait3A_28 = tpu.memref_slice %arg10[%rem3A_17, %dma_wait3A_26, %dma_wait3A_27] : memref<10x32x128xf32, #tpu.memory_space<vmem>> -> memref<1x32x128xf32, #tpu.memory_space<vmem>>
    %dma_wait3A_29 = tpu.memref_squeeze %dma_wait3A_28 : memref<1x32x128xf32, #tpu.memory_space<vmem>> -> memref<32x128xf32, #tpu.memory_space<vmem>>
    %dma_wait3A_30 = arith.constant 0 : i32
    %dma_wait3A_31 = arith.constant 0 : i32
    %dma_wait3A_32 = tpu.memref_slice %arg2[%dma_wait3A_30, %dma_wait3A_31] : memref<32x1000000xf32, #tpu.memory_space<hbm>> -> memref<32x128xf32, #tpu.memory_space<hbm>>
    tpu.wait_dma2 semaphore(%dma_wait3A_25 : memref<!tpu.dma_semaphore, #tpu.memory_space<semaphore_mem>>) src(%dma_wait3A_32 : memref<32x128xf32, #tpu.memory_space<hbm>>) dst(%dma_wait3A_29 : memref<32x128xf32, #tpu.memory_space<vmem>>)
    %dma_wait3A_33 = arith.constant 0 : i32
    %dma_wait3A_34 = arith.constant 0 : i32
    %dma_wait3A_35 = tpu.memref_slice %arg11[%rem3A_17, %dma_wait3A_33, %dma_wait3A_34] : memref<10x32x128xf32, #tpu.memory_space<vmem>> -> memref<1x32x128xf32, #tpu.memory_space<vmem>>
    %dma_wait3A_36 = tpu.memref_squeeze %dma_wait3A_35 : memref<1x32x128xf32, #tpu.memory_space<vmem>> -> memref<32x128xf32, #tpu.memory_space<vmem>>
    %dma_wait3A_37 = arith.constant 0 : i32
    %dma_wait3A_38 = arith.constant 0 : i32
    %dma_wait3A_39 = tpu.memref_slice %arg3[%dma_wait3A_37, %dma_wait3A_38] : memref<32x100000xf32, #tpu.memory_space<hbm>> -> memref<32x128xf32, #tpu.memory_space<hbm>>
    %dma_wait3A_40 = tpu.memref_slice %arg15[%rem3A_17] : memref<10x!tpu.dma_semaphore, #tpu.memory_space<semaphore_mem>> -> memref<1x!tpu.dma_semaphore, #tpu.memory_space<semaphore_mem>>
    %dma_wait3A_41 = tpu.memref_squeeze %dma_wait3A_40 : memref<1x!tpu.dma_semaphore, #tpu.memory_space<semaphore_mem>> -> memref<!tpu.dma_semaphore, #tpu.memory_space<semaphore_mem>>
    %dma_wait3A_42 = arith.constant 0 : i32
    %dma_wait3A_43 = arith.constant 0 : i32
    %dma_wait3A_44 = tpu.memref_slice %arg11[%rem3A_17, %dma_wait3A_42, %dma_wait3A_43] : memref<10x32x128xf32, #tpu.memory_space<vmem>> -> memref<1x32x128xf32, #tpu.memory_space<vmem>>
    %dma_wait3A_45 = tpu.memref_squeeze %dma_wait3A_44 : memref<1x32x128xf32, #tpu.memory_space<vmem>> -> memref<32x128xf32, #tpu.memory_space<vmem>>
    %dma_wait3A_46 = arith.constant 0 : i32
    %dma_wait3A_47 = arith.constant 0 : i32
    %dma_wait3A_48 = tpu.memref_slice %arg3[%dma_wait3A_46, %dma_wait3A_47] : memref<32x100000xf32, #tpu.memory_space<hbm>> -> memref<32x128xf32, #tpu.memory_space<hbm>>
    tpu.wait_dma2 semaphore(%dma_wait3A_41 : memref<!tpu.dma_semaphore, #tpu.memory_space<semaphore_mem>>) src(%dma_wait3A_48 : memref<32x128xf32, #tpu.memory_space<hbm>>) dst(%dma_wait3A_45 : memref<32x128xf32, #tpu.memory_space<vmem>>)
    %rem3A_49 = arith.constant 128 : i32
    %rem3A_50 = arith.remsi %squeeze3A, %rem3A_49 : i32
    %broadcast_in_dim3A = vector.broadcast %rem3A_50 : i32 to vector<16xi32>
    %rem3A_51 = arith.constant 128 : i32
    %rem3A_52 = arith.remsi %squeeze3A_15, %rem3A_51 : i32
    %broadcast_in_dim3A_53 = vector.broadcast %rem3A_52 : i32 to vector<16xi32>
    %broadcast_in_dim3A_54 = arith.constant 502 : i32
    %broadcast_in_dim3A_55 = vector.broadcast %broadcast_in_dim3A_54 : i32 to vector<16xi32>
    %gather3A = arith.constant 0 : i32
    %gather3A_56 = arith.constant 0 : i32
    %gather3A_57 = tpu.memref_slice %arg10[%rem3A_17, %gather3A, %gather3A_56] : memref<10x32x128xf32, #tpu.memory_space<vmem>> -> memref<1x32x128xf32, #tpu.memory_space<vmem>>
    %gather3A_58 = tpu.memref_squeeze %gather3A_57 : memref<1x32x128xf32, #tpu.memory_space<vmem>> -> memref<32x128xf32, #tpu.memory_space<vmem>>
    %gather3A_59 = tpu.vector_load_idx %gather3A_58[%iota3A, %broadcast_in_dim3A] : memref<32x128xf32, #tpu.memory_space<vmem>>[vector<16xi32>, vector<16xi32>], vector<16xf32>,
    tpu.vector_store_idx %arg12[%iota3A, %broadcast_in_dim3A_55], %gather3A_59 : memref<32x512xf32, #tpu.memory_space<vmem>>[vector<16xi32>, vector<16xi32>], vector<16xf32>,
    %gather3A_60 = arith.constant 0 : i32
    %gather3A_61 = arith.constant 0 : i32
    %gather3A_62 = tpu.memref_slice %arg11[%rem3A_17, %gather3A_60, %gather3A_61] : memref<10x32x128xf32, #tpu.memory_space<vmem>> -> memref<1x32x128xf32, #tpu.memory_space<vmem>>
    %gather3A_63 = tpu.memref_squeeze %gather3A_62 : memref<1x32x128xf32, #tpu.memory_space<vmem>> -> memref<32x128xf32, #tpu.memory_space<vmem>>
    %gather3A_64 = tpu.vector_load_idx %gather3A_63[%iota3A, %broadcast_in_dim3A_53] : memref<32x128xf32, #tpu.memory_space<vmem>>[vector<16xi32>, vector<16xi32>], vector<16xf32>,
    tpu.vector_store_idx %arg13[%iota3A, %broadcast_in_dim3A_55], %gather3A_64 : memref<32x512xf32, #tpu.memory_space<vmem>>[vector<16xi32>, vector<16xi32>], vector<16xf32>,
    %gather3A_65 = arith.constant 0 : i32
    %gather3A_66 = arith.constant 0 : i32
    %gather3A_67 = tpu.memref_slice %arg10[%rem3A_17, %gather3A_65, %gather3A_66] : memref<10x32x128xf32, #tpu.memory_space<vmem>> -> memref<1x32x128xf32, #tpu.memory_space<vmem>>
    %gather3A_68 = tpu.memref_squeeze %gather3A_67 : memref<1x32x128xf32, #tpu.memory_space<vmem>> -> memref<32x128xf32, #tpu.memory_space<vmem>>
    %gather3A_69 = tpu.vector_load_idx %gather3A_68[%add3A_5, %broadcast_in_dim3A] : memref<32x128xf32, #tpu.memory_space<vmem>>[vector<16xi32>, vector<16xi32>], vector<16xf32>,
    tpu.vector_store_idx %arg12[%add3A_5, %broadcast_in_dim3A_55], %gather3A_69 : memref<32x512xf32, #tpu.memory_space<vmem>>[vector<16xi32>, vector<16xi32>], vector<16xf32>,
    %gather3A_70 = arith.constant 0 : i32
    %gather3A_71 = arith.constant 0 : i32
    %gather3A_72 = tpu.memref_slice %arg11[%rem3A_17, %gather3A_70, %gather3A_71] : memref<10x32x128xf32, #tpu.memory_space<vmem>> -> memref<1x32x128xf32, #tpu.memory_space<vmem>>
    %gather3A_73 = tpu.memref_squeeze %gather3A_72 : memref<1x32x128xf32, #tpu.memory_space<vmem>> -> memref<32x128xf32, #tpu.memory_space<vmem>>
    %gather3A_74 = tpu.vector_load_idx %gather3A_73[%add3A_5, %broadcast_in_dim3A_53] : memref<32x128xf32, #tpu.memory_space<vmem>>[vector<16xi32>, vector<16xi32>], vector<16xf32>,
    tpu.vector_store_idx %arg13[%add3A_5, %broadcast_in_dim3A_55], %gather3A_74 : memref<32x512xf32, #tpu.memory_space<vmem>>[vector<16xi32>, vector<16xi32>], vector<16xf32>,
    %slice3A_75 = vector.extract_strided_slice %get3A_11 {offsets = [7], sizes = [1], strides = [1]} : vector<16xi32> to vector<1xi32>
    %squeeze3A_76 = vector.extract %slice3A_75[0] : i32 from vector<1xi32>
    %slice3A_77 = vector.extract_strided_slice %get3A_13 {offsets = [7], sizes = [1], strides = [1]} : vector<16xi32> to vector<1xi32>
    %squeeze3A_78 = vector.extract %slice3A_77[0] : i32 from vector<1xi32>
    %rem3A_79 = arith.constant 503 : i32
    %rem3A_80 = arith.constant 10 : i32
    %rem3A_81 = arith.remsi %rem3A_79, %rem3A_80 : i32
    %dma_wait3A_82 = arith.constant 0 : i32
    %dma_wait3A_83 = arith.constant 0 : i32
    %dma_wait3A_84 = tpu.memref_slice %arg10[%rem3A_81, %dma_wait3A_82, %dma_wait3A_83] : memref<10x32x128xf32, #tpu.memory_space<vmem>> -> memref<1x32x128xf32, #tpu.memory_space<vmem>>
    %dma_wait3A_85 = tpu.memref_squeeze %dma_wait3A_84 : memref<1x32x128xf32, #tpu.memory_space<vmem>> -> memref<32x128xf32, #tpu.memory_space<vmem>>
    %dma_wait3A_86 = arith.constant 0 : i32
    %dma_wait3A_87 = arith.constant 0 : i32
    %dma_wait3A_88 = tpu.memref_slice %arg2[%dma_wait3A_86, %dma_wait3A_87] : memref<32x1000000xf32, #tpu.memory_space<hbm>> -> memref<32x128xf32, #tpu.memory_space<hbm>>
    %dma_wait3A_89 = tpu.memref_slice %arg14[%rem3A_81] : memref<10x!tpu.dma_semaphore, #tpu.memory_space<semaphore_mem>> -> memref<1x!tpu.dma_semaphore, #tpu.memory_space<semaphore_mem>>
    %dma_wait3A_90 = tpu.memref_squeeze %dma_wait3A_89 : memref<1x!tpu.dma_semaphore, #tpu.memory_space<semaphore_mem>> -> memref<!tpu.dma_semaphore, #tpu.memory_space<semaphore_mem>>
    %dma_wait3A_91 = arith.constant 0 : i32
    %dma_wait3A_92 = arith.constant 0 : i32
    %dma_wait3A_93 = tpu.memref_slice %arg10[%rem3A_81, %dma_wait3A_91, %dma_wait3A_92] : memref<10x32x128xf32, #tpu.memory_space<vmem>> -> memref<1x32x128xf32, #tpu.memory_space<vmem>>
    %dma_wait3A_94 = tpu.memref_squeeze %dma_wait3A_93 : memref<1x32x128xf32, #tpu.memory_space<vmem>> -> memref<32x128xf32, #tpu.memory_space<vmem>>
    %dma_wait3A_95 = arith.constant 0 : i32
    %dma_wait3A_96 = arith.constant 0 : i32
    %dma_wait3A_97 = tpu.memref_slice %arg2[%dma_wait3A_95, %dma_wait3A_96] : memref<32x1000000xf32, #tpu.memory_space<hbm>> -> memref<32x128xf32, #tpu.memory_space<hbm>>
    tpu.wait_dma2 semaphore(%dma_wait3A_90 : memref<!tpu.dma_semaphore, #tpu.memory_space<semaphore_mem>>) src(%dma_wait3A_97 : memref<32x128xf32, #tpu.memory_space<hbm>>) dst(%dma_wait3A_94 : memref<32x128xf32, #tpu.memory_space<vmem>>)
    %dma_wait3A_98 = arith.constant 0 : i32
    %dma_wait3A_99 = arith.constant 0 : i32
    %dma_wait3A_100 = tpu.memref_slice %arg11[%rem3A_81, %dma_wait3A_98, %dma_wait3A_99] : memref<10x32x128xf32, #tpu.memory_space<vmem>> -> memref<1x32x128xf32, #tpu.memory_space<vmem>>
    %dma_wait3A_101 = tpu.memref_squeeze %dma_wait3A_100 : memref<1x32x128xf32, #tpu.memory_space<vmem>> -> memref<32x128xf32, #tpu.memory_space<vmem>>
    %dma_wait3A_102 = arith.constant 0 : i32
    %dma_wait3A_103 = arith.constant 0 : i32
    %dma_wait3A_104 = tpu.memref_slice %arg3[%dma_wait3A_102, %dma_wait3A_103] : memref<32x100000xf32, #tpu.memory_space<hbm>> -> memref<32x128xf32, #tpu.memory_space<hbm>>
    %dma_wait3A_105 = tpu.memref_slice %arg15[%rem3A_81] : memref<10x!tpu.dma_semaphore, #tpu.memory_space<semaphore_mem>> -> memref<1x!tpu.dma_semaphore, #tpu.memory_space<semaphore_mem>>
    %dma_wait3A_106 = tpu.memref_squeeze %dma_wait3A_105 : memref<1x!tpu.dma_semaphore, #tpu.memory_space<semaphore_mem>> -> memref<!tpu.dma_semaphore, #tpu.memory_space<semaphore_mem>>
    %dma_wait3A_107 = arith.constant 0 : i32
    %dma_wait3A_108 = arith.constant 0 : i32
    %dma_wait3A_109 = tpu.memref_slice %arg11[%rem3A_81, %dma_wait3A_107, %dma_wait3A_108] : memref<10x32x128xf32, #tpu.memory_space<vmem>> -> memref<1x32x128xf32, #tpu.memory_space<vmem>>
    %dma_wait3A_110 = tpu.memref_squeeze %dma_wait3A_109 : memref<1x32x128xf32, #tpu.memory_space<vmem>> -> memref<32x128xf32, #tpu.memory_space<vmem>>
    %dma_wait3A_111 = arith.constant 0 : i32
    %dma_wait3A_112 = arith.constant 0 : i32
    %dma_wait3A_113 = tpu.memref_slice %arg3[%dma_wait3A_111, %dma_wait3A_112] : memref<32x100000xf32, #tpu.memory_space<hbm>> -> memref<32x128xf32, #tpu.memory_space<hbm>>
    tpu.wait_dma2 semaphore(%dma_wait3A_106 : memref<!tpu.dma_semaphore, #tpu.memory_space<semaphore_mem>>) src(%dma_wait3A_113 : memref<32x128xf32, #tpu.memory_space<hbm>>) dst(%dma_wait3A_110 : memref<32x128xf32, #tpu.memory_space<vmem>>)
    %rem3A_114 = arith.constant 128 : i32
    %rem3A_115 = arith.remsi %squeeze3A_76, %rem3A_114 : i32
    %broadcast_in_dim3A_116 = vector.broadcast %rem3A_115 : i32 to vector<16xi32>
    %rem3A_117 = arith.constant 128 : i32
    %rem3A_118 = arith.remsi %squeeze3A_78, %rem3A_117 : i32
    %broadcast_in_dim3A_119 = vector.broadcast %rem3A_118 : i32 to vector<16xi32>
    %broadcast_in_dim3A_120 = arith.constant 503 : i32
    %broadcast_in_dim3A_121 = vector.broadcast %broadcast_in_dim3A_120 : i32 to vector<16xi32>
    %gather3A_122 = arith.constant 0 : i32
    %gather3A_123 = arith.constant 0 : i32
    %gather3A_124 = tpu.memref_slice %arg10[%rem3A_81, %gather3A_122, %gather3A_123] : memref<10x32x128xf32, #tpu.memory_space<vmem>> -> memref<1x32x128xf32, #tpu.memory_space<vmem>>
    %gather3A_125 = tpu.memref_squeeze %gather3A_124 : memref<1x32x128xf32, #tpu.memory_space<vmem>> -> memref<32x128xf32, #tpu.memory_space<vmem>>
    %gather3A_126 = tpu.vector_load_idx %gather3A_125[%iota3A, %broadcast_in_dim3A_116] : memref<32x128xf32, #tpu.memory_space<vmem>>[vector<16xi32>, vector<16xi32>], vector<16xf32>,
    tpu.vector_store_idx %arg12[%iota3A, %broadcast_in_dim3A_121], %gather3A_126 : memref<32x512xf32, #tpu.memory_space<vmem>>[vector<16xi32>, vector<16xi32>], vector<16xf32>,
    %gather3A_127 = arith.constant 0 : i32
    %gather3A_128 = arith.constant 0 : i32
    %gather3A_129 = tpu.memref_slice %arg11[%rem3A_81, %gather3A_127, %gather3A_128] : memref<10x32x128xf32, #tpu.memory_space<vmem>> -> memref<1x32x128xf32, #tpu.memory_space<vmem>>
    %gather3A_130 = tpu.memref_squeeze %gather3A_129 : memref<1x32x128xf32, #tpu.memory_space<vmem>> -> memref<32x128xf32, #tpu.memory_space<vmem>>
    %gather3A_131 = tpu.vector_load_idx %gather3A_130[%iota3A, %broadcast_in_dim3A_119] : memref<32x128xf32, #tpu.memory_space<vmem>>[vector<16xi32>, vector<16xi32>], vector<16xf32>,
    tpu.vector_store_idx %arg13[%iota3A, %broadcast_in_dim3A_121], %gather3A_131 : memref<32x512xf32, #tpu.memory_space<vmem>>[vector<16xi32>, vector<16xi32>], vector<16xf32>,
    %gather3A_132 = arith.constant 0 : i32
    %gather3A_133 = arith.constant 0 : i32
    %gather3A_134 = tpu.memref_slice %arg10[%rem3A_81, %gather3A_132, %gather3A_133] : memref<10x32x128xf32, #tpu.memory_space<vmem>> -> memref<1x32x128xf32, #tpu.memory_space<vmem>>
    %gather3A_135 = tpu.memref_squeeze %gather3A_134 : memref<1x32x128xf32, #tpu.memory_space<vmem>> -> memref<32x128xf32, #tpu.memory_space<vmem>>
    %gather3A_136 = tpu.vector_load_idx %gather3A_135[%add3A_5, %broadcast_in_dim3A_116] : memref<32x128xf32, #tpu.memory_space<vmem>>[vector<16xi32>, vector<16xi32>], vector<16xf32>,
    tpu.vector_store_idx %arg12[%add3A_5, %broadcast_in_dim3A_121], %gather3A_136 : memref<32x512xf32, #tpu.memory_space<vmem>>[vector<16xi32>, vector<16xi32>], vector<16xf32>,
    %gather3A_137 = arith.constant 0 : i32
    %gather3A_138 = arith.constant 0 : i32
    %gather3A_139 = tpu.memref_slice %arg11[%rem3A_81, %gather3A_137, %gather3A_138] : memref<10x32x128xf32, #tpu.memory_space<vmem>> -> memref<1x32x128xf32, #tpu.memory_space<vmem>>
    %gather3A_140 = tpu.memref_squeeze %gather3A_139 : memref<1x32x128xf32, #tpu.memory_space<vmem>> -> memref<32x128xf32, #tpu.memory_space<vmem>>
    %gather3A_141 = tpu.vector_load_idx %gather3A_140[%add3A_5, %broadcast_in_dim3A_119] : memref<32x128xf32, #tpu.memory_space<vmem>>[vector<16xi32>, vector<16xi32>], vector<16xf32>,
    tpu.vector_store_idx %arg13[%add3A_5, %broadcast_in_dim3A_121], %gather3A_141 : memref<32x512xf32, #tpu.memory_space<vmem>>[vector<16xi32>, vector<16xi32>], vector<16xf32>,
    %slice3A_142 = vector.extract_strided_slice %get3A_11 {offsets = [8], sizes = [1], strides = [1]} : vector<16xi32> to vector<1xi32>
    %squeeze3A_143 = vector.extract %slice3A_142[0] : i32 from vector<1xi32>
    %slice3A_144 = vector.extract_strided_slice %get3A_13 {offsets = [8], sizes = [1], strides = [1]} : vector<16xi32> to vector<1xi32>
    %squeeze3A_145 = vector.extract %slice3A_144[0] : i32 from vector<1xi32>
    %rem3A_146 = arith.constant 504 : i32
    %rem3A_147 = arith.constant 10 : i32
    %rem3A_148 = arith.remsi %rem3A_146, %rem3A_147 : i32
    %dma_wait3A_149 = arith.constant 0 : i32
    %dma_wait3A_150 = arith.constant 0 : i32
    %dma_wait3A_151 = tpu.memref_slice %arg10[%rem3A_148, %dma_wait3A_149, %dma_wait3A_150] : memref<10x32x128xf32, #tpu.memory_space<vmem>> -> memref<1x32x128xf32, #tpu.memory_space<vmem>>
    %dma_wait3A_152 = tpu.memref_squeeze %dma_wait3A_151 : memref<1x32x128xf32, #tpu.memory_space<vmem>> -> memref<32x128xf32, #tpu.memory_space<vmem>>
    %dma_wait3A_153 = arith.constant 0 : i32
    %dma_wait3A_154 = arith.constant 0 : i32
    %dma_wait3A_155 = tpu.memref_slice %arg2[%dma_wait3A_153, %dma_wait3A_154] : memref<32x1000000xf32, #tpu.memory_space<hbm>> -> memref<32x128xf32, #tpu.memory_space<hbm>>
    %dma_wait3A_156 = tpu.memref_slice %arg14[%rem3A_148] : memref<10x!tpu.dma_semaphore, #tpu.memory_space<semaphore_mem>> -> memref<1x!tpu.dma_semaphore, #tpu.memory_space<semaphore_mem>>
    %dma_wait3A_157 = tpu.memref_squeeze %dma_wait3A_156 : memref<1x!tpu.dma_semaphore, #tpu.memory_space<semaphore_mem>> -> memref<!tpu.dma_semaphore, #tpu.memory_space<semaphore_mem>>
    %dma_wait3A_158 = arith.constant 0 : i32
    %dma_wait3A_159 = arith.constant 0 : i32
    %dma_wait3A_160 = tpu.memref_slice %arg10[%rem3A_148, %dma_wait3A_158, %dma_wait3A_159] : memref<10x32x128xf32, #tpu.memory_space<vmem>> -> memref<1x32x128xf32, #tpu.memory_space<vmem>>
    %dma_wait3A_161 = tpu.memref_squeeze %dma_wait3A_160 : memref<1x32x128xf32, #tpu.memory_space<vmem>> -> memref<32x128xf32, #tpu.memory_space<vmem>>
    %dma_wait3A_162 = arith.constant 0 : i32
    %dma_wait3A_163 = arith.constant 0 : i32
    %dma_wait3A_164 = tpu.memref_slice %arg2[%dma_wait3A_162, %dma_wait3A_163] : memref<32x1000000xf32, #tpu.memory_space<hbm>> -> memref<32x128xf32, #tpu.memory_space<hbm>>
    tpu.wait_dma2 semaphore(%dma_wait3A_157 : memref<!tpu.dma_semaphore, #tpu.memory_space<semaphore_mem>>) src(%dma_wait3A_164 : memref<32x128xf32, #tpu.memory_space<hbm>>) dst(%dma_wait3A_161 : memref<32x128xf32, #tpu.memory_space<vmem>>)
    %dma_wait3A_165 = arith.constant 0 : i32
    %dma_wait3A_166 = arith.constant 0 : i32
    %dma_wait3A_167 = tpu.memref_slice %arg11[%rem3A_148, %dma_wait3A_165, %dma_wait3A_166] : memref<10x32x128xf32, #tpu.memory_space<vmem>> -> memref<1x32x128xf32, #tpu.memory_space<vmem>>
    %dma_wait3A_168 = tpu.memref_squeeze %dma_wait3A_167 : memref<1x32x128xf32, #tpu.memory_space<vmem>> -> memref<32x128xf32, #tpu.memory_space<vmem>>
    %dma_wait3A_169 = arith.constant 0 : i32
    %dma_wait3A_170 = arith.constant 0 : i32
    %dma_wait3A_171 = tpu.memref_slice %arg3[%dma_wait3A_169, %dma_wait3A_170] : memref<32x100000xf32, #tpu.memory_space<hbm>> -> memref<32x128xf32, #tpu.memory_space<hbm>>
    %dma_wait3A_172 = tpu.memref_slice %arg15[%rem3A_148] : memref<10x!tpu.dma_semaphore, #tpu.memory_space<semaphore_mem>> -> memref<1x!tpu.dma_semaphore, #tpu.memory_space<semaphore_mem>>
    %dma_wait3A_173 = tpu.memref_squeeze %dma_wait3A_172 : memref<1x!tpu.dma_semaphore, #tpu.memory_space<semaphore_mem>> -> memref<!tpu.dma_semaphore, #tpu.memory_space<semaphore_mem>>
    %dma_wait3A_174 = arith.constant 0 : i32
    %dma_wait3A_175 = arith.constant 0 : i32
    %dma_wait3A_176 = tpu.memref_slice %arg11[%rem3A_148, %dma_wait3A_174, %dma_wait3A_175] : memref<10x32x128xf32, #tpu.memory_space<vmem>> -> memref<1x32x128xf32, #tpu.memory_space<vmem>>
    %dma_wait3A_177 = tpu.memref_squeeze %dma_wait3A_176 : memref<1x32x128xf32, #tpu.memory_space<vmem>> -> memref<32x128xf32, #tpu.memory_space<vmem>>
    %dma_wait3A_178 = arith.constant 0 : i32
    %dma_wait3A_179 = arith.constant 0 : i32
    %dma_wait3A_180 = tpu.memref_slice %arg3[%dma_wait3A_178, %dma_wait3A_179] : memref<32x100000xf32, #tpu.memory_space<hbm>> -> memref<32x128xf32, #tpu.memory_space<hbm>>
    tpu.wait_dma2 semaphore(%dma_wait3A_173 : memref<!tpu.dma_semaphore, #tpu.memory_space<semaphore_mem>>) src(%dma_wait3A_180 : memref<32x128xf32, #tpu.memory_space<hbm>>) dst(%dma_wait3A_177 : memref<32x128xf32, #tpu.memory_space<vmem>>)
    %rem3A_181 = arith.constant 128 : i32
    %rem3A_182 = arith.remsi %squeeze3A_143, %rem3A_181 : i32
    %broadcast_in_dim3A_183 = vector.broadcast %rem3A_182 : i32 to vector<16xi32>
    %rem3A_184 = arith.constant 128 : i32
    %rem3A_185 = arith.remsi %squeeze3A_145, %rem3A_184 : i32
    %broadcast_in_dim3A_186 = vector.broadcast %rem3A_185 : i32 to vector<16xi32>
    %broadcast_in_dim3A_187 = arith.constant 504 : i32
    %broadcast_in_dim3A_188 = vector.broadcast %broadcast_in_dim3A_187 : i32 to vector<16xi32>
    %gather3A_189 = arith.constant 0 : i32
    %gather3A_190 = arith.constant 0 : i32
    %gather3A_191 = tpu.memref_slice %arg10[%rem3A_148, %gather3A_189, %gather3A_190] : memref<10x32x128xf32, #tpu.memory_space<vmem>> -> memref<1x32x128xf32, #tpu.memory_space<vmem>>
    %gather3A_192 = tpu.memref_squeeze %gather3A_191 : memref<1x32x128xf32, #tpu.memory_space<vmem>> -> memref<32x128xf32, #tpu.memory_space<vmem>>
    %gather3A_193 = tpu.vector_load_idx %gather3A_192[%iota3A, %broadcast_in_dim3A_183] : memref<32x128xf32, #tpu.memory_space<vmem>>[vector<16xi32>, vector<16xi32>], vector<16xf32>,
    tpu.vector_store_idx %arg12[%iota3A, %broadcast_in_dim3A_188], %gather3A_193 : memref<32x512xf32, #tpu.memory_space<vmem>>[vector<16xi32>, vector<16xi32>], vector<16xf32>,
    %gather3A_194 = arith.constant 0 : i32
    %gather3A_195 = arith.constant 0 : i32
    %gather3A_196 = tpu.memref_slice %arg11[%rem3A_148, %gather3A_194, %gather3A_195] : memref<10x32x128xf32, #tpu.memory_space<vmem>> -> memref<1x32x128xf32, #tpu.memory_space<vmem>>
    %gather3A_197 = tpu.memref_squeeze %gather3A_196 : memref<1x32x128xf32, #tpu.memory_space<vmem>> -> memref<32x128xf32, #tpu.memory_space<vmem>>
    %gather3A_198 = tpu.vector_load_idx %gather3A_197[%iota3A, %broadcast_in_dim3A_186] : memref<32x128xf32, #tpu.memory_space<vmem>>[vector<16xi32>, vector<16xi32>], vector<16xf32>,
    tpu.vector_store_idx %arg13[%iota3A, %broadcast_in_dim3A_188], %gather3A_198 : memref<32x512xf32, #tpu.memory_space<vmem>>[vector<16xi32>, vector<16xi32>], vector<16xf32>,
    %gather3A_199 = arith.constant 0 : i32
    %gather3A_200 = arith.constant 0 : i32
    %gather3A_201 = tpu.memref_slice %arg10[%rem3A_148, %gather3A_199, %gather3A_200] : memref<10x32x128xf32, #tpu.memory_space<vmem>> -> memref<1x32x128xf32, #tpu.memory_space<vmem>>
    %gather3A_202 = tpu.memref_squeeze %gather3A_201 : memref<1x32x128xf32, #tpu.memory_space<vmem>> -> memref<32x128xf32, #tpu.memory_space<vmem>>
    %gather3A_203 = tpu.vector_load_idx %gather3A_202[%add3A_5, %broadcast_in_dim3A_183] : memref<32x128xf32, #tpu.memory_space<vmem>>[vector<16xi32>, vector<16xi32>], vector<16xf32>,
    tpu.vector_store_idx %arg12[%add3A_5, %broadcast_in_dim3A_188], %gather3A_203 : memref<32x512xf32, #tpu.memory_space<vmem>>[vector<16xi32>, vector<16xi32>], vector<16xf32>,
    %gather3A_204 = arith.constant 0 : i32
    %gather3A_205 = arith.constant 0 : i32
    %gather3A_206 = tpu.memref_slice %arg11[%rem3A_148, %gather3A_204, %gather3A_205] : memref<10x32x128xf32, #tpu.memory_space<vmem>> -> memref<1x32x128xf32, #tpu.memory_space<vmem>>
    %gather3A_207 = tpu.memref_squeeze %gather3A_206 : memref<1x32x128xf32, #tpu.memory_space<vmem>> -> memref<32x128xf32, #tpu.memory_space<vmem>>
    %gather3A_208 = tpu.vector_load_idx %gather3A_207[%add3A_5, %broadcast_in_dim3A_186] : memref<32x128xf32, #tpu.memory_space<vmem>>[vector<16xi32>, vector<16xi32>], vector<16xf32>,
    tpu.vector_store_idx %arg13[%add3A_5, %broadcast_in_dim3A_188], %gather3A_208 : memref<32x512xf32, #tpu.memory_space<vmem>>[vector<16xi32>, vector<16xi32>], vector<16xf32>,
    %slice3A_209 = vector.extract_strided_slice %get3A_11 {offsets = [9], sizes = [1], strides = [1]} : vector<16xi32> to vector<1xi32>
    %squeeze3A_210 = vector.extract %slice3A_209[0] : i32 from vector<1xi32>
    %slice3A_211 = vector.extract_strided_slice %get3A_13 {offsets = [9], sizes = [1], strides = [1]} : vector<16xi32> to vector<1xi32>
    %squeeze3A_212 = vector.extract %slice3A_211[0] : i32 from vector<1xi32>
    %rem3A_213 = arith.constant 505 : i32
    %rem3A_214 = arith.constant 10 : i32
    %rem3A_215 = arith.remsi %rem3A_213, %rem3A_214 : i32
    %dma_wait3A_216 = arith.constant 0 : i32
    %dma_wait3A_217 = arith.constant 0 : i32
    %dma_wait3A_218 = tpu.memref_slice %arg10[%rem3A_215, %dma_wait3A_216, %dma_wait3A_217] : memref<10x32x128xf32, #tpu.memory_space<vmem>> -> memref<1x32x128xf32, #tpu.memory_space<vmem>>
    %dma_wait3A_219 = tpu.memref_squeeze %dma_wait3A_218 : memref<1x32x128xf32, #tpu.memory_space<vmem>> -> memref<32x128xf32, #tpu.memory_space<vmem>>
    %dma_wait3A_220 = arith.constant 0 : i32
    %dma_wait3A_221 = arith.constant 0 : i32
    %dma_wait3A_222 = tpu.memref_slice %arg2[%dma_wait3A_220, %dma_wait3A_221] : memref<32x1000000xf32, #tpu.memory_space<hbm>> -> memref<32x128xf32, #tpu.memory_space<hbm>>
    %dma_wait3A_223 = tpu.memref_slice %arg14[%rem3A_215] : memref<10x!tpu.dma_semaphore, #tpu.memory_space<semaphore_mem>> -> memref<1x!tpu.dma_semaphore, #tpu.memory_space<semaphore_mem>>
    %dma_wait3A_224 = tpu.memref_squeeze %dma_wait3A_223 : memref<1x!tpu.dma_semaphore, #tpu.memory_space<semaphore_mem>> -> memref<!tpu.dma_semaphore, #tpu.memory_space<semaphore_mem>>
    %dma_wait3A_225 = arith.constant 0 : i32
    %dma_wait3A_226 = arith.constant 0 : i32
    %dma_wait3A_227 = tpu.memref_slice %arg10[%rem3A_215, %dma_wait3A_225, %dma_wait3A_226] : memref<10x32x128xf32, #tpu.memory_space<vmem>> -> memref<1x32x128xf32, #tpu.memory_space<vmem>>
    %dma_wait3A_228 = tpu.memref_squeeze %dma_wait3A_227 : memref<1x32x128xf32, #tpu.memory_space<vmem>> -> memref<32x128xf32, #tpu.memory_space<vmem>>
    %dma_wait3A_229 = arith.constant 0 : i32
    %dma_wait3A_230 = arith.constant 0 : i32
    %dma_wait3A_231 = tpu.memref_slice %arg2[%dma_wait3A_229, %dma_wait3A_230] : memref<32x1000000xf32, #tpu.memory_space<hbm>> -> memref<32x128xf32, #tpu.memory_space<hbm>>
    tpu.wait_dma2 semaphore(%dma_wait3A_224 : memref<!tpu.dma_semaphore, #tpu.memory_space<semaphore_mem>>) src(%dma_wait3A_231 : memref<32x128xf32, #tpu.memory_space<hbm>>) dst(%dma_wait3A_228 : memref<32x128xf32, #tpu.memory_space<vmem>>)
    %dma_wait3A_232 = arith.constant 0 : i32
    %dma_wait3A_233 = arith.constant 0 : i32
    %dma_wait3A_234 = tpu.memref_slice %arg11[%rem3A_215, %dma_wait3A_232, %dma_wait3A_233] : memref<10x32x128xf32, #tpu.memory_space<vmem>> -> memref<1x32x128xf32, #tpu.memory_space<vmem>>
    %dma_wait3A_235 = tpu.memref_squeeze %dma_wait3A_234 : memref<1x32x128xf32, #tpu.memory_space<vmem>> -> memref<32x128xf32, #tpu.memory_space<vmem>>
    %dma_wait3A_236 = arith.constant 0 : i32
    %dma_wait3A_237 = arith.constant 0 : i32
    %dma_wait3A_238 = tpu.memref_slice %arg3[%dma_wait3A_236, %dma_wait3A_237] : memref<32x100000xf32, #tpu.memory_space<hbm>> -> memref<32x128xf32, #tpu.memory_space<hbm>>
    %dma_wait3A_239 = tpu.memref_slice %arg15[%rem3A_215] : memref<10x!tpu.dma_semaphore, #tpu.memory_space<semaphore_mem>> -> memref<1x!tpu.dma_semaphore, #tpu.memory_space<semaphore_mem>>
    %dma_wait3A_240 = tpu.memref_squeeze %dma_wait3A_239 : memref<1x!tpu.dma_semaphore, #tpu.memory_space<semaphore_mem>> -> memref<!tpu.dma_semaphore, #tpu.memory_space<semaphore_mem>>
    %dma_wait3A_241 = arith.constant 0 : i32
    %dma_wait3A_242 = arith.constant 0 : i32
    %dma_wait3A_243 = tpu.memref_slice %arg11[%rem3A_215, %dma_wait3A_241, %dma_wait3A_242] : memref<10x32x128xf32, #tpu.memory_space<vmem>> -> memref<1x32x128xf32, #tpu.memory_space<vmem>>
    %dma_wait3A_244 = tpu.memref_squeeze %dma_wait3A_243 : memref<1x32x128xf32, #tpu.memory_space<vmem>> -> memref<32x128xf32, #tpu.memory_space<vmem>>
    %dma_wait3A_245 = arith.constant 0 : i32
    %dma_wait3A_246 = arith.constant 0 : i32
    %dma_wait3A_247 = tpu.memref_slice %arg3[%dma_wait3A_245, %dma_wait3A_246] : memref<32x100000xf32, #tpu.memory_space<hbm>> -> memref<32x128xf32, #tpu.memory_space<hbm>>
    tpu.wait_dma2 semaphore(%dma_wait3A_240 : memref<!tpu.dma_semaphore, #tpu.memory_space<semaphore_mem>>) src(%dma_wait3A_247 : memref<32x128xf32, #tpu.memory_space<hbm>>) dst(%dma_wait3A_244 : memref<32x128xf32, #tpu.memory_space<vmem>>)
    %rem3A_248 = arith.constant 128 : i32
    %rem3A_249 = arith.remsi %squeeze3A_210, %rem3A_248 : i32
    %broadcast_in_dim3A_250 = vector.broadcast %rem3A_249 : i32 to vector<16xi32>
    %rem3A_251 = arith.constant 128 : i32
    %rem3A_252 = arith.remsi %squeeze3A_212, %rem3A_251 : i32
    %broadcast_in_dim3A_253 = vector.broadcast %rem3A_252 : i32 to vector<16xi32>
    %broadcast_in_dim3A_254 = arith.constant 505 : i32
    %broadcast_in_dim3A_255 = vector.broadcast %broadcast_in_dim3A_254 : i32 to vector<16xi32>
    %gather3A_256 = arith.constant 0 : i32
    %gather3A_257 = arith.constant 0 : i32
    %gather3A_258 = tpu.memref_slice %arg10[%rem3A_215, %gather3A_256, %gather3A_257] : memref<10x32x128xf32, #tpu.memory_space<vmem>> -> memref<1x32x128xf32, #tpu.memory_space<vmem>>
    %gather3A_259 = tpu.memref_squeeze %gather3A_258 : memref<1x32x128xf32, #tpu.memory_space<vmem>> -> memref<32x128xf32, #tpu.memory_space<vmem>>
    %gather3A_260 = tpu.vector_load_idx %gather3A_259[%iota3A, %broadcast_in_dim3A_250] : memref<32x128xf32, #tpu.memory_space<vmem>>[vector<16xi32>, vector<16xi32>], vector<16xf32>,
    tpu.vector_store_idx %arg12[%iota3A, %broadcast_in_dim3A_255], %gather3A_260 : memref<32x512xf32, #tpu.memory_space<vmem>>[vector<16xi32>, vector<16xi32>], vector<16xf32>,
    %gather3A_261 = arith.constant 0 : i32
    %gather3A_262 = arith.constant 0 : i32
    %gather3A_263 = tpu.memref_slice %arg11[%rem3A_215, %gather3A_261, %gather3A_262] : memref<10x32x128xf32, #tpu.memory_space<vmem>> -> memref<1x32x128xf32, #tpu.memory_space<vmem>>
    %gather3A_264 = tpu.memref_squeeze %gather3A_263 : memref<1x32x128xf32, #tpu.memory_space<vmem>> -> memref<32x128xf32, #tpu.memory_space<vmem>>
    %gather3A_265 = tpu.vector_load_idx %gather3A_264[%iota3A, %broadcast_in_dim3A_253] : memref<32x128xf32, #tpu.memory_space<vmem>>[vector<16xi32>, vector<16xi32>], vector<16xf32>,
    tpu.vector_store_idx %arg13[%iota3A, %broadcast_in_dim3A_255], %gather3A_265 : memref<32x512xf32, #tpu.memory_space<vmem>>[vector<16xi32>, vector<16xi32>], vector<16xf32>,
    %gather3A_266 = arith.constant 0 : i32
    %gather3A_267 = arith.constant 0 : i32
    %gather3A_268 = tpu.memref_slice %arg10[%rem3A_215, %gather3A_266, %gather3A_267] : memref<10x32x128xf32, #tpu.memory_space<vmem>> -> memref<1x32x128xf32, #tpu.memory_space<vmem>>
    %gather3A_269 = tpu.memref_squeeze %gather3A_268 : memref<1x32x128xf32, #tpu.memory_space<vmem>> -> memref<32x128xf32, #tpu.memory_space<vmem>>
    %gather3A_270 = tpu.vector_load_idx %gather3A_269[%add3A_5, %broadcast_in_dim3A_250] : memref<32x128xf32, #tpu.memory_space<vmem>>[vector<16xi32>, vector<16xi32>], vector<16xf32>,
    tpu.vector_store_idx %arg12[%add3A_5, %broadcast_in_dim3A_255], %gather3A_270 : memref<32x512xf32, #tpu.memory_space<vmem>>[vector<16xi32>, vector<16xi32>], vector<16xf32>,
    %gather3A_271 = arith.constant 0 : i32
    %gather3A_272 = arith.constant 0 : i32
    %gather3A_273 = tpu.memref_slice %arg11[%rem3A_215, %gather3A_271, %gather3A_272] : memref<10x32x128xf32, #tpu.memory_space<vmem>> -> memref<1x32x128xf32, #tpu.memory_space<vmem>>
    %gather3A_274 = tpu.memref_squeeze %gather3A_273 : memref<1x32x128xf32, #tpu.memory_space<vmem>> -> memref<32x128xf32, #tpu.memory_space<vmem>>
    %gather3A_275 = tpu.vector_load_idx %gather3A_274[%add3A_5, %broadcast_in_dim3A_253] : memref<32x128xf32, #tpu.memory_space<vmem>>[vector<16xi32>, vector<16xi32>], vector<16xf32>,
    tpu.vector_store_idx %arg13[%add3A_5, %broadcast_in_dim3A_255], %gather3A_275 : memref<32x512xf32, #tpu.memory_space<vmem>>[vector<16xi32>, vector<16xi32>], vector<16xf32>,
    %slice3A_276 = vector.extract_strided_slice %get3A_11 {offsets = [10], sizes = [1], strides = [1]} : vector<16xi32> to vector<1xi32>
    %squeeze3A_277 = vector.extract %slice3A_276[0] : i32 from vector<1xi32>
    %slice3A_278 = vector.extract_strided_slice %get3A_13 {offsets = [10], sizes = [1], strides = [1]} : vector<16xi32> to vector<1xi32>
    %squeeze3A_279 = vector.extract %slice3A_278[0] : i32 from vector<1xi32>
    %rem3A_280 = arith.constant 506 : i32
    %rem3A_281 = arith.constant 10 : i32
    %rem3A_282 = arith.remsi %rem3A_280, %rem3A_281 : i32
    %dma_wait3A_283 = arith.constant 0 : i32
    %dma_wait3A_284 = arith.constant 0 : i32
    %dma_wait3A_285 = tpu.memref_slice %arg10[%rem3A_282, %dma_wait3A_283, %dma_wait3A_284] : memref<10x32x128xf32, #tpu.memory_space<vmem>> -> memref<1x32x128xf32, #tpu.memory_space<vmem>>
    %dma_wait3A_286 = tpu.memref_squeeze %dma_wait3A_285 : memref<1x32x128xf32, #tpu.memory_space<vmem>> -> memref<32x128xf32, #tpu.memory_space<vmem>>
    %dma_wait3A_287 = arith.constant 0 : i32
    %dma_wait3A_288 = arith.constant 0 : i32
    %dma_wait3A_289 = tpu.memref_slice %arg2[%dma_wait3A_287, %dma_wait3A_288] : memref<32x1000000xf32, #tpu.memory_space<hbm>> -> memref<32x128xf32, #tpu.memory_space<hbm>>
    %dma_wait3A_290 = tpu.memref_slice %arg14[%rem3A_282] : memref<10x!tpu.dma_semaphore, #tpu.memory_space<semaphore_mem>> -> memref<1x!tpu.dma_semaphore, #tpu.memory_space<semaphore_mem>>
    %dma_wait3A_291 = tpu.memref_squeeze %dma_wait3A_290 : memref<1x!tpu.dma_semaphore, #tpu.memory_space<semaphore_mem>> -> memref<!tpu.dma_semaphore, #tpu.memory_space<semaphore_mem>>
    %dma_wait3A_292 = arith.constant 0 : i32
    %dma_wait3A_293 = arith.constant 0 : i32
    %dma_wait3A_294 = tpu.memref_slice %arg10[%rem3A_282, %dma_wait3A_292, %dma_wait3A_293] : memref<10x32x128xf32, #tpu.memory_space<vmem>> -> memref<1x32x128xf32, #tpu.memory_space<vmem>>
    %dma_wait3A_295 = tpu.memref_squeeze %dma_wait3A_294 : memref<1x32x128xf32, #tpu.memory_space<vmem>> -> memref<32x128xf32, #tpu.memory_space<vmem>>
    %dma_wait3A_296 = arith.constant 0 : i32
    %dma_wait3A_297 = arith.constant 0 : i32
    %dma_wait3A_298 = tpu.memref_slice %arg2[%dma_wait3A_296, %dma_wait3A_297] : memref<32x1000000xf32, #tpu.memory_space<hbm>> -> memref<32x128xf32, #tpu.memory_space<hbm>>
    tpu.wait_dma2 semaphore(%dma_wait3A_291 : memref<!tpu.dma_semaphore, #tpu.memory_space<semaphore_mem>>) src(%dma_wait3A_298 : memref<32x128xf32, #tpu.memory_space<hbm>>) dst(%dma_wait3A_295 : memref<32x128xf32, #tpu.memory_space<vmem>>)
    %dma_wait3A_299 = arith.constant 0 : i32
    %dma_wait3A_300 = arith.constant 0 : i32
    %dma_wait3A_301 = tpu.memref_slice %arg11[%rem3A_282, %dma_wait3A_299, %dma_wait3A_300] : memref<10x32x128xf32, #tpu.memory_space<vmem>> -> memref<1x32x128xf32, #tpu.memory_space<vmem>>
    %dma_wait3A_302 = tpu.memref_squeeze %dma_wait3A_301 : memref<1x32x128xf32, #tpu.memory_space<vmem>> -> memref<32x128xf32, #tpu.memory_space<vmem>>
    %dma_wait3A_303 = arith.constant 0 : i32
    %dma_wait3A_304 = arith.constant 0 : i32
    %dma_wait3A_305 = tpu.memref_slice %arg3[%dma_wait3A_303, %dma_wait3A_304] : memref<32x100000xf32, #tpu.memory_space<hbm>> -> memref<32x128xf32, #tpu.memory_space<hbm>>
    %dma_wait3A_306 = tpu.memref_slice %arg15[%rem3A_282] : memref<10x!tpu.dma_semaphore, #tpu.memory_space<semaphore_mem>> -> memref<1x!tpu.dma_semaphore, #tpu.memory_space<semaphore_mem>>
    %dma_wait3A_307 = tpu.memref_squeeze %dma_wait3A_306 : memref<1x!tpu.dma_semaphore, #tpu.memory_space<semaphore_mem>> -> memref<!tpu.dma_semaphore, #tpu.memory_space<semaphore_mem>>
    %dma_wait3A_308 = arith.constant 0 : i32
    %dma_wait3A_309 = arith.constant 0 : i32
    %dma_wait3A_310 = tpu.memref_slice %arg11[%rem3A_282, %dma_wait3A_308, %dma_wait3A_309] : memref<10x32x128xf32, #tpu.memory_space<vmem>> -> memref<1x32x128xf32, #tpu.memory_space<vmem>>
    %dma_wait3A_311 = tpu.memref_squeeze %dma_wait3A_310 : memref<1x32x128xf32, #tpu.memory_space<vmem>> -> memref<32x128xf32, #tpu.memory_space<vmem>>
    %dma_wait3A_312 = arith.constant 0 : i32
    %dma_wait3A_313 = arith.constant 0 : i32
    %dma_wait3A_314 = tpu.memref_slice %arg3[%dma_wait3A_312, %dma_wait3A_313] : memref<32x100000xf32, #tpu.memory_space<hbm>> -> memref<32x128xf32, #tpu.memory_space<hbm>>
    tpu.wait_dma2 semaphore(%dma_wait3A_307 : memref<!tpu.dma_semaphore, #tpu.memory_space<semaphore_mem>>) src(%dma_wait3A_314 : memref<32x128xf32, #tpu.memory_space<hbm>>) dst(%dma_wait3A_311 : memref<32x128xf32, #tpu.memory_space<vmem>>)
    %rem3A_315 = arith.constant 128 : i32
    %rem3A_316 = arith.remsi %squeeze3A_277, %rem3A_315 : i32
    %broadcast_in_dim3A_317 = vector.broadcast %rem3A_316 : i32 to vector<16xi32>
    %rem3A_318 = arith.constant 128 : i32
    %rem3A_319 = arith.remsi %squeeze3A_279, %rem3A_318 : i32
    %broadcast_in_dim3A_320 = vector.broadcast %rem3A_319 : i32 to vector<16xi32>
    %broadcast_in_dim3A_321 = arith.constant 506 : i32
    %broadcast_in_dim3A_322 = vector.broadcast %broadcast_in_dim3A_321 : i32 to vector<16xi32>
    %gather3A_323 = arith.constant 0 : i32
    %gather3A_324 = arith.constant 0 : i32
    %gather3A_325 = tpu.memref_slice %arg10[%rem3A_282, %gather3A_323, %gather3A_324] : memref<10x32x128xf32, #tpu.memory_space<vmem>> -> memref<1x32x128xf32, #tpu.memory_space<vmem>>
    %gather3A_326 = tpu.memref_squeeze %gather3A_325 : memref<1x32x128xf32, #tpu.memory_space<vmem>> -> memref<32x128xf32, #tpu.memory_space<vmem>>
    %gather3A_327 = tpu.vector_load_idx %gather3A_326[%iota3A, %broadcast_in_dim3A_317] : memref<32x128xf32, #tpu.memory_space<vmem>>[vector<16xi32>, vector<16xi32>], vector<16xf32>,
    tpu.vector_store_idx %arg12[%iota3A, %broadcast_in_dim3A_322], %gather3A_327 : memref<32x512xf32, #tpu.memory_space<vmem>>[vector<16xi32>, vector<16xi32>], vector<16xf32>,
    %gather3A_328 = arith.constant 0 : i32
    %gather3A_329 = arith.constant 0 : i32
    %gather3A_330 = tpu.memref_slice %arg11[%rem3A_282, %gather3A_328, %gather3A_329] : memref<10x32x128xf32, #tpu.memory_space<vmem>> -> memref<1x32x128xf32, #tpu.memory_space<vmem>>
    %gather3A_331 = tpu.memref_squeeze %gather3A_330 : memref<1x32x128xf32, #tpu.memory_space<vmem>> -> memref<32x128xf32, #tpu.memory_space<vmem>>
    %gather3A_332 = tpu.vector_load_idx %gather3A_331[%iota3A, %broadcast_in_dim3A_320] : memref<32x128xf32, #tpu.memory_space<vmem>>[vector<16xi32>, vector<16xi32>], vector<16xf32>,
    tpu.vector_store_idx %arg13[%iota3A, %broadcast_in_dim3A_322], %gather3A_332 : memref<32x512xf32, #tpu.memory_space<vmem>>[vector<16xi32>, vector<16xi32>], vector<16xf32>,
    %gather3A_333 = arith.constant 0 : i32
    %gather3A_334 = arith.constant 0 : i32
    %gather3A_335 = tpu.memref_slice %arg10[%rem3A_282, %gather3A_333, %gather3A_334] : memref<10x32x128xf32, #tpu.memory_space<vmem>> -> memref<1x32x128xf32, #tpu.memory_space<vmem>>
    %gather3A_336 = tpu.memref_squeeze %gather3A_335 : memref<1x32x128xf32, #tpu.memory_space<vmem>> -> memref<32x128xf32, #tpu.memory_space<vmem>>
    %gather3A_337 = tpu.vector_load_idx %gather3A_336[%add3A_5, %broadcast_in_dim3A_317] : memref<32x128xf32, #tpu.memory_space<vmem>>[vector<16xi32>, vector<16xi32>], vector<16xf32>,
    tpu.vector_store_idx %arg12[%add3A_5, %broadcast_in_dim3A_322], %gather3A_337 : memref<32x512xf32, #tpu.memory_space<vmem>>[vector<16xi32>, vector<16xi32>], vector<16xf32>,
    %gather3A_338 = arith.constant 0 : i32
    %gather3A_339 = arith.constant 0 : i32
    %gather3A_340 = tpu.memref_slice %arg11[%rem3A_282, %gather3A_338, %gather3A_339] : memref<10x32x128xf32, #tpu.memory_space<vmem>> -> memref<1x32x128xf32, #tpu.memory_space<vmem>>
    %gather3A_341 = tpu.memref_squeeze %gather3A_340 : memref<1x32x128xf32, #tpu.memory_space<vmem>> -> memref<32x128xf32, #tpu.memory_space<vmem>>
    %gather3A_342 = tpu.vector_load_idx %gather3A_341[%add3A_5, %broadcast_in_dim3A_320] : memref<32x128xf32, #tpu.memory_space<vmem>>[vector<16xi32>, vector<16xi32>], vector<16xf32>,
    tpu.vector_store_idx %arg13[%add3A_5, %broadcast_in_dim3A_322], %gather3A_342 : memref<32x512xf32, #tpu.memory_space<vmem>>[vector<16xi32>, vector<16xi32>], vector<16xf32>,
    %slice3A_343 = vector.extract_strided_slice %get3A_11 {offsets = [11], sizes = [1], strides = [1]} : vector<16xi32> to vector<1xi32>
    %squeeze3A_344 = vector.extract %slice3A_343[0] : i32 from vector<1xi32>
    %slice3A_345 = vector.extract_strided_slice %get3A_13 {offsets = [11], sizes = [1], strides = [1]} : vector<16xi32> to vector<1xi32>
    %squeeze3A_346 = vector.extract %slice3A_345[0] : i32 from vector<1xi32>
    %rem3A_347 = arith.constant 507 : i32
    %rem3A_348 = arith.constant 10 : i32
    %rem3A_349 = arith.remsi %rem3A_347, %rem3A_348 : i32
    %dma_wait3A_350 = arith.constant 0 : i32
    %dma_wait3A_351 = arith.constant 0 : i32
    %dma_wait3A_352 = tpu.memref_slice %arg10[%rem3A_349, %dma_wait3A_350, %dma_wait3A_351] : memref<10x32x128xf32, #tpu.memory_space<vmem>> -> memref<1x32x128xf32, #tpu.memory_space<vmem>>
    %dma_wait3A_353 = tpu.memref_squeeze %dma_wait3A_352 : memref<1x32x128xf32, #tpu.memory_space<vmem>> -> memref<32x128xf32, #tpu.memory_space<vmem>>
    %dma_wait3A_354 = arith.constant 0 : i32
    %dma_wait3A_355 = arith.constant 0 : i32
    %dma_wait3A_356 = tpu.memref_slice %arg2[%dma_wait3A_354, %dma_wait3A_355] : memref<32x1000000xf32, #tpu.memory_space<hbm>> -> memref<32x128xf32, #tpu.memory_space<hbm>>
    %dma_wait3A_357 = tpu.memref_slice %arg14[%rem3A_349] : memref<10x!tpu.dma_semaphore, #tpu.memory_space<semaphore_mem>> -> memref<1x!tpu.dma_semaphore, #tpu.memory_space<semaphore_mem>>
    %dma_wait3A_358 = tpu.memref_squeeze %dma_wait3A_357 : memref<1x!tpu.dma_semaphore, #tpu.memory_space<semaphore_mem>> -> memref<!tpu.dma_semaphore, #tpu.memory_space<semaphore_mem>>
    %dma_wait3A_359 = arith.constant 0 : i32
    %dma_wait3A_360 = arith.constant 0 : i32
    %dma_wait3A_361 = tpu.memref_slice %arg10[%rem3A_349, %dma_wait3A_359, %dma_wait3A_360] : memref<10x32x128xf32, #tpu.memory_space<vmem>> -> memref<1x32x128xf32, #tpu.memory_space<vmem>>
    %dma_wait3A_362 = tpu.memref_squeeze %dma_wait3A_361 : memref<1x32x128xf32, #tpu.memory_space<vmem>> -> memref<32x128xf32, #tpu.memory_space<vmem>>
    %dma_wait3A_363 = arith.constant 0 : i32
    %dma_wait3A_364 = arith.constant 0 : i32
    %dma_wait3A_365 = tpu.memref_slice %arg2[%dma_wait3A_363, %dma_wait3A_364] : memref<32x1000000xf32, #tpu.memory_space<hbm>> -> memref<32x128xf32, #tpu.memory_space<hbm>>
    tpu.wait_dma2 semaphore(%dma_wait3A_358 : memref<!tpu.dma_semaphore, #tpu.memory_space<semaphore_mem>>) src(%dma_wait3A_365 : memref<32x128xf32, #tpu.memory_space<hbm>>) dst(%dma_wait3A_362 : memref<32x128xf32, #tpu.memory_space<vmem>>)
    %dma_wait3A_366 = arith.constant 0 : i32
    %dma_wait3A_367 = arith.constant 0 : i32
    %dma_wait3A_368 = tpu.memref_slice %arg11[%rem3A_349, %dma_wait3A_366, %dma_wait3A_367] : memref<10x32x128xf32, #tpu.memory_space<vmem>> -> memref<1x32x128xf32, #tpu.memory_space<vmem>>
    %dma_wait3A_369 = tpu.memref_squeeze %dma_wait3A_368 : memref<1x32x128xf32, #tpu.memory_space<vmem>> -> memref<32x128xf32, #tpu.memory_space<vmem>>
    %dma_wait3A_370 = arith.constant 0 : i32
    %dma_wait3A_371 = arith.constant 0 : i32
    %dma_wait3A_372 = tpu.memref_slice %arg3[%dma_wait3A_370, %dma_wait3A_371] : memref<32x100000xf32, #tpu.memory_space<hbm>> -> memref<32x128xf32, #tpu.memory_space<hbm>>
    %dma_wait3A_373 = tpu.memref_slice %arg15[%rem3A_349] : memref<10x!tpu.dma_semaphore, #tpu.memory_space<semaphore_mem>> -> memref<1x!tpu.dma_semaphore, #tpu.memory_space<semaphore_mem>>
    %dma_wait3A_374 = tpu.memref_squeeze %dma_wait3A_373 : memref<1x!tpu.dma_semaphore, #tpu.memory_space<semaphore_mem>> -> memref<!tpu.dma_semaphore, #tpu.memory_space<semaphore_mem>>
    %dma_wait3A_375 = arith.constant 0 : i32
    %dma_wait3A_376 = arith.constant 0 : i32
    %dma_wait3A_377 = tpu.memref_slice %arg11[%rem3A_349, %dma_wait3A_375, %dma_wait3A_376] : memref<10x32x128xf32, #tpu.memory_space<vmem>> -> memref<1x32x128xf32, #tpu.memory_space<vmem>>
    %dma_wait3A_378 = tpu.memref_squeeze %dma_wait3A_377 : memref<1x32x128xf32, #tpu.memory_space<vmem>> -> memref<32x128xf32, #tpu.memory_space<vmem>>
    %dma_wait3A_379 = arith.constant 0 : i32
    %dma_wait3A_380 = arith.constant 0 : i32
    %dma_wait3A_381 = tpu.memref_slice %arg3[%dma_wait3A_379, %dma_wait3A_380] : memref<32x100000xf32, #tpu.memory_space<hbm>> -> memref<32x128xf32, #tpu.memory_space<hbm>>
    tpu.wait_dma2 semaphore(%dma_wait3A_374 : memref<!tpu.dma_semaphore, #tpu.memory_space<semaphore_mem>>) src(%dma_wait3A_381 : memref<32x128xf32, #tpu.memory_space<hbm>>) dst(%dma_wait3A_378 : memref<32x128xf32, #tpu.memory_space<vmem>>)
    %rem3A_382 = arith.constant 128 : i32
    %rem3A_383 = arith.remsi %squeeze3A_344, %rem3A_382 : i32
    %broadcast_in_dim3A_384 = vector.broadcast %rem3A_383 : i32 to vector<16xi32>
    %rem3A_385 = arith.constant 128 : i32
    %rem3A_386 = arith.remsi %squeeze3A_346, %rem3A_385 : i32
    %broadcast_in_dim3A_387 = vector.broadcast %rem3A_386 : i32 to vector<16xi32>
    %broadcast_in_dim3A_388 = arith.constant 507 : i32
    %broadcast_in_dim3A_389 = vector.broadcast %broadcast_in_dim3A_388 : i32 to vector<16xi32>
    %gather3A_390 = arith.constant 0 : i32
    %gather3A_391 = arith.constant 0 : i32
    %gather3A_392 = tpu.memref_slice %arg10[%rem3A_349, %gather3A_390, %gather3A_391] : memref<10x32x128xf32, #tpu.memory_space<vmem>> -> memref<1x32x128xf32, #tpu.memory_space<vmem>>
    %gather3A_393 = tpu.memref_squeeze %gather3A_392 : memref<1x32x128xf32, #tpu.memory_space<vmem>> -> memref<32x128xf32, #tpu.memory_space<vmem>>
    %gather3A_394 = tpu.vector_load_idx %gather3A_393[%iota3A, %broadcast_in_dim3A_384] : memref<32x128xf32, #tpu.memory_space<vmem>>[vector<16xi32>, vector<16xi32>], vector<16xf32>,
    tpu.vector_store_idx %arg12[%iota3A, %broadcast_in_dim3A_389], %gather3A_394 : memref<32x512xf32, #tpu.memory_space<vmem>>[vector<16xi32>, vector<16xi32>], vector<16xf32>,
    %gather3A_395 = arith.constant 0 : i32
    %gather3A_396 = arith.constant 0 : i32
    %gather3A_397 = tpu.memref_slice %arg11[%rem3A_349, %gather3A_395, %gather3A_396] : memref<10x32x128xf32, #tpu.memory_space<vmem>> -> memref<1x32x128xf32, #tpu.memory_space<vmem>>
    %gather3A_398 = tpu.memref_squeeze %gather3A_397 : memref<1x32x128xf32, #tpu.memory_space<vmem>> -> memref<32x128xf32, #tpu.memory_space<vmem>>
    %gather3A_399 = tpu.vector_load_idx %gather3A_398[%iota3A, %broadcast_in_dim3A_387] : memref<32x128xf32, #tpu.memory_space<vmem>>[vector<16xi32>, vector<16xi32>], vector<16xf32>,
    tpu.vector_store_idx %arg13[%iota3A, %broadcast_in_dim3A_389], %gather3A_399 : memref<32x512xf32, #tpu.memory_space<vmem>>[vector<16xi32>, vector<16xi32>], vector<16xf32>,
    %gather3A_400 = arith.constant 0 : i32
    %gather3A_401 = arith.constant 0 : i32
    %gather3A_402 = tpu.memref_slice %arg10[%rem3A_349, %gather3A_400, %gather3A_401] : memref<10x32x128xf32, #tpu.memory_space<vmem>> -> memref<1x32x128xf32, #tpu.memory_space<vmem>>
    %gather3A_403 = tpu.memref_squeeze %gather3A_402 : memref<1x32x128xf32, #tpu.memory_space<vmem>> -> memref<32x128xf32, #tpu.memory_space<vmem>>
    %gather3A_404 = tpu.vector_load_idx %gather3A_403[%add3A_5, %broadcast_in_dim3A_384] : memref<32x128xf32, #tpu.memory_space<vmem>>[vector<16xi32>, vector<16xi32>], vector<16xf32>,
    tpu.vector_store_idx %arg12[%add3A_5, %broadcast_in_dim3A_389], %gather3A_404 : memref<32x512xf32, #tpu.memory_space<vmem>>[vector<16xi32>, vector<16xi32>], vector<16xf32>,
    %gather3A_405 = arith.constant 0 : i32
    %gather3A_406 = arith.constant 0 : i32
    %gather3A_407 = tpu.memref_slice %arg11[%rem3A_349, %gather3A_405, %gather3A_406] : memref<10x32x128xf32, #tpu.memory_space<vmem>> -> memref<1x32x128xf32, #tpu.memory_space<vmem>>
    %gather3A_408 = tpu.memref_squeeze %gather3A_407 : memref<1x32x128xf32, #tpu.memory_space<vmem>> -> memref<32x128xf32, #tpu.memory_space<vmem>>
    %gather3A_409 = tpu.vector_load_idx %gather3A_408[%add3A_5, %broadcast_in_dim3A_387] : memref<32x128xf32, #tpu.memory_space<vmem>>[vector<16xi32>, vector<16xi32>], vector<16xf32>,
    tpu.vector_store_idx %arg13[%add3A_5, %broadcast_in_dim3A_389], %gather3A_409 : memref<32x512xf32, #tpu.memory_space<vmem>>[vector<16xi32>, vector<16xi32>], vector<16xf32>,
    %slice3A_410 = vector.extract_strided_slice %get3A_11 {offsets = [12], sizes = [1], strides = [1]} : vector<16xi32> to vector<1xi32>
    %squeeze3A_411 = vector.extract %slice3A_410[0] : i32 from vector<1xi32>
    %slice3A_412 = vector.extract_strided_slice %get3A_13 {offsets = [12], sizes = [1], strides = [1]} : vector<16xi32> to vector<1xi32>
    %squeeze3A_413 = vector.extract %slice3A_412[0] : i32 from vector<1xi32>
    %rem3A_414 = arith.constant 508 : i32
    %rem3A_415 = arith.constant 10 : i32
    %rem3A_416 = arith.remsi %rem3A_414, %rem3A_415 : i32
    %dma_wait3A_417 = arith.constant 0 : i32
    %dma_wait3A_418 = arith.constant 0 : i32
    %dma_wait3A_419 = tpu.memref_slice %arg10[%rem3A_416, %dma_wait3A_417, %dma_wait3A_418] : memref<10x32x128xf32, #tpu.memory_space<vmem>> -> memref<1x32x128xf32, #tpu.memory_space<vmem>>
    %dma_wait3A_420 = tpu.memref_squeeze %dma_wait3A_419 : memref<1x32x128xf32, #tpu.memory_space<vmem>> -> memref<32x128xf32, #tpu.memory_space<vmem>>
    %dma_wait3A_421 = arith.constant 0 : i32
    %dma_wait3A_422 = arith.constant 0 : i32
    %dma_wait3A_423 = tpu.memref_slice %arg2[%dma_wait3A_421, %dma_wait3A_422] : memref<32x1000000xf32, #tpu.memory_space<hbm>> -> memref<32x128xf32, #tpu.memory_space<hbm>>
    %dma_wait3A_424 = tpu.memref_slice %arg14[%rem3A_416] : memref<10x!tpu.dma_semaphore, #tpu.memory_space<semaphore_mem>> -> memref<1x!tpu.dma_semaphore, #tpu.memory_space<semaphore_mem>>
    %dma_wait3A_425 = tpu.memref_squeeze %dma_wait3A_424 : memref<1x!tpu.dma_semaphore, #tpu.memory_space<semaphore_mem>> -> memref<!tpu.dma_semaphore, #tpu.memory_space<semaphore_mem>>
    %dma_wait3A_426 = arith.constant 0 : i32
    %dma_wait3A_427 = arith.constant 0 : i32
    %dma_wait3A_428 = tpu.memref_slice %arg10[%rem3A_416, %dma_wait3A_426, %dma_wait3A_427] : memref<10x32x128xf32, #tpu.memory_space<vmem>> -> memref<1x32x128xf32, #tpu.memory_space<vmem>>
    %dma_wait3A_429 = tpu.memref_squeeze %dma_wait3A_428 : memref<1x32x128xf32, #tpu.memory_space<vmem>> -> memref<32x128xf32, #tpu.memory_space<vmem>>
    %dma_wait3A_430 = arith.constant 0 : i32
    %dma_wait3A_431 = arith.constant 0 : i32
    %dma_wait3A_432 = tpu.memref_slice %arg2[%dma_wait3A_430, %dma_wait3A_431] : memref<32x1000000xf32, #tpu.memory_space<hbm>> -> memref<32x128xf32, #tpu.memory_space<hbm>>
    tpu.wait_dma2 semaphore(%dma_wait3A_425 : memref<!tpu.dma_semaphore, #tpu.memory_space<semaphore_mem>>) src(%dma_wait3A_432 : memref<32x128xf32, #tpu.memory_space<hbm>>) dst(%dma_wait3A_429 : memref<32x128xf32, #tpu.memory_space<vmem>>)
    %dma_wait3A_433 = arith.constant 0 : i32
    %dma_wait3A_434 = arith.constant 0 : i32
    %dma_wait3A_435 = tpu.memref_slice %arg11[%rem3A_416, %dma_wait3A_433, %dma_wait3A_434] : memref<10x32x128xf32, #tpu.memory_space<vmem>> -> memref<1x32x128xf32, #tpu.memory_space<vmem>>
    %dma_wait3A_436 = tpu.memref_squeeze %dma_wait3A_435 : memref<1x32x128xf32, #tpu.memory_space<vmem>> -> memref<32x128xf32, #tpu.memory_space<vmem>>
    %dma_wait3A_437 = arith.constant 0 : i32
    %dma_wait3A_438 = arith.constant 0 : i32
    %dma_wait3A_439 = tpu.memref_slice %arg3[%dma_wait3A_437, %dma_wait3A_438] : memref<32x100000xf32, #tpu.memory_space<hbm>> -> memref<32x128xf32, #tpu.memory_space<hbm>>
    %dma_wait3A_440 = tpu.memref_slice %arg15[%rem3A_416] : memref<10x!tpu.dma_semaphore, #tpu.memory_space<semaphore_mem>> -> memref<1x!tpu.dma_semaphore, #tpu.memory_space<semaphore_mem>>
    %dma_wait3A_441 = tpu.memref_squeeze %dma_wait3A_440 : memref<1x!tpu.dma_semaphore, #tpu.memory_space<semaphore_mem>> -> memref<!tpu.dma_semaphore, #tpu.memory_space<semaphore_mem>>
    %dma_wait3A_442 = arith.constant 0 : i32
    %dma_wait3A_443 = arith.constant 0 : i32
    %dma_wait3A_444 = tpu.memref_slice %arg11[%rem3A_416, %dma_wait3A_442, %dma_wait3A_443] : memref<10x32x128xf32, #tpu.memory_space<vmem>> -> memref<1x32x128xf32, #tpu.memory_space<vmem>>
    %dma_wait3A_445 = tpu.memref_squeeze %dma_wait3A_444 : memref<1x32x128xf32, #tpu.memory_space<vmem>> -> memref<32x128xf32, #tpu.memory_space<vmem>>
    %dma_wait3A_446 = arith.constant 0 : i32
    %dma_wait3A_447 = arith.constant 0 : i32
    %dma_wait3A_448 = tpu.memref_slice %arg3[%dma_wait3A_446, %dma_wait3A_447] : memref<32x100000xf32, #tpu.memory_space<hbm>> -> memref<32x128xf32, #tpu.memory_space<hbm>>
    tpu.wait_dma2 semaphore(%dma_wait3A_441 : memref<!tpu.dma_semaphore, #tpu.memory_space<semaphore_mem>>) src(%dma_wait3A_448 : memref<32x128xf32, #tpu.memory_space<hbm>>) dst(%dma_wait3A_445 : memref<32x128xf32, #tpu.memory_space<vmem>>)
    %rem3A_449 = arith.constant 128 : i32
    %rem3A_450 = arith.remsi %squeeze3A_411, %rem3A_449 : i32
    %broadcast_in_dim3A_451 = vector.broadcast %rem3A_450 : i32 to vector<16xi32>
    %rem3A_452 = arith.constant 128 : i32
    %rem3A_453 = arith.remsi %squeeze3A_413, %rem3A_452 : i32
    %broadcast_in_dim3A_454 = vector.broadcast %rem3A_453 : i32 to vector<16xi32>
    %broadcast_in_dim3A_455 = arith.constant 508 : i32
    %broadcast_in_dim3A_456 = vector.broadcast %broadcast_in_dim3A_455 : i32 to vector<16xi32>
    %gather3A_457 = arith.constant 0 : i32
    %gather3A_458 = arith.constant 0 : i32
    %gather3A_459 = tpu.memref_slice %arg10[%rem3A_416, %gather3A_457, %gather3A_458] : memref<10x32x128xf32, #tpu.memory_space<vmem>> -> memref<1x32x128xf32, #tpu.memory_space<vmem>>
    %gather3A_460 = tpu.memref_squeeze %gather3A_459 : memref<1x32x128xf32, #tpu.memory_space<vmem>> -> memref<32x128xf32, #tpu.memory_space<vmem>>
    %gather3A_461 = tpu.vector_load_idx %gather3A_460[%iota3A, %broadcast_in_dim3A_451] : memref<32x128xf32, #tpu.memory_space<vmem>>[vector<16xi32>, vector<16xi32>], vector<16xf32>,
    tpu.vector_store_idx %arg12[%iota3A, %broadcast_in_dim3A_456], %gather3A_461 : memref<32x512xf32, #tpu.memory_space<vmem>>[vector<16xi32>, vector<16xi32>], vector<16xf32>,
    %gather3A_462 = arith.constant 0 : i32
    %gather3A_463 = arith.constant 0 : i32
    %gather3A_464 = tpu.memref_slice %arg11[%rem3A_416, %gather3A_462, %gather3A_463] : memref<10x32x128xf32, #tpu.memory_space<vmem>> -> memref<1x32x128xf32, #tpu.memory_space<vmem>>
    %gather3A_465 = tpu.memref_squeeze %gather3A_464 : memref<1x32x128xf32, #tpu.memory_space<vmem>> -> memref<32x128xf32, #tpu.memory_space<vmem>>
    %gather3A_466 = tpu.vector_load_idx %gather3A_465[%iota3A, %broadcast_in_dim3A_454] : memref<32x128xf32, #tpu.memory_space<vmem>>[vector<16xi32>, vector<16xi32>], vector<16xf32>,
    tpu.vector_store_idx %arg13[%iota3A, %broadcast_in_dim3A_456], %gather3A_466 : memref<32x512xf32, #tpu.memory_space<vmem>>[vector<16xi32>, vector<16xi32>], vector<16xf32>,
    %gather3A_467 = arith.constant 0 : i32
    %gather3A_468 = arith.constant 0 : i32
    %gather3A_469 = tpu.memref_slice %arg10[%rem3A_416, %gather3A_467, %gather3A_468] : memref<10x32x128xf32, #tpu.memory_space<vmem>> -> memref<1x32x128xf32, #tpu.memory_space<vmem>>
    %gather3A_470 = tpu.memref_squeeze %gather3A_469 : memref<1x32x128xf32, #tpu.memory_space<vmem>> -> memref<32x128xf32, #tpu.memory_space<vmem>>
    %gather3A_471 = tpu.vector_load_idx %gather3A_470[%add3A_5, %broadcast_in_dim3A_451] : memref<32x128xf32, #tpu.memory_space<vmem>>[vector<16xi32>, vector<16xi32>], vector<16xf32>,
    tpu.vector_store_idx %arg12[%add3A_5, %broadcast_in_dim3A_456], %gather3A_471 : memref<32x512xf32, #tpu.memory_space<vmem>>[vector<16xi32>, vector<16xi32>], vector<16xf32>,
    %gather3A_472 = arith.constant 0 : i32
    %gather3A_473 = arith.constant 0 : i32
    %gather3A_474 = tpu.memref_slice %arg11[%rem3A_416, %gather3A_472, %gather3A_473] : memref<10x32x128xf32, #tpu.memory_space<vmem>> -> memref<1x32x128xf32, #tpu.memory_space<vmem>>
    %gather3A_475 = tpu.memref_squeeze %gather3A_474 : memref<1x32x128xf32, #tpu.memory_space<vmem>> -> memref<32x128xf32, #tpu.memory_space<vmem>>
    %gather3A_476 = tpu.vector_load_idx %gather3A_475[%add3A_5, %broadcast_in_dim3A_454] : memref<32x128xf32, #tpu.memory_space<vmem>>[vector<16xi32>, vector<16xi32>], vector<16xf32>,
    tpu.vector_store_idx %arg13[%add3A_5, %broadcast_in_dim3A_456], %gather3A_476 : memref<32x512xf32, #tpu.memory_space<vmem>>[vector<16xi32>, vector<16xi32>], vector<16xf32>,
    %slice3A_477 = vector.extract_strided_slice %get3A_11 {offsets = [13], sizes = [1], strides = [1]} : vector<16xi32> to vector<1xi32>
    %squeeze3A_478 = vector.extract %slice3A_477[0] : i32 from vector<1xi32>
    %slice3A_479 = vector.extract_strided_slice %get3A_13 {offsets = [13], sizes = [1], strides = [1]} : vector<16xi32> to vector<1xi32>
    %squeeze3A_480 = vector.extract %slice3A_479[0] : i32 from vector<1xi32>
    %rem3A_481 = arith.constant 509 : i32
    %rem3A_482 = arith.constant 10 : i32
    %rem3A_483 = arith.remsi %rem3A_481, %rem3A_482 : i32
    %dma_wait3A_484 = arith.constant 0 : i32
    %dma_wait3A_485 = arith.constant 0 : i32
    %dma_wait3A_486 = tpu.memref_slice %arg10[%rem3A_483, %dma_wait3A_484, %dma_wait3A_485] : memref<10x32x128xf32, #tpu.memory_space<vmem>> -> memref<1x32x128xf32, #tpu.memory_space<vmem>>
    %dma_wait3A_487 = tpu.memref_squeeze %dma_wait3A_486 : memref<1x32x128xf32, #tpu.memory_space<vmem>> -> memref<32x128xf32, #tpu.memory_space<vmem>>
    %dma_wait3A_488 = arith.constant 0 : i32
    %dma_wait3A_489 = arith.constant 0 : i32
    %dma_wait3A_490 = tpu.memref_slice %arg2[%dma_wait3A_488, %dma_wait3A_489] : memref<32x1000000xf32, #tpu.memory_space<hbm>> -> memref<32x128xf32, #tpu.memory_space<hbm>>
    %dma_wait3A_491 = tpu.memref_slice %arg14[%rem3A_483] : memref<10x!tpu.dma_semaphore, #tpu.memory_space<semaphore_mem>> -> memref<1x!tpu.dma_semaphore, #tpu.memory_space<semaphore_mem>>
    %dma_wait3A_492 = tpu.memref_squeeze %dma_wait3A_491 : memref<1x!tpu.dma_semaphore, #tpu.memory_space<semaphore_mem>> -> memref<!tpu.dma_semaphore, #tpu.memory_space<semaphore_mem>>
    %dma_wait3A_493 = arith.constant 0 : i32
    %dma_wait3A_494 = arith.constant 0 : i32
    %dma_wait3A_495 = tpu.memref_slice %arg10[%rem3A_483, %dma_wait3A_493, %dma_wait3A_494] : memref<10x32x128xf32, #tpu.memory_space<vmem>> -> memref<1x32x128xf32, #tpu.memory_space<vmem>>
    %dma_wait3A_496 = tpu.memref_squeeze %dma_wait3A_495 : memref<1x32x128xf32, #tpu.memory_space<vmem>> -> memref<32x128xf32, #tpu.memory_space<vmem>>
    %dma_wait3A_497 = arith.constant 0 : i32
    %dma_wait3A_498 = arith.constant 0 : i32
    %dma_wait3A_499 = tpu.memref_slice %arg2[%dma_wait3A_497, %dma_wait3A_498] : memref<32x1000000xf32, #tpu.memory_space<hbm>> -> memref<32x128xf32, #tpu.memory_space<hbm>>
    tpu.wait_dma2 semaphore(%dma_wait3A_492 : memref<!tpu.dma_semaphore, #tpu.memory_space<semaphore_mem>>) src(%dma_wait3A_499 : memref<32x128xf32, #tpu.memory_space<hbm>>) dst(%dma_wait3A_496 : memref<32x128xf32, #tpu.memory_space<vmem>>)
    %dma_wait3A_500 = arith.constant 0 : i32
    %dma_wait3A_501 = arith.constant 0 : i32
    %dma_wait3A_502 = tpu.memref_slice %arg11[%rem3A_483, %dma_wait3A_500, %dma_wait3A_501] : memref<10x32x128xf32, #tpu.memory_space<vmem>> -> memref<1x32x128xf32, #tpu.memory_space<vmem>>
    %dma_wait3A_503 = tpu.memref_squeeze %dma_wait3A_502 : memref<1x32x128xf32, #tpu.memory_space<vmem>> -> memref<32x128xf32, #tpu.memory_space<vmem>>
    %dma_wait3A_504 = arith.constant 0 : i32
    %dma_wait3A_505 = arith.constant 0 : i32
    %dma_wait3A_506 = tpu.memref_slice %arg3[%dma_wait3A_504, %dma_wait3A_505] : memref<32x100000xf32, #tpu.memory_space<hbm>> -> memref<32x128xf32, #tpu.memory_space<hbm>>
    %dma_wait3A_507 = tpu.memref_slice %arg15[%rem3A_483] : memref<10x!tpu.dma_semaphore, #tpu.memory_space<semaphore_mem>> -> memref<1x!tpu.dma_semaphore, #tpu.memory_space<semaphore_mem>>
    %dma_wait3A_508 = tpu.memref_squeeze %dma_wait3A_507 : memref<1x!tpu.dma_semaphore, #tpu.memory_space<semaphore_mem>> -> memref<!tpu.dma_semaphore, #tpu.memory_space<semaphore_mem>>
    %dma_wait3A_509 = arith.constant 0 : i32
    %dma_wait3A_510 = arith.constant 0 : i32
    %dma_wait3A_511 = tpu.memref_slice %arg11[%rem3A_483, %dma_wait3A_509, %dma_wait3A_510] : memref<10x32x128xf32, #tpu.memory_space<vmem>> -> memref<1x32x128xf32, #tpu.memory_space<vmem>>
    %dma_wait3A_512 = tpu.memref_squeeze %dma_wait3A_511 : memref<1x32x128xf32, #tpu.memory_space<vmem>> -> memref<32x128xf32, #tpu.memory_space<vmem>>
    %dma_wait3A_513 = arith.constant 0 : i32
    %dma_wait3A_514 = arith.constant 0 : i32
    %dma_wait3A_515 = tpu.memref_slice %arg3[%dma_wait3A_513, %dma_wait3A_514] : memref<32x100000xf32, #tpu.memory_space<hbm>> -> memref<32x128xf32, #tpu.memory_space<hbm>>
    tpu.wait_dma2 semaphore(%dma_wait3A_508 : memref<!tpu.dma_semaphore, #tpu.memory_space<semaphore_mem>>) src(%dma_wait3A_515 : memref<32x128xf32, #tpu.memory_space<hbm>>) dst(%dma_wait3A_512 : memref<32x128xf32, #tpu.memory_space<vmem>>)
    %rem3A_516 = arith.constant 128 : i32
    %rem3A_517 = arith.remsi %squeeze3A_478, %rem3A_516 : i32
    %broadcast_in_dim3A_518 = vector.broadcast %rem3A_517 : i32 to vector<16xi32>
    %rem3A_519 = arith.constant 128 : i32
    %rem3A_520 = arith.remsi %squeeze3A_480, %rem3A_519 : i32
    %broadcast_in_dim3A_521 = vector.broadcast %rem3A_520 : i32 to vector<16xi32>
    %broadcast_in_dim3A_522 = arith.constant 509 : i32
    %broadcast_in_dim3A_523 = vector.broadcast %broadcast_in_dim3A_522 : i32 to vector<16xi32>
    %gather3A_524 = arith.constant 0 : i32
    %gather3A_525 = arith.constant 0 : i32
    %gather3A_526 = tpu.memref_slice %arg10[%rem3A_483, %gather3A_524, %gather3A_525] : memref<10x32x128xf32, #tpu.memory_space<vmem>> -> memref<1x32x128xf32, #tpu.memory_space<vmem>>
    %gather3A_527 = tpu.memref_squeeze %gather3A_526 : memref<1x32x128xf32, #tpu.memory_space<vmem>> -> memref<32x128xf32, #tpu.memory_space<vmem>>
    %gather3A_528 = tpu.vector_load_idx %gather3A_527[%iota3A, %broadcast_in_dim3A_518] : memref<32x128xf32, #tpu.memory_space<vmem>>[vector<16xi32>, vector<16xi32>], vector<16xf32>,
    tpu.vector_store_idx %arg12[%iota3A, %broadcast_in_dim3A_523], %gather3A_528 : memref<32x512xf32, #tpu.memory_space<vmem>>[vector<16xi32>, vector<16xi32>], vector<16xf32>,
    %gather3A_529 = arith.constant 0 : i32
    %gather3A_530 = arith.constant 0 : i32
    %gather3A_531 = tpu.memref_slice %arg11[%rem3A_483, %gather3A_529, %gather3A_530] : memref<10x32x128xf32, #tpu.memory_space<vmem>> -> memref<1x32x128xf32, #tpu.memory_space<vmem>>
    %gather3A_532 = tpu.memref_squeeze %gather3A_531 : memref<1x32x128xf32, #tpu.memory_space<vmem>> -> memref<32x128xf32, #tpu.memory_space<vmem>>
    %gather3A_533 = tpu.vector_load_idx %gather3A_532[%iota3A, %broadcast_in_dim3A_521] : memref<32x128xf32, #tpu.memory_space<vmem>>[vector<16xi32>, vector<16xi32>], vector<16xf32>,
    tpu.vector_store_idx %arg13[%iota3A, %broadcast_in_dim3A_523], %gather3A_533 : memref<32x512xf32, #tpu.memory_space<vmem>>[vector<16xi32>, vector<16xi32>], vector<16xf32>,
    %gather3A_534 = arith.constant 0 : i32
    %gather3A_535 = arith.constant 0 : i32
    %gather3A_536 = tpu.memref_slice %arg10[%rem3A_483, %gather3A_534, %gather3A_535] : memref<10x32x128xf32, #tpu.memory_space<vmem>> -> memref<1x32x128xf32, #tpu.memory_space<vmem>>
    %gather3A_537 = tpu.memref_squeeze %gather3A_536 : memref<1x32x128xf32, #tpu.memory_space<vmem>> -> memref<32x128xf32, #tpu.memory_space<vmem>>
    %gather3A_538 = tpu.vector_load_idx %gather3A_537[%add3A_5, %broadcast_in_dim3A_518] : memref<32x128xf32, #tpu.memory_space<vmem>>[vector<16xi32>, vector<16xi32>], vector<16xf32>,
    tpu.vector_store_idx %arg12[%add3A_5, %broadcast_in_dim3A_523], %gather3A_538 : memref<32x512xf32, #tpu.memory_space<vmem>>[vector<16xi32>, vector<16xi32>], vector<16xf32>,
    %gather3A_539 = arith.constant 0 : i32
    %gather3A_540 = arith.constant 0 : i32
    %gather3A_541 = tpu.memref_slice %arg11[%rem3A_483, %gather3A_539, %gather3A_540] : memref<10x32x128xf32, #tpu.memory_space<vmem>> -> memref<1x32x128xf32, #tpu.memory_space<vmem>>
    %gather3A_542 = tpu.memref_squeeze %gather3A_541 : memref<1x32x128xf32, #tpu.memory_space<vmem>> -> memref<32x128xf32, #tpu.memory_space<vmem>>
    %gather3A_543 = tpu.vector_load_idx %gather3A_542[%add3A_5, %broadcast_in_dim3A_521] : memref<32x128xf32, #tpu.memory_space<vmem>>[vector<16xi32>, vector<16xi32>], vector<16xf32>,
    tpu.vector_store_idx %arg13[%add3A_5, %broadcast_in_dim3A_523], %gather3A_543 : memref<32x512xf32, #tpu.memory_space<vmem>>[vector<16xi32>, vector<16xi32>], vector<16xf32>,
    %slice3A_544 = vector.extract_strided_slice %get3A_11 {offsets = [14], sizes = [1], strides = [1]} : vector<16xi32> to vector<1xi32>
    %squeeze3A_545 = vector.extract %slice3A_544[0] : i32 from vector<1xi32>
    %slice3A_546 = vector.extract_strided_slice %get3A_13 {offsets = [14], sizes = [1], strides = [1]} : vector<16xi32> to vector<1xi32>
    %squeeze3A_547 = vector.extract %slice3A_546[0] : i32 from vector<1xi32>
    %rem3A_548 = arith.constant 510 : i32
    %rem3A_549 = arith.constant 10 : i32
    %rem3A_550 = arith.remsi %rem3A_548, %rem3A_549 : i32
    %dma_wait3A_551 = arith.constant 0 : i32
    %dma_wait3A_552 = arith.constant 0 : i32
    %dma_wait3A_553 = tpu.memref_slice %arg10[%rem3A_550, %dma_wait3A_551, %dma_wait3A_552] : memref<10x32x128xf32, #tpu.memory_space<vmem>> -> memref<1x32x128xf32, #tpu.memory_space<vmem>>
    %dma_wait3A_554 = tpu.memref_squeeze %dma_wait3A_553 : memref<1x32x128xf32, #tpu.memory_space<vmem>> -> memref<32x128xf32, #tpu.memory_space<vmem>>
    %dma_wait3A_555 = arith.constant 0 : i32
    %dma_wait3A_556 = arith.constant 0 : i32
    %dma_wait3A_557 = tpu.memref_slice %arg2[%dma_wait3A_555, %dma_wait3A_556] : memref<32x1000000xf32, #tpu.memory_space<hbm>> -> memref<32x128xf32, #tpu.memory_space<hbm>>
    %dma_wait3A_558 = tpu.memref_slice %arg14[%rem3A_550] : memref<10x!tpu.dma_semaphore, #tpu.memory_space<semaphore_mem>> -> memref<1x!tpu.dma_semaphore, #tpu.memory_space<semaphore_mem>>
    %dma_wait3A_559 = tpu.memref_squeeze %dma_wait3A_558 : memref<1x!tpu.dma_semaphore, #tpu.memory_space<semaphore_mem>> -> memref<!tpu.dma_semaphore, #tpu.memory_space<semaphore_mem>>
    %dma_wait3A_560 = arith.constant 0 : i32
    %dma_wait3A_561 = arith.constant 0 : i32
    %dma_wait3A_562 = tpu.memref_slice %arg10[%rem3A_550, %dma_wait3A_560, %dma_wait3A_561] : memref<10x32x128xf32, #tpu.memory_space<vmem>> -> memref<1x32x128xf32, #tpu.memory_space<vmem>>
    %dma_wait3A_563 = tpu.memref_squeeze %dma_wait3A_562 : memref<1x32x128xf32, #tpu.memory_space<vmem>> -> memref<32x128xf32, #tpu.memory_space<vmem>>
    %dma_wait3A_564 = arith.constant 0 : i32
    %dma_wait3A_565 = arith.constant 0 : i32
    %dma_wait3A_566 = tpu.memref_slice %arg2[%dma_wait3A_564, %dma_wait3A_565] : memref<32x1000000xf32, #tpu.memory_space<hbm>> -> memref<32x128xf32, #tpu.memory_space<hbm>>
    tpu.wait_dma2 semaphore(%dma_wait3A_559 : memref<!tpu.dma_semaphore, #tpu.memory_space<semaphore_mem>>) src(%dma_wait3A_566 : memref<32x128xf32, #tpu.memory_space<hbm>>) dst(%dma_wait3A_563 : memref<32x128xf32, #tpu.memory_space<vmem>>)
    %dma_wait3A_567 = arith.constant 0 : i32
    %dma_wait3A_568 = arith.constant 0 : i32
    %dma_wait3A_569 = tpu.memref_slice %arg11[%rem3A_550, %dma_wait3A_567, %dma_wait3A_568] : memref<10x32x128xf32, #tpu.memory_space<vmem>> -> memref<1x32x128xf32, #tpu.memory_space<vmem>>
    %dma_wait3A_570 = tpu.memref_squeeze %dma_wait3A_569 : memref<1x32x128xf32, #tpu.memory_space<vmem>> -> memref<32x128xf32, #tpu.memory_space<vmem>>
    %dma_wait3A_571 = arith.constant 0 : i32
    %dma_wait3A_572 = arith.constant 0 : i32
    %dma_wait3A_573 = tpu.memref_slice %arg3[%dma_wait3A_571, %dma_wait3A_572] : memref<32x100000xf32, #tpu.memory_space<hbm>> -> memref<32x128xf32, #tpu.memory_space<hbm>>
    %dma_wait3A_574 = tpu.memref_slice %arg15[%rem3A_550] : memref<10x!tpu.dma_semaphore, #tpu.memory_space<semaphore_mem>> -> memref<1x!tpu.dma_semaphore, #tpu.memory_space<semaphore_mem>>
    %dma_wait3A_575 = tpu.memref_squeeze %dma_wait3A_574 : memref<1x!tpu.dma_semaphore, #tpu.memory_space<semaphore_mem>> -> memref<!tpu.dma_semaphore, #tpu.memory_space<semaphore_mem>>
    %dma_wait3A_576 = arith.constant 0 : i32
    %dma_wait3A_577 = arith.constant 0 : i32
    %dma_wait3A_578 = tpu.memref_slice %arg11[%rem3A_550, %dma_wait3A_576, %dma_wait3A_577] : memref<10x32x128xf32, #tpu.memory_space<vmem>> -> memref<1x32x128xf32, #tpu.memory_space<vmem>>
    %dma_wait3A_579 = tpu.memref_squeeze %dma_wait3A_578 : memref<1x32x128xf32, #tpu.memory_space<vmem>> -> memref<32x128xf32, #tpu.memory_space<vmem>>
    %dma_wait3A_580 = arith.constant 0 : i32
    %dma_wait3A_581 = arith.constant 0 : i32
    %dma_wait3A_582 = tpu.memref_slice %arg3[%dma_wait3A_580, %dma_wait3A_581] : memref<32x100000xf32, #tpu.memory_space<hbm>> -> memref<32x128xf32, #tpu.memory_space<hbm>>
    tpu.wait_dma2 semaphore(%dma_wait3A_575 : memref<!tpu.dma_semaphore, #tpu.memory_space<semaphore_mem>>) src(%dma_wait3A_582 : memref<32x128xf32, #tpu.memory_space<hbm>>) dst(%dma_wait3A_579 : memref<32x128xf32, #tpu.memory_space<vmem>>)
    %rem3A_583 = arith.constant 128 : i32
    %rem3A_584 = arith.remsi %squeeze3A_545, %rem3A_583 : i32
    %broadcast_in_dim3A_585 = vector.broadcast %rem3A_584 : i32 to vector<16xi32>
    %rem3A_586 = arith.constant 128 : i32
    %rem3A_587 = arith.remsi %squeeze3A_547, %rem3A_586 : i32
    %broadcast_in_dim3A_588 = vector.broadcast %rem3A_587 : i32 to vector<16xi32>
    %broadcast_in_dim3A_589 = arith.constant 510 : i32
    %broadcast_in_dim3A_590 = vector.broadcast %broadcast_in_dim3A_589 : i32 to vector<16xi32>
    %gather3A_591 = arith.constant 0 : i32
    %gather3A_592 = arith.constant 0 : i32
    %gather3A_593 = tpu.memref_slice %arg10[%rem3A_550, %gather3A_591, %gather3A_592] : memref<10x32x128xf32, #tpu.memory_space<vmem>> -> memref<1x32x128xf32, #tpu.memory_space<vmem>>
    %gather3A_594 = tpu.memref_squeeze %gather3A_593 : memref<1x32x128xf32, #tpu.memory_space<vmem>> -> memref<32x128xf32, #tpu.memory_space<vmem>>
    %gather3A_595 = tpu.vector_load_idx %gather3A_594[%iota3A, %broadcast_in_dim3A_585] : memref<32x128xf32, #tpu.memory_space<vmem>>[vector<16xi32>, vector<16xi32>], vector<16xf32>,
    tpu.vector_store_idx %arg12[%iota3A, %broadcast_in_dim3A_590], %gather3A_595 : memref<32x512xf32, #tpu.memory_space<vmem>>[vector<16xi32>, vector<16xi32>], vector<16xf32>,
    %gather3A_596 = arith.constant 0 : i32
    %gather3A_597 = arith.constant 0 : i32
    %gather3A_598 = tpu.memref_slice %arg11[%rem3A_550, %gather3A_596, %gather3A_597] : memref<10x32x128xf32, #tpu.memory_space<vmem>> -> memref<1x32x128xf32, #tpu.memory_space<vmem>>
    %gather3A_599 = tpu.memref_squeeze %gather3A_598 : memref<1x32x128xf32, #tpu.memory_space<vmem>> -> memref<32x128xf32, #tpu.memory_space<vmem>>
    %gather3A_600 = tpu.vector_load_idx %gather3A_599[%iota3A, %broadcast_in_dim3A_588] : memref<32x128xf32, #tpu.memory_space<vmem>>[vector<16xi32>, vector<16xi32>], vector<16xf32>,
    tpu.vector_store_idx %arg13[%iota3A, %broadcast_in_dim3A_590], %gather3A_600 : memref<32x512xf32, #tpu.memory_space<vmem>>[vector<16xi32>, vector<16xi32>], vector<16xf32>,
    %gather3A_601 = arith.constant 0 : i32
    %gather3A_602 = arith.constant 0 : i32
    %gather3A_603 = tpu.memref_slice %arg10[%rem3A_550, %gather3A_601, %gather3A_602] : memref<10x32x128xf32, #tpu.memory_space<vmem>> -> memref<1x32x128xf32, #tpu.memory_space<vmem>>
    %gather3A_604 = tpu.memref_squeeze %gather3A_603 : memref<1x32x128xf32, #tpu.memory_space<vmem>> -> memref<32x128xf32, #tpu.memory_space<vmem>>
    %gather3A_605 = tpu.vector_load_idx %gather3A_604[%add3A_5, %broadcast_in_dim3A_585] : memref<32x128xf32, #tpu.memory_space<vmem>>[vector<16xi32>, vector<16xi32>], vector<16xf32>,
    tpu.vector_store_idx %arg12[%add3A_5, %broadcast_in_dim3A_590], %gather3A_605 : memref<32x512xf32, #tpu.memory_space<vmem>>[vector<16xi32>, vector<16xi32>], vector<16xf32>,
    %gather3A_606 = arith.constant 0 : i32
    %gather3A_607 = arith.constant 0 : i32
    %gather3A_608 = tpu.memref_slice %arg11[%rem3A_550, %gather3A_606, %gather3A_607] : memref<10x32x128xf32, #tpu.memory_space<vmem>> -> memref<1x32x128xf32, #tpu.memory_space<vmem>>
    %gather3A_609 = tpu.memref_squeeze %gather3A_608 : memref<1x32x128xf32, #tpu.memory_space<vmem>> -> memref<32x128xf32, #tpu.memory_space<vmem>>
    %gather3A_610 = tpu.vector_load_idx %gather3A_609[%add3A_5, %broadcast_in_dim3A_588] : memref<32x128xf32, #tpu.memory_space<vmem>>[vector<16xi32>, vector<16xi32>], vector<16xf32>,
    tpu.vector_store_idx %arg13[%add3A_5, %broadcast_in_dim3A_590], %gather3A_610 : memref<32x512xf32, #tpu.memory_space<vmem>>[vector<16xi32>, vector<16xi32>], vector<16xf32>,
    %slice3A_611 = vector.extract_strided_slice %get3A_11 {offsets = [15], sizes = [1], strides = [1]} : vector<16xi32> to vector<1xi32>
    %squeeze3A_612 = vector.extract %slice3A_611[0] : i32 from vector<1xi32>
    %slice3A_613 = vector.extract_strided_slice %get3A_13 {offsets = [15], sizes = [1], strides = [1]} : vector<16xi32> to vector<1xi32>
    %squeeze3A_614 = vector.extract %slice3A_613[0] : i32 from vector<1xi32>
    %rem3A_615 = arith.constant 511 : i32
    %rem3A_616 = arith.constant 10 : i32
    %rem3A_617 = arith.remsi %rem3A_615, %rem3A_616 : i32
    %dma_wait3A_618 = arith.constant 0 : i32
    %dma_wait3A_619 = arith.constant 0 : i32
    %dma_wait3A_620 = tpu.memref_slice %arg10[%rem3A_617, %dma_wait3A_618, %dma_wait3A_619] : memref<10x32x128xf32, #tpu.memory_space<vmem>> -> memref<1x32x128xf32, #tpu.memory_space<vmem>>
    %dma_wait3A_621 = tpu.memref_squeeze %dma_wait3A_620 : memref<1x32x128xf32, #tpu.memory_space<vmem>> -> memref<32x128xf32, #tpu.memory_space<vmem>>
    %dma_wait3A_622 = arith.constant 0 : i32
    %dma_wait3A_623 = arith.constant 0 : i32
    %dma_wait3A_624 = tpu.memref_slice %arg2[%dma_wait3A_622, %dma_wait3A_623] : memref<32x1000000xf32, #tpu.memory_space<hbm>> -> memref<32x128xf32, #tpu.memory_space<hbm>>
    %dma_wait3A_625 = tpu.memref_slice %arg14[%rem3A_617] : memref<10x!tpu.dma_semaphore, #tpu.memory_space<semaphore_mem>> -> memref<1x!tpu.dma_semaphore, #tpu.memory_space<semaphore_mem>>
    %dma_wait3A_626 = tpu.memref_squeeze %dma_wait3A_625 : memref<1x!tpu.dma_semaphore, #tpu.memory_space<semaphore_mem>> -> memref<!tpu.dma_semaphore, #tpu.memory_space<semaphore_mem>>
    %dma_wait3A_627 = arith.constant 0 : i32
    %dma_wait3A_628 = arith.constant 0 : i32
    %dma_wait3A_629 = tpu.memref_slice %arg10[%rem3A_617, %dma_wait3A_627, %dma_wait3A_628] : memref<10x32x128xf32, #tpu.memory_space<vmem>> -> memref<1x32x128xf32, #tpu.memory_space<vmem>>
    %dma_wait3A_630 = tpu.memref_squeeze %dma_wait3A_629 : memref<1x32x128xf32, #tpu.memory_space<vmem>> -> memref<32x128xf32, #tpu.memory_space<vmem>>
    %dma_wait3A_631 = arith.constant 0 : i32
    %dma_wait3A_632 = arith.constant 0 : i32
    %dma_wait3A_633 = tpu.memref_slice %arg2[%dma_wait3A_631, %dma_wait3A_632] : memref<32x1000000xf32, #tpu.memory_space<hbm>> -> memref<32x128xf32, #tpu.memory_space<hbm>>
    tpu.wait_dma2 semaphore(%dma_wait3A_626 : memref<!tpu.dma_semaphore, #tpu.memory_space<semaphore_mem>>) src(%dma_wait3A_633 : memref<32x128xf32, #tpu.memory_space<hbm>>) dst(%dma_wait3A_630 : memref<32x128xf32, #tpu.memory_space<vmem>>)
    %dma_wait3A_634 = arith.constant 0 : i32
    %dma_wait3A_635 = arith.constant 0 : i32
    %dma_wait3A_636 = tpu.memref_slice %arg11[%rem3A_617, %dma_wait3A_634, %dma_wait3A_635] : memref<10x32x128xf32, #tpu.memory_space<vmem>> -> memref<1x32x128xf32, #tpu.memory_space<vmem>>
    %dma_wait3A_637 = tpu.memref_squeeze %dma_wait3A_636 : memref<1x32x128xf32, #tpu.memory_space<vmem>> -> memref<32x128xf32, #tpu.memory_space<vmem>>
    %dma_wait3A_638 = arith.constant 0 : i32
    %dma_wait3A_639 = arith.constant 0 : i32
    %dma_wait3A_640 = tpu.memref_slice %arg3[%dma_wait3A_638, %dma_wait3A_639] : memref<32x100000xf32, #tpu.memory_space<hbm>> -> memref<32x128xf32, #tpu.memory_space<hbm>>
    %dma_wait3A_641 = tpu.memref_slice %arg15[%rem3A_617] : memref<10x!tpu.dma_semaphore, #tpu.memory_space<semaphore_mem>> -> memref<1x!tpu.dma_semaphore, #tpu.memory_space<semaphore_mem>>
    %dma_wait3A_642 = tpu.memref_squeeze %dma_wait3A_641 : memref<1x!tpu.dma_semaphore, #tpu.memory_space<semaphore_mem>> -> memref<!tpu.dma_semaphore, #tpu.memory_space<semaphore_mem>>
    %dma_wait3A_643 = arith.constant 0 : i32
    %dma_wait3A_644 = arith.constant 0 : i32
    %dma_wait3A_645 = tpu.memref_slice %arg11[%rem3A_617, %dma_wait3A_643, %dma_wait3A_644] : memref<10x32x128xf32, #tpu.memory_space<vmem>> -> memref<1x32x128xf32, #tpu.memory_space<vmem>>
    %dma_wait3A_646 = tpu.memref_squeeze %dma_wait3A_645 : memref<1x32x128xf32, #tpu.memory_space<vmem>> -> memref<32x128xf32, #tpu.memory_space<vmem>>
    %dma_wait3A_647 = arith.constant 0 : i32
    %dma_wait3A_648 = arith.constant 0 : i32
    %dma_wait3A_649 = tpu.memref_slice %arg3[%dma_wait3A_647, %dma_wait3A_648] : memref<32x100000xf32, #tpu.memory_space<hbm>> -> memref<32x128xf32, #tpu.memory_space<hbm>>
    tpu.wait_dma2 semaphore(%dma_wait3A_642 : memref<!tpu.dma_semaphore, #tpu.memory_space<semaphore_mem>>) src(%dma_wait3A_649 : memref<32x128xf32, #tpu.memory_space<hbm>>) dst(%dma_wait3A_646 : memref<32x128xf32, #tpu.memory_space<vmem>>)
    %rem3A_650 = arith.constant 128 : i32
    %rem3A_651 = arith.remsi %squeeze3A_612, %rem3A_650 : i32
    %broadcast_in_dim3A_652 = vector.broadcast %rem3A_651 : i32 to vector<16xi32>
    %rem3A_653 = arith.constant 128 : i32
    %rem3A_654 = arith.remsi %squeeze3A_614, %rem3A_653 : i32
    %broadcast_in_dim3A_655 = vector.broadcast %rem3A_654 : i32 to vector<16xi32>
    %broadcast_in_dim3A_656 = arith.constant 511 : i32
    %broadcast_in_dim3A_657 = vector.broadcast %broadcast_in_dim3A_656 : i32 to vector<16xi32>
    %gather3A_658 = arith.constant 0 : i32
    %gather3A_659 = arith.constant 0 : i32
    %gather3A_660 = tpu.memref_slice %arg10[%rem3A_617, %gather3A_658, %gather3A_659] : memref<10x32x128xf32, #tpu.memory_space<vmem>> -> memref<1x32x128xf32, #tpu.memory_space<vmem>>
    %gather3A_661 = tpu.memref_squeeze %gather3A_660 : memref<1x32x128xf32, #tpu.memory_space<vmem>> -> memref<32x128xf32, #tpu.memory_space<vmem>>
    %gather3A_662 = tpu.vector_load_idx %gather3A_661[%iota3A, %broadcast_in_dim3A_652] : memref<32x128xf32, #tpu.memory_space<vmem>>[vector<16xi32>, vector<16xi32>], vector<16xf32>,
    tpu.vector_store_idx %arg12[%iota3A, %broadcast_in_dim3A_657], %gather3A_662 : memref<32x512xf32, #tpu.memory_space<vmem>>[vector<16xi32>, vector<16xi32>], vector<16xf32>,
    %gather3A_663 = arith.constant 0 : i32
    %gather3A_664 = arith.constant 0 : i32
    %gather3A_665 = tpu.memref_slice %arg11[%rem3A_617, %gather3A_663, %gather3A_664] : memref<10x32x128xf32, #tpu.memory_space<vmem>> -> memref<1x32x128xf32, #tpu.memory_space<vmem>>
    %gather3A_666 = tpu.memref_squeeze %gather3A_665 : memref<1x32x128xf32, #tpu.memory_space<vmem>> -> memref<32x128xf32, #tpu.memory_space<vmem>>
    %gather3A_667 = tpu.vector_load_idx %gather3A_666[%iota3A, %broadcast_in_dim3A_655] : memref<32x128xf32, #tpu.memory_space<vmem>>[vector<16xi32>, vector<16xi32>], vector<16xf32>,
    tpu.vector_store_idx %arg13[%iota3A, %broadcast_in_dim3A_657], %gather3A_667 : memref<32x512xf32, #tpu.memory_space<vmem>>[vector<16xi32>, vector<16xi32>], vector<16xf32>,
    %gather3A_668 = arith.constant 0 : i32
    %gather3A_669 = arith.constant 0 : i32
    %gather3A_670 = tpu.memref_slice %arg10[%rem3A_617, %gather3A_668, %gather3A_669] : memref<10x32x128xf32, #tpu.memory_space<vmem>> -> memref<1x32x128xf32, #tpu.memory_space<vmem>>
    %gather3A_671 = tpu.memref_squeeze %gather3A_670 : memref<1x32x128xf32, #tpu.memory_space<vmem>> -> memref<32x128xf32, #tpu.memory_space<vmem>>
    %gather3A_672 = tpu.vector_load_idx %gather3A_671[%add3A_5, %broadcast_in_dim3A_652] : memref<32x128xf32, #tpu.memory_space<vmem>>[vector<16xi32>, vector<16xi32>], vector<16xf32>,
    tpu.vector_store_idx %arg12[%add3A_5, %broadcast_in_dim3A_657], %gather3A_672 : memref<32x512xf32, #tpu.memory_space<vmem>>[vector<16xi32>, vector<16xi32>], vector<16xf32>,
    %gather3A_673 = arith.constant 0 : i32
    %gather3A_674 = arith.constant 0 : i32
    %gather3A_675 = tpu.memref_slice %arg11[%rem3A_617, %gather3A_673, %gather3A_674] : memref<10x32x128xf32, #tpu.memory_space<vmem>> -> memref<1x32x128xf32, #tpu.memory_space<vmem>>
    %gather3A_676 = tpu.memref_squeeze %gather3A_675 : memref<1x32x128xf32, #tpu.memory_space<vmem>> -> memref<32x128xf32, #tpu.memory_space<vmem>>
    %gather3A_677 = tpu.vector_load_idx %gather3A_676[%add3A_5, %broadcast_in_dim3A_655] : memref<32x128xf32, #tpu.memory_space<vmem>>[vector<16xi32>, vector<16xi32>], vector<16xf32>,
    tpu.vector_store_idx %arg13[%add3A_5, %broadcast_in_dim3A_657], %gather3A_677 : memref<32x512xf32, #tpu.memory_space<vmem>>[vector<16xi32>, vector<16xi32>], vector<16xf32>,
    "tpu.region"() ({
      %run_scoped3A = tpu.sem_alloc : memref<!tpu.dma_semaphore, #tpu.memory_space<semaphore_mem>>
      %dma_start3A = arith.constant 0 : i32
      %dma_start3A_678 = tpu.memref_slice %arg6[%dma_start3A, %mul3A_2] : memref<32x16384xf32, #tpu.memory_space<hbm>> -> memref<32x512xf32, #tpu.memory_space<hbm>>
      %dma_start3A_679 = arith.constant 0 : i32
      %dma_start3A_680 = tpu.memref_slice %arg6[%dma_start3A_679, %mul3A_2] : memref<32x16384xf32, #tpu.memory_space<hbm>> -> memref<32x512xf32, #tpu.memory_space<hbm>>
      tpu.enqueue_dma source(%arg12 : memref<32x512xf32, #tpu.memory_space<vmem>>) target(%dma_start3A_680 : memref<32x512xf32, #tpu.memory_space<hbm>>) target_semaphore(%run_scoped3A : memref<!tpu.dma_semaphore, #tpu.memory_space<semaphore_mem>>)
      %dma_wait3A_681 = arith.constant 0 : i32
      %dma_wait3A_682 = tpu.memref_slice %arg6[%dma_wait3A_681, %mul3A_2] : memref<32x16384xf32, #tpu.memory_space<hbm>> -> memref<32x512xf32, #tpu.memory_space<hbm>>
      %dma_wait3A_683 = arith.constant 0 : i32
      %dma_wait3A_684 = tpu.memref_slice %arg6[%dma_wait3A_683, %mul3A_2] : memref<32x16384xf32, #tpu.memory_space<hbm>> -> memref<32x512xf32, #tpu.memory_space<hbm>>
      tpu.wait_dma2 semaphore(%run_scoped3A : memref<!tpu.dma_semaphore, #tpu.memory_space<semaphore_mem>>) src(%arg12 : memref<32x512xf32, #tpu.memory_space<vmem>>) dst(%dma_wait3A_684 : memref<32x512xf32, #tpu.memory_space<hbm>>)
      tpu.yield
    }) : () -> ()
    "tpu.region"() ({
      %run_scoped3A = tpu.sem_alloc : memref<!tpu.dma_semaphore, #tpu.memory_space<semaphore_mem>>
      %dma_start3A = arith.constant 0 : i32
      %dma_start3A_678 = tpu.memref_slice %arg7[%dma_start3A, %mul3A_2] : memref<32x16384xf32, #tpu.memory_space<hbm>> -> memref<32x512xf32, #tpu.memory_space<hbm>>
      %dma_start3A_679 = arith.constant 0 : i32
      %dma_start3A_680 = tpu.memref_slice %arg7[%dma_start3A_679, %mul3A_2] : memref<32x16384xf32, #tpu.memory_space<hbm>> -> memref<32x512xf32, #tpu.memory_space<hbm>>
      tpu.enqueue_dma source(%arg13 : memref<32x512xf32, #tpu.memory_space<vmem>>) target(%dma_start3A_680 : memref<32x512xf32, #tpu.memory_space<hbm>>) target_semaphore(%run_scoped3A : memref<!tpu.dma_semaphore, #tpu.memory_space<semaphore_mem>>)
      %dma_wait3A_681 = arith.constant 0 : i32
      %dma_wait3A_682 = tpu.memref_slice %arg7[%dma_wait3A_681, %mul3A_2] : memref<32x16384xf32, #tpu.memory_space<hbm>> -> memref<32x512xf32, #tpu.memory_space<hbm>>
      %dma_wait3A_683 = arith.constant 0 : i32
      %dma_wait3A_684 = tpu.memref_slice %arg7[%dma_wait3A_683, %mul3A_2] : memref<32x16384xf32, #tpu.memory_space<hbm>> -> memref<32x512xf32, #tpu.memory_space<hbm>>
      tpu.wait_dma2 semaphore(%run_scoped3A : memref<!tpu.dma_semaphore, #tpu.memory_space<semaphore_mem>>) src(%arg13 : memref<32x512xf32, #tpu.memory_space<vmem>>) dst(%dma_wait3A_684 : memref<32x512xf32, #tpu.memory_space<hbm>>)
      tpu.yield
    }) : () -> ()
    return
  }
}

module attributes {stable_mosaic.version = 14 : i64} {
  func.func @_mlp_body(%arg0: i32, %arg1: memref<32x4096xf32, #tpu.memory_space<vmem>>, %arg2: memref<32x4096xf32, #tpu.memory_space<vmem>>, %arg3: memref<19x4096xf32, #tpu.memory_space<vmem>>, %arg4: memref<1x4096xf32, #tpu.memory_space<vmem>>, %arg5: memref<128x32xf32, #tpu.memory_space<vmem>>, %arg6: memref<128x32xf32, #tpu.memory_space<vmem>>, %arg7: memref<128x19xf32, #tpu.memory_space<vmem>>, %arg8: memref<128x1xf32, #tpu.memory_space<vmem>>, %arg9: memref<128x1xf32, #tpu.memory_space<vmem>>, %arg10: memref<64x128xf32, #tpu.memory_space<vmem>>, %arg11: memref<64x1xf32, #tpu.memory_space<vmem>>, %arg12: memref<1x64xf32, #tpu.memory_space<vmem>>, %arg13: memref<1x1xf32, #tpu.memory_space<vmem>>, %arg14: memref<1x4096xf32, #tpu.memory_space<vmem>>) attributes {dimension_semantics = [#tpu.dimension_semantics<arbitrary>], iteration_bounds = array<i64: 4>, scalar_prefetch = 0 : i64, scratch_operands = 0 : i64, tpu.core_type = #tpu.core_type<tc>, window_params = [{transform_indices = @transform_0, window_bounds = array<i64: 32, 4096>}, {transform_indices = @transform_1, window_bounds = array<i64: 32, 4096>}, {transform_indices = @transform_2, window_bounds = array<i64: 19, 4096>}, {transform_indices = @transform_3, window_bounds = array<i64: 1, 4096>}, {pipeline_mode = #tpu.pipeline_mode<synchronous>, transform_indices = @transform_4, window_bounds = array<i64: 128, 32>}, {pipeline_mode = #tpu.pipeline_mode<synchronous>, transform_indices = @transform_5, window_bounds = array<i64: 128, 32>}, {pipeline_mode = #tpu.pipeline_mode<synchronous>, transform_indices = @transform_6, window_bounds = array<i64: 128, 19>}, {pipeline_mode = #tpu.pipeline_mode<synchronous>, transform_indices = @transform_7, window_bounds = array<i64: 128, 1>}, {pipeline_mode = #tpu.pipeline_mode<synchronous>, transform_indices = @transform_8, window_bounds = array<i64: 128, 1>}, {pipeline_mode = #tpu.pipeline_mode<synchronous>, transform_indices = @transform_9, window_bounds = array<i64: 64, 128>}, {pipeline_mode = #tpu.pipeline_mode<synchronous>, transform_indices = @transform_10, window_bounds = array<i64: 64, 1>}, {pipeline_mode = #tpu.pipeline_mode<synchronous>, transform_indices = @transform_11, window_bounds = array<i64: 1, 64>}, {pipeline_mode = #tpu.pipeline_mode<synchronous>, transform_indices = @transform_12, window_bounds = array<i64: 1, 1>}, {transform_indices = @transform_13, window_bounds = array<i64: 1, 4096>}]} {
    %get3A = arith.constant 0 : index
    %get3A_0 = arith.constant 0 : index
    %get3A_1 = vector.load %arg5[%get3A, %get3A_0] : memref<128x32xf32, #tpu.memory_space<vmem>>, vector<128x32xf32>
    %get3A_2 = arith.constant 0 : index
    %get3A_3 = arith.constant 0 : index
    %get3A_4 = vector.load %arg1[%get3A_2, %get3A_3] : memref<32x4096xf32, #tpu.memory_space<vmem>>, vector<32x4096xf32>
    %convert_element_type3A = arith.truncf %get3A_1 : vector<128x32xf32> to vector<128x32xbf16>
    %convert_element_type3A_5 = arith.truncf %get3A_4 : vector<32x4096xf32> to vector<32x4096xbf16>
    %dot_general3A = arith.constant dense<0.000000e+00> : vector<128x4096xf32>
    %dot_general3A_6 = tpu.matmul %convert_element_type3A, %convert_element_type3A_5, %dot_general3A {dimension_numbers = #tpu.dot_dimension_numbers<[1], [0], [0], [1], [0, 0, 1, 1], [], []>, transpose_lhs_hint = false} : vector<128x32xbf16>, vector<32x4096xbf16>, vector<128x4096xf32> -> vector<128x4096xf32>
    %get3A_7 = arith.constant 0 : index
    %get3A_8 = arith.constant 0 : index
    %get3A_9 = vector.load %arg6[%get3A_7, %get3A_8] : memref<128x32xf32, #tpu.memory_space<vmem>>, vector<128x32xf32>
    %get3A_10 = arith.constant 0 : index
    %get3A_11 = arith.constant 0 : index
    %get3A_12 = vector.load %arg2[%get3A_10, %get3A_11] : memref<32x4096xf32, #tpu.memory_space<vmem>>, vector<32x4096xf32>
    %convert_element_type3A_13 = arith.truncf %get3A_9 : vector<128x32xf32> to vector<128x32xbf16>
    %convert_element_type3A_14 = arith.truncf %get3A_12 : vector<32x4096xf32> to vector<32x4096xbf16>
    %dot_general3A_15 = arith.constant dense<0.000000e+00> : vector<128x4096xf32>
    %dot_general3A_16 = tpu.matmul %convert_element_type3A_13, %convert_element_type3A_14, %dot_general3A_15 {dimension_numbers = #tpu.dot_dimension_numbers<[1], [0], [0], [1], [0, 0, 1, 1], [], []>, transpose_lhs_hint = false} : vector<128x32xbf16>, vector<32x4096xbf16>, vector<128x4096xf32> -> vector<128x4096xf32>
    %add3A = arith.addf %dot_general3A_6, %dot_general3A_16 : vector<128x4096xf32>
    %get3A_17 = arith.constant 0 : index
    %get3A_18 = arith.constant 0 : index
    %get3A_19 = vector.load %arg7[%get3A_17, %get3A_18] : memref<128x19xf32, #tpu.memory_space<vmem>>, vector<128x19xf32>
    %get3A_20 = arith.constant 0 : index
    %get3A_21 = arith.constant 0 : index
    %get3A_22 = vector.load %arg3[%get3A_20, %get3A_21] : memref<19x4096xf32, #tpu.memory_space<vmem>>, vector<19x4096xf32>
    %convert_element_type3A_23 = arith.truncf %get3A_19 : vector<128x19xf32> to vector<128x19xbf16>
    %convert_element_type3A_24 = arith.truncf %get3A_22 : vector<19x4096xf32> to vector<19x4096xbf16>
    %dot_general3A_25 = arith.constant dense<0.000000e+00> : vector<128x4096xf32>
    %dot_general3A_26 = tpu.matmul %convert_element_type3A_23, %convert_element_type3A_24, %dot_general3A_25 {dimension_numbers = #tpu.dot_dimension_numbers<[1], [0], [0], [1], [0, 0, 1, 1], [], []>, transpose_lhs_hint = false} : vector<128x19xbf16>, vector<19x4096xbf16>, vector<128x4096xf32> -> vector<128x4096xf32>
    %add3A_27 = arith.addf %add3A, %dot_general3A_26 : vector<128x4096xf32>
    %get3A_28 = arith.constant 0 : index
    %get3A_29 = arith.constant 0 : index
    %get3A_30 = vector.load %arg8[%get3A_28, %get3A_29] : memref<128x1xf32, #tpu.memory_space<vmem>>, vector<128x1xf32>
    %get3A_31 = arith.constant 0 : index
    %get3A_32 = arith.constant 0 : index
    %get3A_33 = vector.load %arg4[%get3A_31, %get3A_32] : memref<1x4096xf32, #tpu.memory_space<vmem>>, vector<1x4096xf32>
    %convert_element_type3A_34 = arith.truncf %get3A_30 : vector<128x1xf32> to vector<128x1xbf16>
    %convert_element_type3A_35 = arith.truncf %get3A_33 : vector<1x4096xf32> to vector<1x4096xbf16>
    %dot_general3A_36 = arith.constant dense<0.000000e+00> : vector<128x4096xf32>
    %dot_general3A_37 = tpu.matmul %convert_element_type3A_34, %convert_element_type3A_35, %dot_general3A_36 {dimension_numbers = #tpu.dot_dimension_numbers<[1], [0], [0], [1], [0, 0, 1, 1], [], []>, transpose_lhs_hint = false} : vector<128x1xbf16>, vector<1x4096xbf16>, vector<128x4096xf32> -> vector<128x4096xf32>
    %add3A_38 = arith.addf %add3A_27, %dot_general3A_37 : vector<128x4096xf32>
    %get3A_39 = arith.constant 0 : index
    %get3A_40 = arith.constant 0 : index
    %get3A_41 = vector.load %arg9[%get3A_39, %get3A_40] : memref<128x1xf32, #tpu.memory_space<vmem>>, vector<128x1xf32>
    %add3A_42 = vector.broadcast %get3A_41 : vector<128x1xf32> to vector<128x4096xf32>
    %add3A_43 = arith.addf %add3A_38, %add3A_42 : vector<128x4096xf32>
    %max3A = arith.constant 0.000000e+00 : f32
    %max3A_44 = vector.broadcast %max3A : f32 to vector<128x4096xf32>
    %max3A_45 = arith.maximumf %add3A_43, %max3A_44 : vector<128x4096xf32>
    %get3A_46 = arith.constant 0 : index
    %get3A_47 = arith.constant 0 : index
    %get3A_48 = vector.load %arg10[%get3A_46, %get3A_47] : memref<64x128xf32, #tpu.memory_space<vmem>>, vector<64x128xf32>
    %convert_element_type3A_49 = arith.truncf %get3A_48 : vector<64x128xf32> to vector<64x128xbf16>
    %convert_element_type3A_50 = arith.truncf %max3A_45 : vector<128x4096xf32> to vector<128x4096xbf16>
    %dot_general3A_51 = arith.constant dense<0.000000e+00> : vector<64x4096xf32>
    %dot_general3A_52 = tpu.matmul %convert_element_type3A_49, %convert_element_type3A_50, %dot_general3A_51 {dimension_numbers = #tpu.dot_dimension_numbers<[1], [0], [0], [1], [0, 0, 1, 1], [], []>, transpose_lhs_hint = false} : vector<64x128xbf16>, vector<128x4096xbf16>, vector<64x4096xf32> -> vector<64x4096xf32>
    %get3A_53 = arith.constant 0 : index
    %get3A_54 = arith.constant 0 : index
    %get3A_55 = vector.load %arg11[%get3A_53, %get3A_54] : memref<64x1xf32, #tpu.memory_space<vmem>>, vector<64x1xf32>
    %add3A_56 = vector.broadcast %get3A_55 : vector<64x1xf32> to vector<64x4096xf32>
    %add3A_57 = arith.addf %dot_general3A_52, %add3A_56 : vector<64x4096xf32>
    %max3A_58 = arith.constant 0.000000e+00 : f32
    %max3A_59 = vector.broadcast %max3A_58 : f32 to vector<64x4096xf32>
    %max3A_60 = arith.maximumf %add3A_57, %max3A_59 : vector<64x4096xf32>
    %get3A_61 = arith.constant 0 : index
    %get3A_62 = arith.constant 0 : index
    %get3A_63 = vector.load %arg12[%get3A_61, %get3A_62] : memref<1x64xf32, #tpu.memory_space<vmem>>, vector<1x64xf32>
    %convert_element_type3A_64 = arith.truncf %get3A_63 : vector<1x64xf32> to vector<1x64xbf16>
    %convert_element_type3A_65 = arith.truncf %max3A_60 : vector<64x4096xf32> to vector<64x4096xbf16>
    %dot_general3A_66 = arith.constant dense<0.000000e+00> : vector<1x4096xf32>
    %dot_general3A_67 = tpu.matmul %convert_element_type3A_64, %convert_element_type3A_65, %dot_general3A_66 {dimension_numbers = #tpu.dot_dimension_numbers<[1], [0], [0], [1], [0, 0, 1, 1], [], []>, transpose_lhs_hint = false} : vector<1x64xbf16>, vector<64x4096xbf16>, vector<1x4096xf32> -> vector<1x4096xf32>
    %get3A_68 = arith.constant 0 : index
    %get3A_69 = arith.constant 0 : index
    %get3A_70 = vector.load %arg13[%get3A_68, %get3A_69] : memref<1x1xf32, #tpu.memory_space<vmem>>, vector<1x1xf32>
    %add3A_71 = vector.broadcast %get3A_70 : vector<1x1xf32> to vector<1x4096xf32>
    %add3A_72 = arith.addf %dot_general3A_67, %add3A_71 : vector<1x4096xf32>
    %swap3A = arith.constant 0 : index
    %swap3A_73 = arith.constant 0 : index
    %swap3A_74 = vector.load %arg14[%swap3A, %swap3A_73] : memref<1x4096xf32, #tpu.memory_space<vmem>>, vector<1x4096xf32>
    tpu.vector_store %arg14[%swap3A, %swap3A_73], %add3A_72 {strides = array<i32>} : memref<1x4096xf32, #tpu.memory_space<vmem>>, vector<1x4096xf32>,
    return
  }
  func.func @transform_0(%arg0: i32) -> (i32, i32) {
    %c0_i32 = arith.constant 0 : i32
    %c0_i32_0 = arith.constant 0 : i32
    return %c0_i32, %arg0 : i32, i32
  }
  func.func @transform_1(%arg0: i32) -> (i32, i32) {
    %c0_i32 = arith.constant 0 : i32
    %c0_i32_0 = arith.constant 0 : i32
    return %c0_i32, %arg0 : i32, i32
  }
  func.func @transform_2(%arg0: i32) -> (i32, i32) {
    %c0_i32 = arith.constant 0 : i32
    %c0_i32_0 = arith.constant 0 : i32
    return %c0_i32, %arg0 : i32, i32
  }
  func.func @transform_3(%arg0: i32) -> (i32, i32) {
    %c0_i32 = arith.constant 0 : i32
    %c0_i32_0 = arith.constant 0 : i32
    return %c0_i32, %arg0 : i32, i32
  }
  func.func @transform_4(%arg0: i32) -> (i32, i32) {
    %c0_i32 = arith.constant 0 : i32
    %c0_i32_0 = arith.constant 0 : i32
    %c0_i32_1 = arith.constant 0 : i32
    return %c0_i32, %c0_i32_0 : i32, i32
  }
  func.func @transform_5(%arg0: i32) -> (i32, i32) {
    %c0_i32 = arith.constant 0 : i32
    %c0_i32_0 = arith.constant 0 : i32
    %c0_i32_1 = arith.constant 0 : i32
    return %c0_i32, %c0_i32_0 : i32, i32
  }
  func.func @transform_6(%arg0: i32) -> (i32, i32) {
    %c0_i32 = arith.constant 0 : i32
    %c0_i32_0 = arith.constant 0 : i32
    %c0_i32_1 = arith.constant 0 : i32
    return %c0_i32, %c0_i32_0 : i32, i32
  }
  func.func @transform_7(%arg0: i32) -> (i32, i32) {
    %c0_i32 = arith.constant 0 : i32
    %c0_i32_0 = arith.constant 0 : i32
    %c0_i32_1 = arith.constant 0 : i32
    return %c0_i32, %c0_i32_0 : i32, i32
  }
  func.func @transform_8(%arg0: i32) -> (i32, i32) {
    %c0_i32 = arith.constant 0 : i32
    %c0_i32_0 = arith.constant 0 : i32
    %c0_i32_1 = arith.constant 0 : i32
    return %c0_i32, %c0_i32_0 : i32, i32
  }
  func.func @transform_9(%arg0: i32) -> (i32, i32) {
    %c0_i32 = arith.constant 0 : i32
    %c0_i32_0 = arith.constant 0 : i32
    %c0_i32_1 = arith.constant 0 : i32
    return %c0_i32, %c0_i32_0 : i32, i32
  }
  func.func @transform_10(%arg0: i32) -> (i32, i32) {
    %c0_i32 = arith.constant 0 : i32
    %c0_i32_0 = arith.constant 0 : i32
    %c0_i32_1 = arith.constant 0 : i32
    return %c0_i32, %c0_i32_0 : i32, i32
  }
  func.func @transform_11(%arg0: i32) -> (i32, i32) {
    %c0_i32 = arith.constant 0 : i32
    %c0_i32_0 = arith.constant 0 : i32
    %c0_i32_1 = arith.constant 0 : i32
    return %c0_i32, %c0_i32_0 : i32, i32
  }
  func.func @transform_12(%arg0: i32) -> (i32, i32) {
    %c0_i32 = arith.constant 0 : i32
    %c0_i32_0 = arith.constant 0 : i32
    %c0_i32_1 = arith.constant 0 : i32
    return %c0_i32, %c0_i32_0 : i32, i32
  }
  func.func @transform_13(%arg0: i32) -> (i32, i32) {
    %c0_i32 = arith.constant 0 : i32
    %c0_i32_0 = arith.constant 0 : i32
    return %c0_i32, %arg0 : i32, i32
  }
}

</mosaic_0001>

<sc_bundles>
// kernel: kernel.4.cloned.1.call-start
scs
__scs_entry_jumppad:
0x0: {  	(pc) =	sbr.rel $0x88, $3  }
0x1: {  	(tag) =	ssettag $0x0;
	lr =	simm.s32 $0x1  }
0x2: {  	[smem:$0x3F95] =	sst lr;
	_ =	strace $0xD0000000  }
0x3: {  	_ = 	snop  }
0x4: {  	_ = 	snop  }
0x5: {  	_ = 	snop  }
0x6: {  	_ = 	snop  }
0x7: {  	_ = 	snop  }
__scs_overlays_trampoline_lowered:
0x8: {  	[smem:$0x3FA4] =	sst s0  }
0x9: {  	[smem:$0x3FA5] =	sst s1  }
0xa: {  	[smem:$0x3FA6] =	sst s2  }
0xb: {  	[smem:$0x3FA7] =	sst s3  }
0xc: {  	[smem:$0x3FA8] =	sst s4  }
0xd: {  	[smem:$0x3FA9] =	sst s5  }
0xe: {  	[smem:$0x3FAA] =	sst s6  }
0xf: {  	[smem:$0x3FAB] =	sst s7  }
0x10: {  	[smem:$0x3FAC] =	sst s8  }
0x11: {  	[smem:$0x3FAD] =	sst s9;
	s0 =	simm.s32 @!p0 $0x0  }
0x12: {  	s1 =	sld [smem:$0x3F93];
	s0 =	simm.s32 @p0 $0x1  }
0x13: {  	[smem:$0x3FAE] =	sst s0;
	s0 =	simm.s32 @!p1 $0x0  }
0x14: {  	s2 =	sld [smem:$0x3F92];
	s0 =	simm.s32 @p1 $0x1  }
0x15: {  	[smem:$0x3FAF] =	sst s0;
	s0 =	simm.s32 @!p2 $0x0  }
0x16: {  	s3 =	sld [smem:$0x3FDB];
	s0 =	simm.s32 @p2 $0x1  }
0x17: {  	s4 =	simm.s32 $0x1BF5;
	[smem:$0x3FB1] =	sst s0  }
0x18: {  	s0 =	sld [smem:$0x3F94];
	_ =	swait.ge [sflag:s4], $0x0  }
0x19: {  	s7 =	sld [smem:$0x3F95]  }
0x1a: {  	s8 =	sadd.s32 $0xFFFFE003, lr  }
0x1b: {  	s9 =	sadd.s32 $0xFFFFFEF7, lr;
	s5 =	simm.s32 $0xFFFFFFFF;
	p2 =	slt.u32 s8, $0xFFFFF086  }
0x1c: {  	p1 =	slt.u32 s9, $0xF7A;
	s5 =	simm.s32 @!p2 $0x0  }
0x1d: {  	s5 =	simm.s32 @p1 $0x1;
	p0 =	seq.s32 s7, s2  }
0x1e: {  	s7 =	smul.u32 @!p0 $0xF7A, s2;
	p2 =	seq.s32 @!p0 s5, $0x0  }
0x1f: {  	s9 =	smul.u32 $0xF7A, s1;
	s8 =	simm.s32 @!p0 $0x1BF5;
	p2 =	por !p2, p0  }
0x20: {  	[sflag:s8] =	ssyncset.s32 @!p0 $0xFFFFF086;
	s6 =	sadd.s32 @!p0 s3, s7;
	s7 =	simm.s32 @!p0 $0x108  }
0x21: {  	s3 =	sadd.s32 s3, s9;
	s6 =	sadd.s32 @!p0 $0x88, s6;
	s7 =	simm.s32 @p2 $0x1082  }
0x22: {  	[simem:s7], [sflag:s8] =	dma.local @!p0 [hbm:s6], $0xF7A  }
0x23: {  	s9 =	sor.u32 $0xD0000000, s2;
	s6 =	simm.s32 $0x108;
	_ =	swait.ge @!p0 [sflag:s8], $0x0  }
0x24: {  	s3 =	sadd.s32 $0x88, s3;
	s6 =	simm.s32 @!p1 $0x1082;
	[sflag:s4] =	ssyncset.s32 $0xFFFFF086  }
0x25: {  	[simem:s6], [sflag:s4] =	dma.local [hbm:s3], $0xF7A  }
0x26: {  	[smem:$0x3F95] =	sst s1;
	(tag) =	ssettag s2;
	_ =	strace s9  }
0x27: {  	s1 =	sld [smem:$0x3FA5]  }
0x28: {  	s2 =	sld [smem:$0x3FA6]  }
0x29: {  	s4 =	sld [smem:$0x3FA8]  }
0x2a: {  	p0 =	seq.s32 s5, $0x0;
	s5 =	sld [smem:$0x3FA9]  }
0x2b: {  	s6 =	sld [smem:$0x3FAA]  }
0x2c: {  	s7 =	sld [smem:$0x3FAB]  }
0x2d: {  	s3 =	simm.s32 $0x108;
	s8 =	sld [smem:$0x3FAC]  }
0x2e: {  	s3 =	simm.s32 @!p0 $0x1082;
	s9 =	sld [smem:$0x3FAD]  }
0x2f: {  	lr =	sadd.s32 s0, s3;
	s0 =	sld [smem:$0x3FA4]  }
0x30: {  	s3 =	sld [smem:$0x3FA7]  }
0x31: {  	[smem:$0x3FB0] =	sst s10  }
0x32: {  	s10 =	sld [smem:$0x3FAE];
	_ =	sdelay $0x3  }
0x33: {  	p0 =	seq.s32 s10, $0x1;
	s10 =	sld [smem:$0x3FB0];
	_ =	sdelay $0x3  }
0x34: {  	[smem:$0x3FB0] =	sst s10  }
0x35: {  	s10 =	sld [smem:$0x3FAF];
	_ =	sdelay $0x3  }
0x36: {  	p1 =	seq.s32 s10, $0x1;
	s10 =	sld [smem:$0x3FB0];
	_ =	sdelay $0x3  }
0x37: {  	[smem:$0x3FB0] =	sst s10  }
0x38: {  	s10 =	sld [smem:$0x3FB1]  }
0x39: {  	_ = 	snop;
	(pc) =	sbr.ind lr, $3  }
0x3a: {  	_ = 	snop  }
0x3b: {  	_ = 	snop  }
0x3c: {  	p2 =	seq.s32 s10, $0x1;
	s10 =	sld [smem:$0x3FB0]  }
0x3d: {  	_ =	shalt  }
0x3e: {  	_ =	shalt  }
0x3f: {  	_ =	shalt  }
0x40: {  	_ =	shalt  }
0x41: {  	_ =	shalt  }
0x42: {  	_ =	shalt  }
0x43: {  	_ =	shalt  }
0x44: {  	_ =	shalt  }
0x45: {  	_ =	shalt  }
0x46: {  	_ =	shalt  }
0x47: {  	_ =	shalt  }
0x48: {  	_ =	shalt  }
0x49: {  	_ =	shalt  }
0x4a: {  	_ =	shalt  }
0x4b: {  	_ =	shalt  }
0x4c: {  	_ =	shalt  }
0x4d: {  	_ =	shalt  }
0x4e: {  	_ =	shalt  }
0x4f: {  	_ =	shalt  }
0x50: {  	_ =	shalt  }
0x51: {  	_ =	shalt  }
0x52: {  	_ =	shalt  }
0x53: {  	_ =	shalt  }
0x54: {  	_ =	shalt  }
0x55: {  	_ =	shalt  }
0x56: {  	_ =	shalt  }
0x57: {  	_ =	shalt  }
0x58: {  	_ =	shalt  }
0x59: {  	_ =	shalt  }
0x5a: {  	_ =	shalt  }
0x5b: {  	_ =	shalt  }
0x5c: {  	_ =	shalt  }
0x5d: {  	_ =	shalt  }
0x5e: {  	_ =	shalt  }
0x5f: {  	_ =	shalt  }
0x60: {  	_ =	shalt  }
0x61: {  	_ =	shalt  }
0x62: {  	_ =	shalt  }
0x63: {  	_ =	shalt  }
0x64: {  	_ =	shalt  }
0x65: {  	_ =	shalt  }
0x66: {  	_ =	shalt  }
0x67: {  	_ =	shalt  }
0x68: {  	_ =	shalt  }
0x69: {  	_ =	shalt  }
0x6a: {  	_ =	shalt  }
0x6b: {  	_ =	shalt  }
0x6c: {  	_ =	shalt  }
0x6d: {  	_ =	shalt  }
0x6e: {  	_ =	shalt  }
0x6f: {  	_ =	shalt  }
0x70: {  	_ =	shalt  }
0x71: {  	_ =	shalt  }
0x72: {  	_ =	shalt  }
0x73: {  	_ =	shalt  }
0x74: {  	_ =	shalt  }
0x75: {  	_ =	shalt  }
0x76: {  	_ =	shalt  }
0x77: {  	_ =	shalt  }
0x78: {  	_ =	shalt  }
0x79: {  	_ =	shalt  }
0x7a: {  	_ =	shalt  }
0x7b: {  	_ =	shalt  }
0x7c: {  	_ =	shalt  }
0x7d: {  	_ =	shalt  }
0x7e: {  	_ =	shalt  }
0x7f: {  	_ =	shalt  }
0x80: {  	_ =	shalt  }
0x81: {  	_ =	shalt  }
0x82: {  	_ =	shalt  }
0x83: {  	_ =	shalt  }
0x84: {  	_ =	shalt  }
0x85: {  	_ =	shalt  }
0x86: {  	_ =	shalt  }
0x87: {  	_ =	shalt  }
.Lfunc_end0:
.L_simem_size_0:
called_computation_lowered:
.L_overlay_start_0:
0x88: {  	s2 =	sld [smem:$0x3FD9]  }
0x89: {  	s3 =	sld [smem:$0x3FFE];
	_ =	sdelay $0x1  }
0x8a: {  	s1 =	srdreg.scid  }
0x8b: {  	s0 =	sand.u32 $0x1, s1  }
0x8c: {  	s17 =	sshll.u32 s0, $0xA;
	s2 =	sadd.s32 s3, s2  }
0x8d: {  	s2 =	sadd.s32 s2, s17  }
0x8e: {  	[smem:$0x3FBC] =	sst s2  }
0x8f: {  	_ = 	snop  }
0x90: {  	s2 =	sld [smem:$0x3FC9]  }
0x91: {  	s18 =	sld [smem:$0x3FC8]  }
0x92: {  	s4 =	sld [smem:$0x3FC5]  }
0x93: {  	s5 =	sld [smem:$0x3FC4];
	(tm) =	ssettm $0x1  }
0x94: {  	s6 =	sld [smem:$0x3FFB];
	_ =	sdelay $0x3  }
0x95: {  	_ =	strace s6  }
0x96: {  	s6 =	sld [smem:$0x3FFC];
	_ =	sdelay $0x3  }
0x97: {  	_ =	strace s6  }
0x98: {  	s6 =	sld [smem:$0x3FFD];
	_ =	sdelay $0x3  }
0x99: {  	_ =	strace s6  }
0x9a: {  	_ =	strace $0x8FFFFFFF  }
0x9b: {  	s19 =	sld [smem:$0x3FDB];
	_ =	sdelay $0x1  }
0x9c: {  	s7 =	simm.s32 $_scs_section_size  }
0x9d: {  	s8 =	simm.s32 $_size__tile_overlayer_lowered;
	s9 =	simm.s32 $_tile_overlayer_lowered  }
0x9e: {  	s22 =	simm.s32 $0x1BFF;
	s21 =	sshll.u32 s9, $0x1;
	s6 =	sadd.s32 s7, s19  }
0x9f: {  	s10 =	simm.s32 $0x0;
	s20 =	sshll.u32 s8, $0x1;
	s8 =	sadd.s32 s21, s6  }
0xa0: {  	[timem:s10], [sflag:s22] =	dma.local [hbm:s8], s20  }
0xa1: {  	_ =	swait.ge [sflag:s22], s20  }
0xa2: {  	s7 =	ssub.s32 $0x0, s20;
	[sflag:s22] =	ssyncset.done $0x0  }
0xa3: {  	[sflag:s22] =	ssyncadd.s32 s7;
	_ =	sdelay $0x1  }
0xa4: {  	s23 =	simm.s32 $0x1B8B  }
0xa5: {  	_ =	swait.ge [sflag:s23], $0x1  }
0xa6: {  	[sflag:s23] =	ssyncset.done $0x0  }
0xa7: {  	s25 =	simm.s32 $0x1B8E;
	s24 =	sld [smem:$0x3FFE];
	[sflag:s23] =	ssyncadd.s32 $0xFFFFFFFF  }
0xa8: {  	s26 =	simm.s32 $execute0_lowered;
	[smem:$0x3FD2] =	sst s25  }
0xa9: {  	s8 =	sshll.u32 s26, $0x1;
	_ =	strace $0x80000046;
	[dreg:$0x1] =	wrdreg $0xFFFFFFFF  }
0xaa: {  	s28 =	simm.s32 $_size_execute0_lowered;
	s6 =	sadd.s32 s6, s8;
	[dreg:$0x0] =	wrdreg $0x0  }
0xab: {  	s8 =	sshll.u32 s28, $0x1;
	[dreg:$0x2] =	wrdreg s6  }
0xac: {  	[dreg:$0x3] =	wrdreg s8  }
0xad: {  	[dreg:$0x4] =	wrdreg $0xC0  }
0xae: {  	_ =	task [dreg:s10], $0x5FFFF  }
0xaf: {  	[dreg:$0x1] =	wrdreg $0xFFFFFFFF  }
0xb0: {  	[dreg:$0x0] =	wrdreg $0x60  }
0xb1: {  	[dreg:$0x2] =	wrdreg s4  }
0xb2: {  	[dreg:$0x3] =	wrdreg s5  }
0xb3: {  	[dreg:$0x4] =	wrdreg s2  }
0xb4: {  	[dreg:$0x5] =	wrdreg s18  }
0xb5: {  	[dreg:$0x6] =	wrdreg s24  }
0xb6: {  	[dreg:$0x7] =	wrdreg $0x9  }
0xb7: {  	_ =	task.clear_ibuf [dreg:s10], $0x8FFFF;
	_ =	strace $0x90000046  }
0xb8: {  	s29 =	simm.s32 $0x9;
	_ =	strace $0x80000048  }
0xb9: {  	_ =	swait.ge [sflag:s29], $0x1  }
0xba: {  	[sflag:s29] =	ssyncadd.s32 $0xFFFFFFFF  }
0xbb: {  	_ =	strace $0x90000048  }
0xbc: {  	_ =	sfence  }
0xbd: {  	s30 =	sld [smem:$0x0];
	_ =	sdelay $0x2  }
0xbe: {  	s31 =	sshll.u32 s1, $0xD;
	s1 =	sshrl.u32 s1, $0x2  }
0xbf: {  	s3 =	sand.u32 $0x4000, s31;
	s1 =	sadd.s32 s1, s30  }
0xc0: {  	s0 =	sor.u32 s3, s0;
	s1 =	sshll.u32 s1, $0x11  }
0xc1: {  	s0 =	sor.u32 s1, s0  }
0xc2: {  	s0 =	sadd.s32 $0x8F2B, s0  }
0xc3: {  	[sflag:s0] =	ssyncadd.remote.s32 $0x1  }
0xc4: {  	_ =	sfence.sel $0xFFFF  }
0xc5: {  	[dreg:$0x0] =	wrdreg $0xFFFFFFFF;
	(pc) =	sbr.abs _section_cstart, $3  }
0xc6: {  	[dreg:$0x1] =	wrdreg $0xFFFFFFFF  }
0xc7: {  	_ =	task.clear_ibuf [dreg:s10], $0x2FFFF;
	_ =	strace $0x9FFFFFFF  }
0xc8: {  	(tm) =	ssettm $0x7FFFFFFF  }
0xc9: {  	_ =	shalt  }
tec
execute0_lowered:
.L_overlay_start_1:
0x0: {  	(tag) =	ssettag $0x1  }
0x1: {  	v0 =	vimm.s32 $0x1380  }
0x2: {  	vm14 =	vcmask $0x300;
	vm13 =	vcmask $0x704;
	vm12 =	vcmask $0xB08  }
0x3: {  	vm11 =	vcmask $0xF0C;
	vm10 =	vcmask $0x1310;
	vm9 =	vcmask $0x1714  }
0x4: {  	vm8 =	vcmask $0x1B18;
	vm7 =	vcmask $0x1F1C;
	vm6 =	vcmask $0x2320  }
0x5: {  	vm5 =	vcmask $0x2724;
	vm4 =	vcmask $0x2B28;
	vm3 =	vcmask $0x2F2C  }
0x6: {  	v1 =	vlaneseq.u32;
	vm2 =	vcmask $0x3330;
	vm1 =	vcmask $0x3734  }
0x7: {  	vm0 =	vcmask $0x3B38;
	v3 =	vimm.s32 $0x3380;
	v4 =	vimm.s32 $0x1FF6  }
0x8: {  	v5 =	vimm.s32 $0x3FF6;
	v6 =	vimm.s32 $0x1FF7;
	v7 =	vimm.s32 $0x3FF7  }
0x9: {  	v8 =	vimm.s32 $0x1FF8;
	v9 =	vimm.s32 $0x3FF8;
	v10 =	vimm.s32 $0x1FF9  }
0xa: {  	v11 =	vimm.s32 $0x3FF9;
	v12 =	vimm.s32 $0x1FFA;
	v13 =	vimm.s32 $0x3FFA  }
0xb: {  	v14 =	vimm.s32 $0x1FFB;
	v15 =	vimm.s32 $0x3FFB;
	v16 =	vimm.s32 $0x1FFC  }
0xc: {  	v17 =	vimm.s32 $0x3FFC;
	v18 =	vimm.s32 $0x1FFD;
	v19 =	vimm.s32 $0x3FFD  }
0xd: {  	v20 =	vimm.s32 $0x1FFE;
	v21 =	vimm.s32 $0x3FFE;
	v22 =	vimm.s32 $0x1FFF  }
0xe: {  	v23 =	vimm.s32 $0x3FFF;
	v0 =	vsel vm14, $0x0, v0;
	v3 =	vsel vm14, $0x2000, v3  }
0xf: {  	v4 =	vsel vm14, $0xC76, v4;
	v5 =	vsel vm14, $0x2C76, v5;
	v6 =	vsel vm14, $0xC77, v6  }
0x10: {  	v7 =	vsel vm14, $0x2C77, v7;
	v8 =	vsel vm14, $0xC78, v8;
	v9 =	vsel vm14, $0x2C78, v9  }
0x11: {  	v10 =	vsel vm14, $0xC79, v10;
	v11 =	vsel vm14, $0x2C79, v11;
	v12 =	vsel vm14, $0xC7A, v12  }
0x12: {  	v13 =	vsel vm14, $0x2C7A, v13;
	v14 =	vsel vm14, $0xC7B, v14;
	v15 =	vsel vm14, $0x2C7B, v15  }
0x13: {  	v16 =	vsel vm14, $0xC7C, v16;
	v17 =	vsel vm14, $0x2C7C, v17;
	v18 =	vsel vm14, $0xC7D, v18  }
0x14: {  	v19 =	vsel vm14, $0x2C7D, v19;
	v20 =	vsel vm14, $0xC7E, v20;
	v21 =	vsel vm14, $0x2C7E, v21  }
0x15: {  	v22 =	vsel vm14, $0xC7F, v22;
	v23 =	vsel vm14, $0x2C7F, v23;
	v0 =	vsel vm13, $0x80, v0  }
0x16: {  	v3 =	vsel vm13, $0x2080, v3;
	v4 =	vsel vm13, $0xCF6, v4;
	v5 =	vsel vm13, $0x2CF6, v5  }
0x17: {  	v6 =	vsel vm13, $0xCF7, v6;
	v7 =	vsel vm13, $0x2CF7, v7;
	v8 =	vsel vm13, $0xCF8, v8  }
0x18: {  	v9 =	vsel vm13, $0x2CF8, v9;
	v10 =	vsel vm13, $0xCF9, v10;
	v11 =	vsel vm13, $0x2CF9, v11  }
0x19: {  	v12 =	vsel vm13, $0xCFA, v12;
	v13 =	vsel vm13, $0x2CFA, v13;
	v14 =	vsel vm13, $0xCFB, v14  }
0x1a: {  	v15 =	vsel vm13, $0x2CFB, v15;
	v16 =	vsel vm13, $0xCFC, v16;
	v17 =	vsel vm13, $0x2CFC, v17  }
0x1b: {  	v18 =	vsel vm13, $0xCFD, v18;
	v19 =	vsel vm13, $0x2CFD, v19;
	v20 =	vsel vm13, $0xCFE, v20  }
0x1c: {  	v21 =	vsel vm13, $0x2CFE, v21;
	v22 =	vsel vm13, $0xCFF, v22;
	v23 =	vsel vm13, $0x2CFF, v23  }
0x1d: {  	v0 =	vsel vm12, $0x100, v0;
	v3 =	vsel vm12, $0x2100, v3;
	v4 =	vsel vm12, $0xD76, v4  }
0x1e: {  	v5 =	vsel vm12, $0x2D76, v5;
	v6 =	vsel vm12, $0xD77, v6;
	v7 =	vsel vm12, $0x2D77, v7  }
0x1f: {  	v8 =	vsel vm12, $0xD78, v8;
	v9 =	vsel vm12, $0x2D78, v9;
	v10 =	vsel vm12, $0xD79, v10  }
0x20: {  	v11 =	vsel vm12, $0x2D79, v11;
	v12 =	vsel vm12, $0xD7A, v12;
	v13 =	vsel vm12, $0x2D7A, v13  }
0x21: {  	v14 =	vsel vm12, $0xD7B, v14;
	v15 =	vsel vm12, $0x2D7B, v15;
	v16 =	vsel vm12, $0xD7C, v16  }
0x22: {  	v17 =	vsel vm12, $0x2D7C, v17;
	v18 =	vsel vm12, $0xD7D, v18;
	v19 =	vsel vm12, $0x2D7D, v19  }
0x23: {  	v20 =	vsel vm12, $0xD7E, v20;
	v21 =	vsel vm12, $0x2D7E, v21;
	v22 =	vsel vm12, $0xD7F, v22  }
0x24: {  	v23 =	vsel vm12, $0x2D7F, v23;
	v0 =	vsel vm11, $0x180, v0;
	v3 =	vsel vm11, $0x2180, v3  }
0x25: {  	v4 =	vsel vm11, $0xDF6, v4;
	v5 =	vsel vm11, $0x2DF6, v5;
	v6 =	vsel vm11, $0xDF7, v6  }
0x26: {  	v7 =	vsel vm11, $0x2DF7, v7;
	v8 =	vsel vm11, $0xDF8, v8;
	v9 =	vsel vm11, $0x2DF8, v9  }
0x27: {  	v10 =	vsel vm11, $0xDF9, v10;
	v11 =	vsel vm11, $0x2DF9, v11;
	v12 =	vsel vm11, $0xDFA, v12  }
0x28: {  	v13 =	vsel vm11, $0x2DFA, v13;
	v14 =	vsel vm11, $0xDFB, v14;
	v15 =	vsel vm11, $0x2DFB, v15  }
0x29: {  	v16 =	vsel vm11, $0xDFC, v16;
	v17 =	vsel vm11, $0x2DFC, v17;
	v18 =	vsel vm11, $0xDFD, v18  }
0x2a: {  	v19 =	vsel vm11, $0x2DFD, v19;
	v20 =	vsel vm11, $0xDFE, v20;
	v21 =	vsel vm11, $0x2DFE, v21  }
0x2b: {  	v22 =	vsel vm11, $0xDFF, v22;
	v23 =	vsel vm11, $0x2DFF, v23;
	v0 =	vsel vm10, $0x200, v0  }
0x2c: {  	v3 =	vsel vm10, $0x2200, v3;
	v4 =	vsel vm10, $0xE76, v4;
	v5 =	vsel vm10, $0x2E76, v5  }
0x2d: {  	v6 =	vsel vm10, $0xE77, v6;
	v7 =	vsel vm10, $0x2E77, v7;
	v8 =	vsel vm10, $0xE78, v8  }
0x2e: {  	v9 =	vsel vm10, $0x2E78, v9;
	v10 =	vsel vm10, $0xE79, v10;
	v11 =	vsel vm10, $0x2E79, v11  }
0x2f: {  	v12 =	vsel vm10, $0xE7A, v12;
	v13 =	vsel vm10, $0x2E7A, v13;
	v14 =	vsel vm10, $0xE7B, v14  }
0x30: {  	v15 =	vsel vm10, $0x2E7B, v15;
	v16 =	vsel vm10, $0xE7C, v16;
	v17 =	vsel vm10, $0x2E7C, v17  }
0x31: {  	v18 =	vsel vm10, $0xE7D, v18;
	v19 =	vsel vm10, $0x2E7D, v19;
	v20 =	vsel vm10, $0xE7E, v20  }
0x32: {  	v21 =	vsel vm10, $0x2E7E, v21;
	v22 =	vsel vm10, $0xE7F, v22;
	v23 =	vsel vm10, $0x2E7F, v23  }
0x33: {  	v0 =	vsel vm9, $0x280, v0;
	v3 =	vsel vm9, $0x2280, v3;
	v4 =	vsel vm9, $0xEF6, v4  }
0x34: {  	v5 =	vsel vm9, $0x2EF6, v5;
	v6 =	vsel vm9, $0xEF7, v6;
	v7 =	vsel vm9, $0x2EF7, v7  }
0x35: {  	v8 =	vsel vm9, $0xEF8, v8;
	v9 =	vsel vm9, $0x2EF8, v9;
	v10 =	vsel vm9, $0xEF9, v10  }
0x36: {  	v11 =	vsel vm9, $0x2EF9, v11;
	v12 =	vsel vm9, $0xEFA, v12;
	v13 =	vsel vm9, $0x2EFA, v13  }
0x37: {  	v14 =	vsel vm9, $0xEFB, v14;
	v15 =	vsel vm9, $0x2EFB, v15;
	v16 =	vsel vm9, $0xEFC, v16  }
0x38: {  	v17 =	vsel vm9, $0x2EFC, v17;
	v18 =	vsel vm9, $0xEFD, v18;
	v19 =	vsel vm9, $0x2EFD, v19  }
0x39: {  	v20 =	vsel vm9, $0xEFE, v20;
	v21 =	vsel vm9, $0x2EFE, v21;
	v22 =	vsel vm9, $0xEFF, v22  }
0x3a: {  	v23 =	vsel vm9, $0x2EFF, v23;
	v0 =	vsel vm8, $0x300, v0;
	v3 =	vsel vm8, $0x2300, v3  }
0x3b: {  	v4 =	vsel vm8, $0xF76, v4;
	v5 =	vsel vm8, $0x2F76, v5;
	v6 =	vsel vm8, $0xF77, v6  }
0x3c: {  	v7 =	vsel vm8, $0x2F77, v7;
	v8 =	vsel vm8, $0xF78, v8;
	v9 =	vsel vm8, $0x2F78, v9  }
0x3d: {  	v10 =	vsel vm8, $0xF79, v10;
	v11 =	vsel vm8, $0x2F79, v11;
	v12 =	vsel vm8, $0xF7A, v12  }
0x3e: {  	v13 =	vsel vm8, $0x2F7A, v13;
	v14 =	vsel vm8, $0xF7B, v14;
	v15 =	vsel vm8, $0x2F7B, v15  }
0x3f: {  	v16 =	vsel vm8, $0xF7C, v16;
	v17 =	vsel vm8, $0x2F7C, v17;
	v18 =	vsel vm8, $0xF7D, v18  }
0x40: {  	v19 =	vsel vm8, $0x2F7D, v19;
	v20 =	vsel vm8, $0xF7E, v20;
	v21 =	vsel vm8, $0x2F7E, v21  }
0x41: {  	v22 =	vsel vm8, $0xF7F, v22;
	v23 =	vsel vm8, $0x2F7F, v23;
	v0 =	vsel vm7, $0x380, v0  }
0x42: {  	v3 =	vsel vm7, $0x2380, v3;
	v4 =	vsel vm7, $0xFF6, v4;
	v5 =	vsel vm7, $0x2FF6, v5  }
0x43: {  	v6 =	vsel vm7, $0xFF7, v6;
	v7 =	vsel vm7, $0x2FF7, v7;
	v8 =	vsel vm7, $0xFF8, v8  }
0x44: {  	v9 =	vsel vm7, $0x2FF8, v9;
	v10 =	vsel vm7, $0xFF9, v10;
	v11 =	vsel vm7, $0x2FF9, v11  }
0x45: {  	v12 =	vsel vm7, $0xFFA, v12;
	v13 =	vsel vm7, $0x2FFA, v13;
	v14 =	vsel vm7, $0xFFB, v14  }
0x46: {  	v15 =	vsel vm7, $0x2FFB, v15;
	v16 =	vsel vm7, $0xFFC, v16;
	v17 =	vsel vm7, $0x2FFC, v17  }
0x47: {  	v18 =	vsel vm7, $0xFFD, v18;
	v19 =	vsel vm7, $0x2FFD, v19;
	v20 =	vsel vm7, $0xFFE, v20  }
0x48: {  	v21 =	vsel vm7, $0x2FFE, v21;
	v22 =	vsel vm7, $0xFFF, v22;
	v23 =	vsel vm7, $0x2FFF, v23  }
0x49: {  	v0 =	vsel vm6, $0x1000, v0;
	v3 =	vsel vm6, $0x3000, v3;
	v4 =	vsel vm6, $0x1C76, v4  }
0x4a: {  	v5 =	vsel vm6, $0x3C76, v5;
	v6 =	vsel vm6, $0x1C77, v6;
	v7 =	vsel vm6, $0x3C77, v7  }
0x4b: {  	v8 =	vsel vm6, $0x1C78, v8;
	v9 =	vsel vm6, $0x3C78, v9;
	v10 =	vsel vm6, $0x1C79, v10  }
0x4c: {  	v11 =	vsel vm6, $0x3C79, v11;
	v12 =	vsel vm6, $0x1C7A, v12;
	v13 =	vsel vm6, $0x3C7A, v13  }
0x4d: {  	v14 =	vsel vm6, $0x1C7B, v14;
	v15 =	vsel vm6, $0x3C7B, v15;
	v16 =	vsel vm6, $0x1C7C, v16  }
0x4e: {  	v17 =	vsel vm6, $0x3C7C, v17;
	v18 =	vsel vm6, $0x1C7D, v18;
	v19 =	vsel vm6, $0x3C7D, v19  }
0x4f: {  	v20 =	vsel vm6, $0x1C7E, v20;
	v21 =	vsel vm6, $0x3C7E, v21;
	v22 =	vsel vm6, $0x1C7F, v22  }
0x50: {  	v23 =	vsel vm6, $0x3C7F, v23;
	v0 =	vsel vm5, $0x1080, v0;
	v3 =	vsel vm5, $0x3080, v3  }
0x51: {  	v4 =	vsel vm5, $0x1CF6, v4;
	v5 =	vsel vm5, $0x3CF6, v5;
	v6 =	vsel vm5, $0x1CF7, v6  }
0x52: {  	v7 =	vsel vm5, $0x3CF7, v7;
	v8 =	vsel vm5, $0x1CF8, v8;
	v9 =	vsel vm5, $0x3CF8, v9  }
0x53: {  	v10 =	vsel vm5, $0x1CF9, v10;
	v11 =	vsel vm5, $0x3CF9, v11;
	v12 =	vsel vm5, $0x1CFA, v12  }
0x54: {  	v13 =	vsel vm5, $0x3CFA, v13;
	v14 =	vsel vm5, $0x1CFB, v14;
	v15 =	vsel vm5, $0x3CFB, v15  }
0x55: {  	v16 =	vsel vm5, $0x1CFC, v16;
	v17 =	vsel vm5, $0x3CFC, v17;
	v18 =	vsel vm5, $0x1CFD, v18  }
0x56: {  	v19 =	vsel vm5, $0x3CFD, v19;
	v20 =	vsel vm5, $0x1CFE, v20;
	v21 =	vsel vm5, $0x3CFE, v21  }
0x57: {  	v22 =	vsel vm5, $0x1CFF, v22;
	v23 =	vsel vm5, $0x3CFF, v23;
	v0 =	vsel vm4, $0x1100, v0  }
0x58: {  	v3 =	vsel vm4, $0x3100, v3;
	v4 =	vsel vm4, $0x1D76, v4;
	v5 =	vsel vm4, $0x3D76, v5  }
0x59: {  	v6 =	vsel vm4, $0x1D77, v6;
	v7 =	vsel vm4, $0x3D77, v7;
	v8 =	vsel vm4, $0x1D78, v8  }
0x5a: {  	v9 =	vsel vm4, $0x3D78, v9;
	v10 =	vsel vm4, $0x1D79, v10;
	v11 =	vsel vm4, $0x3D79, v11  }
0x5b: {  	v12 =	vsel vm4, $0x1D7A, v12;
	v13 =	vsel vm4, $0x3D7A, v13;
	v14 =	vsel vm4, $0x1D7B, v14  }
0x5c: {  	v15 =	vsel vm4, $0x3D7B, v15;
	v16 =	vsel vm4, $0x1D7C, v16;
	v17 =	vsel vm4, $0x3D7C, v17  }
0x5d: {  	v18 =	vsel vm4, $0x1D7D, v18;
	v19 =	vsel vm4, $0x3D7D, v19;
	v20 =	vsel vm4, $0x1D7E, v20  }
0x5e: {  	v21 =	vsel vm4, $0x3D7E, v21;
	v22 =	vsel vm4, $0x1D7F, v22;
	v23 =	vsel vm4, $0x3D7F, v23  }
0x5f: {  	v2 =	vsel vm3, $0x1180, v0;
	v0 =	vmul.u32 $0x80, v1;
	v3 =	vsel vm3, $0x3180, v3  }
0x60: {  	v4 =	vsel vm3, $0x1DF6, v4;
	v5 =	vsel vm3, $0x3DF6, v5;
	v6 =	vsel vm3, $0x1DF7, v6  }
0x61: {  	v7 =	vsel vm3, $0x3DF7, v7;
	v8 =	vsel vm3, $0x1DF8, v8;
	v9 =	vsel vm3, $0x3DF8, v9  }
0x62: {  	v10 =	vsel vm3, $0x1DF9, v10;
	v11 =	vsel vm3, $0x3DF9, v11;
	v12 =	vsel vm3, $0x1DFA, v12  }
0x63: {  	v13 =	vsel vm3, $0x3DFA, v13;
	v14 =	vsel vm3, $0x1DFB, v14;
	v15 =	vsel vm3, $0x3DFB, v15  }
0x64: {  	v16 =	vsel vm3, $0x1DFC, v16;
	v17 =	vsel vm3, $0x3DFC, v17;
	v18 =	vsel vm3, $0x1DFD, v18  }
0x65: {  	v19 =	vsel vm3, $0x3DFD, v19;
	v20 =	vsel vm3, $0x1DFE, v20;
	v21 =	vsel vm3, $0x3DFE, v21  }
0x66: {  	v22 =	vsel vm3, $0x1DFF, v22;
	v23 =	vsel vm3, $0x3DFF, v23;
	v1 =	vsel vm2, $0x1200, v2  }
0x67: {  	v3 =	vsel vm2, $0x3200, v3;
	v4 =	vsel vm2, $0x1E76, v4;
	v5 =	vsel vm2, $0x3E76, v5  }
0x68: {  	v6 =	vsel vm2, $0x1E77, v6;
	v7 =	vsel vm2, $0x3E77, v7;
	v8 =	vsel vm2, $0x1E78, v8  }
0x69: {  	v9 =	vsel vm2, $0x3E78, v9;
	v10 =	vsel vm2, $0x1E79, v10;
	v11 =	vsel vm2, $0x3E79, v11  }
0x6a: {  	v12 =	vsel vm2, $0x1E7A, v12;
	v13 =	vsel vm2, $0x3E7A, v13;
	v14 =	vsel vm2, $0x1E7B, v14  }
0x6b: {  	v15 =	vsel vm2, $0x3E7B, v15;
	v16 =	vsel vm2, $0x1E7C, v16;
	v17 =	vsel vm2, $0x3E7C, v17  }
0x6c: {  	v18 =	vsel vm2, $0x1E7D, v18;
	v19 =	vsel vm2, $0x3E7D, v19;
	v20 =	vsel vm2, $0x1E7E, v20  }
0x6d: {  	v21 =	vsel vm2, $0x3E7E, v21;
	v22 =	vsel vm2, $0x1E7F, v22;
	v23 =	vsel vm2, $0x3E7F, v23  }
0x6e: {  	s26 =	rddreg [dreg:$0x0];
	v1 =	vsel vm1, $0x1280, v1;
	v2 =	vor.u32 $0x800, v0;
	v3 =	vsel vm1, $0x3280, v3  }
0x6f: {  	s25 =	rddreg [dreg:$0x1];
	v4 =	vsel vm1, $0x1EF6, v4;
	v5 =	vsel vm1, $0x3EF6, v5;
	v6 =	vsel vm1, $0x1EF7, v6  }
0x70: {  	s0 =	rddreg [dreg:$0x2];
	v7 =	vsel vm1, $0x3EF7, v7;
	v8 =	vsel vm1, $0x1EF8, v8;
	v9 =	vsel vm1, $0x3EF8, v9  }
0x71: {  	s1 =	rddreg [dreg:$0x3];
	v10 =	vsel vm1, $0x1EF9, v10;
	v11 =	vsel vm1, $0x3EF9, v11;
	v12 =	vsel vm1, $0x1EFA, v12  }
0x72: {  	s2 =	rddreg [dreg:$0x4];
	s3 =	srdreg.scid;
	v13 =	vsel vm1, $0x3EFA, v13;
	v14 =	vsel vm1, $0x1EFB, v14;
	v15 =	vsel vm1, $0x3EFB, v15  }
0x73: {  	s4 =	stileid.u32;
	s31 =	simm.s32 $0x7A1400;
	s3 =	sand.u32 $0x1, s3;
	v16 =	vsel vm1, $0x1EFC, v16;
	v17 =	vsel vm1, $0x3EFC, v17;
	v18 =	vsel vm1, $0x1EFD, v18  }
0x74: {  	s5 =	simm.s32 $0x0;
	s4 =	sshll.u32 s4, $0xA;
	s22 =	sshll.u32 s3, $0x9;
	v19 =	vsel vm1, $0x3EFD, v19;
	v20 =	vsel vm1, $0x1EFE, v20;
	v21 =	vsel vm1, $0x3EFE, v21  }
0x75: {  	s13 =	simm.s32 $0x400;
	s14 =	simm.s32 $0xC3800;
	s4 =	sor.u32 s22, s4;
	v22 =	vsel vm1, $0x1EFF, v22;
	v23 =	vsel vm1, $0x3EFF, v23;
	v1 =	vsel vm0, $0x1300, v1  }
0x76: {  	[smem:$0x7FF] =	sst s5;
	s2 =	sadd.s32 s4, s2;
	s4 =	sshrl.u32 s4, $0x3;
	v3 =	vsel vm0, $0x3300, v3;
	v4 =	vsel vm0, $0x1F76, v4;
	v5 =	vsel vm0, $0x3F76, v5  }
0x77: {  	s15 =	simm.s32 $0x14400;
	_ =	strace $0x80000047;
	s0 =	sadd.s32 s0, s4;
	v6 =	vsel vm0, $0x1F77, v6;
	v7 =	vsel vm0, $0x3F77, v7;
	v8 =	vsel vm0, $0x1F78, v8  }
0x78: {  	s3 =	ssub.s32 $0x2, s3;
	s24 =	sadd.s32 s1, s4;
	[dreg:$0x6] =	wrdreg s0;
	v9 =	vsel vm0, $0x3F78, v9;
	v10 =	vsel vm0, $0x1F79, v10;
	v11 =	vsel vm0, $0x3F79, v11  }
0x79: {  	s23 =	sshrl.u32 s3, $0x1;
	s28 =	sadd.s32 $0x2000, s2;
	[dreg:$0x7] =	wrdreg s24;
	v12 =	vsel vm0, $0x1F7A, v12;
	v13 =	vsel vm0, $0x3F7A, v13;
	v14 =	vsel vm0, $0x1F7B, v14  }
0x7a: {  	s3 =	ssub.s32 s3, s23;
	s29 =	sadd.s32 $0x12000, s2;
	[dreg:$0x8] =	wrdreg s28;
	v15 =	vsel vm0, $0x3F7B, v15;
	v16 =	vsel vm0, $0x1F7C, v16;
	v17 =	vsel vm0, $0x3F7C, v17  }
0x7b: {  	s16 =	simm.s32 $0x18400;
	s30 =	smax.u32 s3, $0x1;
	[dreg:$0x9] =	wrdreg s29;
	v18 =	vsel vm0, $0x1F7D, v18;
	v19 =	vsel vm0, $0x3F7D, v19;
	v20 =	vsel vm0, $0x1F7E, v20  }
0x7c: {  	s2 =	simm.s32 $0x15;
	s1 =	simm.s32 $0x0;
	[dreg:$0xa] =	wrdreg s30;
	v21 =	vsel vm0, $0x3F7E, v21;
	v22 =	vsel vm0, $0x1F7F, v22;
	v23 =	vsel vm0, $0x3F7F, v23  }
.LBB2_1:
0x7d: {  	[dreg:$0xb] =	wrdreg s1  }
0x7e: {  	s0 =	simm.s32 $0x0;
	s29 =	rddreg [dreg:$0x6]  }
0x7f: {  	[tilespmem:s0], [sflag:$0x15] =	stream.linear.gather [hbm4b:s29+s0], $0x200, $0x38;
	[tilespmem:$0x1C400] =	vst v63  }
0x80: {  	_ =	swait.ge [sflag:s2], $0x200  }
0x81: {  	[sflag:s2] =	ssyncset.done $0x0  }
0x82: {  	s3 =	simm.s32 $0x200;
	s30 =	rddreg [dreg:$0x7];
	[sflag:s2] =	ssyncadd.s32 $0xFFFFFE00  }
0x83: {  	[tilespmem:s3], [sflag:$0x15] =	stream.linear.gather [hbm4b:s30+s0], $0x200, $0x38;
	[tilespmem:$0x1C400] =	vst v63  }
0x84: {  	_ =	swait.ge [sflag:s2], $0x200  }
0x85: {  	s11 =	simm.s32 $0x0;
	[sflag:s2] =	ssyncset.done $0x0  }
0x86: {  	s1 =	simm.s32 $0x0;
	s0 =	simm.s32 $0x0;
	[sflag:s2] =	ssyncadd.s32 $0xFFFFFE00  }
.LBB2_2:
0x87: {  	s7 =	smax.u32 s1, $0x1  }
0x88: {  	[dreg:$0xd] =	wrdreg s0;
	v24 =	vld [tilespmem:s0+$0x0];
	s0 =	sshll.u32 s7, $0x4  }
0x89: {  	v26 =	vld [tilespmem:s0+$0xFFFFFFF0];
	_ =	sdelay $0x3  }
0x8a: {  	p0 =	seq.s32 s11, $0x0;
	v27 =	vld [tilespmem:s0+$0x1F0]  }
0x8b: {  	(v2sf) =	vpush @!p0 v26, $0x6;
	_ =	sdelay $0x3  }
0x8c: {  	(v2sf) =	vpush @!p0 v27, $0x6;
	_ =	sdelay $0x4  }
0x8d: {  	s0 =	sadd.s32 @!p0 $0xFFFFFFF6, s11  }
0x8e: {  	[dreg:$0xe] =	wrdreg s1;
	s1 =	smul.u32 @!p0 $0x6667, s0  }
0x8f: {  	_ = 	snop  }
0x90: {  	s2 =	sshrl.u32 @!p0 s1, $0x1F;
	s1 =	sshra.s32 @!p0 s1, $0x12  }
0x91: {  	s1 =	sadd.s32 @!p0 s2, s1  }
0x92: {  	s1 =	smul.u32 @!p0 $0xA, s1  }
0x93: {  	s2 =	spop @!p0 (v2sf)  }
0x94: {  	[dreg:$0xc] =	wrdreg s3;
	v25 =	vld [tilespmem:s3+$0x0];
	s1 =	ssub.s32 @!p0 s0, s1;
	s3 =	sshra.s32 @!p0 s2, $0x1F  }
0x95: {  	s1 =	sshll.u32 @!p0 s1, $0x10;
	s3 =	sshrl.u32 @!p0 s3, $0x19  }
0x96: {  	s1 =	sshra.s32 @!p0 s1, $0x10;
	s3 =	sadd.s32 @!p0 s3, s2  }
0x97: {  	s5 =	sadd.s32 @!p0 $0x1, s1;
	s4 =	spop @!p0 (v2sf);
	s3 =	sand.u32 @!p0 $0xFFFFFF80, s3  }
0x98: {  	_ =	swait.ge @!p0 [sflag:s5], $0x1000;
	s2 =	ssub.s32 @!p0 s2, s3  }
0x99: {  	[sflag:s5] =	ssyncset.done @!p0 $0x0;
	v28 =	vadd.s32 @!p0 s2, v0  }
0x9a: {  	v29 =	vmov @!p0 s0;
	[sflag:s5] =	ssyncadd.s32 @!p0 $0xFFFFF000;
	s5 =	sshra.s32 @!p0 s4, $0x1F;
	s3 =	sadd.s32 @!p0 $0xB, s1  }
0x9b: {  	v30 =	vshll.u32 @!p0 v29, $0x3;
	s0 =	sshrl.u32 @!p0 s5, $0x19;
	_ =	swait.ge @!p0 [sflag:s3], $0x1000  }
0x9c: {  	v29 =	vand.u32 @!p0 $0x76, v29;
	v30 =	vand.u32 @!p0 $0xFFFFFC00, v30;
	s1 =	sshll.u32 @!p0 s1, $0xC;
	s0 =	sadd.s32 @!p0 s0, s4;
	[sflag:s3] =	ssyncset.done @!p0 $0x0  }
0x9d: {  	v29 =	vor.u32 @!p0 v29, v30;
	s5 =	sor.u32 @!p0 $0x400, s1;
	s0 =	sand.u32 @!p0 $0xFFFFFF80, s0;
	[sflag:s3] =	ssyncadd.s32 @!p0 $0xFFFFF000  }
0x9e: {  	v30 =	vadd.s32 @!p0 v1, v29;
	s0 =	ssub.s32 @!p0 s4, s0;
	v28 =	vld.idx.msk @!p0 [tilespmem:v28+s5+$0x0], $0xffff  }
0x9f: {  	(v2sf) =	vpush v24, $0x0;
	v31 =	vadd.s32 @!p0 s0, v0  }
0xa0: {  	(v2sf) =	vpush v25, $0x0;
	_ =	sdelay $0x2  }
0xa1: {  	[tilespmem:v30+s15+$0x0] =	vst.idx.msk @!p0 $0xffff, v28  }
0xa2: {  	v28 =	vld.idx.msk @!p0 [tilespmem:v31+s1+$0xA400], $0xffff  }
0xa3: {  	v31 =	vadd.s32 @!p0 s2, v2;
	_ =	sdelay $0x3  }
0xa4: {  	[tilespmem:v30+s16+$0x0] =	vst.idx.msk @!p0 $0xffff, v28  }
0xa5: {  	v29 =	vadd.s32 @!p0 v3, v29;
	v28 =	vld.idx.msk @!p0 [tilespmem:v31+s5+$0x0], $0xffff  }
0xa6: {  	v30 =	vadd.s32 @!p0 s0, v2;
	_ =	sdelay $0x2  }
0xa7: {  	s8 =	smul.u32 $0xCCCD, s11;
	s29 =	spop (v2sf)  }
0xa8: {  	s3 =	simm.s32 $0x1;
	s10 =	spop (v2sf);
	s9 =	sshra.s32 s29, $0x1F;
	[tilespmem:v29+s15+$0x0] =	vst.idx.msk @!p0 $0xffff, v28  }
0xa9: {  	s4 =	simm.s32 $0x1;
	s12 =	sshra.s32 s10, $0x1F;
	v28 =	vld.idx.msk @!p0 [tilespmem:v30+s1+$0xA400], $0xffff;
	s1 =	sshrl.u32 s9, $0x19  }
0xaa: {  	s0 =	sshrl.u32 s8, $0x13;
	s2 =	sshrl.u32 s12, $0x19;
	s1 =	sadd.s32 s1, s29  }
0xab: {  	s0 =	smul.u32 $0xA, s0;
	s2 =	sadd.s32 s2, s10;
	s17 =	sand.u32 $0xFFFFFF80, s1  }
0xac: {  	(v2sf) =	vpush @!p0 v26, $0x7;
	p3 =	slt.s32 s29, $0x1;
	s18 =	sand.u32 $0xFFFFFF80, s2;
	p4 =	sne.s32 s29, s17  }
0xad: {  	p1 =	slt.s32 s10, $0x1;
	p2 =	sne.s32 s10, s18;
	p6 =	por !p3, !p4  }
0xae: {  	s0 =	ssub.s32 s11, s0;
	p1 =	por !p1, !p2;
	p2 =	por !p6, !p6  }
0xaf: {  	s0 =	sand.u32 $0xFFFF, s0;
	s1 =	sshrl.u32 s1, $0x7;
	s3 =	simm.s32 @!p2 $0x0  }
0xb0: {  	(v2sf) =	vpush @!p0 v27, $0x7;
	s2 =	sshrl.u32 s2, $0x7;
	p1 =	por !p1, !p1;
	s1 =	ssub.s32 s1, s3  }
0xb1: {  	s19 =	sshll.u32 s0, $0xC;
	s4 =	simm.s32 @!p1 $0x0;
	s1 =	sshll.u32 s1, $0x7  }
0xb2: {  	s20 =	sadd.s32 $0x1, s0;
	s2 =	ssub.s32 s2, s4;
	s1 =	sand.u32 $0x1FFFFF80, s1  }
0xb3: {  	s21 =	sor.u32 $0x400, s19;
	s22 =	sshll.u32 s2, $0x7;
	[tilespmem:v29+s16+$0x0] =	vst.idx.msk @!p0 $0xffff, v28;
	s1 =	sadd.s32 s26, s1  }
0xb4: {  	[tilespmem:s21], [sflag:s20] =	stream.strided.gather [hbm4b:s1+s13], $0x1000, s31, s13, $0x38;
	[tilespmem:$0x1C400] =	vst v63  }
0xb5: {  	s23 =	sadd.s32 $0xB, s0;
	s0 =	sadd.s32 @!p0 $0xFFFFFFF7, s11;
	s1 =	sand.u32 $0x1FFFFF80, s22  }
0xb6: {  	s24 =	sadd.s32 $0xA400, s19;
	s28 =	sadd.s32 s25, s1;
	s1 =	smul.u32 @!p0 $0x6667, s0  }
0xb7: {  	[tilespmem:s24], [sflag:s23] =	stream.strided.gather [hbm4b:s28+s13], $0x1000, s14, s13, $0x38;
	[tilespmem:$0x1C400] =	vst v63  }
0xb8: {  	s2 =	sshrl.u32 @!p0 s1, $0x1F;
	s1 =	sshra.s32 @!p0 s1, $0x12  }
0xb9: {  	[smem:$0x7FC] =	sst s18;
	s1 =	sadd.s32 @!p0 s2, s1  }
0xba: {  	[dreg:$0x13] =	wrdreg s20;
	s1 =	smul.u32 @!p0 $0xA, s1  }
0xbb: {  	[dreg:$0x12] =	wrdreg s23;
	s2 =	spop @!p0 (v2sf)  }
0xbc: {  	[dreg:$0x10] =	wrdreg s21;
	s3 =	sshra.s32 @!p0 s2, $0x1F;
	s1 =	ssub.s32 @!p0 s0, s1  }
0xbd: {  	[dreg:$0xf] =	wrdreg s24;
	s3 =	sshrl.u32 @!p0 s3, $0x19;
	s1 =	sshll.u32 @!p0 s1, $0x10  }
0xbe: {  	[smem:$0x7FD] =	sst s17;
	s3 =	sadd.s32 @!p0 s3, s2;
	s1 =	sshra.s32 @!p0 s1, $0x10  }
0xbf: {  	s4 =	spop @!p0 (v2sf);
	s3 =	sand.u32 @!p0 $0xFFFFFF80, s3;
	s5 =	sadd.s32 @!p0 $0x1, s1  }
0xc0: {  	s2 =	ssub.s32 @!p0 s2, s3;
	_ =	swait.ge @!p0 [sflag:s5], $0x1000  }
0xc1: {  	v28 =	vadd.s32 @!p0 s2, v0;
	[sflag:s5] =	ssyncset.done @!p0 $0x0  }
0xc2: {  	v29 =	vmov @!p0 s0;
	s3 =	sadd.s32 @!p0 $0xB, s1;
	[sflag:s5] =	ssyncadd.s32 @!p0 $0xFFFFF000;
	s5 =	sshra.s32 @!p0 s4, $0x1F  }
0xc3: {  	v30 =	vshll.u32 @!p0 v29, $0x3;
	_ =	swait.ge @!p0 [sflag:s3], $0x1000;
	s0 =	sshrl.u32 @!p0 s5, $0x19  }
0xc4: {  	v29 =	vand.u32 @!p0 $0x77, v29;
	v30 =	vand.u32 @!p0 $0xFFFFFC00, v30;
	s1 =	sshll.u32 @!p0 s1, $0xC;
	[sflag:s3] =	ssyncset.done @!p0 $0x0;
	s0 =	sadd.s32 @!p0 s0, s4  }
0xc5: {  	v29 =	vor.u32 @!p0 v29, v30;
	s5 =	sor.u32 @!p0 $0x400, s1;
	[sflag:s3] =	ssyncadd.s32 @!p0 $0xFFFFF000;
	s0 =	sand.u32 @!p0 $0xFFFFFF80, s0  }
0xc6: {  	v30 =	vadd.s32 @!p0 v1, v29;
	s0 =	ssub.s32 @!p0 s4, s0;
	v28 =	vld.idx.msk @!p0 [tilespmem:v28+s5+$0x0], $0xffff  }
0xc7: {  	(v2sf) =	vpush v24, $0x1;
	v31 =	vadd.s32 @!p0 s0, v0  }
0xc8: {  	(v2sf) =	vpush v25, $0x1;
	_ =	sdelay $0x2  }
0xc9: {  	[tilespmem:v30+s15+$0x0] =	vst.idx.msk @!p0 $0xffff, v28  }
0xca: {  	v28 =	vld.idx.msk @!p0 [tilespmem:v31+s1+$0xA400], $0xffff  }
0xcb: {  	v31 =	vadd.s32 @!p0 s2, v2;
	_ =	sdelay $0x3  }
0xcc: {  	[tilespmem:v30+s16+$0x0] =	vst.idx.msk @!p0 $0xffff, v28  }
0xcd: {  	v29 =	vadd.s32 @!p0 v3, v29;
	v28 =	vld.idx.msk @!p0 [tilespmem:v31+s5+$0x0], $0xffff  }
0xce: {  	v30 =	vadd.s32 @!p0 s0, v2;
	_ =	sdelay $0x1  }
0xcf: {  	s30 =	sadd.s32 $0x1, s11  }
0xd0: {  	s6 =	smul.u32 $0xCCCD, s30;
	s9 =	spop (v2sf)  }
0xd1: {  	s3 =	simm.s32 $0x1;
	s24 =	spop (v2sf);
	s7 =	sshra.s32 s9, $0x1F;
	[tilespmem:v29+s15+$0x0] =	vst.idx.msk @!p0 $0xffff, v28  }
0xd2: {  	s4 =	simm.s32 $0x1;
	s8 =	sshra.s32 s24, $0x1F;
	v28 =	vld.idx.msk @!p0 [tilespmem:v30+s1+$0xA400], $0xffff;
	s1 =	sshrl.u32 s7, $0x19  }
0xd3: {  	s0 =	sshrl.u32 s6, $0x13;
	s2 =	sshrl.u32 s8, $0x19;
	s1 =	sadd.s32 s1, s9  }
0xd4: {  	s0 =	smul.u32 $0xA, s0;
	s2 =	sadd.s32 s2, s24;
	s12 =	sand.u32 $0xFFFFFF80, s1  }
0xd5: {  	(v2sf) =	vpush @!p0 v26, $0x8;
	p4 =	slt.s32 s9, $0x1;
	s17 =	sand.u32 $0xFFFFFF80, s2;
	p5 =	sne.s32 s9, s12  }
0xd6: {  	p2 =	slt.s32 s24, $0x1;
	p3 =	sne.s32 s24, s17;
	p6 =	por !p4, !p5  }
0xd7: {  	s0 =	ssub.s32 s30, s0;
	p1 =	por !p2, !p3;
	p2 =	por !p6, !p6  }
0xd8: {  	s0 =	sand.u32 $0xFFFF, s0;
	s1 =	sshrl.u32 s1, $0x7;
	s3 =	simm.s32 @!p2 $0x0  }
0xd9: {  	(v2sf) =	vpush @!p0 v27, $0x8;
	s18 =	sshll.u32 s0, $0xC;
	p1 =	por !p1, !p1;
	s1 =	ssub.s32 s1, s3  }
0xda: {  	s2 =	sshrl.u32 s2, $0x7;
	s4 =	simm.s32 @!p1 $0x0;
	s1 =	sshll.u32 s1, $0x7  }
0xdb: {  	s19 =	sadd.s32 $0x1, s0;
	s2 =	ssub.s32 s2, s4;
	s1 =	sand.u32 $0x1FFFFF80, s1  }
0xdc: {  	s20 =	sor.u32 $0x400, s18;
	[tilespmem:v29+s16+$0x0] =	vst.idx.msk @!p0 $0xffff, v28;
	s21 =	sshll.u32 s2, $0x7;
	s1 =	sadd.s32 s26, s1  }
0xdd: {  	[tilespmem:s20], [sflag:s19] =	stream.strided.gather [hbm4b:s1+s13], $0x1000, s31, s13, $0x38;
	[tilespmem:$0x1C400] =	vst v63  }
0xde: {  	s22 =	sadd.s32 $0xB, s0;
	s0 =	sadd.s32 @!p0 $0xFFFFFFF8, s11;
	s1 =	sand.u32 $0x1FFFFF80, s21  }
0xdf: {  	s23 =	sadd.s32 $0xA400, s18;
	s28 =	sadd.s32 s25, s1;
	s1 =	smul.u32 @!p0 $0x6667, s0  }
0xe0: {  	[tilespmem:s23], [sflag:s22] =	stream.strided.gather [hbm4b:s28+s13], $0x1000, s14, s13, $0x38;
	[tilespmem:$0x1C400] =	vst v63  }
0xe1: {  	[dreg:$0x11] =	wrdreg s30;
	s2 =	sshrl.u32 @!p0 s1, $0x1F;
	s1 =	sshra.s32 @!p0 s1, $0x12  }
0xe2: {  	[dreg:$0x18] =	wrdreg s19;
	s1 =	sadd.s32 @!p0 s2, s1  }
0xe3: {  	[dreg:$0x17] =	wrdreg s22;
	s1 =	smul.u32 @!p0 $0xA, s1  }
0xe4: {  	[dreg:$0x15] =	wrdreg s20;
	s2 =	spop @!p0 (v2sf)  }
0xe5: {  	[dreg:$0x14] =	wrdreg s23;
	s3 =	sshra.s32 @!p0 s2, $0x1F;
	s1 =	ssub.s32 @!p0 s0, s1  }
0xe6: {  	[smem:$0x7FA] =	sst s17;
	s3 =	sshrl.u32 @!p0 s3, $0x19;
	s1 =	sshll.u32 @!p0 s1, $0x10  }
0xe7: {  	[smem:$0x7FB] =	sst s12;
	s3 =	sadd.s32 @!p0 s3, s2;
	s1 =	sshra.s32 @!p0 s1, $0x10  }
0xe8: {  	s4 =	spop @!p0 (v2sf);
	s3 =	sand.u32 @!p0 $0xFFFFFF80, s3;
	s5 =	sadd.s32 @!p0 $0x1, s1  }
0xe9: {  	s2 =	ssub.s32 @!p0 s2, s3;
	_ =	swait.ge @!p0 [sflag:s5], $0x1000  }
0xea: {  	v28 =	vadd.s32 @!p0 s2, v0;
	[sflag:s5] =	ssyncset.done @!p0 $0x0  }
0xeb: {  	v29 =	vmov @!p0 s0;
	s3 =	sadd.s32 @!p0 $0xB, s1;
	[sflag:s5] =	ssyncadd.s32 @!p0 $0xFFFFF000;
	s5 =	sshra.s32 @!p0 s4, $0x1F  }
0xec: {  	v30 =	vshll.u32 @!p0 v29, $0x3;
	_ =	swait.ge @!p0 [sflag:s3], $0x1000;
	s0 =	sshrl.u32 @!p0 s5, $0x19  }
0xed: {  	v29 =	vand.u32 @!p0 $0x78, v29;
	v30 =	vand.u32 @!p0 $0xFFFFFC00, v30;
	s1 =	sshll.u32 @!p0 s1, $0xC;
	[sflag:s3] =	ssyncset.done @!p0 $0x0;
	s0 =	sadd.s32 @!p0 s0, s4  }
0xee: {  	v29 =	vor.u32 @!p0 v29, v30;
	s5 =	sor.u32 @!p0 $0x400, s1;
	[sflag:s3] =	ssyncadd.s32 @!p0 $0xFFFFF000;
	s0 =	sand.u32 @!p0 $0xFFFFFF80, s0  }
0xef: {  	v30 =	vadd.s32 @!p0 v1, v29;
	s0 =	ssub.s32 @!p0 s4, s0;
	v28 =	vld.idx.msk @!p0 [tilespmem:v28+s5+$0x0], $0xffff  }
0xf0: {  	(v2sf) =	vpush v24, $0x2;
	v31 =	vadd.s32 @!p0 s0, v0  }
0xf1: {  	(v2sf) =	vpush v25, $0x2;
	_ =	sdelay $0x2  }
0xf2: {  	[tilespmem:v30+s15+$0x0] =	vst.idx.msk @!p0 $0xffff, v28  }
0xf3: {  	v28 =	vld.idx.msk @!p0 [tilespmem:v31+s1+$0xA400], $0xffff  }
0xf4: {  	v31 =	vadd.s32 @!p0 s2, v2;
	_ =	sdelay $0x3  }
0xf5: {  	[tilespmem:v30+s16+$0x0] =	vst.idx.msk @!p0 $0xffff, v28  }
0xf6: {  	v29 =	vadd.s32 @!p0 v3, v29;
	v28 =	vld.idx.msk @!p0 [tilespmem:v31+s5+$0x0], $0xffff  }
0xf7: {  	v30 =	vadd.s32 @!p0 s0, v2;
	_ =	sdelay $0x1  }
0xf8: {  	s30 =	sadd.s32 $0x2, s11  }
0xf9: {  	s4 =	smul.u32 $0xCCCD, s30;
	s8 =	spop (v2sf)  }
0xfa: {  	s3 =	simm.s32 $0x1;
	s28 =	spop (v2sf);
	s5 =	sshra.s32 s8, $0x1F;
	[tilespmem:v29+s15+$0x0] =	vst.idx.msk @!p0 $0xffff, v28  }
0xfb: {  	s0 =	sshrl.u32 s4, $0x13;
	s6 =	sshra.s32 s28, $0x1F;
	v28 =	vld.idx.msk @!p0 [tilespmem:v30+s1+$0xA400], $0xffff;
	s1 =	sshrl.u32 s5, $0x19  }
0xfc: {  	s4 =	simm.s32 $0x1;
	s2 =	sshrl.u32 s6, $0x19;
	s1 =	sadd.s32 s1, s8  }
0xfd: {  	s0 =	smul.u32 $0xA, s0;
	s2 =	sadd.s32 s2, s28;
	s7 =	sand.u32 $0xFFFFFF80, s1  }
0xfe: {  	(v2sf) =	vpush @!p0 v26, $0x9;
	p4 =	slt.s32 s8, $0x1;
	s12 =	sand.u32 $0xFFFFFF80, s2;
	p5 =	sne.s32 s8, s7  }
0xff: {  	p2 =	slt.s32 s28, $0x1;
	p3 =	sne.s32 s28, s12;
	p6 =	por !p4, !p5  }
0x100: {  	s0 =	ssub.s32 s30, s0;
	p1 =	por !p2, !p3;
	p2 =	por !p6, !p6  }
0x101: {  	s0 =	sand.u32 $0xFFFF, s0;
	s1 =	sshrl.u32 s1, $0x7;
	s3 =	simm.s32 @!p2 $0x0  }
0x102: {  	(v2sf) =	vpush @!p0 v27, $0x9;
	s17 =	sshll.u32 s0, $0xC;
	p1 =	por !p1, !p1;
	s1 =	ssub.s32 s1, s3  }
0x103: {  	s2 =	sshrl.u32 s2, $0x7;
	s4 =	simm.s32 @!p1 $0x0;
	s1 =	sshll.u32 s1, $0x7  }
0x104: {  	s18 =	sadd.s32 $0x1, s0;
	s2 =	ssub.s32 s2, s4;
	s1 =	sand.u32 $0x1FFFFF80, s1  }
0x105: {  	s19 =	sor.u32 $0x400, s17;
	[tilespmem:v29+s16+$0x0] =	vst.idx.msk @!p0 $0xffff, v28;
	s20 =	sshll.u32 s2, $0x7;
	s1 =	sadd.s32 s26, s1  }
0x106: {  	[tilespmem:s19], [sflag:s18] =	stream.strided.gather [hbm4b:s1+s13], $0x1000, s31, s13, $0x38;
	[tilespmem:$0x1C400] =	vst v63  }
0x107: {  	s21 =	sadd.s32 $0xB, s0;
	s0 =	sadd.s32 @!p0 $0xFFFFFFF9, s11;
	s1 =	sand.u32 $0x1FFFFF80, s20  }
0x108: {  	s22 =	sadd.s32 $0xA400, s17;
	s23 =	sadd.s32 s25, s1;
	s1 =	smul.u32 @!p0 $0x6667, s0  }
0x109: {  	[tilespmem:s22], [sflag:s21] =	stream.strided.gather [hbm4b:s23+s13], $0x1000, s14, s13, $0x38;
	[tilespmem:$0x1C400] =	vst v63  }
0x10a: {  	[dreg:$0x16] =	wrdreg s30;
	s2 =	sshrl.u32 @!p0 s1, $0x1F;
	s1 =	sshra.s32 @!p0 s1, $0x12  }
0x10b: {  	[dreg:$0x1d] =	wrdreg s18;
	s1 =	sadd.s32 @!p0 s2, s1  }
0x10c: {  	[dreg:$0x1c] =	wrdreg s21;
	s1 =	smul.u32 @!p0 $0xA, s1  }
0x10d: {  	[dreg:$0x1a] =	wrdreg s19;
	s2 =	spop @!p0 (v2sf)  }
0x10e: {  	[dreg:$0x19] =	wrdreg s22;
	s3 =	sshra.s32 @!p0 s2, $0x1F;
	s1 =	ssub.s32 @!p0 s0, s1  }
0x10f: {  	[smem:$0x7F8] =	sst s12;
	s3 =	sshrl.u32 @!p0 s3, $0x19;
	s1 =	sshll.u32 @!p0 s1, $0x10  }
0x110: {  	[smem:$0x7F9] =	sst s7;
	s3 =	sadd.s32 @!p0 s3, s2;
	s1 =	sshra.s32 @!p0 s1, $0x10  }
0x111: {  	s4 =	spop @!p0 (v2sf);
	s3 =	sand.u32 @!p0 $0xFFFFFF80, s3;
	s5 =	sadd.s32 @!p0 $0x1, s1  }
0x112: {  	s2 =	ssub.s32 @!p0 s2, s3;
	_ =	swait.ge @!p0 [sflag:s5], $0x1000  }
0x113: {  	v28 =	vadd.s32 @!p0 s2, v0;
	[sflag:s5] =	ssyncset.done @!p0 $0x0  }
0x114: {  	v29 =	vmov @!p0 s0;
	s3 =	sadd.s32 @!p0 $0xB, s1;
	[sflag:s5] =	ssyncadd.s32 @!p0 $0xFFFFF000;
	s5 =	sshra.s32 @!p0 s4, $0x1F  }
0x115: {  	v30 =	vshll.u32 @!p0 v29, $0x3;
	_ =	swait.ge @!p0 [sflag:s3], $0x1000;
	s0 =	sshrl.u32 @!p0 s5, $0x19  }
0x116: {  	v29 =	vand.u32 @!p0 $0x79, v29;
	v30 =	vand.u32 @!p0 $0xFFFFFC00, v30;
	s1 =	sshll.u32 @!p0 s1, $0xC;
	[sflag:s3] =	ssyncset.done @!p0 $0x0;
	s0 =	sadd.s32 @!p0 s0, s4  }
0x117: {  	v29 =	vor.u32 @!p0 v29, v30;
	s5 =	sor.u32 @!p0 $0x400, s1;
	[sflag:s3] =	ssyncadd.s32 @!p0 $0xFFFFF000;
	s0 =	sand.u32 @!p0 $0xFFFFFF80, s0  }
0x118: {  	v30 =	vadd.s32 @!p0 v1, v29;
	s0 =	ssub.s32 @!p0 s4, s0;
	v28 =	vld.idx.msk @!p0 [tilespmem:v28+s5+$0x0], $0xffff  }
0x119: {  	(v2sf) =	vpush v24, $0x3;
	v31 =	vadd.s32 @!p0 s0, v0  }
0x11a: {  	(v2sf) =	vpush v25, $0x3;
	_ =	sdelay $0x2  }
0x11b: {  	[tilespmem:v30+s15+$0x0] =	vst.idx.msk @!p0 $0xffff, v28  }
0x11c: {  	v28 =	vld.idx.msk @!p0 [tilespmem:v31+s1+$0xA400], $0xffff  }
0x11d: {  	v31 =	vadd.s32 @!p0 s2, v2;
	_ =	sdelay $0x3  }
0x11e: {  	[tilespmem:v30+s16+$0x0] =	vst.idx.msk @!p0 $0xffff, v28  }
0x11f: {  	v29 =	vadd.s32 @!p0 v3, v29;
	v28 =	vld.idx.msk @!p0 [tilespmem:v31+s5+$0x0], $0xffff  }
0x120: {  	v30 =	vadd.s32 @!p0 s0, v2  }
0x121: {  	s30 =	sadd.s32 $0x3, s11  }
0x122: {  	s4 =	smul.u32 $0xCCCD, s30  }
0x123: {  	[dreg:$0x1b] =	wrdreg s30;
	s3 =	simm.s32 $0x1;
	s20 =	spop (v2sf)  }
0x124: {  	s0 =	sshrl.u32 s4, $0x13;
	s18 =	spop (v2sf);
	s5 =	sshra.s32 s20, $0x1F;
	[tilespmem:v29+s15+$0x0] =	vst.idx.msk @!p0 $0xffff, v28  }
0x125: {  	s4 =	simm.s32 $0x1;
	s6 =	sshra.s32 s18, $0x1F;
	v28 =	vld.idx.msk @!p0 [tilespmem:v30+s1+$0xA400], $0xffff;
	s1 =	sshrl.u32 s5, $0x19  }
0x126: {  	s0 =	smul.u32 $0xA, s0;
	s2 =	sshrl.u32 s6, $0x19;
	s1 =	sadd.s32 s1, s20  }
0x127: {  	p4 =	slt.s32 s20, $0x1;
	s2 =	sadd.s32 s2, s18;
	s7 =	sand.u32 $0xFFFFFF80, s1  }
0x128: {  	s0 =	ssub.s32 s30, s0;
	s12 =	sand.u32 $0xFFFFFF80, s2;
	p5 =	sne.s32 s20, s7  }
0x129: {  	p2 =	slt.s32 s18, $0x1;
	p3 =	sne.s32 s18, s12;
	p6 =	por !p4, !p5  }
0x12a: {  	(v2sf) =	vpush @!p0 v26, $0xA;
	s0 =	sand.u32 $0xFFFF, s0;
	p1 =	por !p2, !p3;
	p2 =	por !p6, !p6  }
0x12b: {  	s1 =	sshrl.u32 s1, $0x7;
	p1 =	por !p1, !p1;
	s3 =	simm.s32 @!p2 $0x0  }
0x12c: {  	s2 =	sshrl.u32 s2, $0x7;
	s4 =	simm.s32 @!p1 $0x0;
	s1 =	ssub.s32 s1, s3  }
0x12d: {  	s17 =	sshll.u32 s0, $0xC;
	s2 =	ssub.s32 s2, s4;
	s1 =	sshll.u32 s1, $0x7  }
0x12e: {  	(v2sf) =	vpush @!p0 v27, $0xA;
	s21 =	sadd.s32 $0x1, s0;
	s2 =	sshll.u32 s2, $0x7;
	s19 =	sand.u32 $0x1FFFFF80, s1  }
0x12f: {  	s22 =	sor.u32 $0x400, s17;
	[tilespmem:v29+s16+$0x0] =	vst.idx.msk @!p0 $0xffff, v28;
	s2 =	sand.u32 $0x1FFFFF80, s2;
	s4 =	sadd.s32 s26, s19  }
0x130: {  	[tilespmem:s22], [sflag:s21] =	stream.strided.gather [hbm4b:s4+s13], $0x1000, s31, s13, $0x38;
	[tilespmem:$0x1C400] =	vst v63  }
0x131: {  	s23 =	sadd.s32 $0xB, s0;
	s30 =	sadd.s32 $0xA400, s17;
	s2 =	sadd.s32 s25, s2  }
0x132: {  	[tilespmem:s30], [sflag:s23] =	stream.strided.gather [hbm4b:s2+s13], $0x1000, s14, s13, $0x38;
	[tilespmem:$0x1C400] =	vst v63  }
0x133: {  	s2 =	sadd.s32 @!p0 $0xFFFFFFFA, s11  }
0x134: {  	s3 =	smul.u32 @!p0 $0x6667, s2;
	_ =	sdelay $0x1  }
0x135: {  	s4 =	sshrl.u32 @!p0 s3, $0x1F;
	s3 =	sshra.s32 @!p0 s3, $0x12  }
0x136: {  	[smem:$0x7F6] =	sst s21;
	s3 =	sadd.s32 @!p0 s4, s3  }
0x137: {  	[smem:$0x7F7] =	sst s23;
	s3 =	smul.u32 @!p0 $0xA, s3  }
0x138: {  	[dreg:$0x1f] =	wrdreg s22;
	s4 =	spop @!p0 (v2sf)  }
0x139: {  	[dreg:$0x1e] =	wrdreg s30;
	s6 =	sshra.s32 @!p0 s4, $0x1F;
	s3 =	ssub.s32 @!p0 s2, s3  }
0x13a: {  	[smem:$0x7F4] =	sst s12;
	s6 =	sshrl.u32 @!p0 s6, $0x19;
	s3 =	sshll.u32 @!p0 s3, $0x10  }
0x13b: {  	[smem:$0x7F5] =	sst s7;
	s6 =	sadd.s32 @!p0 s6, s4;
	s3 =	sshra.s32 @!p0 s3, $0x10  }
0x13c: {  	s7 =	spop @!p0 (v2sf);
	s6 =	sand.u32 @!p0 $0xFFFFFF80, s6;
	s12 =	sadd.s32 @!p0 $0x1, s3  }
0x13d: {  	s4 =	ssub.s32 @!p0 s4, s6;
	_ =	swait.ge @!p0 [sflag:s12], $0x1000  }
0x13e: {  	v28 =	vadd.s32 @!p0 s4, v0;
	[sflag:s12] =	ssyncset.done @!p0 $0x0  }
0x13f: {  	v29 =	vmov @!p0 s2;
	s6 =	sadd.s32 @!p0 $0xB, s3;
	[sflag:s12] =	ssyncadd.s32 @!p0 $0xFFFFF000;
	s12 =	sshra.s32 @!p0 s7, $0x1F  }
0x140: {  	v30 =	vshll.u32 @!p0 v29, $0x3;
	_ =	swait.ge @!p0 [sflag:s6], $0x1000;
	s2 =	sshrl.u32 @!p0 s12, $0x19  }
0x141: {  	v29 =	vand.u32 @!p0 $0x7A, v29;
	v30 =	vand.u32 @!p0 $0xFFFFFC00, v30;
	s3 =	sshll.u32 @!p0 s3, $0xC;
	[sflag:s6] =	ssyncset.done @!p0 $0x0;
	s2 =	sadd.s32 @!p0 s2, s7  }
0x142: {  	v29 =	vor.u32 @!p0 v29, v30;
	s12 =	sor.u32 @!p0 $0x400, s3;
	[sflag:s6] =	ssyncadd.s32 @!p0 $0xFFFFF000;
	s2 =	sand.u32 @!p0 $0xFFFFFF80, s2  }
0x143: {  	v30 =	vadd.s32 @!p0 v1, v29;
	s2 =	ssub.s32 @!p0 s7, s2;
	v28 =	vld.idx.msk @!p0 [tilespmem:v28+s12+$0x0], $0xffff  }
0x144: {  	(v2sf) =	vpush v24, $0x4;
	v31 =	vadd.s32 @!p0 s2, v0  }
0x145: {  	(v2sf) =	vpush v25, $0x4;
	_ =	sdelay $0x2  }
0x146: {  	[tilespmem:v30+s15+$0x0] =	vst.idx.msk @!p0 $0xffff, v28  }
0x147: {  	v28 =	vld.idx.msk @!p0 [tilespmem:v31+s3+$0xA400], $0xffff  }
0x148: {  	v31 =	vadd.s32 @!p0 s4, v2;
	_ =	sdelay $0x3  }
0x149: {  	[tilespmem:v30+s16+$0x0] =	vst.idx.msk @!p0 $0xffff, v28  }
0x14a: {  	v29 =	vadd.s32 @!p0 v3, v29;
	v28 =	vld.idx.msk @!p0 [tilespmem:v31+s12+$0x0], $0xffff  }
0x14b: {  	s1 =	sadd.s32 $0x4, s11;
	v30 =	vadd.s32 @!p0 s2, v2  }
0x14c: {  	s5 =	smul.u32 $0xCCCD, s1;
	_ =	sdelay $0x1  }
0x14d: {  	[smem:$0x7EF] =	sst s1;
	s2 =	sshrl.u32 s5, $0x13;
	s23 =	spop (v2sf)  }
0x14e: {  	s2 =	smul.u32 $0xA, s2;
	s17 =	spop (v2sf);
	s6 =	sshra.s32 s23, $0x1F;
	[tilespmem:v29+s15+$0x0] =	vst.idx.msk @!p0 $0xffff, v28  }
0x14f: {  	p4 =	slt.s32 s23, $0x1;
	s7 =	sshra.s32 s17, $0x1F;
	v28 =	vld.idx.msk @!p0 [tilespmem:v30+s3+$0xA400], $0xffff;
	s3 =	sshrl.u32 s6, $0x19  }
0x150: {  	s2 =	ssub.s32 s1, s2;
	s4 =	sshrl.u32 s7, $0x19;
	s3 =	sadd.s32 s3, s23  }
0x151: {  	s1 =	smov.u32 s26;
	s4 =	sadd.s32 s4, s17;
	s22 =	sand.u32 $0xFFFFFF80, s3  }
0x152: {  	p2 =	slt.s32 s17, $0x1;
	s30 =	sand.u32 $0xFFFFFF80, s4;
	p5 =	sne.s32 s23, s22  }
0x153: {  	s2 =	sand.u32 $0xFFFF, s2;
	p3 =	sne.s32 s17, s30;
	p6 =	por !p4, !p5  }
0x154: {  	s6 =	simm.s32 $0x1;
	p1 =	por !p2, !p3;
	p2 =	por !p6, !p6  }
0x155: {  	(v2sf) =	vpush @!p0 v26, $0xB;
	s7 =	simm.s32 $0x1;
	s3 =	sshrl.u32 s3, $0x7;
	s6 =	simm.s32 @!p2 $0x0  }
0x156: {  	s12 =	sshll.u32 s2, $0xC;
	p1 =	por !p1, !p1;
	s3 =	ssub.s32 s3, s6  }
0x157: {  	s4 =	sshrl.u32 s4, $0x7;
	s7 =	simm.s32 @!p1 $0x0;
	s3 =	sshll.u32 s3, $0x7  }
0x158: {  	s19 =	sadd.s32 $0x1, s2;
	s4 =	ssub.s32 s4, s7;
	s3 =	sand.u32 $0x1FFFFF80, s3  }
0x159: {  	(v2sf) =	vpush @!p0 v27, $0xB;
	s21 =	sor.u32 $0x400, s12;
	[tilespmem:v29+s16+$0x0] =	vst.idx.msk @!p0 $0xffff, v28;
	s3 =	sadd.s32 s26, s3;
	s26 =	sshll.u32 s4, $0x7  }
0x15a: {  	[tilespmem:s21], [sflag:s19] =	stream.strided.gather [hbm4b:s3+s13], $0x1000, s31, s13, $0x38;
	[tilespmem:$0x1C400] =	vst v63  }
0x15b: {  	s0 =	sadd.s32 $0xB, s2;
	s3 =	sand.u32 $0x1FFFFF80, s26  }
0x15c: {  	s2 =	sadd.s32 $0xA400, s12;
	s7 =	simm.s32 $0xC3800;
	s6 =	sadd.s32 s25, s3  }
0x15d: {  	[tilespmem:s2], [sflag:s0] =	stream.strided.gather [hbm4b:s6+s13], $0x1000, s7, s13, $0x38;
	[tilespmem:$0x1C400] =	vst v63  }
0x15e: {  	[smem:$0x7F2] =	sst s2;
	s2 =	sadd.s32 @!p0 $0xFFFFFFFB, s11  }
0x15f: {  	s3 =	smul.u32 @!p0 $0x6667, s2;
	_ =	sdelay $0x1  }
0x160: {  	s4 =	sshrl.u32 @!p0 s3, $0x1F;
	s3 =	sshra.s32 @!p0 s3, $0x12  }
0x161: {  	s3 =	sadd.s32 @!p0 s4, s3  }
0x162: {  	s3 =	smul.u32 @!p0 $0xA, s3  }
0x163: {  	s4 =	spop @!p0 (v2sf)  }
0x164: {  	[smem:$0x7F1] =	sst s19;
	s6 =	sshra.s32 @!p0 s4, $0x1F;
	s3 =	ssub.s32 @!p0 s2, s3  }
0x165: {  	[smem:$0x7F3] =	sst s0;
	s6 =	sshrl.u32 @!p0 s6, $0x19;
	s3 =	sshll.u32 @!p0 s3, $0x10  }
0x166: {  	[smem:$0x7F0] =	sst s21;
	s6 =	sadd.s32 @!p0 s6, s4;
	s3 =	sshra.s32 @!p0 s3, $0x10  }
0x167: {  	s7 =	spop @!p0 (v2sf);
	s6 =	sand.u32 @!p0 $0xFFFFFF80, s6;
	s19 =	sadd.s32 @!p0 $0x1, s3  }
0x168: {  	s4 =	ssub.s32 @!p0 s4, s6;
	_ =	swait.ge @!p0 [sflag:s19], $0x1000  }
0x169: {  	v28 =	vadd.s32 @!p0 s4, v0;
	[sflag:s19] =	ssyncset.done @!p0 $0x0  }
0x16a: {  	v29 =	vmov @!p0 s2;
	s6 =	sadd.s32 @!p0 $0xB, s3;
	[sflag:s19] =	ssyncadd.s32 @!p0 $0xFFFFF000;
	s19 =	sshra.s32 @!p0 s7, $0x1F  }
0x16b: {  	v30 =	vshll.u32 @!p0 v29, $0x3;
	_ =	swait.ge @!p0 [sflag:s6], $0x1000;
	s2 =	sshrl.u32 @!p0 s19, $0x19  }
0x16c: {  	v29 =	vand.u32 @!p0 $0x7B, v29;
	v30 =	vand.u32 @!p0 $0xFFFFFC00, v30;
	s3 =	sshll.u32 @!p0 s3, $0xC;
	[sflag:s6] =	ssyncset.done @!p0 $0x0;
	s2 =	sadd.s32 @!p0 s2, s7  }
0x16d: {  	v29 =	vor.u32 @!p0 v29, v30;
	s19 =	sor.u32 @!p0 $0x400, s3;
	[sflag:s6] =	ssyncadd.s32 @!p0 $0xFFFFF000;
	s2 =	sand.u32 @!p0 $0xFFFFFF80, s2  }
0x16e: {  	v30 =	vadd.s32 @!p0 v1, v29;
	(v2sf) =	vpush v24, $0x5;
	s2 =	ssub.s32 @!p0 s7, s2;
	v28 =	vld.idx.msk @!p0 [tilespmem:v28+s19+$0x0], $0xffff  }
0x16f: {  	(v2sf) =	vpush v25, $0x5;
	v31 =	vadd.s32 @!p0 s2, v0;
	_ =	sdelay $0x3  }
0x170: {  	[tilespmem:v30+s15+$0x0] =	vst.idx.msk @!p0 $0xffff, v28  }
0x171: {  	v28 =	vld.idx.msk @!p0 [tilespmem:v31+s3+$0xA400], $0xffff  }
0x172: {  	v31 =	vadd.s32 @!p0 s4, v2;
	_ =	sdelay $0x3  }
0x173: {  	[tilespmem:v30+s16+$0x0] =	vst.idx.msk @!p0 $0xffff, v28  }
0x174: {  	v29 =	vadd.s32 @!p0 v3, v29;
	v28 =	vld.idx.msk @!p0 [tilespmem:v31+s19+$0x0], $0xffff  }
0x175: {  	v30 =	vadd.s32 @!p0 s2, v2  }
0x176: {  	s19 =	sadd.s32 $0x5, s11  }
0x177: {  	s14 =	simm.s32 $0x7A1400;
	s31 =	spop (v2sf);
	s5 =	smul.u32 $0xCCCD, s19  }
0x178: {  	s12 =	smov.u32 s25;
	[smem:$0x7EC] =	sst s19;
	s25 =	spop (v2sf)  }
0x179: {  	s6 =	sshra.s32 s31, $0x1F;
	p4 =	slt.s32 s31, $0x1;
	s7 =	sshra.s32 s25, $0x1F;
	[tilespmem:v29+s15+$0x0] =	vst.idx.msk @!p0 $0xffff, v28  }
0x17a: {  	s2 =	sshrl.u32 s5, $0x13;
	p2 =	slt.s32 s25, $0x1;
	v28 =	vld.idx.msk @!p0 [tilespmem:v30+s3+$0xA400], $0xffff;
	s3 =	sshrl.u32 s6, $0x19  }
0x17b: {  	s4 =	sshrl.u32 s7, $0x19;
	s2 =	smul.u32 $0xA, s2;
	s3 =	sadd.s32 s3, s31  }
0x17c: {  	s7 =	simm.s32 $0x1;
	s4 =	sadd.s32 s4, s25;
	s26 =	sand.u32 $0xFFFFFF80, s3  }
0x17d: {  	s21 =	sand.u32 $0xFFFFFF80, s4;
	s2 =	ssub.s32 s19, s2;
	p5 =	sne.s32 s31, s26  }
0x17e: {  	s6 =	simm.s32 $0x1;
	p3 =	sne.s32 s25, s21;
	p6 =	por !p4, !p5  }
0x17f: {  	(v2sf) =	vpush @!p0 v26, $0xC;
	s4 =	sshrl.u32 s4, $0x7;
	p1 =	por !p2, !p3;
	p2 =	por !p6, !p6  }
0x180: {  	s3 =	sshrl.u32 s3, $0x7;
	p1 =	por !p1, !p1;
	s6 =	simm.s32 @!p2 $0x0  }
0x181: {  	s2 =	sand.u32 $0xFFFF, s2;
	s7 =	simm.s32 @!p1 $0x0;
	s3 =	ssub.s32 s3, s6  }
0x182: {  	s4 =	ssub.s32 s4, s7;
	s7 =	sadd.s32 $0x1, s2;
	s3 =	sshll.u32 s3, $0x7  }
0x183: {  	(v2sf) =	vpush @!p0 v27, $0xC;
	s5 =	sshll.u32 s4, $0x7;
	s6 =	sshll.u32 s2, $0xC;
	s3 =	sand.u32 $0x1FFFFF80, s3  }
0x184: {  	[tilespmem:v29+s16+$0x0] =	vst.idx.msk @!p0 $0xffff, v28;
	s4 =	sadd.s32 $0xB, s2;
	s19 =	sor.u32 $0x400, s6;
	s3 =	sadd.s32 s1, s3  }
0x185: {  	[tilespmem:s19], [sflag:s7] =	stream.strided.gather [hbm4b:s3+s13], $0x1000, s14, s13, $0x38;
	[tilespmem:$0x1C400] =	vst v63  }
0x186: {  	s2 =	sadd.s32 @!p0 $0xFFFFFFFC, s11;
	[smem:$0x7ED] =	sst s19;
	s3 =	sand.u32 $0x1FFFFF80, s5  }
0x187: {  	s19 =	sadd.s32 $0xA400, s6;
	s0 =	sadd.s32 s12, s3;
	s3 =	simm.s32 $0xC3800  }
0x188: {  	[tilespmem:s19], [sflag:s4] =	stream.strided.gather [hbm4b:s0+s13], $0x1000, s3, s13, $0x38;
	[tilespmem:$0x1C400] =	vst v63  }
0x189: {  	s3 =	smul.u32 @!p0 $0x6667, s2;
	_ =	sdelay $0x1  }
0x18a: {  	s6 =	sshrl.u32 @!p0 s3, $0x1F;
	s3 =	sshra.s32 @!p0 s3, $0x12  }
0x18b: {  	s3 =	sadd.s32 @!p0 s6, s3  }
0x18c: {  	s3 =	smul.u32 @!p0 $0xA, s3  }
0x18d: {  	s6 =	spop @!p0 (v2sf)  }
0x18e: {  	[smem:$0x7EE] =	sst s19;
	s19 =	sshra.s32 @!p0 s6, $0x1F;
	s3 =	ssub.s32 @!p0 s2, s3  }
0x18f: {  	s19 =	sshrl.u32 @!p0 s19, $0x19;
	s3 =	sshll.u32 @!p0 s3, $0x10  }
0x190: {  	s19 =	sadd.s32 @!p0 s19, s6;
	s3 =	sshra.s32 @!p0 s3, $0x10  }
0x191: {  	s5 =	spop @!p0 (v2sf);
	s19 =	sand.u32 @!p0 $0xFFFFFF80, s19;
	s0 =	sadd.s32 @!p0 $0x1, s3  }
0x192: {  	s6 =	ssub.s32 @!p0 s6, s19;
	_ =	swait.ge @!p0 [sflag:s0], $0x1000  }
0x193: {  	v28 =	vadd.s32 @!p0 s6, v0;
	[sflag:s0] =	ssyncset.done @!p0 $0x0  }
0x194: {  	v29 =	vmov @!p0 s2;
	s19 =	sshra.s32 @!p0 s5, $0x1F;
	[sflag:s0] =	ssyncadd.s32 @!p0 $0xFFFFF000;
	s0 =	sadd.s32 @!p0 $0xB, s3  }
0x195: {  	v30 =	vshll.u32 @!p0 v29, $0x3;
	s2 =	sshrl.u32 @!p0 s19, $0x19;
	_ =	swait.ge @!p0 [sflag:s0], $0x1000  }
0x196: {  	v29 =	vand.u32 @!p0 $0x7C, v29;
	v30 =	vand.u32 @!p0 $0xFFFFFC00, v30;
	s2 =	sadd.s32 @!p0 s2, s5;
	s3 =	sshll.u32 @!p0 s3, $0xC;
	[sflag:s0] =	ssyncset.done @!p0 $0x0  }
0x197: {  	v29 =	vor.u32 @!p0 v29, v30;
	s19 =	sor.u32 @!p0 $0x400, s3;
	[sflag:s0] =	ssyncadd.s32 @!p0 $0xFFFFF000;
	s0 =	sand.u32 @!p0 $0xFFFFFF80, s2  }
0x198: {  	v30 =	vadd.s32 @!p0 v1, v29;
	s0 =	ssub.s32 @!p0 s5, s0;
	v28 =	vld.idx.msk @!p0 [tilespmem:v28+s19+$0x0], $0xffff  }
0x199: {  	v31 =	vadd.s32 @!p0 s0, v0;
	_ =	sdelay $0x1  }
0x19a: {  	(v2sf) =	vpush v25, $0x6  }
0x19b: {  	(v2sf) =	vpush v24, $0x6  }
0x19c: {  	[tilespmem:v30+s15+$0x0] =	vst.idx.msk @!p0 $0xffff, v28  }
0x19d: {  	v28 =	vld.idx.msk @!p0 [tilespmem:v31+s3+$0xA400], $0xffff  }
0x19e: {  	v31 =	vadd.s32 @!p0 s6, v2;
	_ =	sdelay $0x3  }
0x19f: {  	[tilespmem:v30+s16+$0x0] =	vst.idx.msk @!p0 $0xffff, v28  }
0x1a0: {  	v29 =	vadd.s32 @!p0 v3, v29;
	v30 =	vadd.s32 @!p0 s0, v2;
	s0 =	sor.u32 $0x6, s11;
	v28 =	vld.idx.msk @!p0 [tilespmem:v31+s19+$0x0], $0xffff  }
0x1a1: {  	s5 =	sand.u32 $0xFFFF, s0  }
0x1a2: {  	s2 =	smul.u32 $0xCCCD, s5;
	_ =	sdelay $0x1  }
0x1a3: {  	s2 =	sshrl.u32 s2, $0x13  }
0x1a4: {  	s2 =	smul.u32 $0xA, s2;
	[tilespmem:v29+s15+$0x0] =	vst.idx.msk @!p0 $0xffff, v28  }
0x1a5: {  	v28 =	vld.idx.msk @!p0 [tilespmem:v30+s3+$0xA400], $0xffff;
	s3 =	spop (v2sf)  }
0x1a6: {  	s0 =	ssub.s32 s0, s2;
	s5 =	spop (v2sf);
	p2 =	slt.s32 s3, $0x1  }
0x1a7: {  	s6 =	sand.u32 $0x7F, s3;
	s0 =	sand.u32 $0xFFFF, s0;
	s19 =	sand.u32 $0x7F, s5  }
0x1a8: {  	p3 =	sne.s32 s6, $0x0;
	p4 =	slt.s32 s5, $0x1;
	s6 =	sshra.s32 s3, $0x1F  }
0x1a9: {  	p5 =	sne.s32 s19, $0x0;
	p1 =	por !p2, !p3;
	s19 =	sshra.s32 s5, $0x1F  }
0x1aa: {  	s2 =	sshrl.u32 s6, $0x19;
	p6 =	por !p4, !p5;
	s6 =	sshrl.u32 s19, $0x19  }
0x1ab: {  	s2 =	sadd.s32 s2, s3;
	p1 =	por !p1, !p1;
	s5 =	sadd.s32 s6, s5  }
0x1ac: {  	(v2sf) =	vpush @!p0 v26, $0xD;
	p2 =	por !p6, !p6;
	s6 =	simm.s32 $0x1;
	s2 =	sshrl.u32 s2, $0x7  }
0x1ad: {  	s19 =	sshrl.u32 s5, $0x7;
	s6 =	simm.s32 @!p2 $0x0;
	s5 =	simm.s32 $0x1  }
0x1ae: {  	s3 =	ssub.s32 s19, s6;
	s5 =	simm.s32 @!p1 $0x0;
	s19 =	sadd.s32 $0x1, s0  }
0x1af: {  	s3 =	sshll.u32 s3, $0x7;
	s2 =	ssub.s32 s2, s5;
	s5 =	sshll.u32 s0, $0xC  }
0x1b0: {  	(v2sf) =	vpush @!p0 v27, $0xD;
	s0 =	sadd.s32 $0xB, s0;
	s3 =	sand.u32 $0x1FFFFF80, s3;
	s2 =	sshll.u32 s2, $0x7  }
0x1b1: {  	[tilespmem:v29+s16+$0x0] =	vst.idx.msk @!p0 $0xffff, v28;
	s6 =	sor.u32 $0x400, s5;
	s3 =	sadd.s32 s1, s3;
	s2 =	sand.u32 $0x1FFFFF80, s2  }
0x1b2: {  	[tilespmem:s6], [sflag:s19] =	stream.strided.gather [hbm4b:s3+s13], $0x1000, s14, s13, $0x38;
	[tilespmem:$0x1C400] =	vst v63  }
0x1b3: {  	s6 =	sadd.s32 $0xA400, s5;
	s2 =	sadd.s32 s12, s2;
	s19 =	simm.s32 $0xC3800  }
0x1b4: {  	[tilespmem:s6], [sflag:s0] =	stream.strided.gather [hbm4b:s2+s13], $0x1000, s19, s13, $0x38;
	[tilespmem:$0x1C400] =	vst v63  }
0x1b5: {  	s0 =	sadd.s32 @!p0 $0xFFFFFFFD, s11  }
0x1b6: {  	s2 =	smul.u32 @!p0 $0x6667, s0;
	_ =	sdelay $0x1  }
0x1b7: {  	s3 =	sshrl.u32 @!p0 s2, $0x1F;
	s2 =	sshra.s32 @!p0 s2, $0x12  }
0x1b8: {  	s2 =	sadd.s32 @!p0 s3, s2  }
0x1b9: {  	s2 =	smul.u32 @!p0 $0xA, s2  }
0x1ba: {  	s3 =	spop @!p0 (v2sf)  }
0x1bb: {  	s5 =	sshra.s32 @!p0 s3, $0x1F;
	s2 =	ssub.s32 @!p0 s0, s2  }
0x1bc: {  	s5 =	sshrl.u32 @!p0 s5, $0x19;
	s2 =	sshll.u32 @!p0 s2, $0x10  }
0x1bd: {  	s5 =	sadd.s32 @!p0 s5, s3;
	s2 =	sshra.s32 @!p0 s2, $0x10  }
0x1be: {  	s6 =	spop @!p0 (v2sf);
	s5 =	sand.u32 @!p0 $0xFFFFFF80, s5;
	s19 =	sadd.s32 @!p0 $0x1, s2  }
0x1bf: {  	s3 =	ssub.s32 @!p0 s3, s5;
	_ =	swait.ge @!p0 [sflag:s19], $0x1000  }
0x1c0: {  	v28 =	vadd.s32 @!p0 s3, v0;
	[sflag:s19] =	ssyncset.done @!p0 $0x0  }
0x1c1: {  	v29 =	vmov @!p0 s0;
	s5 =	sadd.s32 @!p0 $0xB, s2;
	[sflag:s19] =	ssyncadd.s32 @!p0 $0xFFFFF000;
	s19 =	sshra.s32 @!p0 s6, $0x1F  }
0x1c2: {  	v30 =	vshll.u32 @!p0 v29, $0x3;
	_ =	swait.ge @!p0 [sflag:s5], $0x1000;
	s0 =	sshrl.u32 @!p0 s19, $0x19  }
0x1c3: {  	v29 =	vand.u32 @!p0 $0x7D, v29;
	v30 =	vand.u32 @!p0 $0xFFFFFC00, v30;
	s2 =	sshll.u32 @!p0 s2, $0xC;
	[sflag:s5] =	ssyncset.done @!p0 $0x0;
	s0 =	sadd.s32 @!p0 s0, s6  }
0x1c4: {  	v29 =	vor.u32 @!p0 v29, v30;
	s19 =	sor.u32 @!p0 $0x400, s2;
	[sflag:s5] =	ssyncadd.s32 @!p0 $0xFFFFF000;
	s0 =	sand.u32 @!p0 $0xFFFFFF80, s0  }
0x1c5: {  	v30 =	vadd.s32 @!p0 v1, v29;
	s0 =	ssub.s32 @!p0 s6, s0;
	v28 =	vld.idx.msk @!p0 [tilespmem:v28+s19+$0x0], $0xffff  }
0x1c6: {  	v31 =	vadd.s32 @!p0 s0, v0  }
0x1c7: {  	(v2sf) =	vpush v25, $0x7;
	_ =	sdelay $0x1  }
0x1c8: {  	(v2sf) =	vpush v24, $0x7  }
0x1c9: {  	[tilespmem:v30+s15+$0x0] =	vst.idx.msk @!p0 $0xffff, v28  }
0x1ca: {  	v28 =	vld.idx.msk @!p0 [tilespmem:v31+s2+$0xA400], $0xffff  }
0x1cb: {  	v31 =	vadd.s32 @!p0 s3, v2;
	_ =	sdelay $0x3  }
0x1cc: {  	[tilespmem:v30+s16+$0x0] =	vst.idx.msk @!p0 $0xffff, v28  }
0x1cd: {  	v29 =	vadd.s32 @!p0 v3, v29;
	v28 =	vld.idx.msk @!p0 [tilespmem:v31+s19+$0x0], $0xffff  }
0x1ce: {  	v30 =	vadd.s32 @!p0 s0, v2;
	_ =	sdelay $0x2  }
0x1cf: {  	s0 =	sor.u32 $0x7, s11  }
0x1d0: {  	s5 =	sand.u32 $0xFFFF, s0;
	s3 =	spop (v2sf);
	[tilespmem:v29+s15+$0x0] =	vst.idx.msk @!p0 $0xffff, v28  }
0x1d1: {  	p2 =	slt.s32 s3, $0x1;
	s6 =	sand.u32 $0x7F, s3;
	v28 =	vld.idx.msk @!p0 [tilespmem:v30+s2+$0xA400], $0xffff;
	s2 =	smul.u32 $0xCCCD, s5  }
0x1d2: {  	p3 =	sne.s32 s6, $0x0;
	s6 =	sshra.s32 s3, $0x1F;
	s5 =	spop (v2sf)  }
0x1d3: {  	p1 =	por !p2, !p3;
	s19 =	sand.u32 $0x7F, s5;
	s2 =	sshrl.u32 s2, $0x13  }
0x1d4: {  	p4 =	slt.s32 s5, $0x1;
	p5 =	sne.s32 s19, $0x0;
	s2 =	smul.u32 $0xA, s2  }
0x1d5: {  	p1 =	por !p1, !p1;
	s19 =	sshra.s32 s5, $0x1F;
	p6 =	por !p4, !p5  }
0x1d6: {  	s0 =	ssub.s32 s0, s2;
	s2 =	sshrl.u32 s6, $0x19;
	s6 =	sshrl.u32 s19, $0x19  }
0x1d7: {  	p2 =	por !p6, !p6;
	s0 =	sand.u32 $0xFFFF, s0;
	s5 =	sadd.s32 s6, s5  }
0x1d8: {  	(v2sf) =	vpush @!p0 v26, $0xE;
	s6 =	simm.s32 $0x1;
	s2 =	sadd.s32 s2, s3;
	s19 =	sshrl.u32 s5, $0x7  }
0x1d9: {  	s6 =	simm.s32 @!p2 $0x0;
	s5 =	simm.s32 $0x1;
	s2 =	sshrl.u32 s2, $0x7  }
0x1da: {  	s3 =	ssub.s32 s19, s6;
	s5 =	simm.s32 @!p1 $0x0;
	s19 =	sadd.s32 $0x1, s0  }
0x1db: {  	s3 =	sshll.u32 s3, $0x7;
	s2 =	ssub.s32 s2, s5;
	s5 =	sshll.u32 s0, $0xC  }
0x1dc: {  	(v2sf) =	vpush @!p0 v27, $0xE;
	s0 =	sadd.s32 $0xB, s0;
	s3 =	sand.u32 $0x1FFFFF80, s3;
	s2 =	sshll.u32 s2, $0x7  }
0x1dd: {  	[tilespmem:v29+s16+$0x0] =	vst.idx.msk @!p0 $0xffff, v28;
	s6 =	sor.u32 $0x400, s5;
	s3 =	sadd.s32 s1, s3;
	s2 =	sand.u32 $0x1FFFFF80, s2  }
0x1de: {  	[tilespmem:s6], [sflag:s19] =	stream.strided.gather [hbm4b:s3+s13], $0x1000, s14, s13, $0x38;
	[tilespmem:$0x1C400] =	vst v63  }
0x1df: {  	s5 =	sadd.s32 $0xA400, s5;
	s2 =	sadd.s32 s12, s2;
	s6 =	simm.s32 $0xC3800  }
0x1e0: {  	[tilespmem:s5], [sflag:s0] =	stream.strided.gather [hbm4b:s2+s13], $0x1000, s6, s13, $0x38;
	[tilespmem:$0x1C400] =	vst v63  }
0x1e1: {  	s0 =	sadd.s32 @!p0 $0xFFFFFFFE, s11  }
0x1e2: {  	s2 =	smul.u32 @!p0 $0x6667, s0;
	_ =	sdelay $0x1  }
0x1e3: {  	s3 =	sshrl.u32 @!p0 s2, $0x1F;
	s2 =	sshra.s32 @!p0 s2, $0x12  }
0x1e4: {  	s2 =	sadd.s32 @!p0 s3, s2  }
0x1e5: {  	s2 =	smul.u32 @!p0 $0xA, s2  }
0x1e6: {  	s3 =	spop @!p0 (v2sf)  }
0x1e7: {  	s5 =	sshra.s32 @!p0 s3, $0x1F;
	s2 =	ssub.s32 @!p0 s0, s2  }
0x1e8: {  	s5 =	sshrl.u32 @!p0 s5, $0x19;
	s2 =	sshll.u32 @!p0 s2, $0x10  }
0x1e9: {  	s5 =	sadd.s32 @!p0 s5, s3;
	s2 =	sshra.s32 @!p0 s2, $0x10  }
0x1ea: {  	s6 =	spop @!p0 (v2sf);
	s5 =	sand.u32 @!p0 $0xFFFFFF80, s5;
	s19 =	sadd.s32 @!p0 $0x1, s2  }
0x1eb: {  	s3 =	ssub.s32 @!p0 s3, s5;
	_ =	swait.ge @!p0 [sflag:s19], $0x1000  }
0x1ec: {  	v28 =	vadd.s32 @!p0 s3, v0;
	[sflag:s19] =	ssyncset.done @!p0 $0x0  }
0x1ed: {  	v29 =	vmov @!p0 s0;
	s5 =	sadd.s32 @!p0 $0xB, s2;
	[sflag:s19] =	ssyncadd.s32 @!p0 $0xFFFFF000;
	s19 =	sshra.s32 @!p0 s6, $0x1F  }
0x1ee: {  	v30 =	vshll.u32 @!p0 v29, $0x3;
	_ =	swait.ge @!p0 [sflag:s5], $0x1000;
	s0 =	sshrl.u32 @!p0 s19, $0x19  }
0x1ef: {  	v29 =	vand.u32 @!p0 $0x7E, v29;
	v30 =	vand.u32 @!p0 $0xFFFFFC00, v30;
	s2 =	sshll.u32 @!p0 s2, $0xC;
	[sflag:s5] =	ssyncset.done @!p0 $0x0;
	s0 =	sadd.s32 @!p0 s0, s6  }
0x1f0: {  	v29 =	vor.u32 @!p0 v29, v30;
	s19 =	sor.u32 @!p0 $0x400, s2;
	[sflag:s5] =	ssyncadd.s32 @!p0 $0xFFFFF000;
	s0 =	sand.u32 @!p0 $0xFFFFFF80, s0  }
0x1f1: {  	v30 =	vadd.s32 @!p0 v1, v29;
	s0 =	ssub.s32 @!p0 s6, s0;
	v28 =	vld.idx.msk @!p0 [tilespmem:v28+s19+$0x0], $0xffff  }
0x1f2: {  	v31 =	vadd.s32 @!p0 s0, v0;
	_ =	sdelay $0x1  }
0x1f3: {  	(v2sf) =	vpush v25, $0x8  }
0x1f4: {  	(v2sf) =	vpush v24, $0x8  }
0x1f5: {  	[tilespmem:v30+s15+$0x0] =	vst.idx.msk @!p0 $0xffff, v28  }
0x1f6: {  	v28 =	vld.idx.msk @!p0 [tilespmem:v31+s2+$0xA400], $0xffff  }
0x1f7: {  	v31 =	vadd.s32 @!p0 s3, v2;
	_ =	sdelay $0x3  }
0x1f8: {  	[tilespmem:v30+s16+$0x0] =	vst.idx.msk @!p0 $0xffff, v28  }
0x1f9: {  	v29 =	vadd.s32 @!p0 v3, v29;
	v28 =	vld.idx.msk @!p0 [tilespmem:v31+s19+$0x0], $0xffff  }
0x1fa: {  	v30 =	vadd.s32 @!p0 s0, v2;
	_ =	sdelay $0x3  }
0x1fb: {  	[tilespmem:v29+s15+$0x0] =	vst.idx.msk @!p0 $0xffff, v28  }
0x1fc: {  	s0 =	spop (v2sf);
	v28 =	vld.idx.msk @!p0 [tilespmem:v30+s2+$0xA400], $0xffff;
	s2 =	sor.u32 $0x8, s11  }
0x1fd: {  	s5 =	spop (v2sf);
	s19 =	sand.u32 $0xFFFF, s2  }
0x1fe: {  	s6 =	sshra.s32 s5, $0x1F;
	s3 =	smul.u32 $0xCCCD, s19;
	s19 =	sand.u32 $0x7F, s5  }
0x1ff: {  	p4 =	slt.s32 s5, $0x1;
	s6 =	sshrl.u32 s6, $0x19;
	p3 =	sne.s32 s19, $0x0  }
0x200: {  	s5 =	sadd.s32 s6, s5;
	s3 =	sshrl.u32 s3, $0x13;
	p1 =	por !p4, !p3  }
0x201: {  	s6 =	simm.s32 $0x1;
	s3 =	smul.u32 $0xA, s3;
	p1 =	por !p1, !p1  }
0x202: {  	s5 =	sshrl.u32 s5, $0x7;
	s6 =	simm.s32 @!p1 $0x0  }
0x203: {  	s2 =	ssub.s32 s2, s3;
	s6 =	ssub.s32 s5, s6  }
0x204: {  	s2 =	sand.u32 $0xFFFF, s2;
	s3 =	sshll.u32 s6, $0x7  }
0x205: {  	s3 =	sand.u32 $0x1FFFFF80, s3;
	s5 =	sshll.u32 s2, $0xC  }
0x206: {  	[tilespmem:v29+s16+$0x0] =	vst.idx.msk @!p0 $0xffff, v28;
	s19 =	sadd.s32 $0x1, s2;
	s3 =	sadd.s32 s1, s3;
	s6 =	sor.u32 $0x400, s5  }
0x207: {  	[tilespmem:s6], [sflag:s19] =	stream.strided.gather [hbm4b:s3+s13], $0x1000, s14, s13, $0x38;
	[tilespmem:$0x1C400] =	vst v63  }
0x208: {  	s14 =	sand.u32 $0x7F, s0  }
0x209: {  	p6 =	slt.s32 s0, $0x1;
	s19 =	sshra.s32 s0, $0x1F;
	p5 =	sne.s32 s14, $0x0  }
0x20a: {  	s3 =	sshrl.u32 s19, $0x19;
	p1 =	por !p6, !p5  }
0x20b: {  	s0 =	sadd.s32 s3, s0;
	s3 =	simm.s32 $0x1;
	p1 =	por !p1, !p1  }
0x20c: {  	s0 =	sshrl.u32 s0, $0x7;
	s3 =	simm.s32 @!p1 $0x0  }
0x20d: {  	s0 =	ssub.s32 s0, s3  }
0x20e: {  	s0 =	sshll.u32 s0, $0x7  }
0x20f: {  	s2 =	sadd.s32 $0xB, s2;
	s0 =	sand.u32 $0x1FFFFF80, s0  }
0x210: {  	s6 =	sadd.s32 $0xA400, s5;
	s14 =	simm.s32 $0xC3800;
	s0 =	sadd.s32 s12, s0  }
0x211: {  	[tilespmem:s6], [sflag:s2] =	stream.strided.gather [hbm4b:s0+s13], $0x1000, s14, s13, $0x38;
	[tilespmem:$0x1C400] =	vst v63  }
0x212: {  	(v2sf) =	vpush @!p0 v26, $0xF;
	s3 =	sld [smem:$0x7FD];
	s0 =	sor.u32 $0x9, s11  }
0x213: {  	s6 =	sld [smem:$0x7FC];
	s19 =	sand.u32 $0xFFFF, s0  }
0x214: {  	s5 =	smul.u32 $0xCCCD, s19;
	s19 =	sld [smem:$0x7FB]  }
0x215: {  	s3 =	ssub.s32 s29, s3;
	s29 =	sld [smem:$0x7FA]  }
0x216: {  	(v2sf) =	vpush @!p0 v27, $0xF;
	s2 =	ssub.s32 s10, s6;
	s10 =	sld [smem:$0x7F9]  }
0x217: {  	s5 =	sshrl.u32 s5, $0x13;
	s6 =	ssub.s32 s9, s19;
	s9 =	sld [smem:$0x7F5]  }
0x218: {  	s5 =	smul.u32 $0xA, s5  }
0x219: {  	s19 =	ssub.s32 s24, s29;
	s29 =	ssub.s32 s8, s10  }
0x21a: {  	s10 =	sld [smem:$0x7F4];
	s0 =	ssub.s32 s0, s5;
	s20 =	ssub.s32 s20, s9  }
0x21b: {  	s9 =	ssub.s32 s17, s30;
	s17 =	sand.u32 $0xFFFF, s0;
	s0 =	sadd.s32 @!p0 $0xFFFFFFFF, s11  }
0x21c: {  	s5 =	ssub.s32 s25, s21;
	s21 =	smul.u32 @!p0 $0x6667, s0  }
0x21d: {  	s18 =	ssub.s32 s18, s10  }
0x21e: {  	s10 =	ssub.s32 s23, s22;
	s22 =	sshrl.u32 @!p0 s21, $0x1F;
	s21 =	sshra.s32 @!p0 s21, $0x12  }
0x21f: {  	s21 =	sadd.s32 @!p0 s22, s21  }
0x220: {  	s21 =	smul.u32 @!p0 $0xA, s21  }
0x221: {  	s22 =	spop @!p0 (v2sf)  }
0x222: {  	s23 =	sshra.s32 @!p0 s22, $0x1F;
	s21 =	ssub.s32 @!p0 s0, s21  }
0x223: {  	s23 =	sshrl.u32 @!p0 s23, $0x19;
	s21 =	sshll.u32 @!p0 s21, $0x10  }
0x224: {  	s8 =	ssub.s32 s31, s26;
	s23 =	sadd.s32 @!p0 s23, s22;
	s21 =	sshra.s32 @!p0 s21, $0x10  }
0x225: {  	s25 =	spop @!p0 (v2sf);
	s23 =	sand.u32 @!p0 $0xFFFFFF80, s23;
	s26 =	sadd.s32 @!p0 $0x1, s21  }
0x226: {  	s24 =	sld [smem:$0x7F8];
	s22 =	ssub.s32 @!p0 s22, s23;
	_ =	swait.ge @!p0 [sflag:s26], $0x1000  }
0x227: {  	v26 =	vadd.s32 @!p0 s22, v0;
	[sflag:s26] =	ssyncset.done @!p0 $0x0  }
0x228: {  	v27 =	vmov @!p0 s0;
	s23 =	sadd.s32 @!p0 $0xB, s21;
	[sflag:s26] =	ssyncadd.s32 @!p0 $0xFFFFF000;
	s26 =	sshra.s32 @!p0 s25, $0x1F  }
0x229: {  	v28 =	vshll.u32 @!p0 v27, $0x3;
	_ =	swait.ge @!p0 [sflag:s23], $0x1000;
	s0 =	sshrl.u32 @!p0 s26, $0x19  }
0x22a: {  	v27 =	vand.u32 @!p0 $0x7F, v27;
	v28 =	vand.u32 @!p0 $0xFFFFFC00, v28;
	s21 =	sshll.u32 @!p0 s21, $0xC;
	[sflag:s23] =	ssyncset.done @!p0 $0x0;
	s0 =	sadd.s32 @!p0 s0, s25  }
0x22b: {  	v27 =	vor.u32 @!p0 v27, v28;
	s26 =	sor.u32 @!p0 $0x400, s21;
	[sflag:s23] =	ssyncadd.s32 @!p0 $0xFFFFF000;
	s0 =	sand.u32 @!p0 $0xFFFFFF80, s0  }
0x22c: {  	v28 =	vadd.s32 @!p0 v1, v27;
	s0 =	ssub.s32 @!p0 s25, s0;
	v26 =	vld.idx.msk @!p0 [tilespmem:v26+s26+$0x0], $0xffff  }
0x22d: {  	v29 =	vadd.s32 @!p0 s0, v0;
	_ =	sdelay $0x2  }
0x22e: {  	(v2sf) =	vpush v25, $0x9  }
0x22f: {  	(v2sf) =	vpush v24, $0x9;
	[tilespmem:v28+s15+$0x0] =	vst.idx.msk @!p0 $0xffff, v26  }
0x230: {  	v26 =	vld.idx.msk @!p0 [tilespmem:v29+s21+$0xA400], $0xffff  }
0x231: {  	v29 =	vadd.s32 @!p0 s22, v2;
	_ =	sdelay $0x3  }
0x232: {  	[tilespmem:v28+s16+$0x0] =	vst.idx.msk @!p0 $0xffff, v26  }
0x233: {  	v27 =	vadd.s32 @!p0 v3, v27;
	v26 =	vld.idx.msk @!p0 [tilespmem:v29+s26+$0x0], $0xffff  }
0x234: {  	v28 =	vadd.s32 @!p0 s0, v2;
	_ =	sdelay $0x3  }
0x235: {  	[tilespmem:v27+s15+$0x0] =	vst.idx.msk @!p0 $0xffff, v26  }
0x236: {  	v26 =	vld.idx.msk @!p0 [tilespmem:v28+s21+$0xA400], $0xffff  }
0x237: {  	s0 =	spop (v2sf)  }
0x238: {  	s25 =	spop (v2sf)  }
0x239: {  	s24 =	ssub.s32 s28, s24;
	s26 =	sand.u32 $0x7F, s25  }
0x23a: {  	p4 =	slt.s32 s25, $0x1;
	s28 =	sshra.s32 s25, $0x1F;
	p3 =	sne.s32 s26, $0x0  }
0x23b: {  	s22 =	sshrl.u32 s28, $0x19;
	[tilespmem:v27+s16+$0x0] =	vst.idx.msk @!p0 $0xffff, v26;
	p0 =	por !p4, !p3  }
0x23c: {  	s21 =	sadd.s32 s22, s25;
	s22 =	simm.s32 $0x1;
	p0 =	por !p0, !p0  }
0x23d: {  	s31 =	simm.s32 $0x7A1400;
	s21 =	sshrl.u32 s21, $0x7;
	s22 =	simm.s32 @!p0 $0x0  }
0x23e: {  	p6 =	slt.s32 s0, $0x1;
	s26 =	smov.u32 s1;
	s21 =	ssub.s32 s21, s22  }
0x23f: {  	s28 =	sshra.s32 s0, $0x1F;
	s25 =	sand.u32 $0x7F, s0;
	s21 =	sshll.u32 s21, $0x7  }
0x240: {  	p5 =	sne.s32 s25, $0x0;
	s22 =	sshll.u32 s17, $0xC;
	s21 =	sand.u32 $0x1FFFFF80, s21  }
0x241: {  	s30 =	sor.u32 $0x400, s22;
	s21 =	sadd.s32 s1, s21;
	s1 =	sadd.s32 $0x1, s17  }
0x242: {  	[tilespmem:s30], [sflag:s1] =	stream.strided.gather [hbm4b:s21+s13], $0x1000, s31, s13, $0x38;
	[tilespmem:$0x1C400] =	vst v63  }
0x243: {  	p0 =	por !p6, !p5;
	s21 =	sshrl.u32 s28, $0x19  }
0x244: {  	p0 =	por !p0, !p0;
	s0 =	sadd.s32 s21, s0;
	s21 =	simm.s32 $0x1  }
0x245: {  	s0 =	sshrl.u32 s0, $0x7;
	s21 =	simm.s32 @!p0 $0x0  }
0x246: {  	s0 =	ssub.s32 s0, s21  }
0x247: {  	s0 =	sshll.u32 s0, $0x7  }
0x248: {  	s17 =	sadd.s32 $0xB, s17;
	s0 =	sand.u32 $0x1FFFFF80, s0  }
0x249: {  	s30 =	sadd.s32 $0xA400, s22;
	s1 =	rddreg [dreg:$0x13];
	s0 =	sadd.s32 s12, s0  }
0x24a: {  	[tilespmem:s30], [sflag:s17] =	stream.strided.gather [hbm4b:s0+s13], $0x1000, s14, s13, $0x38;
	[tilespmem:$0x1C400] =	vst v63  }
0x24b: {  	_ =	swait.ge [sflag:s1], $0x1000  }
0x24c: {  	v57 =	vadd.s32 s3, v0;
	[sflag:s1] =	ssyncset.done $0x0  }
0x24d: {  	v58 =	vmov s11;
	s17 =	rddreg [dreg:$0x12];
	[sflag:s1] =	ssyncadd.s32 $0xFFFFF000  }
0x24e: {  	v59 =	vshll.u32 v58, $0x3;
	_ =	swait.ge [sflag:s17], $0x1000  }
0x24f: {  	v28 =	vand.u32 $0xC00, v59;
	v27 =	vand.u32 $0x70, v58;
	[sflag:s17] =	ssyncset.done $0x0;
	(v2sf) =	vpush v25, $0xA  }
0x250: {  	v27 =	vor.u32 v27, v28;
	s21 =	rddreg [dreg:$0x10];
	[sflag:s17] =	ssyncadd.s32 $0xFFFFF000;
	(v2sf) =	vpush v24, $0xA  }
0x251: {  	v28 =	vor.u32 v1, v27;
	v26 =	vld.idx.msk [tilespmem:v57+s21+$0x0], $0xffff  }
0x252: {  	v60 =	vadd.s32 s2, v0;
	_ =	sdelay $0x3  }
0x253: {  	s1 =	rddreg [dreg:$0xf];
	[tilespmem:v28+s15+$0x0] =	vst.idx.msk $0xffff, v26  }
0x254: {  	v26 =	vld.idx.msk [tilespmem:v60+s1+$0x0], $0xffff  }
0x255: {  	v61 =	vadd.s32 s3, v2;
	_ =	sdelay $0x3  }
0x256: {  	v62 =	vadd.s32 s2, v2;
	s2 =	sor.u32 $0xA, s11;
	[tilespmem:v28+s16+$0x0] =	vst.idx.msk $0xffff, v26  }
0x257: {  	v27 =	vor.u32 v3, v27;
	s22 =	sand.u32 $0xFFFF, s2;
	v26 =	vld.idx.msk [tilespmem:v61+s21+$0x0], $0xffff  }
0x258: {  	s3 =	smul.u32 $0xCCCD, s22;
	s0 =	spop (v2sf)  }
0x259: {  	s23 =	spop (v2sf)  }
0x25a: {  	s3 =	sshrl.u32 s3, $0x13;
	s30 =	sand.u32 $0x7F, s23  }
0x25b: {  	s28 =	sshra.s32 s23, $0x1F;
	p2 =	slt.s32 s23, $0x1;
	p1 =	sne.s32 s30, $0x0  }
0x25c: {  	s3 =	smul.u32 $0xA, s3;
	s21 =	sshrl.u32 s28, $0x19;
	[tilespmem:v27+s15+$0x0] =	vst.idx.msk $0xffff, v26;
	p0 =	por !p2, !p1  }
0x25d: {  	s17 =	sadd.s32 s21, s23;
	s21 =	simm.s32 $0x1;
	v26 =	vld.idx.msk [tilespmem:v62+s1+$0x0], $0xffff;
	p0 =	por !p0, !p0  }
0x25e: {  	s2 =	ssub.s32 s2, s3;
	s17 =	sshrl.u32 s17, $0x7;
	s21 =	simm.s32 @!p0 $0x0  }
0x25f: {  	s2 =	sand.u32 $0xFFFF, s2;
	p4 =	slt.s32 s0, $0x1;
	s22 =	ssub.s32 s17, s21  }
0x260: {  	s30 =	sadd.s32 $0x1, s2;
	s23 =	sshll.u32 s2, $0xC;
	s3 =	sshll.u32 s22, $0x7  }
0x261: {  	s28 =	sor.u32 $0x400, s23;
	s1 =	sand.u32 $0x7F, s0;
	s3 =	sand.u32 $0x1FFFFF80, s3  }
0x262: {  	p3 =	sne.s32 s1, $0x0;
	s21 =	sshra.s32 s0, $0x1F;
	[tilespmem:v27+s16+$0x0] =	vst.idx.msk $0xffff, v26;
	s3 =	sadd.s32 s26, s3  }
0x263: {  	[tilespmem:s28], [sflag:s30] =	stream.strided.gather [hbm4b:s3+s13], $0x1000, s31, s13, $0x38;
	[tilespmem:$0x1C400] =	vst v63  }
0x264: {  	p0 =	por !p4, !p3;
	s3 =	sshrl.u32 s21, $0x19  }
0x265: {  	p0 =	por !p0, !p0;
	s0 =	sadd.s32 s3, s0;
	s3 =	simm.s32 $0x1  }
0x266: {  	s0 =	sshrl.u32 s0, $0x7;
	s3 =	simm.s32 @!p0 $0x0  }
0x267: {  	s0 =	ssub.s32 s0, s3  }
0x268: {  	s0 =	sshll.u32 s0, $0x7  }
0x269: {  	s2 =	sadd.s32 $0xB, s2;
	s0 =	sand.u32 $0x1FFFFF80, s0  }
0x26a: {  	s22 =	sadd.s32 $0xA400, s23;
	s23 =	rddreg [dreg:$0x18];
	s0 =	sadd.s32 s12, s0  }
0x26b: {  	[tilespmem:s22], [sflag:s2] =	stream.strided.gather [hbm4b:s0+s13], $0x1000, s14, s13, $0x38;
	[tilespmem:$0x1C400] =	vst v63  }
0x26c: {  	_ =	swait.ge [sflag:s23], $0x1000  }
0x26d: {  	v63 =	vadd.s32 s6, v0;
	[sflag:s23] =	ssyncset.done $0x0;
	s28 =	rddreg [dreg:$0x11]  }
0x26e: {  	s30 =	rddreg [dreg:$0x17];
	[sflag:s23] =	ssyncadd.s32 $0xFFFFF000;
	v32 =	vmov s28  }
0x26f: {  	_ =	swait.ge [sflag:s30], $0x1000;
	v33 =	vshll.u32 v32, $0x3  }
0x270: {  	v27 =	vand.u32 $0x71, v32;
	[sflag:s30] =	ssyncset.done $0x0;
	v28 =	vand.u32 $0xC00, v33;
	(v2sf) =	vpush v25, $0xB  }
0x271: {  	s1 =	rddreg [dreg:$0x15];
	[sflag:s30] =	ssyncadd.s32 $0xFFFFF000;
	v27 =	vor.u32 v27, v28;
	(v2sf) =	vpush v24, $0xB  }
0x272: {  	v26 =	vld.idx.msk [tilespmem:v63+s1+$0x0], $0xffff;
	v28 =	vor.u32 v1, v27  }
0x273: {  	v34 =	vadd.s32 s19, v0;
	_ =	sdelay $0x3  }
0x274: {  	s2 =	rddreg [dreg:$0x14];
	[tilespmem:v28+s15+$0x0] =	vst.idx.msk $0xffff, v26  }
0x275: {  	v26 =	vld.idx.msk [tilespmem:v34+s2+$0x0], $0xffff  }
0x276: {  	v35 =	vadd.s32 s6, v2;
	_ =	sdelay $0x3  }
0x277: {  	s21 =	sor.u32 $0xB, s11;
	[tilespmem:v28+s16+$0x0] =	vst.idx.msk $0xffff, v26  }
0x278: {  	s22 =	sand.u32 $0xFFFF, s21;
	v27 =	vor.u32 v3, v27;
	v26 =	vld.idx.msk [tilespmem:v35+s1+$0x0], $0xffff  }
0x279: {  	v36 =	vadd.s32 s19, v2;
	s3 =	smul.u32 $0xCCCD, s22;
	s0 =	spop (v2sf)  }
0x27a: {  	s23 =	spop (v2sf)  }
0x27b: {  	s3 =	sshrl.u32 s3, $0x13;
	s30 =	sand.u32 $0x7F, s23  }
0x27c: {  	s28 =	sshra.s32 s23, $0x1F;
	p6 =	slt.s32 s23, $0x1;
	p5 =	sne.s32 s30, $0x0  }
0x27d: {  	s3 =	smul.u32 $0xA, s3;
	s17 =	sshrl.u32 s28, $0x19;
	[tilespmem:v27+s15+$0x0] =	vst.idx.msk $0xffff, v26;
	p0 =	por !p6, !p5  }
0x27e: {  	s6 =	sadd.s32 s17, s23;
	s17 =	simm.s32 $0x1;
	v26 =	vld.idx.msk [tilespmem:v36+s2+$0x0], $0xffff;
	p0 =	por !p0, !p0  }
0x27f: {  	p2 =	slt.s32 s0, $0x1;
	s6 =	sshrl.u32 s6, $0x7;
	s17 =	simm.s32 @!p0 $0x0  }
0x280: {  	s1 =	sshra.s32 s0, $0x1F;
	s2 =	ssub.s32 s21, s3;
	s21 =	ssub.s32 s6, s17  }
0x281: {  	s30 =	sand.u32 $0x7F, s0;
	s2 =	sand.u32 $0xFFFF, s2;
	s3 =	sshll.u32 s21, $0x7  }
0x282: {  	p1 =	sne.s32 s30, $0x0;
	s22 =	sshll.u32 s2, $0xC;
	s3 =	sand.u32 $0x1FFFFF80, s3  }
0x283: {  	s28 =	sadd.s32 $0x1, s2;
	s23 =	sor.u32 $0x400, s22;
	[tilespmem:v27+s16+$0x0] =	vst.idx.msk $0xffff, v26;
	s3 =	sadd.s32 s26, s3  }
0x284: {  	[tilespmem:s23], [sflag:s28] =	stream.strided.gather [hbm4b:s3+s13], $0x1000, s31, s13, $0x38;
	[tilespmem:$0x1C400] =	vst v63  }
0x285: {  	p0 =	por !p2, !p1;
	s3 =	sshrl.u32 s1, $0x19  }
0x286: {  	p0 =	por !p0, !p0;
	s0 =	sadd.s32 s3, s0;
	s3 =	simm.s32 $0x1  }
0x287: {  	s0 =	sshrl.u32 s0, $0x7;
	s3 =	simm.s32 @!p0 $0x0  }
0x288: {  	s0 =	ssub.s32 s0, s3  }
0x289: {  	s0 =	sshll.u32 s0, $0x7  }
0x28a: {  	s2 =	sadd.s32 $0xB, s2;
	s0 =	sand.u32 $0x1FFFFF80, s0  }
0x28b: {  	s17 =	rddreg [dreg:$0x1d];
	s6 =	sadd.s32 $0xA400, s22;
	s0 =	sadd.s32 s12, s0  }
0x28c: {  	[tilespmem:s6], [sflag:s2] =	stream.strided.gather [hbm4b:s0+s13], $0x1000, s14, s13, $0x38;
	[tilespmem:$0x1C400] =	vst v63  }
0x28d: {  	_ =	swait.ge [sflag:s17], $0x1000  }
0x28e: {  	v37 =	vadd.s32 s29, v0;
	[sflag:s17] =	ssyncset.done $0x0;
	s19 =	rddreg [dreg:$0x16]  }
0x28f: {  	s21 =	rddreg [dreg:$0x1c];
	[sflag:s17] =	ssyncadd.s32 $0xFFFFF000;
	v38 =	vmov s19  }
0x290: {  	_ =	swait.ge [sflag:s21], $0x1000;
	v39 =	vshll.u32 v38, $0x3  }
0x291: {  	v27 =	vand.u32 $0x72, v38;
	(v2sf) =	vpush v25, $0xC;
	[sflag:s21] =	ssyncset.done $0x0;
	v28 =	vand.u32 $0xC00, v39  }
0x292: {  	s22 =	rddreg [dreg:$0x1a];
	(v2sf) =	vpush v24, $0xC;
	[sflag:s21] =	ssyncadd.s32 $0xFFFFF000;
	v27 =	vor.u32 v27, v28  }
0x293: {  	v26 =	vld.idx.msk [tilespmem:v37+s22+$0x0], $0xffff;
	v28 =	vor.u32 v1, v27  }
0x294: {  	v40 =	vadd.s32 s24, v0;
	_ =	sdelay $0x3  }
0x295: {  	s23 =	rddreg [dreg:$0x19];
	[tilespmem:v28+s15+$0x0] =	vst.idx.msk $0xffff, v26  }
0x296: {  	v26 =	vld.idx.msk [tilespmem:v40+s23+$0x0], $0xffff  }
0x297: {  	v41 =	vadd.s32 s29, v2;
	_ =	sdelay $0x2  }
0x298: {  	s28 =	sor.u32 $0xC, s11  }
0x299: {  	s29 =	sand.u32 $0xFFFF, s28;
	[tilespmem:v28+s16+$0x0] =	vst.idx.msk $0xffff, v26  }
0x29a: {  	s3 =	smul.u32 $0xCCCD, s29;
	v27 =	vor.u32 v3, v27;
	v26 =	vld.idx.msk [tilespmem:v41+s22+$0x0], $0xffff  }
0x29b: {  	v42 =	vadd.s32 s24, v2;
	s0 =	spop (v2sf)  }
0x29c: {  	s3 =	sshrl.u32 s3, $0x13;
	s30 =	spop (v2sf)  }
0x29d: {  	s3 =	smul.u32 $0xA, s3;
	s19 =	sand.u32 $0x7F, s30  }
0x29e: {  	p4 =	slt.s32 s30, $0x1;
	s21 =	sshra.s32 s30, $0x1F;
	p3 =	sne.s32 s19, $0x0  }
0x29f: {  	s2 =	ssub.s32 s28, s3;
	s17 =	sshrl.u32 s21, $0x19;
	[tilespmem:v27+s15+$0x0] =	vst.idx.msk $0xffff, v26;
	p0 =	por !p4, !p3  }
0x2a0: {  	s6 =	sadd.s32 s17, s30;
	s17 =	simm.s32 $0x1;
	v26 =	vld.idx.msk [tilespmem:v42+s23+$0x0], $0xffff;
	p0 =	por !p0, !p0  }
0x2a1: {  	s2 =	sand.u32 $0xFFFF, s2;
	s6 =	sshrl.u32 s6, $0x7;
	s17 =	simm.s32 @!p0 $0x0  }
0x2a2: {  	s28 =	sadd.s32 $0x1, s2;
	s22 =	ssub.s32 s6, s17  }
0x2a3: {  	s29 =	sand.u32 $0x7F, s0;
	p6 =	slt.s32 s0, $0x1;
	s3 =	sshll.u32 s22, $0x7  }
0x2a4: {  	p5 =	sne.s32 s29, $0x0;
	s23 =	sshll.u32 s2, $0xC;
	s3 =	sand.u32 $0x1FFFFF80, s3  }
0x2a5: {  	s30 =	sshra.s32 s0, $0x1F;
	s24 =	sor.u32 $0x400, s23;
	[tilespmem:v27+s16+$0x0] =	vst.idx.msk $0xffff, v26;
	s3 =	sadd.s32 s26, s3  }
0x2a6: {  	[tilespmem:s24], [sflag:s28] =	stream.strided.gather [hbm4b:s3+s13], $0x1000, s31, s13, $0x38;
	[tilespmem:$0x1C400] =	vst v63  }
0x2a7: {  	p0 =	por !p6, !p5;
	s3 =	sshrl.u32 s30, $0x19  }
0x2a8: {  	p0 =	por !p0, !p0;
	s0 =	sadd.s32 s3, s0;
	s3 =	simm.s32 $0x1  }
0x2a9: {  	s0 =	sshrl.u32 s0, $0x7;
	s3 =	simm.s32 @!p0 $0x0  }
0x2aa: {  	s0 =	ssub.s32 s0, s3  }
0x2ab: {  	s0 =	sshll.u32 s0, $0x7  }
0x2ac: {  	s6 =	sld [smem:$0x7F6];
	s0 =	sand.u32 $0x1FFFFF80, s0  }
0x2ad: {  	s2 =	sadd.s32 $0xB, s2;
	s1 =	sadd.s32 $0xA400, s23;
	s0 =	sadd.s32 s12, s0  }
0x2ae: {  	[tilespmem:s1], [sflag:s2] =	stream.strided.gather [hbm4b:s0+s13], $0x1000, s14, s13, $0x38;
	[tilespmem:$0x1C400] =	vst v63  }
0x2af: {  	_ =	swait.ge [sflag:s6], $0x1000  }
0x2b0: {  	s17 =	sld [smem:$0x7F7]  }
0x2b1: {  	v43 =	vadd.s32 s20, v0;
	s25 =	smov.u32 s12;
	[sflag:s6] =	ssyncset.done $0x0;
	s12 =	rddreg [dreg:$0x1b]  }
0x2b2: {  	[sflag:s6] =	ssyncadd.s32 $0xFFFFF000;
	v44 =	vmov s12  }
0x2b3: {  	v45 =	vshll.u32 v44, $0x3;
	_ =	swait.ge [sflag:s17], $0x1000  }
0x2b4: {  	v27 =	vand.u32 $0x73, v44;
	v28 =	vand.u32 $0xC00, v45;
	[sflag:s17] =	ssyncset.done $0x0;
	(v2sf) =	vpush v25, $0xD  }
0x2b5: {  	v27 =	vor.u32 v27, v28;
	s19 =	rddreg [dreg:$0x1f];
	[sflag:s17] =	ssyncadd.s32 $0xFFFFF000;
	(v2sf) =	vpush v24, $0xD  }
0x2b6: {  	v28 =	vor.u32 v1, v27;
	v26 =	vld.idx.msk [tilespmem:v43+s19+$0x0], $0xffff  }
0x2b7: {  	v46 =	vadd.s32 s18, v0;
	_ =	sdelay $0x3  }
0x2b8: {  	s21 =	rddreg [dreg:$0x1e];
	[tilespmem:v28+s15+$0x0] =	vst.idx.msk $0xffff, v26  }
0x2b9: {  	v26 =	vld.idx.msk [tilespmem:v46+s21+$0x0], $0xffff  }
0x2ba: {  	v47 =	vadd.s32 s20, v2;
	_ =	sdelay $0x2  }
0x2bb: {  	s22 =	sor.u32 $0xD, s11  }
0x2bc: {  	s23 =	sand.u32 $0xFFFF, s22;
	[tilespmem:v28+s16+$0x0] =	vst.idx.msk $0xffff, v26  }
0x2bd: {  	s1 =	smul.u32 $0xCCCD, s23;
	v27 =	vor.u32 v3, v27;
	v26 =	vld.idx.msk [tilespmem:v47+s19+$0x0], $0xffff  }
0x2be: {  	v48 =	vadd.s32 s18, v2;
	s24 =	spop (v2sf)  }
0x2bf: {  	s1 =	sshrl.u32 s1, $0x13;
	s28 =	spop (v2sf)  }
0x2c0: {  	s1 =	smul.u32 $0xA, s1;
	s29 =	sand.u32 $0x7F, s28  }
0x2c1: {  	s30 =	sshra.s32 s28, $0x1F;
	p2 =	slt.s32 s28, $0x1;
	p1 =	sne.s32 s29, $0x0  }
0x2c2: {  	s0 =	ssub.s32 s22, s1;
	s6 =	sshrl.u32 s30, $0x19;
	[tilespmem:v27+s15+$0x0] =	vst.idx.msk $0xffff, v26;
	p0 =	por !p2, !p1  }
0x2c3: {  	s3 =	sadd.s32 s6, s28;
	s6 =	simm.s32 $0x1;
	v26 =	vld.idx.msk [tilespmem:v48+s21+$0x0], $0xffff;
	p0 =	por !p0, !p0  }
0x2c4: {  	s0 =	sand.u32 $0xFFFF, s0;
	s3 =	sshrl.u32 s3, $0x7;
	s6 =	simm.s32 @!p0 $0x0  }
0x2c5: {  	s18 =	sshll.u32 s0, $0xC;
	s17 =	ssub.s32 s3, s6  }
0x2c6: {  	s20 =	sadd.s32 $0x1, s0;
	s19 =	sor.u32 $0x400, s18;
	s1 =	sshll.u32 s17, $0x7  }
0x2c7: {  	s22 =	sshra.s32 s24, $0x1F;
	s21 =	sand.u32 $0x7F, s24;
	s1 =	sand.u32 $0x1FFFFF80, s1  }
0x2c8: {  	p4 =	slt.s32 s24, $0x1;
	p3 =	sne.s32 s21, $0x0;
	[tilespmem:v27+s16+$0x0] =	vst.idx.msk $0xffff, v26;
	s1 =	sadd.s32 s26, s1  }
0x2c9: {  	[tilespmem:s19], [sflag:s20] =	stream.strided.gather [hbm4b:s1+s13], $0x1000, s31, s13, $0x38;
	[tilespmem:$0x1C400] =	vst v63  }
0x2ca: {  	p0 =	por !p4, !p3;
	s1 =	sshrl.u32 s22, $0x19  }
0x2cb: {  	s2 =	simm.s32 $0x1;
	p0 =	por !p0, !p0;
	s1 =	sadd.s32 s1, s24  }
0x2cc: {  	s2 =	simm.s32 @!p0 $0x0;
	s1 =	sshrl.u32 s1, $0x7  }
0x2cd: {  	s1 =	ssub.s32 s1, s2  }
0x2ce: {  	s1 =	sshll.u32 s1, $0x7  }
0x2cf: {  	s24 =	sld [smem:$0x7F1];
	s1 =	sand.u32 $0x1FFFFF80, s1  }
0x2d0: {  	s0 =	sadd.s32 $0xB, s0;
	s23 =	sadd.s32 $0xA400, s18;
	s1 =	sadd.s32 s25, s1  }
0x2d1: {  	[tilespmem:s23], [sflag:s0] =	stream.strided.gather [hbm4b:s1+s13], $0x1000, s14, s13, $0x38;
	[tilespmem:$0x1C400] =	vst v63  }
0x2d2: {  	_ =	swait.ge [sflag:s24], $0x1000  }
0x2d3: {  	s28 =	sld [smem:$0x7EF]  }
0x2d4: {  	s29 =	sld [smem:$0x7F3]  }
0x2d5: {  	[sflag:s24] =	ssyncset.done $0x0  }
0x2d6: {  	v49 =	vadd.s32 s10, v0;
	[sflag:s24] =	ssyncadd.s32 $0xFFFFF000  }
0x2d7: {  	v50 =	vmov s28;
	_ =	swait.ge [sflag:s29], $0x1000  }
0x2d8: {  	v51 =	vshll.u32 v50, $0x3;
	s30 =	sld [smem:$0x7F0]  }
0x2d9: {  	[sflag:s29] =	ssyncset.done $0x0;
	v27 =	vand.u32 $0x74, v50;
	(v2sf) =	vpush v25, $0xE;
	v28 =	vand.u32 $0xC00, v51  }
0x2da: {  	[sflag:s29] =	ssyncadd.s32 $0xFFFFF000;
	(v2sf) =	vpush v24, $0xE;
	v27 =	vor.u32 v27, v28  }
0x2db: {  	v26 =	vld.idx.msk [tilespmem:v49+s30+$0x0], $0xffff;
	v28 =	vor.u32 v1, v27  }
0x2dc: {  	v52 =	vadd.s32 s9, v0;
	_ =	sdelay $0x1  }
0x2dd: {  	s0 =	sld [smem:$0x7F2];
	_ =	sdelay $0x1  }
0x2de: {  	[tilespmem:v28+s15+$0x0] =	vst.idx.msk $0xffff, v26  }
0x2df: {  	v26 =	vld.idx.msk [tilespmem:v52+s0+$0x0], $0xffff  }
0x2e0: {  	v53 =	vadd.s32 s10, v2;
	_ =	sdelay $0x3  }
0x2e1: {  	s2 =	sor.u32 $0xE, s11;
	[tilespmem:v28+s16+$0x0] =	vst.idx.msk $0xffff, v26  }
0x2e2: {  	s10 =	sand.u32 $0xFFFF, s2;
	v27 =	vor.u32 v3, v27;
	v26 =	vld.idx.msk [tilespmem:v53+s30+$0x0], $0xffff  }
0x2e3: {  	v54 =	vadd.s32 s9, v2;
	s1 =	smul.u32 $0xCCCD, s10;
	s17 =	spop (v2sf)  }
0x2e4: {  	s18 =	spop (v2sf)  }
0x2e5: {  	s1 =	sshrl.u32 s1, $0x13;
	s19 =	sand.u32 $0x7F, s18  }
0x2e6: {  	s20 =	sshra.s32 s18, $0x1F;
	p6 =	slt.s32 s18, $0x1;
	p5 =	sne.s32 s19, $0x0  }
0x2e7: {  	s1 =	smul.u32 $0xA, s1;
	s6 =	sshrl.u32 s20, $0x19;
	p0 =	por !p6, !p5;
	[tilespmem:v27+s15+$0x0] =	vst.idx.msk $0xffff, v26  }
0x2e8: {  	s3 =	sadd.s32 s6, s18;
	s6 =	simm.s32 $0x1;
	p0 =	por !p0, !p0;
	v26 =	vld.idx.msk [tilespmem:v54+s0+$0x0], $0xffff  }
0x2e9: {  	s28 =	sand.u32 $0x7F, s17;
	s3 =	sshrl.u32 s3, $0x7;
	s6 =	simm.s32 @!p0 $0x0  }
0x2ea: {  	s29 =	sshra.s32 s17, $0x1F;
	s0 =	ssub.s32 s2, s1;
	s21 =	ssub.s32 s3, s6  }
0x2eb: {  	p2 =	slt.s32 s17, $0x1;
	s0 =	sand.u32 $0xFFFF, s0;
	s1 =	sshll.u32 s21, $0x7  }
0x2ec: {  	p1 =	sne.s32 s28, $0x0;
	s22 =	sshll.u32 s0, $0xC;
	s1 =	sand.u32 $0x1FFFFF80, s1  }
0x2ed: {  	s24 =	sadd.s32 $0x1, s0;
	s23 =	sor.u32 $0x400, s22;
	s1 =	sadd.s32 s26, s1;
	[tilespmem:v27+s16+$0x0] =	vst.idx.msk $0xffff, v26  }
0x2ee: {  	[tilespmem:s23], [sflag:s24] =	stream.strided.gather [hbm4b:s1+s13], $0x1000, s31, s13, $0x38;
	[tilespmem:$0x1C400] =	vst v63  }
0x2ef: {  	p0 =	por !p2, !p1;
	s1 =	sshrl.u32 s29, $0x19  }
0x2f0: {  	s2 =	simm.s32 $0x1;
	p0 =	por !p0, !p0;
	s1 =	sadd.s32 s1, s17  }
0x2f1: {  	s2 =	simm.s32 @!p0 $0x0;
	s1 =	sshrl.u32 s1, $0x7  }
0x2f2: {  	s1 =	ssub.s32 s1, s2  }
0x2f3: {  	s1 =	sshll.u32 s1, $0x7  }
0x2f4: {  	s1 =	sand.u32 $0x1FFFFF80, s1  }
0x2f5: {  	s0 =	sadd.s32 $0xB, s0;
	s30 =	sadd.s32 $0xA400, s22;
	s1 =	sadd.s32 s25, s1  }
0x2f6: {  	[tilespmem:s30], [sflag:s0] =	stream.strided.gather [hbm4b:s1+s13], $0x1000, s14, s13, $0x38;
	[tilespmem:$0x1C400] =	vst v63  }
0x2f7: {  	_ =	swait.ge [sflag:s7], $0x1000  }
0x2f8: {  	s1 =	sld [smem:$0x7EC]  }
0x2f9: {  	[sflag:s7] =	ssyncset.done $0x0  }
0x2fa: {  	v55 =	vadd.s32 s8, v0;
	[sflag:s7] =	ssyncadd.s32 $0xFFFFF000  }
0x2fb: {  	_ =	swait.ge [sflag:s4], $0x1000;
	v56 =	vmov s1  }
0x2fc: {  	s2 =	sld [smem:$0x7ED];
	v57 =	vshll.u32 v56, $0x3  }
0x2fd: {  	[sflag:s4] =	ssyncset.done $0x0;
	(v2sf) =	vpush v25, $0xF;
	v27 =	vand.u32 $0x75, v56;
	v28 =	vand.u32 $0xC00, v57  }
0x2fe: {  	[sflag:s4] =	ssyncadd.s32 $0xFFFFF000;
	(v2sf) =	vpush v24, $0xF;
	v58 =	vor.u32 v27, v28  }
0x2ff: {  	v59 =	vld.idx.msk [tilespmem:v55+s2+$0x0], $0xffff;
	v60 =	vor.u32 v1, v58  }
0x300: {  	v61 =	vadd.s32 s5, v0;
	_ =	sdelay $0x1  }
0x301: {  	s3 =	sld [smem:$0x7EE];
	_ =	sdelay $0x1  }
0x302: {  	[tilespmem:v60+s15+$0x0] =	vst.idx.msk $0xffff, v59  }
0x303: {  	v24 =	vld.idx.msk [tilespmem:v61+s3+$0x0], $0xffff  }
0x304: {  	v62 =	vadd.s32 s8, v2;
	_ =	sdelay $0x2  }
0x305: {  	s7 =	sor.u32 $0xF, s11  }
0x306: {  	s8 =	sand.u32 $0xFFFF, s7;
	[tilespmem:v60+s16+$0x0] =	vst.idx.msk $0xffff, v24  }
0x307: {  	s1 =	smul.u32 $0xCCCD, s8;
	v25 =	vor.u32 v3, v58;
	v24 =	vld.idx.msk [tilespmem:v62+s2+$0x0], $0xffff  }
0x308: {  	v63 =	vadd.s32 s5, v2;
	s9 =	spop (v2sf)  }
0x309: {  	s1 =	sshrl.u32 s1, $0x13;
	s10 =	spop (v2sf)  }
0x30a: {  	s1 =	smul.u32 $0xA, s1;
	s12 =	sand.u32 $0x7F, s10  }
0x30b: {  	s17 =	sshra.s32 s10, $0x1F;
	p4 =	slt.s32 s10, $0x1;
	p3 =	sne.s32 s12, $0x0  }
0x30c: {  	s0 =	ssub.s32 s7, s1;
	s4 =	sshrl.u32 s17, $0x19;
	p0 =	por !p4, !p3;
	[tilespmem:v25+s15+$0x0] =	vst.idx.msk $0xffff, v24  }
0x30d: {  	p0 =	por !p0, !p0;
	v24 =	vld.idx.msk [tilespmem:v63+s3+$0x0], $0xffff;
	s3 =	sadd.s32 s4, s10;
	s4 =	simm.s32 $0x1  }
0x30e: {  	s0 =	sand.u32 $0xFFFF, s0;
	s3 =	sshrl.u32 s3, $0x7;
	s4 =	simm.s32 @!p0 $0x0  }
0x30f: {  	s19 =	sshll.u32 s0, $0xC;
	s18 =	ssub.s32 s3, s4  }
0x310: {  	s21 =	sadd.s32 $0x1, s0;
	s20 =	sor.u32 $0x400, s19;
	s1 =	sshll.u32 s18, $0x7  }
0x311: {  	s22 =	sand.u32 $0x7F, s9;
	s23 =	sshra.s32 s9, $0x1F;
	s1 =	sand.u32 $0x1FFFFF80, s1  }
0x312: {  	p6 =	slt.s32 s9, $0x1;
	p5 =	sne.s32 s22, $0x0;
	[tilespmem:v25+s16+$0x0] =	vst.idx.msk $0xffff, v24;
	s1 =	sadd.s32 s26, s1  }
0x313: {  	[tilespmem:s20], [sflag:s21] =	stream.strided.gather [hbm4b:s1+s13], $0x1000, s31, s13, $0x38;
	[tilespmem:$0x1C400] =	vst v63  }
0x314: {  	p0 =	por !p6, !p5;
	s1 =	sshrl.u32 s23, $0x19  }
0x315: {  	s2 =	simm.s32 $0x1;
	p0 =	por !p0, !p0;
	s1 =	sadd.s32 s1, s9  }
0x316: {  	s11 =	sadd.s32 $0x10, s11;
	s2 =	simm.s32 @!p0 $0x0;
	s1 =	sshrl.u32 s1, $0x7  }
0x317: {  	s28 =	rddreg [dreg:$0xe];
	p0 =	sne.s32 s11, $0x200;
	s1 =	ssub.s32 s1, s2  }
.Ltmp0:
0x318: {  	s29 =	rddreg [dreg:$0xd];
	s1 =	sshll.u32 s1, $0x7;
	(pc) =	sbr.rel @p0 .LBB2_2-.Ltmp0, $4  }
0x319: {  	s30 =	rddreg [dreg:$0xc];
	s1 =	sand.u32 $0x1FFFFF80, s1  }
0x31a: {  	s0 =	sadd.s32 $0xB, s0;
	s24 =	sadd.s32 $0xA400, s19;
	s1 =	sadd.s32 s25, s1  }
0x31b: {  	[tilespmem:s24], [sflag:s0] =	stream.strided.gather [hbm4b:s1+s13], $0x1000, s14, s13, $0x38;
	[tilespmem:$0x1C400] =	vst v63  }
0x31c: {  	s3 =	sadd.s32 $0x10, s30;
	s1 =	sadd.s32 $0x1, s28;
	s0 =	sadd.s32 $0x10, s29  }
0x31d: {  	v25 =	vld [tilespmem:$0x1F0];
	_ =	sdelay $0x3  }
0x31e: {  	v24 =	vld [tilespmem:$0x3F0]  }
0x31f: {  	(v2sf) =	vpush v25, $0x6;
	_ =	sdelay $0x3  }
0x320: {  	(v2sf) =	vpush v24, $0x6;
	_ =	sdelay $0xa  }
0x321: {  	s0 =	spop (v2sf)  }
0x322: {  	s1 =	sshra.s32 s0, $0x1F  }
0x323: {  	s1 =	sshrl.u32 s1, $0x19  }
0x324: {  	s1 =	sadd.s32 s1, s0  }
0x325: {  	s3 =	simm.s32 $0x3;
	s2 =	spop (v2sf);
	s1 =	sand.u32 $0xFFFFFF80, s1  }
0x326: {  	_ =	swait.ge [sflag:s3], $0x1000;
	s0 =	ssub.s32 s0, s1  }
0x327: {  	[sflag:s3] =	ssyncset.done $0x0;
	v26 =	vadd.s32 s0, v0  }
0x328: {  	s5 =	simm.s32 $0xD;
	s4 =	sshra.s32 s2, $0x1F;
	[sflag:s3] =	ssyncadd.s32 $0xFFFFF000  }
0x329: {  	_ =	swait.ge [sflag:s5], $0x1000;
	s1 =	sshrl.u32 s4, $0x19  }
0x32a: {  	[sflag:s5] =	ssyncset.done $0x0;
	s1 =	sadd.s32 s1, s2  }
0x32b: {  	s6 =	simm.s32 $0x2400;
	[sflag:s5] =	ssyncadd.s32 $0xFFFFF000;
	s1 =	sand.u32 $0xFFFFFF80, s1  }
0x32c: {  	s1 =	ssub.s32 s2, s1;
	v26 =	vld.idx.msk [tilespmem:v26+s6+$0x0], $0xffff  }
0x32d: {  	v27 =	vadd.s32 s1, v0;
	_ =	sdelay $0x2  }
0x32e: {  	(v2sf) =	vpush v25, $0x7  }
0x32f: {  	s7 =	simm.s32 $0xC400;
	[tilespmem:v4+s15+$0x0] =	vst.idx.msk $0xffff, v26  }
0x330: {  	v26 =	vld.idx.msk [tilespmem:v27+s7+$0x0], $0xffff  }
0x331: {  	v58 =	vadd.s32 s0, v2  }
0x332: {  	(v2sf) =	vpush v24, $0x7;
	_ =	sdelay $0x2  }
0x333: {  	[tilespmem:v4+s16+$0x0] =	vst.idx.msk $0xffff, v26  }
0x334: {  	v26 =	vld.idx.msk [tilespmem:v58+s6+$0x0], $0xffff  }
0x335: {  	v59 =	vadd.s32 s1, v2;
	_ =	sdelay $0x3  }
0x336: {  	[tilespmem:v5+s15+$0x0] =	vst.idx.msk $0xffff, v26  }
0x337: {  	v26 =	vld.idx.msk [tilespmem:v59+s7+$0x0], $0xffff  }
0x338: {  	s8 =	spop (v2sf)  }
0x339: {  	s9 =	sshra.s32 s8, $0x1F  }
0x33a: {  	s1 =	sshrl.u32 s9, $0x19  }
0x33b: {  	s1 =	sadd.s32 s1, s8  }
0x33c: {  	s11 =	simm.s32 $0x4;
	s10 =	spop (v2sf);
	s1 =	sand.u32 $0xFFFFFF80, s1;
	[tilespmem:v5+s16+$0x0] =	vst.idx.msk $0xffff, v26  }
0x33d: {  	s0 =	ssub.s32 s8, s1;
	_ =	swait.ge [sflag:s11], $0x1000  }
0x33e: {  	v60 =	vadd.s32 s0, v0;
	[sflag:s11] =	ssyncset.done $0x0  }
0x33f: {  	s17 =	simm.s32 $0xE;
	s12 =	sshra.s32 s10, $0x1F;
	[sflag:s11] =	ssyncadd.s32 $0xFFFFF000  }
0x340: {  	s1 =	sshrl.u32 s12, $0x19;
	_ =	swait.ge [sflag:s17], $0x1000  }
0x341: {  	s1 =	sadd.s32 s1, s10;
	[sflag:s17] =	ssyncset.done $0x0  }
0x342: {  	s18 =	simm.s32 $0x3400;
	s1 =	sand.u32 $0xFFFFFF80, s1;
	[sflag:s17] =	ssyncadd.s32 $0xFFFFF000  }
0x343: {  	s1 =	ssub.s32 s10, s1;
	v26 =	vld.idx.msk [tilespmem:v60+s18+$0x0], $0xffff  }
0x344: {  	v61 =	vadd.s32 s1, v0;
	_ =	sdelay $0x2  }
0x345: {  	(v2sf) =	vpush v25, $0x8  }
0x346: {  	s19 =	simm.s32 $0xD400;
	[tilespmem:v6+s15+$0x0] =	vst.idx.msk $0xffff, v26  }
0x347: {  	v26 =	vld.idx.msk [tilespmem:v61+s19+$0x0], $0xffff  }
0x348: {  	v62 =	vadd.s32 s0, v2  }
0x349: {  	(v2sf) =	vpush v24, $0x8;
	_ =	sdelay $0x2  }
0x34a: {  	[tilespmem:v6+s16+$0x0] =	vst.idx.msk $0xffff, v26  }
0x34b: {  	v26 =	vld.idx.msk [tilespmem:v62+s18+$0x0], $0xffff  }
0x34c: {  	v63 =	vadd.s32 s1, v2;
	_ =	sdelay $0x3  }
0x34d: {  	[tilespmem:v7+s15+$0x0] =	vst.idx.msk $0xffff, v26  }
0x34e: {  	v26 =	vld.idx.msk [tilespmem:v63+s19+$0x0], $0xffff  }
0x34f: {  	s20 =	spop (v2sf)  }
0x350: {  	s21 =	sshra.s32 s20, $0x1F  }
0x351: {  	s1 =	sshrl.u32 s21, $0x19  }
0x352: {  	s1 =	sadd.s32 s1, s20  }
0x353: {  	s23 =	simm.s32 $0x5;
	s22 =	spop (v2sf);
	s1 =	sand.u32 $0xFFFFFF80, s1;
	[tilespmem:v7+s16+$0x0] =	vst.idx.msk $0xffff, v26  }
0x354: {  	s0 =	ssub.s32 s20, s1;
	_ =	swait.ge [sflag:s23], $0x1000  }
0x355: {  	v30 =	vadd.s32 s0, v0;
	[sflag:s23] =	ssyncset.done $0x0  }
0x356: {  	s28 =	simm.s32 $0xF;
	s24 =	sshra.s32 s22, $0x1F;
	[sflag:s23] =	ssyncadd.s32 $0xFFFFF000  }
0x357: {  	s1 =	sshrl.u32 s24, $0x19;
	_ =	swait.ge [sflag:s28], $0x1000  }
0x358: {  	s1 =	sadd.s32 s1, s22;
	[sflag:s28] =	ssyncset.done $0x0  }
0x359: {  	s29 =	simm.s32 $0x4400;
	s1 =	sand.u32 $0xFFFFFF80, s1;
	[sflag:s28] =	ssyncadd.s32 $0xFFFFF000  }
0x35a: {  	s1 =	ssub.s32 s22, s1;
	v26 =	vld.idx.msk [tilespmem:v30+s29+$0x0], $0xffff  }
0x35b: {  	v31 =	vadd.s32 s1, v0;
	_ =	sdelay $0x2  }
0x35c: {  	(v2sf) =	vpush v25, $0x9  }
0x35d: {  	s30 =	simm.s32 $0xE400;
	[tilespmem:v8+s15+$0x0] =	vst.idx.msk $0xffff, v26  }
0x35e: {  	v26 =	vld.idx.msk [tilespmem:v31+s30+$0x0], $0xffff  }
0x35f: {  	v32 =	vadd.s32 s0, v2  }
0x360: {  	(v2sf) =	vpush v24, $0x9;
	_ =	sdelay $0x2  }
0x361: {  	[tilespmem:v8+s16+$0x0] =	vst.idx.msk $0xffff, v26  }
0x362: {  	v26 =	vld.idx.msk [tilespmem:v32+s29+$0x0], $0xffff  }
0x363: {  	v33 =	vadd.s32 s1, v2;
	_ =	sdelay $0x3  }
0x364: {  	[tilespmem:v9+s15+$0x0] =	vst.idx.msk $0xffff, v26  }
0x365: {  	v26 =	vld.idx.msk [tilespmem:v33+s30+$0x0], $0xffff  }
0x366: {  	s4 =	spop (v2sf)  }
0x367: {  	s5 =	sshra.s32 s4, $0x1F  }
0x368: {  	s1 =	sshrl.u32 s5, $0x19  }
0x369: {  	s1 =	sadd.s32 s1, s4  }
0x36a: {  	s7 =	simm.s32 $0x6;
	s6 =	spop (v2sf);
	s1 =	sand.u32 $0xFFFFFF80, s1;
	[tilespmem:v9+s16+$0x0] =	vst.idx.msk $0xffff, v26  }
0x36b: {  	s0 =	ssub.s32 s4, s1;
	_ =	swait.ge [sflag:s7], $0x1000  }
0x36c: {  	v34 =	vadd.s32 s0, v0;
	[sflag:s7] =	ssyncset.done $0x0  }
0x36d: {  	s9 =	simm.s32 $0x10;
	s8 =	sshra.s32 s6, $0x1F;
	[sflag:s7] =	ssyncadd.s32 $0xFFFFF000  }
0x36e: {  	s1 =	sshrl.u32 s8, $0x19;
	_ =	swait.ge [sflag:s9], $0x1000  }
0x36f: {  	s1 =	sadd.s32 s1, s6;
	[sflag:s9] =	ssyncset.done $0x0  }
0x370: {  	s10 =	simm.s32 $0x5400;
	s1 =	sand.u32 $0xFFFFFF80, s1;
	[sflag:s9] =	ssyncadd.s32 $0xFFFFF000  }
0x371: {  	s1 =	ssub.s32 s6, s1;
	v26 =	vld.idx.msk [tilespmem:v34+s10+$0x0], $0xffff  }
0x372: {  	v35 =	vadd.s32 s1, v0;
	_ =	sdelay $0x2  }
0x373: {  	(v2sf) =	vpush v25, $0xA  }
0x374: {  	s11 =	simm.s32 $0xF400;
	[tilespmem:v10+s15+$0x0] =	vst.idx.msk $0xffff, v26  }
0x375: {  	v26 =	vld.idx.msk [tilespmem:v35+s11+$0x0], $0xffff  }
0x376: {  	v36 =	vadd.s32 s0, v2  }
0x377: {  	(v2sf) =	vpush v24, $0xA;
	_ =	sdelay $0x2  }
0x378: {  	[tilespmem:v10+s16+$0x0] =	vst.idx.msk $0xffff, v26  }
0x379: {  	v26 =	vld.idx.msk [tilespmem:v36+s10+$0x0], $0xffff  }
0x37a: {  	v37 =	vadd.s32 s1, v2;
	_ =	sdelay $0x3  }
0x37b: {  	[tilespmem:v11+s15+$0x0] =	vst.idx.msk $0xffff, v26  }
0x37c: {  	v26 =	vld.idx.msk [tilespmem:v37+s11+$0x0], $0xffff  }
0x37d: {  	s12 =	spop (v2sf)  }
0x37e: {  	s17 =	sshra.s32 s12, $0x1F  }
0x37f: {  	s1 =	sshrl.u32 s17, $0x19  }
0x380: {  	s1 =	sadd.s32 s1, s12  }
0x381: {  	s19 =	simm.s32 $0x7;
	s18 =	spop (v2sf);
	s1 =	sand.u32 $0xFFFFFF80, s1;
	[tilespmem:v11+s16+$0x0] =	vst.idx.msk $0xffff, v26  }
0x382: {  	s0 =	ssub.s32 s12, s1;
	_ =	swait.ge [sflag:s19], $0x1000  }
0x383: {  	v38 =	vadd.s32 s0, v0;
	[sflag:s19] =	ssyncset.done $0x0  }
0x384: {  	s21 =	simm.s32 $0x11;
	s20 =	sshra.s32 s18, $0x1F;
	[sflag:s19] =	ssyncadd.s32 $0xFFFFF000  }
0x385: {  	s1 =	sshrl.u32 s20, $0x19;
	_ =	swait.ge [sflag:s21], $0x1000  }
0x386: {  	s1 =	sadd.s32 s1, s18;
	[sflag:s21] =	ssyncset.done $0x0  }
0x387: {  	s22 =	simm.s32 $0x6400;
	s1 =	sand.u32 $0xFFFFFF80, s1;
	[sflag:s21] =	ssyncadd.s32 $0xFFFFF000  }
0x388: {  	s1 =	ssub.s32 s18, s1;
	v26 =	vld.idx.msk [tilespmem:v38+s22+$0x0], $0xffff  }
0x389: {  	v39 =	vadd.s32 s1, v0;
	_ =	sdelay $0x2  }
0x38a: {  	(v2sf) =	vpush v25, $0xB  }
0x38b: {  	s23 =	simm.s32 $0x10400;
	[tilespmem:v12+s15+$0x0] =	vst.idx.msk $0xffff, v26  }
0x38c: {  	v26 =	vld.idx.msk [tilespmem:v39+s23+$0x0], $0xffff  }
0x38d: {  	v40 =	vadd.s32 s0, v2  }
0x38e: {  	(v2sf) =	vpush v24, $0xB;
	_ =	sdelay $0x2  }
0x38f: {  	[tilespmem:v12+s16+$0x0] =	vst.idx.msk $0xffff, v26  }
0x390: {  	v26 =	vld.idx.msk [tilespmem:v40+s22+$0x0], $0xffff  }
0x391: {  	v41 =	vadd.s32 s1, v2;
	_ =	sdelay $0x3  }
0x392: {  	[tilespmem:v13+s15+$0x0] =	vst.idx.msk $0xffff, v26  }
0x393: {  	v26 =	vld.idx.msk [tilespmem:v41+s23+$0x0], $0xffff  }
0x394: {  	s24 =	spop (v2sf)  }
0x395: {  	s28 =	sshra.s32 s24, $0x1F  }
0x396: {  	s1 =	sshrl.u32 s28, $0x19  }
0x397: {  	s1 =	sadd.s32 s1, s24  }
0x398: {  	s30 =	simm.s32 $0x8;
	s29 =	spop (v2sf);
	s1 =	sand.u32 $0xFFFFFF80, s1;
	[tilespmem:v13+s16+$0x0] =	vst.idx.msk $0xffff, v26  }
0x399: {  	s0 =	ssub.s32 s24, s1;
	_ =	swait.ge [sflag:s30], $0x1000  }
0x39a: {  	v42 =	vadd.s32 s0, v0;
	[sflag:s30] =	ssyncset.done $0x0  }
0x39b: {  	s5 =	simm.s32 $0x12;
	s4 =	sshra.s32 s29, $0x1F;
	[sflag:s30] =	ssyncadd.s32 $0xFFFFF000  }
0x39c: {  	s1 =	sshrl.u32 s4, $0x19;
	_ =	swait.ge [sflag:s5], $0x1000  }
0x39d: {  	s1 =	sadd.s32 s1, s29;
	[sflag:s5] =	ssyncset.done $0x0  }
0x39e: {  	s6 =	simm.s32 $0x7400;
	s1 =	sand.u32 $0xFFFFFF80, s1;
	[sflag:s5] =	ssyncadd.s32 $0xFFFFF000  }
0x39f: {  	s1 =	ssub.s32 s29, s1;
	v26 =	vld.idx.msk [tilespmem:v42+s6+$0x0], $0xffff  }
0x3a0: {  	v43 =	vadd.s32 s1, v0;
	_ =	sdelay $0x2  }
0x3a1: {  	(v2sf) =	vpush v25, $0xC  }
0x3a2: {  	s7 =	simm.s32 $0x11400;
	[tilespmem:v14+s15+$0x0] =	vst.idx.msk $0xffff, v26  }
0x3a3: {  	v26 =	vld.idx.msk [tilespmem:v43+s7+$0x0], $0xffff  }
0x3a4: {  	v44 =	vadd.s32 s0, v2  }
0x3a5: {  	(v2sf) =	vpush v24, $0xC;
	_ =	sdelay $0x2  }
0x3a6: {  	[tilespmem:v14+s16+$0x0] =	vst.idx.msk $0xffff, v26  }
0x3a7: {  	v26 =	vld.idx.msk [tilespmem:v44+s6+$0x0], $0xffff  }
0x3a8: {  	v45 =	vadd.s32 s1, v2;
	_ =	sdelay $0x3  }
0x3a9: {  	[tilespmem:v15+s15+$0x0] =	vst.idx.msk $0xffff, v26  }
0x3aa: {  	v26 =	vld.idx.msk [tilespmem:v45+s7+$0x0], $0xffff  }
0x3ab: {  	s8 =	spop (v2sf)  }
0x3ac: {  	s9 =	sshra.s32 s8, $0x1F  }
0x3ad: {  	s1 =	sshrl.u32 s9, $0x19  }
0x3ae: {  	s1 =	sadd.s32 s1, s8  }
0x3af: {  	s11 =	simm.s32 $0x9;
	s10 =	spop (v2sf);
	s1 =	sand.u32 $0xFFFFFF80, s1;
	[tilespmem:v15+s16+$0x0] =	vst.idx.msk $0xffff, v26  }
0x3b0: {  	s0 =	ssub.s32 s8, s1;
	_ =	swait.ge [sflag:s11], $0x1000  }
0x3b1: {  	v46 =	vadd.s32 s0, v0;
	[sflag:s11] =	ssyncset.done $0x0  }
0x3b2: {  	s17 =	simm.s32 $0x13;
	s12 =	sshra.s32 s10, $0x1F;
	[sflag:s11] =	ssyncadd.s32 $0xFFFFF000  }
0x3b3: {  	s1 =	sshrl.u32 s12, $0x19;
	_ =	swait.ge [sflag:s17], $0x1000  }
0x3b4: {  	s1 =	sadd.s32 s1, s10;
	[sflag:s17] =	ssyncset.done $0x0  }
0x3b5: {  	s18 =	simm.s32 $0x8400;
	s1 =	sand.u32 $0xFFFFFF80, s1;
	[sflag:s17] =	ssyncadd.s32 $0xFFFFF000  }
0x3b6: {  	s1 =	ssub.s32 s10, s1;
	v26 =	vld.idx.msk [tilespmem:v46+s18+$0x0], $0xffff  }
0x3b7: {  	v47 =	vadd.s32 s1, v0;
	_ =	sdelay $0x2  }
0x3b8: {  	(v2sf) =	vpush v25, $0xD  }
0x3b9: {  	s19 =	simm.s32 $0x12400;
	[tilespmem:v16+s15+$0x0] =	vst.idx.msk $0xffff, v26  }
0x3ba: {  	v26 =	vld.idx.msk [tilespmem:v47+s19+$0x0], $0xffff  }
0x3bb: {  	v48 =	vadd.s32 s0, v2  }
0x3bc: {  	(v2sf) =	vpush v24, $0xD;
	_ =	sdelay $0x2  }
0x3bd: {  	[tilespmem:v16+s16+$0x0] =	vst.idx.msk $0xffff, v26  }
0x3be: {  	v26 =	vld.idx.msk [tilespmem:v48+s18+$0x0], $0xffff  }
0x3bf: {  	v49 =	vadd.s32 s1, v2;
	_ =	sdelay $0x3  }
0x3c0: {  	[tilespmem:v17+s15+$0x0] =	vst.idx.msk $0xffff, v26  }
0x3c1: {  	v26 =	vld.idx.msk [tilespmem:v49+s19+$0x0], $0xffff  }
0x3c2: {  	s20 =	spop (v2sf)  }
0x3c3: {  	s21 =	sshra.s32 s20, $0x1F  }
0x3c4: {  	s1 =	sshrl.u32 s21, $0x19  }
0x3c5: {  	s1 =	sadd.s32 s1, s20  }
0x3c6: {  	s23 =	simm.s32 $0xA;
	s22 =	spop (v2sf);
	s1 =	sand.u32 $0xFFFFFF80, s1;
	[tilespmem:v17+s16+$0x0] =	vst.idx.msk $0xffff, v26  }
0x3c7: {  	s0 =	ssub.s32 s20, s1;
	_ =	swait.ge [sflag:s23], $0x1000  }
0x3c8: {  	v50 =	vadd.s32 s0, v0;
	[sflag:s23] =	ssyncset.done $0x0  }
0x3c9: {  	s28 =	simm.s32 $0x14;
	s24 =	sshra.s32 s22, $0x1F;
	[sflag:s23] =	ssyncadd.s32 $0xFFFFF000  }
0x3ca: {  	s1 =	sshrl.u32 s24, $0x19;
	_ =	swait.ge [sflag:s28], $0x1000  }
0x3cb: {  	s1 =	sadd.s32 s1, s22;
	[sflag:s28] =	ssyncset.done $0x0  }
0x3cc: {  	s29 =	simm.s32 $0x9400;
	s1 =	sand.u32 $0xFFFFFF80, s1;
	[sflag:s28] =	ssyncadd.s32 $0xFFFFF000  }
0x3cd: {  	s1 =	ssub.s32 s22, s1;
	v26 =	vld.idx.msk [tilespmem:v50+s29+$0x0], $0xffff  }
0x3ce: {  	v51 =	vadd.s32 s1, v0;
	_ =	sdelay $0x2  }
0x3cf: {  	(v2sf) =	vpush v25, $0xE  }
0x3d0: {  	s30 =	simm.s32 $0x13400;
	[tilespmem:v18+s15+$0x0] =	vst.idx.msk $0xffff, v26  }
0x3d1: {  	v26 =	vld.idx.msk [tilespmem:v51+s30+$0x0], $0xffff  }
0x3d2: {  	v52 =	vadd.s32 s0, v2  }
0x3d3: {  	(v2sf) =	vpush v24, $0xE;
	_ =	sdelay $0x2  }
0x3d4: {  	[tilespmem:v18+s16+$0x0] =	vst.idx.msk $0xffff, v26  }
0x3d5: {  	v26 =	vld.idx.msk [tilespmem:v52+s29+$0x0], $0xffff  }
0x3d6: {  	v53 =	vadd.s32 s1, v2;
	_ =	sdelay $0x3  }
0x3d7: {  	[tilespmem:v19+s15+$0x0] =	vst.idx.msk $0xffff, v26  }
0x3d8: {  	v26 =	vld.idx.msk [tilespmem:v53+s30+$0x0], $0xffff  }
0x3d9: {  	s3 =	spop (v2sf)  }
0x3da: {  	s4 =	sshra.s32 s3, $0x1F  }
0x3db: {  	s1 =	sshrl.u32 s4, $0x19  }
0x3dc: {  	s1 =	sadd.s32 s1, s3  }
0x3dd: {  	s6 =	simm.s32 $0x1;
	s5 =	spop (v2sf);
	s1 =	sand.u32 $0xFFFFFF80, s1;
	[tilespmem:v19+s16+$0x0] =	vst.idx.msk $0xffff, v26  }
0x3de: {  	s0 =	ssub.s32 s3, s1;
	_ =	swait.ge [sflag:s6], $0x1000  }
0x3df: {  	v54 =	vadd.s32 s0, v0;
	[sflag:s6] =	ssyncset.done $0x0  }
0x3e0: {  	s8 =	simm.s32 $0xB;
	s7 =	sshra.s32 s5, $0x1F;
	[sflag:s6] =	ssyncadd.s32 $0xFFFFF000  }
0x3e1: {  	s1 =	sshrl.u32 s7, $0x19;
	_ =	swait.ge [sflag:s8], $0x1000  }
0x3e2: {  	s1 =	sadd.s32 s1, s5;
	[sflag:s8] =	ssyncset.done $0x0  }
0x3e3: {  	s1 =	sand.u32 $0xFFFFFF80, s1;
	[sflag:s8] =	ssyncadd.s32 $0xFFFFF000  }
0x3e4: {  	s1 =	ssub.s32 s5, s1;
	v26 =	vld.idx.msk [tilespmem:v54+s13+$0x0], $0xffff  }
0x3e5: {  	v55 =	vadd.s32 s1, v0;
	_ =	sdelay $0x2  }
0x3e6: {  	(v2sf) =	vpush v25, $0xF  }
0x3e7: {  	s9 =	simm.s32 $0xA400;
	[tilespmem:v20+s15+$0x0] =	vst.idx.msk $0xffff, v26  }
0x3e8: {  	v56 =	vld.idx.msk [tilespmem:v55+s9+$0x0], $0xffff  }
0x3e9: {  	v57 =	vadd.s32 s0, v2  }
0x3ea: {  	(v2sf) =	vpush v24, $0xF;
	_ =	sdelay $0x2  }
0x3eb: {  	[tilespmem:v20+s16+$0x0] =	vst.idx.msk $0xffff, v56  }
0x3ec: {  	v58 =	vld.idx.msk [tilespmem:v57+s13+$0x0], $0xffff  }
0x3ed: {  	v59 =	vadd.s32 s1, v2;
	_ =	sdelay $0x3  }
0x3ee: {  	[tilespmem:v21+s15+$0x0] =	vst.idx.msk $0xffff, v58  }
0x3ef: {  	v24 =	vld.idx.msk [tilespmem:v59+s9+$0x0], $0xffff  }
0x3f0: {  	s10 =	spop (v2sf)  }
0x3f1: {  	s11 =	sshra.s32 s10, $0x1F  }
0x3f2: {  	s1 =	sshrl.u32 s11, $0x19  }
0x3f3: {  	s1 =	sadd.s32 s1, s10  }
0x3f4: {  	s17 =	simm.s32 $0x2;
	s12 =	spop (v2sf);
	s1 =	sand.u32 $0xFFFFFF80, s1;
	[tilespmem:v21+s16+$0x0] =	vst.idx.msk $0xffff, v24  }
0x3f5: {  	s0 =	ssub.s32 s10, s1;
	_ =	swait.ge [sflag:s17], $0x1000  }
0x3f6: {  	v60 =	vadd.s32 s0, v0;
	[sflag:s17] =	ssyncset.done $0x0  }
0x3f7: {  	s19 =	simm.s32 $0xC;
	s18 =	sshra.s32 s12, $0x1F;
	[sflag:s17] =	ssyncadd.s32 $0xFFFFF000  }
0x3f8: {  	s1 =	sshrl.u32 s18, $0x19;
	_ =	swait.ge [sflag:s19], $0x1000  }
0x3f9: {  	s1 =	sadd.s32 s1, s12;
	[sflag:s19] =	ssyncset.done $0x0  }
0x3fa: {  	s20 =	simm.s32 $0x1400;
	s1 =	sand.u32 $0xFFFFFF80, s1;
	[sflag:s19] =	ssyncadd.s32 $0xFFFFF000  }
0x3fb: {  	s1 =	ssub.s32 s12, s1;
	v24 =	vld.idx.msk [tilespmem:v60+s20+$0x0], $0xffff  }
0x3fc: {  	v61 =	vadd.s32 s1, v0;
	_ =	sdelay $0x3  }
0x3fd: {  	s21 =	simm.s32 $0xB400;
	[tilespmem:v22+s15+$0x0] =	vst.idx.msk $0xffff, v24  }
0x3fe: {  	v24 =	vld.idx.msk [tilespmem:v61+s21+$0x0], $0xffff  }
0x3ff: {  	v62 =	vadd.s32 s0, v2;
	_ =	sdelay $0x3  }
0x400: {  	[tilespmem:v22+s16+$0x0] =	vst.idx.msk $0xffff, v24  }
0x401: {  	v24 =	vld.idx.msk [tilespmem:v62+s20+$0x0], $0xffff  }
0x402: {  	v63 =	vadd.s32 s1, v2;
	_ =	sdelay $0x3  }
0x403: {  	[tilespmem:v23+s15+$0x0] =	vst.idx.msk $0xffff, v24  }
0x404: {  	v24 =	vld.idx.msk [tilespmem:v63+s21+$0x0], $0xffff;
	_ =	sdelay $0x3  }
0x405: {  	s2 =	simm.s32 $0x15  }
0x406: {  	s24 =	simm.s32 $0x20000;
	s23 =	simm.s32 $0x1000;
	s22 =	rddreg [dreg:$0x8];
	[tilespmem:v23+s16+$0x0] =	vst.idx.msk $0xffff, v24  }
0x407: {  	[hbm4b:s22+s23] =	stream.strided.scatter [tilespmem:s15], [sflag:$0x15], $0x4000, s24, s23, $0x38;
	[tilespmem:$0x1C400] =	vst v63  }
0x408: {  	_ =	swait.ge [sflag:s2], $0x4000  }
0x409: {  	[sflag:s2] =	ssyncset.done $0x0  }
0x40a: {  	s28 =	rddreg [dreg:$0x9];
	[sflag:s2] =	ssyncadd.s32 $0xFFFFC000  }
0x40b: {  	[hbm4b:s28+s23] =	stream.strided.scatter [tilespmem:s16], [sflag:$0x15], $0x4000, s24, s23, $0x38;
	[tilespmem:$0x1C400] =	vst v63  }
0x40c: {  	_ =	swait.ge [sflag:s2], $0x4000  }
0x40d: {  	s29 =	rddreg [dreg:$0xb]  }
0x40e: {  	s30 =	rddreg [dreg:$0xa];
	s1 =	sadd.s32 $0x1, s29  }
0x40f: {  	p0 =	sne.s32 s1, s30  }
.Ltmp1:
0x410: {  	_ = 	snop;
	(pc) =	sbr.rel @p0 .LBB2_1-.Ltmp1, $3  }
0x411: {  	_ =	sdelay $0x1  }
0x412: {  	[sflag:s2] =	ssyncset.done $0x0  }
0x413: {  	[sflag:s2] =	ssyncadd.s32 $0xFFFFC000  }
0x414: {  	_ =	sfence.sel $0x180000  }
0x415: {  	[bflag:$0x0] =	sbarrier.arrive $0xFFFF  }
0x416: {  	_ =	strace $0x90000047  }
0x417: {  	s0 =	stileid.u32;
	[bflag:$0x2] =	sbarrier.arrive $0xFFFF  }
0x418: {  	p0 =	sne.s32 s0, $0x0;
	s0 =	rddreg [dreg:$0x5]  }
0x419: {  	s0 =	sadd.s32 @!p0 $0x100000, s0  }
0x41a: {  	[sflag:s0] =	ssyncadd.tile.s32 @!p0 $0x1;
	_ =	shalt  }
.Lfunc_end2:
_tile_overlayer_lowered:
.L_overlay_start_2:
0x41b: {  	(tag) =	ssettag $0x2  }
0x41c: {  	s0 =	rddreg [dreg:$0x0];
	s2 =	stileid.u32  }
0x41d: {  	s1 =	rddreg [dreg:$0x1];
	p0 =	sne.s32 s2, $0x0  }
0x41e: {  	s3 =	rddreg [dreg:$0x2];
	[bflag:$0x3] =	sbarrier.arrive $0xFFFF;
	s2 =	simm.s32 @!p0 $0x1C15  }
0x41f: {  	[timem:s3], [sflag:s2] =	dma.local @!p0 [hbm:s0], s1  }
0x420: {  	s0 =	simm.s32 @!p0 $0x15  }
0x421: {  	_ =	swait.ge @!p0 [sflag:s0], s1  }
0x422: {  	s1 =	ssub.s32 @!p0 $0x0, s1;
	[sflag:s0] =	ssyncset.done @!p0 $0x0  }
0x423: {  	[sflag:s0] =	ssyncadd.s32 @!p0 s1  }
0x424: {  	[bflag:$0x3] =	sbarrier.arrive $0xFFFF  }
0x425: {  	_ =	shalt  }

</sc_bundles>
